<compile_context>
chip_gen: v7x
topology: tpu7x:2x2x1
jax: 0.10.2.dev20260603
libtpu: 0.0.44.dev20260713+nightly
codegen_flags: <defaults>
</compile_context>

<pallas_src>
import functools

import jax
import jax.numpy as jnp
from jax import lax
from jax.experimental import pallas as pl
from jax.experimental.pallas import tpu as pltpu
from jax.experimental.pallas import tpu_sc as plsc

B = 4096
L = 50
H = 64
NIDX = 2 * B
CW = 8
MB8 = 8
NW = 32
BPW = NIDX // NW
BBLK = 512
KG = 104


@functools.cache
def _make_sc_gather():
    mesh = plsc.VectorSubcoreMesh(core_axis_name="c", subcore_axis_name="s")

    @functools.partial(
        pl.kernel,
        mesh=mesh,
        compiler_params=pltpu.CompilerParams(
            use_tc_tiling_on_sc=False, needs_layout_passes=False),
        out_type=(
            jax.ShapeDtypeStruct((NIDX, CW), jnp.float32),
            jax.ShapeDtypeStruct((L * MB8, NIDX), jnp.float32),
        ),
        scratch_types=[
            pltpu.VMEM((BPW,), jnp.int32),
            pltpu.VMEM((BPW, CW), jnp.float32),
            pltpu.VMEM((L, BPW), jnp.int32),
            pltpu.VMEM((L * MB8, BPW), jnp.float32),
            pltpu.VMEM((85 * MB8,), jnp.float32),
            pltpu.SemaphoreType.DMA,
            pltpu.SemaphoreType.DMA,
        ],
    )
    def sc_gather(table_hbm, cidx_hbm, base_hbm, seqT_hbm,
                  counts_hbm, emb_hbm,
                  cidx_v, rows_v, seq_v, emb_v, base_v, sem, sem2):
        wid = lax.axis_index("s") * 2 + lax.axis_index("c")
        base = wid * BPW
        pltpu.sync_copy(cidx_hbm.at[pl.ds(base, BPW)], cidx_v)
        seq_cp = pltpu.async_copy(
            seqT_hbm.at[:, pl.ds(base, BPW)], seq_v, sem2)
        pltpu.sync_copy(base_hbm, base_v)
        pltpu.async_copy(table_hbm.at[cidx_v], rows_v, sem).wait()
        pltpu.sync_copy(rows_v, counts_hbm.at[pl.ds(base, BPW)])
        seq_cp.wait()

        zeros16 = jnp.zeros((16,), jnp.float32)
        ones16 = jnp.ones((16,), jnp.float32)

        def step(t, _):
            for g in range(BPW // 16):
                idx16 = seq_v[t, pl.ds(g * 16, 16)]
                fb = idx16 * MB8
                for c in range(6):
                    vals = plsc.load_gather(base_v, [fb + c])
                    emb_v[t * MB8 + c, pl.ds(g * 16, 16)] = vals
                emb_v[t * MB8 + 6, pl.ds(g * 16, 16)] = zeros16
                emb_v[t * MB8 + 7, pl.ds(g * 16, 16)] = ones16
            return 0

        lax.fori_loop(0, L, step, 0)
        pltpu.async_copy(emb_v, emb_hbm.at[:, pl.ds(base, BPW)], sem).wait()

    return sc_gather


def _tc_body(embf_ref, embt_ref, geno_ref, ind_ref, mat_ref, cf_ref, cr_ref,
             Wxh_ref, genopT_ref,
             WgT_ref, WiT_ref, WmT_ref, WfT_ref, WtT_ref,
             WcfT_ref, WcrT_ref, brT_ref, out_ref):
    f32 = jnp.float32
    Mg = jnp.dot(WgT_ref[...], genopT_ref[...],
                 preferred_element_type=f32)
    Wxhv = Wxh_ref[...]

    def zproj(x, h):
        xh = jnp.concatenate([x, h], axis=0)
        return jnp.dot(Wxhv, xh, preferred_element_type=f32)

    def gates(z, c):
        i = 0.5 * jnp.tanh(z[0:H]) + 0.5
        f = 0.5 * jnp.tanh(z[H:2 * H]) + 0.5
        g = jnp.tanh(z[2 * H:3 * H])
        o = 0.5 * jnp.tanh(z[3 * H:4 * H]) + 0.5
        c = f * c + i * g
        h = o * jnp.tanh(c)
        return h, c

    NCH = 4
    CWID = 2 * BBLK // NCH

    def one_step(t, hc):
        hs, cs = hc
        xf = embf_ref[pl.ds(t * MB8, MB8), :]
        xt = embt_ref[pl.ds(t * MB8, MB8), :]
        xparts = [xf[:, 0:CWID], xf[:, CWID:BBLK],
                  xt[:, 0:CWID], xt[:, CWID:BBLK]]
        zs = [zproj(xparts[k], hs[k]) for k in range(NCH)]
        new = [gates(zs[k], cs[k]) for k in range(NCH)]
        return (tuple(n[0] for n in new), tuple(n[1] for n in new))

    UNR = 25

    def step(u, hc):
        for k in range(UNR):
            hc = one_step(u * UNR + k, hc)
        return hc

    z0 = jnp.zeros((H, CWID), f32)
    hs, _ = lax.fori_loop(0, L // UNR, step,
                          ((z0,) * NCH, (z0,) * NCH))
    hf = jnp.concatenate([hs[0], hs[1]], axis=1)
    ht = jnp.concatenate([hs[2], hs[3]], axis=1)
    ohg = (lax.broadcasted_iota(jnp.int32, (KG, BBLK), 0)
           == geno_ref[...]).astype(f32)
    acc = (jnp.dot(Mg, ohg, preferred_element_type=f32)
           + jnp.dot(WfT_ref[...], hf, preferred_element_type=f32)
           + jnp.dot(WtT_ref[...], ht, preferred_element_type=f32)
           + jnp.dot(WcfT_ref[...], cf_ref[...], preferred_element_type=f32)
           + jnp.dot(WcrT_ref[...], cr_ref[...], preferred_element_type=f32)
           + brT_ref[...]
           + jnp.where(ind_ref[...] == 0, WiT_ref[:, 0:1], WiT_ref[:, 1:2])
           + jnp.where(mat_ref[...] == 0, WmT_ref[:, 0:1], WmT_ref[:, 1:2]))
    out_ref[...] = jnp.maximum(acc, 0.0)


def _tc_forward(embT, genoT, indT, matT, cfT, crT,
                Wxh, geno_pT,
                WgT, WiT, WmT, WfT, WtT, WcfT, WcrT, brT):
    nblk = B // BBLK
    col = lambda j: (0, j)
    colr = lambda j: (0, j + nblk)
    full = lambda j: (0, 0)
    in_specs = [
        pl.BlockSpec((L * MB8, BBLK), col),
        pl.BlockSpec((L * MB8, BBLK), colr),
        pl.BlockSpec((1, BBLK), col), pl.BlockSpec((1, BBLK), col),
        pl.BlockSpec((1, BBLK), col),
        pl.BlockSpec((CW, BBLK), col), pl.BlockSpec((CW, BBLK), col),
        pl.BlockSpec((4 * H, MB8 + H), full),
        pl.BlockSpec((4, KG), full),
        pl.BlockSpec((H, 4), full), pl.BlockSpec((H, 2), full),
        pl.BlockSpec((H, 2), full),
        pl.BlockSpec((H, H), full), pl.BlockSpec((H, H), full),
        pl.BlockSpec((H, CW), full), pl.BlockSpec((H, CW), full),
        pl.BlockSpec((H, 1), full),
    ]
    return pl.pallas_call(
        _tc_body,
        grid=(nblk,),
        in_specs=in_specs,
        out_specs=pl.BlockSpec((H, BBLK), col),
        out_shape=jax.ShapeDtypeStruct((H, B), jnp.float32),
    )(embT, embT, genoT, indT, matT, cfT, crT,
      Wxh, geno_pT,
      WgT, WiT, WmT, WfT, WtT, WcfT, WcrT, brT)


def kernel(gobyGenotypeIndex, isIndel, matchesReference, fromSequence,
           toSequence, genotypeCountForwardStrand, genotypeCountReverseStrand,
           geno_table, count_table, base_table, Wx, Wh, b_lstm, W_red, b_red):
    i32 = jnp.int32
    f32 = jnp.float32
    idx_counts = jnp.concatenate(
        [genotypeCountForwardStrand, genotypeCountReverseStrand]).astype(i32)
    tbl8 = jnp.pad(count_table.astype(f32), ((0, 0), (0, CW - 5)))
    bt = base_table.astype(f32)
    base8 = jnp.concatenate(
        [bt, jnp.zeros((85, 1), f32), jnp.ones((85, 1), f32)],
        axis=1).reshape(85 * MB8)
    seqT_cat = jnp.concatenate(
        [fromSequence, toSequence], axis=0).astype(i32).T
    counts8, embT = _make_sc_gather()(tbl8, idx_counts, base8, seqT_cat)
    countsT = counts8.T
    cfT, crT = countsT[:, :B], countsT[:, B:]

    genoT = gobyGenotypeIndex.astype(i32).reshape(1, B)
    indT = isIndel.astype(i32).reshape(1, B)
    matT = matchesReference.astype(i32).reshape(1, B)
    Wx8T = jnp.concatenate(
        [Wx.astype(f32).T, jnp.zeros((4 * H, 1), f32),
         b_lstm.astype(f32).reshape(4 * H, 1)], axis=1)
    WhT = Wh.astype(f32).T
    gate_scale = jnp.concatenate(
        [jnp.full((2 * H, 1), 0.5, f32), jnp.ones((H, 1), f32),
         jnp.full((H, 1), 0.5, f32)], axis=0)
    Wxh = jnp.concatenate([Wx8T, WhT], axis=1) * gate_scale
    geno_pT = jnp.pad(geno_table.astype(f32).T, ((0, 0), (0, KG - 100)))
    Wr = W_red.astype(f32)
    WgT = Wr[0:4].T
    WiT = Wr[4:6].T
    WmT = Wr[6:8].T
    WfT = Wr[8:72].T
    WtT = Wr[72:136].T
    WcfT = jnp.pad(Wr[136:141], ((0, CW - 5), (0, 0))).T
    WcrT = jnp.pad(Wr[141:146], ((0, CW - 5), (0, 0))).T
    brT = b_red.astype(f32).reshape(H, 1)

    outT = _tc_forward(embT, genoT, indT, matT, cfT, crT,
                       Wxh, geno_pT,
                       WgT, WiT, WmT, WfT, WtT, WcfT, WcrT, brT)
    return outT.T

# --- scband reference (transcript-rebuilt; emitter-appended) ---
"""Pipeline reference for scband-map-count-info-64699387347740 (READ-ONLY COPY).

The authoritative reference and input builder live on the scoring server;
editing this copy changes nothing except your own understanding.
"""

import jax, jax.numpy as jnp
import numpy as np

B = 4096
L = 50
H = 64  # count_dim
MBD = 6  # mapped_base_dim
NF_DIM = 11 * 7  # 11 frequency-list mappers, embedding_size 4+3=7 each (zeros fallback path)
REDUCE_IN = 4 + 2 + 2 + H + H + 5 + 5 + NF_DIM  # 223


def setup_inputs(seed: int = 0) -> dict:
    key = jax.random.key(seed)
    ks = [jax.random.fold_in(key, i) for i in range(16)]
    inp = {}
    inp["gobyGenotypeIndex"] = jax.random.randint(ks[0], (B,), 0, 100)
    inp["isIndel"] = jax.random.randint(ks[1], (B,), 0, 2)
    inp["matchesReference"] = jax.random.randint(ks[2], (B,), 0, 2)
    inp["fromSequence"] = jax.random.randint(ks[3], (B, L), 0, 85)
    inp["toSequence"] = jax.random.randint(ks[4], (B, L), 0, 85)
    inp["genotypeCountForwardStrand"] = jax.random.randint(ks[5], (B,), 0, 100000)
    inp["genotypeCountReverseStrand"] = jax.random.randint(ks[6], (B,), 0, 100000)
    # learned parameters
    inp["geno_table"] = jax.random.normal(ks[7], (100, 4), dtype=jnp.float32) * 0.1
    inp["count_table"] = jax.random.normal(ks[8], (100000, 5), dtype=jnp.float32) * 0.1
    inp["base_table"] = jax.random.normal(ks[9], (85, MBD), dtype=jnp.float32) * 0.1
    inp["Wx"] = jax.random.normal(ks[10], (MBD, 4 * H), dtype=jnp.float32) * 0.1
    inp["Wh"] = jax.random.normal(ks[11], (H, 4 * H), dtype=jnp.float32) * 0.1
    inp["b_lstm"] = jnp.zeros((4 * H,), dtype=jnp.float32)
    inp["W_red"] = jax.random.normal(ks[12], (REDUCE_IN, H), dtype=jnp.float32) * 0.05
    inp["b_red"] = jnp.zeros((H,), dtype=jnp.float32)
    return inp


def _lstm_last(emb, Wx, Wh, b):
    # emb: [B, L, MBD]; single-layer LSTM (RNNOfList), return last hidden state [B, H]
    Bn = emb.shape[0]
    Hn = Wh.shape[0]
    def step(carry, x_t):
        h, c = carry
        z = x_t @ Wx + h @ Wh + b
        i, f, g, o = jnp.split(z, 4, axis=-1)
        c = jax.nn.sigmoid(f) * c + jax.nn.sigmoid(i) * jnp.tanh(g)
        h = jax.nn.sigmoid(o) * jnp.tanh(c)
        return (h, c), None
    init = (jnp.zeros((Bn, Hn), dtype=emb.dtype), jnp.zeros((Bn, Hn), dtype=emb.dtype))
    (h, c), _ = jax.lax.scan(step, init, jnp.swapaxes(emb, 0, 1))
    return h


def reference(gobyGenotypeIndex, isIndel, matchesReference, fromSequence, toSequence,
              genotypeCountForwardStrand, genotypeCountReverseStrand,
              geno_table, count_table, base_table, Wx, Wh, b_lstm, W_red, b_red):
    # IntegerModel lookups (embedding gathers)
    mapped_geno = jnp.take(geno_table, gobyGenotypeIndex, axis=0)            # [B, 4]
    # map_Boolean -> 2-dim indicator
    mapped_isIndel = jax.nn.one_hot(isIndel, 2, dtype=jnp.float32)           # [B, 2]
    mapped_matchesRef = jax.nn.one_hot(matchesReference, 2, dtype=jnp.float32)  # [B, 2]
    # MapSequence: base embedding gather then RNNOfList (LSTM), last hidden
    mapped_from = _lstm_last(jnp.take(base_table, fromSequence, axis=0), Wx, Wh, b_lstm)  # [B, 64]
    mapped_to = _lstm_last(jnp.take(base_table, toSequence, axis=0), Wx, Wh, b_lstm)      # [B, 64]
    # map_count lookups (large table)
    mapped_cf = jnp.take(count_table, genotypeCountForwardStrand, axis=0)    # [B, 5]
    mapped_cr = jnp.take(count_table, genotypeCountReverseStrand, axis=0)    # [B, 5]
    # 11 frequency-list mappers: nf fields absent -> zeros fallback (as in forward)
    zeros_nf = jnp.zeros((gobyGenotypeIndex.shape[0], NF_DIM), dtype=jnp.float32)
    cat = jnp.concatenate([mapped_geno, mapped_isIndel, mapped_matchesRef,
                           mapped_from, mapped_to, mapped_cf, mapped_cr, zeros_nf], axis=1)
    # Reduce: concat -> linear -> relu, encoding_output_dim=count_dim
    return jax.nn.relu(cat @ W_red + b_red)

if __name__ == "__main__":
    import jax
    _d = setup_inputs()
    print(jax.jit(kernel)(*tuple(_d.values())))

</pallas_src>

<mosaic_0001>
#map = affine_map<(d0, d1) -> (0, 0)>
#map1 = affine_map<(d0, d1) -> (0)>
module attributes {stable_mosaic.version = 14 : i64} {
  func.func @sc_gather(%arg0: i32, %arg1: i32, %arg2: memref<100000x8xf32, #tpu.memory_space<hbm>>, %arg3: memref<8192xi32, #tpu.memory_space<hbm>>, %arg4: memref<680xf32, #tpu.memory_space<hbm>>, %arg5: memref<50x8192xi32, #tpu.memory_space<hbm>>, %arg6: memref<8192x8xf32, #tpu.memory_space<hbm>>, %arg7: memref<400x8192xf32, #tpu.memory_space<hbm>>, %arg8: memref<256xi32, #tpu.memory_space<vmem>>, %arg9: memref<256x8xf32, #tpu.memory_space<vmem>>, %arg10: memref<50x256xi32, #tpu.memory_space<vmem>>, %arg11: memref<400x256xf32, #tpu.memory_space<vmem>>, %arg12: memref<680xf32, #tpu.memory_space<vmem>>, %arg13: memref<!tpu.dma_semaphore, #tpu.memory_space<semaphore_mem>>, %arg14: memref<!tpu.dma_semaphore, #tpu.memory_space<semaphore_mem>>) attributes {dimension_semantics = [#tpu.dimension_semantics<core_parallel>, #tpu.dimension_semantics<subcore_parallel>], iteration_bounds = array<i64: 2, 16>, scalar_prefetch = 0 : i64, scratch_operands = 7 : i64, tpu.core_type = #tpu.core_type<sc_vector_subcore>, window_params = [{transform_indices = #map}, {transform_indices = #map1}, {transform_indices = #map1}, {transform_indices = #map}, {transform_indices = #map}, {transform_indices = #map}]} {
    %mul3A = arith.constant 2 : i32
    %mul3A_0 = arith.muli %arg1, %mul3A : i32
    %add3A = arith.addi %mul3A_0, %arg0 : i32
    %mul3A_1 = arith.constant 256 : i32
    %mul3A_2 = arith.muli %add3A, %mul3A_1 : i32
    "tpu.region"() ({
      %run_scoped3A = tpu.sem_alloc : memref<!tpu.dma_semaphore, #tpu.memory_space<semaphore_mem>>
      %dma_start3A_32 = tpu.memref_slice %arg3[%mul3A_2] : memref<8192xi32, #tpu.memory_space<hbm>> -> memref<256xi32, #tpu.memory_space<hbm>>
      %dma_start3A_33 = tpu.memref_slice %arg3[%mul3A_2] : memref<8192xi32, #tpu.memory_space<hbm>> -> memref<256xi32, #tpu.memory_space<hbm>>
      tpu.enqueue_dma source(%dma_start3A_33 : memref<256xi32, #tpu.memory_space<hbm>>) target(%arg8 : memref<256xi32, #tpu.memory_space<vmem>>) target_semaphore(%run_scoped3A : memref<!tpu.dma_semaphore, #tpu.memory_space<semaphore_mem>>)
      %dma_wait3A_34 = tpu.memref_slice %arg3[%mul3A_2] : memref<8192xi32, #tpu.memory_space<hbm>> -> memref<256xi32, #tpu.memory_space<hbm>>
      %dma_wait3A_35 = tpu.memref_slice %arg3[%mul3A_2] : memref<8192xi32, #tpu.memory_space<hbm>> -> memref<256xi32, #tpu.memory_space<hbm>>
      tpu.wait_dma2 semaphore(%run_scoped3A : memref<!tpu.dma_semaphore, #tpu.memory_space<semaphore_mem>>) src(%dma_wait3A_35 : memref<256xi32, #tpu.memory_space<hbm>>) dst(%arg8 : memref<256xi32, #tpu.memory_space<vmem>>)
      tpu.yield
    }) : () -> ()
    %dma_start3A = arith.constant 0 : i32
    %dma_start3A_3 = tpu.memref_slice %arg5[%dma_start3A, %mul3A_2] : memref<50x8192xi32, #tpu.memory_space<hbm>> -> memref<50x256xi32, #tpu.memory_space<hbm>>
    %dma_start3A_4 = arith.constant 0 : i32
    %dma_start3A_5 = tpu.memref_slice %arg5[%dma_start3A_4, %mul3A_2] : memref<50x8192xi32, #tpu.memory_space<hbm>> -> memref<50x256xi32, #tpu.memory_space<hbm>>
    tpu.enqueue_dma source(%dma_start3A_5 : memref<50x256xi32, #tpu.memory_space<hbm>>) target(%arg10 : memref<50x256xi32, #tpu.memory_space<vmem>>) target_semaphore(%arg14 : memref<!tpu.dma_semaphore, #tpu.memory_space<semaphore_mem>>)
    "tpu.region"() ({
      %run_scoped3A = tpu.sem_alloc : memref<!tpu.dma_semaphore, #tpu.memory_space<semaphore_mem>>
      tpu.enqueue_dma source(%arg4 : memref<680xf32, #tpu.memory_space<hbm>>) target(%arg12 : memref<680xf32, #tpu.memory_space<vmem>>) target_semaphore(%run_scoped3A : memref<!tpu.dma_semaphore, #tpu.memory_space<semaphore_mem>>)
      tpu.wait_dma2 semaphore(%run_scoped3A : memref<!tpu.dma_semaphore, #tpu.memory_space<semaphore_mem>>) src(%arg4 : memref<680xf32, #tpu.memory_space<hbm>>) dst(%arg12 : memref<680xf32, #tpu.memory_space<vmem>>)
      tpu.yield
    }) : () -> ()
    %dma_start3A_6 = arith.constant 0 : i32
    %dma_start3A_7 = arith.constant 0 : i32
    %dma_start3A_8 = tpu.memref_slice %arg2[%dma_start3A_6, %dma_start3A_7] : memref<100000x8xf32, #tpu.memory_space<hbm>> -> memref<100000x8xf32, #tpu.memory_space<hbm>>
    tpu.enqueue_indirect_dma source(%dma_start3A_8 : memref<100000x8xf32, #tpu.memory_space<hbm>>) target(%arg9 : memref<256x8xf32, #tpu.memory_space<vmem>>) offsets(%arg8 : memref<256xi32, #tpu.memory_space<vmem>>) semaphore(%arg13 : memref<!tpu.dma_semaphore, #tpu.memory_space<semaphore_mem>>)
    %dma_wait3A = arith.constant 0 : i32
    %dma_wait3A_9 = arith.constant 0 : i32
    %dma_wait3A_10 = tpu.memref_slice %arg2[%dma_wait3A, %dma_wait3A_9] : memref<100000x8xf32, #tpu.memory_space<hbm>> -> memref<100000x8xf32, #tpu.memory_space<hbm>>
    tpu.wait_indirect_dma semaphore(%arg13 : memref<!tpu.dma_semaphore, #tpu.memory_space<semaphore_mem>>) src(%dma_wait3A_10 : memref<100000x8xf32, #tpu.memory_space<hbm>>) dst(%arg9 : memref<256x8xf32, #tpu.memory_space<vmem>>)
    "tpu.region"() ({
      %run_scoped3A = tpu.sem_alloc : memref<!tpu.dma_semaphore, #tpu.memory_space<semaphore_mem>>
      %dma_start3A_32 = arith.constant 0 : i32
      %dma_start3A_33 = tpu.memref_slice %arg6[%mul3A_2, %dma_start3A_32] : memref<8192x8xf32, #tpu.memory_space<hbm>> -> memref<256x8xf32, #tpu.memory_space<hbm>>
      %dma_start3A_34 = arith.constant 0 : i32
      %dma_start3A_35 = tpu.memref_slice %arg6[%mul3A_2, %dma_start3A_34] : memref<8192x8xf32, #tpu.memory_space<hbm>> -> memref<256x8xf32, #tpu.memory_space<hbm>>
      tpu.enqueue_dma source(%arg9 : memref<256x8xf32, #tpu.memory_space<vmem>>) target(%dma_start3A_35 : memref<256x8xf32, #tpu.memory_space<hbm>>) target_semaphore(%run_scoped3A : memref<!tpu.dma_semaphore, #tpu.memory_space<semaphore_mem>>)
      %dma_wait3A_36 = arith.constant 0 : i32
      %dma_wait3A_37 = tpu.memref_slice %arg6[%mul3A_2, %dma_wait3A_36] : memref<8192x8xf32, #tpu.memory_space<hbm>> -> memref<256x8xf32, #tpu.memory_space<hbm>>
      %dma_wait3A_38 = arith.constant 0 : i32
      %dma_wait3A_39 = tpu.memref_slice %arg6[%mul3A_2, %dma_wait3A_38] : memref<8192x8xf32, #tpu.memory_space<hbm>> -> memref<256x8xf32, #tpu.memory_space<hbm>>
      tpu.wait_dma2 semaphore(%run_scoped3A : memref<!tpu.dma_semaphore, #tpu.memory_space<semaphore_mem>>) src(%arg9 : memref<256x8xf32, #tpu.memory_space<vmem>>) dst(%dma_wait3A_39 : memref<256x8xf32, #tpu.memory_space<hbm>>)
      tpu.yield
    }) : () -> ()
    %dma_wait3A_11 = arith.constant 0 : i32
    %dma_wait3A_12 = tpu.memref_slice %arg5[%dma_wait3A_11, %mul3A_2] : memref<50x8192xi32, #tpu.memory_space<hbm>> -> memref<50x256xi32, #tpu.memory_space<hbm>>
    %dma_wait3A_13 = arith.constant 0 : i32
    %dma_wait3A_14 = tpu.memref_slice %arg5[%dma_wait3A_13, %mul3A_2] : memref<50x8192xi32, #tpu.memory_space<hbm>> -> memref<50x256xi32, #tpu.memory_space<hbm>>
    tpu.wait_dma2 semaphore(%arg14 : memref<!tpu.dma_semaphore, #tpu.memory_space<semaphore_mem>>) src(%dma_wait3A_14 : memref<50x256xi32, #tpu.memory_space<hbm>>) dst(%arg10 : memref<50x256xi32, #tpu.memory_space<vmem>>)
    %broadcast_in_dim3A = arith.constant 0.000000e+00 : f32
    %broadcast_in_dim3A_15 = vector.broadcast %broadcast_in_dim3A : f32 to vector<16xf32>
    %broadcast_in_dim3A_16 = arith.constant 1.000000e+00 : f32
    %broadcast_in_dim3A_17 = vector.broadcast %broadcast_in_dim3A_16 : f32 to vector<16xf32>
    %scan3A = arith.constant 0 : i32
    %scan3A_18 = arith.constant 0 : i32
    %scan3A_19 = arith.constant 50 : i32
    %scan3A_20 = arith.addi %scan3A_18, %scan3A_19 : i32
    %scan3A_21 = arith.constant 1 : i32
    %scan3A_22 = scf.for %scan3A_32 = %scan3A_18 to %scan3A_20 step %scan3A_21 iter_args(%scan3A_33 = %scan3A) -> (i32)  : i32 {
      %get3A = arith.index_cast %scan3A_32 : i32 to index
      %get3A_34 = arith.constant 0 : index
      %get3A_35 = tpu.vector_load %arg10[%get3A, %get3A_34] {strides = array<i32>} : memref<50x256xi32, #tpu.memory_space<vmem>>, vector<16xi32>,
      %mul3A_36 = arith.constant 8 : i32
      %mul3A_37 = vector.broadcast %mul3A_36 : i32 to vector<16xi32>
      %mul3A_38 = arith.muli %get3A_35, %mul3A_37 : vector<16xi32>
      %add3A_39 = arith.constant 0 : i32
      %add3A_40 = vector.broadcast %add3A_39 : i32 to vector<16xi32>
      %add3A_41 = arith.addi %mul3A_38, %add3A_40 : vector<16xi32>
      %gather3A = tpu.vector_load_idx %arg12[%add3A_41] : memref<680xf32, #tpu.memory_space<vmem>>[vector<16xi32>], vector<16xf32>,
      %mul3A_42 = arith.constant 8 : i32
      %mul3A_43 = arith.muli %scan3A_32, %mul3A_42 : i32
      %add3A_44 = arith.constant 0 : i32
      %add3A_45 = arith.addi %mul3A_43, %add3A_44 : i32
      %swap3A = arith.index_cast %add3A_45 : i32 to index
      %swap3A_46 = arith.constant 0 : index
      %swap3A_47 = tpu.vector_load %arg11[%swap3A, %swap3A_46] {strides = array<i32>} : memref<400x256xf32, #tpu.memory_space<vmem>>, vector<16xf32>,
      tpu.vector_store %arg11[%swap3A, %swap3A_46], %gather3A {strides = array<i32>} : memref<400x256xf32, #tpu.memory_space<vmem>>, vector<16xf32>,
      %add3A_48 = arith.constant 1 : i32
      %add3A_49 = vector.broadcast %add3A_48 : i32 to vector<16xi32>
      %add3A_50 = arith.addi %mul3A_38, %add3A_49 : vector<16xi32>
      %gather3A_51 = tpu.vector_load_idx %arg12[%add3A_50] : memref<680xf32, #tpu.memory_space<vmem>>[vector<16xi32>], vector<16xf32>,
      %mul3A_52 = arith.constant 8 : i32
      %mul3A_53 = arith.muli %scan3A_32, %mul3A_52 : i32
      %add3A_54 = arith.constant 1 : i32
      %add3A_55 = arith.addi %mul3A_53, %add3A_54 : i32
      %swap3A_56 = arith.index_cast %add3A_55 : i32 to index
      %swap3A_57 = arith.constant 0 : index
      %swap3A_58 = tpu.vector_load %arg11[%swap3A_56, %swap3A_57] {strides = array<i32>} : memref<400x256xf32, #tpu.memory_space<vmem>>, vector<16xf32>,
      tpu.vector_store %arg11[%swap3A_56, %swap3A_57], %gather3A_51 {strides = array<i32>} : memref<400x256xf32, #tpu.memory_space<vmem>>, vector<16xf32>,
      %add3A_59 = arith.constant 2 : i32
      %add3A_60 = vector.broadcast %add3A_59 : i32 to vector<16xi32>
      %add3A_61 = arith.addi %mul3A_38, %add3A_60 : vector<16xi32>
      %gather3A_62 = tpu.vector_load_idx %arg12[%add3A_61] : memref<680xf32, #tpu.memory_space<vmem>>[vector<16xi32>], vector<16xf32>,
      %mul3A_63 = arith.constant 8 : i32
      %mul3A_64 = arith.muli %scan3A_32, %mul3A_63 : i32
      %add3A_65 = arith.constant 2 : i32
      %add3A_66 = arith.addi %mul3A_64, %add3A_65 : i32
      %swap3A_67 = arith.index_cast %add3A_66 : i32 to index
      %swap3A_68 = arith.constant 0 : index
      %swap3A_69 = tpu.vector_load %arg11[%swap3A_67, %swap3A_68] {strides = array<i32>} : memref<400x256xf32, #tpu.memory_space<vmem>>, vector<16xf32>,
      tpu.vector_store %arg11[%swap3A_67, %swap3A_68], %gather3A_62 {strides = array<i32>} : memref<400x256xf32, #tpu.memory_space<vmem>>, vector<16xf32>,
      %add3A_70 = arith.constant 3 : i32
      %add3A_71 = vector.broadcast %add3A_70 : i32 to vector<16xi32>
      %add3A_72 = arith.addi %mul3A_38, %add3A_71 : vector<16xi32>
      %gather3A_73 = tpu.vector_load_idx %arg12[%add3A_72] : memref<680xf32, #tpu.memory_space<vmem>>[vector<16xi32>], vector<16xf32>,
      %mul3A_74 = arith.constant 8 : i32
      %mul3A_75 = arith.muli %scan3A_32, %mul3A_74 : i32
      %add3A_76 = arith.constant 3 : i32
      %add3A_77 = arith.addi %mul3A_75, %add3A_76 : i32
      %swap3A_78 = arith.index_cast %add3A_77 : i32 to index
      %swap3A_79 = arith.constant 0 : index
      %swap3A_80 = tpu.vector_load %arg11[%swap3A_78, %swap3A_79] {strides = array<i32>} : memref<400x256xf32, #tpu.memory_space<vmem>>, vector<16xf32>,
      tpu.vector_store %arg11[%swap3A_78, %swap3A_79], %gather3A_73 {strides = array<i32>} : memref<400x256xf32, #tpu.memory_space<vmem>>, vector<16xf32>,
      %add3A_81 = arith.constant 4 : i32
      %add3A_82 = vector.broadcast %add3A_81 : i32 to vector<16xi32>
      %add3A_83 = arith.addi %mul3A_38, %add3A_82 : vector<16xi32>
      %gather3A_84 = tpu.vector_load_idx %arg12[%add3A_83] : memref<680xf32, #tpu.memory_space<vmem>>[vector<16xi32>], vector<16xf32>,
      %mul3A_85 = arith.constant 8 : i32
      %mul3A_86 = arith.muli %scan3A_32, %mul3A_85 : i32
      %add3A_87 = arith.constant 4 : i32
      %add3A_88 = arith.addi %mul3A_86, %add3A_87 : i32
      %swap3A_89 = arith.index_cast %add3A_88 : i32 to index
      %swap3A_90 = arith.constant 0 : index
      %swap3A_91 = tpu.vector_load %arg11[%swap3A_89, %swap3A_90] {strides = array<i32>} : memref<400x256xf32, #tpu.memory_space<vmem>>, vector<16xf32>,
      tpu.vector_store %arg11[%swap3A_89, %swap3A_90], %gather3A_84 {strides = array<i32>} : memref<400x256xf32, #tpu.memory_space<vmem>>, vector<16xf32>,
      %add3A_92 = arith.constant 5 : i32
      %add3A_93 = vector.broadcast %add3A_92 : i32 to vector<16xi32>
      %add3A_94 = arith.addi %mul3A_38, %add3A_93 : vector<16xi32>
      %gather3A_95 = tpu.vector_load_idx %arg12[%add3A_94] : memref<680xf32, #tpu.memory_space<vmem>>[vector<16xi32>], vector<16xf32>,
      %mul3A_96 = arith.constant 8 : i32
      %mul3A_97 = arith.muli %scan3A_32, %mul3A_96 : i32
      %add3A_98 = arith.constant 5 : i32
      %add3A_99 = arith.addi %mul3A_97, %add3A_98 : i32
      %swap3A_100 = arith.index_cast %add3A_99 : i32 to index
      %swap3A_101 = arith.constant 0 : index
      %swap3A_102 = tpu.vector_load %arg11[%swap3A_100, %swap3A_101] {strides = array<i32>} : memref<400x256xf32, #tpu.memory_space<vmem>>, vector<16xf32>,
      tpu.vector_store %arg11[%swap3A_100, %swap3A_101], %gather3A_95 {strides = array<i32>} : memref<400x256xf32, #tpu.memory_space<vmem>>, vector<16xf32>,
      %mul3A_103 = arith.constant 8 : i32
      %mul3A_104 = arith.muli %scan3A_32, %mul3A_103 : i32
      %add3A_105 = arith.constant 6 : i32
      %add3A_106 = arith.addi %mul3A_104, %add3A_105 : i32
      %swap3A_107 = arith.index_cast %add3A_106 : i32 to index
      %swap3A_108 = arith.constant 0 : index
      %swap3A_109 = tpu.vector_load %arg11[%swap3A_107, %swap3A_108] {strides = array<i32>} : memref<400x256xf32, #tpu.memory_space<vmem>>, vector<16xf32>,
      tpu.vector_store %arg11[%swap3A_107, %swap3A_108], %broadcast_in_dim3A_15 {strides = array<i32>} : memref<400x256xf32, #tpu.memory_space<vmem>>, vector<16xf32>,
      %mul3A_110 = arith.constant 8 : i32
      %mul3A_111 = arith.muli %scan3A_32, %mul3A_110 : i32
      %add3A_112 = arith.constant 7 : i32
      %add3A_113 = arith.addi %mul3A_111, %add3A_112 : i32
      %swap3A_114 = arith.index_cast %add3A_113 : i32 to index
      %swap3A_115 = arith.constant 0 : index
      %swap3A_116 = tpu.vector_load %arg11[%swap3A_114, %swap3A_115] {strides = array<i32>} : memref<400x256xf32, #tpu.memory_space<vmem>>, vector<16xf32>,
      tpu.vector_store %arg11[%swap3A_114, %swap3A_115], %broadcast_in_dim3A_17 {strides = array<i32>} : memref<400x256xf32, #tpu.memory_space<vmem>>, vector<16xf32>,
      %get3A_117 = arith.index_cast %scan3A_32 : i32 to index
      %get3A_118 = arith.constant 16 : index
      %get3A_119 = tpu.vector_load %arg10[%get3A_117, %get3A_118] {strides = array<i32>} : memref<50x256xi32, #tpu.memory_space<vmem>>, vector<16xi32>,
      %mul3A_120 = arith.constant 8 : i32
      %mul3A_121 = vector.broadcast %mul3A_120 : i32 to vector<16xi32>
      %mul3A_122 = arith.muli %get3A_119, %mul3A_121 : vector<16xi32>
      %add3A_123 = arith.constant 0 : i32
      %add3A_124 = vector.broadcast %add3A_123 : i32 to vector<16xi32>
      %add3A_125 = arith.addi %mul3A_122, %add3A_124 : vector<16xi32>
      %gather3A_126 = tpu.vector_load_idx %arg12[%add3A_125] : memref<680xf32, #tpu.memory_space<vmem>>[vector<16xi32>], vector<16xf32>,
      %mul3A_127 = arith.constant 8 : i32
      %mul3A_128 = arith.muli %scan3A_32, %mul3A_127 : i32
      %add3A_129 = arith.constant 0 : i32
      %add3A_130 = arith.addi %mul3A_128, %add3A_129 : i32
      %swap3A_131 = arith.index_cast %add3A_130 : i32 to index
      %swap3A_132 = arith.constant 16 : index
      %swap3A_133 = tpu.vector_load %arg11[%swap3A_131, %swap3A_132] {strides = array<i32>} : memref<400x256xf32, #tpu.memory_space<vmem>>, vector<16xf32>,
      tpu.vector_store %arg11[%swap3A_131, %swap3A_132], %gather3A_126 {strides = array<i32>} : memref<400x256xf32, #tpu.memory_space<vmem>>, vector<16xf32>,
      %add3A_134 = arith.constant 1 : i32
      %add3A_135 = vector.broadcast %add3A_134 : i32 to vector<16xi32>
      %add3A_136 = arith.addi %mul3A_122, %add3A_135 : vector<16xi32>
      %gather3A_137 = tpu.vector_load_idx %arg12[%add3A_136] : memref<680xf32, #tpu.memory_space<vmem>>[vector<16xi32>], vector<16xf32>,
      %mul3A_138 = arith.constant 8 : i32
      %mul3A_139 = arith.muli %scan3A_32, %mul3A_138 : i32
      %add3A_140 = arith.constant 1 : i32
      %add3A_141 = arith.addi %mul3A_139, %add3A_140 : i32
      %swap3A_142 = arith.index_cast %add3A_141 : i32 to index
      %swap3A_143 = arith.constant 16 : index
      %swap3A_144 = tpu.vector_load %arg11[%swap3A_142, %swap3A_143] {strides = array<i32>} : memref<400x256xf32, #tpu.memory_space<vmem>>, vector<16xf32>,
      tpu.vector_store %arg11[%swap3A_142, %swap3A_143], %gather3A_137 {strides = array<i32>} : memref<400x256xf32, #tpu.memory_space<vmem>>, vector<16xf32>,
      %add3A_145 = arith.constant 2 : i32
      %add3A_146 = vector.broadcast %add3A_145 : i32 to vector<16xi32>
      %add3A_147 = arith.addi %mul3A_122, %add3A_146 : vector<16xi32>
      %gather3A_148 = tpu.vector_load_idx %arg12[%add3A_147] : memref<680xf32, #tpu.memory_space<vmem>>[vector<16xi32>], vector<16xf32>,
      %mul3A_149 = arith.constant 8 : i32
      %mul3A_150 = arith.muli %scan3A_32, %mul3A_149 : i32
      %add3A_151 = arith.constant 2 : i32
      %add3A_152 = arith.addi %mul3A_150, %add3A_151 : i32
      %swap3A_153 = arith.index_cast %add3A_152 : i32 to index
      %swap3A_154 = arith.constant 16 : index
      %swap3A_155 = tpu.vector_load %arg11[%swap3A_153, %swap3A_154] {strides = array<i32>} : memref<400x256xf32, #tpu.memory_space<vmem>>, vector<16xf32>,
      tpu.vector_store %arg11[%swap3A_153, %swap3A_154], %gather3A_148 {strides = array<i32>} : memref<400x256xf32, #tpu.memory_space<vmem>>, vector<16xf32>,
      %add3A_156 = arith.constant 3 : i32
      %add3A_157 = vector.broadcast %add3A_156 : i32 to vector<16xi32>
      %add3A_158 = arith.addi %mul3A_122, %add3A_157 : vector<16xi32>
      %gather3A_159 = tpu.vector_load_idx %arg12[%add3A_158] : memref<680xf32, #tpu.memory_space<vmem>>[vector<16xi32>], vector<16xf32>,
      %mul3A_160 = arith.constant 8 : i32
      %mul3A_161 = arith.muli %scan3A_32, %mul3A_160 : i32
      %add3A_162 = arith.constant 3 : i32
      %add3A_163 = arith.addi %mul3A_161, %add3A_162 : i32
      %swap3A_164 = arith.index_cast %add3A_163 : i32 to index
      %swap3A_165 = arith.constant 16 : index
      %swap3A_166 = tpu.vector_load %arg11[%swap3A_164, %swap3A_165] {strides = array<i32>} : memref<400x256xf32, #tpu.memory_space<vmem>>, vector<16xf32>,
      tpu.vector_store %arg11[%swap3A_164, %swap3A_165], %gather3A_159 {strides = array<i32>} : memref<400x256xf32, #tpu.memory_space<vmem>>, vector<16xf32>,
      %add3A_167 = arith.constant 4 : i32
      %add3A_168 = vector.broadcast %add3A_167 : i32 to vector<16xi32>
      %add3A_169 = arith.addi %mul3A_122, %add3A_168 : vector<16xi32>
      %gather3A_170 = tpu.vector_load_idx %arg12[%add3A_169] : memref<680xf32, #tpu.memory_space<vmem>>[vector<16xi32>], vector<16xf32>,
      %mul3A_171 = arith.constant 8 : i32
      %mul3A_172 = arith.muli %scan3A_32, %mul3A_171 : i32
      %add3A_173 = arith.constant 4 : i32
      %add3A_174 = arith.addi %mul3A_172, %add3A_173 : i32
      %swap3A_175 = arith.index_cast %add3A_174 : i32 to index
      %swap3A_176 = arith.constant 16 : index
      %swap3A_177 = tpu.vector_load %arg11[%swap3A_175, %swap3A_176] {strides = array<i32>} : memref<400x256xf32, #tpu.memory_space<vmem>>, vector<16xf32>,
      tpu.vector_store %arg11[%swap3A_175, %swap3A_176], %gather3A_170 {strides = array<i32>} : memref<400x256xf32, #tpu.memory_space<vmem>>, vector<16xf32>,
      %add3A_178 = arith.constant 5 : i32
      %add3A_179 = vector.broadcast %add3A_178 : i32 to vector<16xi32>
      %add3A_180 = arith.addi %mul3A_122, %add3A_179 : vector<16xi32>
      %gather3A_181 = tpu.vector_load_idx %arg12[%add3A_180] : memref<680xf32, #tpu.memory_space<vmem>>[vector<16xi32>], vector<16xf32>,
      %mul3A_182 = arith.constant 8 : i32
      %mul3A_183 = arith.muli %scan3A_32, %mul3A_182 : i32
      %add3A_184 = arith.constant 5 : i32
      %add3A_185 = arith.addi %mul3A_183, %add3A_184 : i32
      %swap3A_186 = arith.index_cast %add3A_185 : i32 to index
      %swap3A_187 = arith.constant 16 : index
      %swap3A_188 = tpu.vector_load %arg11[%swap3A_186, %swap3A_187] {strides = array<i32>} : memref<400x256xf32, #tpu.memory_space<vmem>>, vector<16xf32>,
      tpu.vector_store %arg11[%swap3A_186, %swap3A_187], %gather3A_181 {strides = array<i32>} : memref<400x256xf32, #tpu.memory_space<vmem>>, vector<16xf32>,
      %mul3A_189 = arith.constant 8 : i32
      %mul3A_190 = arith.muli %scan3A_32, %mul3A_189 : i32
      %add3A_191 = arith.constant 6 : i32
      %add3A_192 = arith.addi %mul3A_190, %add3A_191 : i32
      %swap3A_193 = arith.index_cast %add3A_192 : i32 to index
      %swap3A_194 = arith.constant 16 : index
      %swap3A_195 = tpu.vector_load %arg11[%swap3A_193, %swap3A_194] {strides = array<i32>} : memref<400x256xf32, #tpu.memory_space<vmem>>, vector<16xf32>,
      tpu.vector_store %arg11[%swap3A_193, %swap3A_194], %broadcast_in_dim3A_15 {strides = array<i32>} : memref<400x256xf32, #tpu.memory_space<vmem>>, vector<16xf32>,
      %mul3A_196 = arith.constant 8 : i32
      %mul3A_197 = arith.muli %scan3A_32, %mul3A_196 : i32
      %add3A_198 = arith.constant 7 : i32
      %add3A_199 = arith.addi %mul3A_197, %add3A_198 : i32
      %swap3A_200 = arith.index_cast %add3A_199 : i32 to index
      %swap3A_201 = arith.constant 16 : index
      %swap3A_202 = tpu.vector_load %arg11[%swap3A_200, %swap3A_201] {strides = array<i32>} : memref<400x256xf32, #tpu.memory_space<vmem>>, vector<16xf32>,
      tpu.vector_store %arg11[%swap3A_200, %swap3A_201], %broadcast_in_dim3A_17 {strides = array<i32>} : memref<400x256xf32, #tpu.memory_space<vmem>>, vector<16xf32>,
      %get3A_203 = arith.index_cast %scan3A_32 : i32 to index
      %get3A_204 = arith.constant 32 : index
      %get3A_205 = tpu.vector_load %arg10[%get3A_203, %get3A_204] {strides = array<i32>} : memref<50x256xi32, #tpu.memory_space<vmem>>, vector<16xi32>,
      %mul3A_206 = arith.constant 8 : i32
      %mul3A_207 = vector.broadcast %mul3A_206 : i32 to vector<16xi32>
      %mul3A_208 = arith.muli %get3A_205, %mul3A_207 : vector<16xi32>
      %add3A_209 = arith.constant 0 : i32
      %add3A_210 = vector.broadcast %add3A_209 : i32 to vector<16xi32>
      %add3A_211 = arith.addi %mul3A_208, %add3A_210 : vector<16xi32>
      %gather3A_212 = tpu.vector_load_idx %arg12[%add3A_211] : memref<680xf32, #tpu.memory_space<vmem>>[vector<16xi32>], vector<16xf32>,
      %mul3A_213 = arith.constant 8 : i32
      %mul3A_214 = arith.muli %scan3A_32, %mul3A_213 : i32
      %add3A_215 = arith.constant 0 : i32
      %add3A_216 = arith.addi %mul3A_214, %add3A_215 : i32
      %swap3A_217 = arith.index_cast %add3A_216 : i32 to index
      %swap3A_218 = arith.constant 32 : index
      %swap3A_219 = tpu.vector_load %arg11[%swap3A_217, %swap3A_218] {strides = array<i32>} : memref<400x256xf32, #tpu.memory_space<vmem>>, vector<16xf32>,
      tpu.vector_store %arg11[%swap3A_217, %swap3A_218], %gather3A_212 {strides = array<i32>} : memref<400x256xf32, #tpu.memory_space<vmem>>, vector<16xf32>,
      %add3A_220 = arith.constant 1 : i32
      %add3A_221 = vector.broadcast %add3A_220 : i32 to vector<16xi32>
      %add3A_222 = arith.addi %mul3A_208, %add3A_221 : vector<16xi32>
      %gather3A_223 = tpu.vector_load_idx %arg12[%add3A_222] : memref<680xf32, #tpu.memory_space<vmem>>[vector<16xi32>], vector<16xf32>,
      %mul3A_224 = arith.constant 8 : i32
      %mul3A_225 = arith.muli %scan3A_32, %mul3A_224 : i32
      %add3A_226 = arith.constant 1 : i32
      %add3A_227 = arith.addi %mul3A_225, %add3A_226 : i32
      %swap3A_228 = arith.index_cast %add3A_227 : i32 to index
      %swap3A_229 = arith.constant 32 : index
      %swap3A_230 = tpu.vector_load %arg11[%swap3A_228, %swap3A_229] {strides = array<i32>} : memref<400x256xf32, #tpu.memory_space<vmem>>, vector<16xf32>,
      tpu.vector_store %arg11[%swap3A_228, %swap3A_229], %gather3A_223 {strides = array<i32>} : memref<400x256xf32, #tpu.memory_space<vmem>>, vector<16xf32>,
      %add3A_231 = arith.constant 2 : i32
      %add3A_232 = vector.broadcast %add3A_231 : i32 to vector<16xi32>
      %add3A_233 = arith.addi %mul3A_208, %add3A_232 : vector<16xi32>
      %gather3A_234 = tpu.vector_load_idx %arg12[%add3A_233] : memref<680xf32, #tpu.memory_space<vmem>>[vector<16xi32>], vector<16xf32>,
      %mul3A_235 = arith.constant 8 : i32
      %mul3A_236 = arith.muli %scan3A_32, %mul3A_235 : i32
      %add3A_237 = arith.constant 2 : i32
      %add3A_238 = arith.addi %mul3A_236, %add3A_237 : i32
      %swap3A_239 = arith.index_cast %add3A_238 : i32 to index
      %swap3A_240 = arith.constant 32 : index
      %swap3A_241 = tpu.vector_load %arg11[%swap3A_239, %swap3A_240] {strides = array<i32>} : memref<400x256xf32, #tpu.memory_space<vmem>>, vector<16xf32>,
      tpu.vector_store %arg11[%swap3A_239, %swap3A_240], %gather3A_234 {strides = array<i32>} : memref<400x256xf32, #tpu.memory_space<vmem>>, vector<16xf32>,
      %add3A_242 = arith.constant 3 : i32
      %add3A_243 = vector.broadcast %add3A_242 : i32 to vector<16xi32>
      %add3A_244 = arith.addi %mul3A_208, %add3A_243 : vector<16xi32>
      %gather3A_245 = tpu.vector_load_idx %arg12[%add3A_244] : memref<680xf32, #tpu.memory_space<vmem>>[vector<16xi32>], vector<16xf32>,
      %mul3A_246 = arith.constant 8 : i32
      %mul3A_247 = arith.muli %scan3A_32, %mul3A_246 : i32
      %add3A_248 = arith.constant 3 : i32
      %add3A_249 = arith.addi %mul3A_247, %add3A_248 : i32
      %swap3A_250 = arith.index_cast %add3A_249 : i32 to index
      %swap3A_251 = arith.constant 32 : index
      %swap3A_252 = tpu.vector_load %arg11[%swap3A_250, %swap3A_251] {strides = array<i32>} : memref<400x256xf32, #tpu.memory_space<vmem>>, vector<16xf32>,
      tpu.vector_store %arg11[%swap3A_250, %swap3A_251], %gather3A_245 {strides = array<i32>} : memref<400x256xf32, #tpu.memory_space<vmem>>, vector<16xf32>,
      %add3A_253 = arith.constant 4 : i32
      %add3A_254 = vector.broadcast %add3A_253 : i32 to vector<16xi32>
      %add3A_255 = arith.addi %mul3A_208, %add3A_254 : vector<16xi32>
      %gather3A_256 = tpu.vector_load_idx %arg12[%add3A_255] : memref<680xf32, #tpu.memory_space<vmem>>[vector<16xi32>], vector<16xf32>,
      %mul3A_257 = arith.constant 8 : i32
      %mul3A_258 = arith.muli %scan3A_32, %mul3A_257 : i32
      %add3A_259 = arith.constant 4 : i32
      %add3A_260 = arith.addi %mul3A_258, %add3A_259 : i32
      %swap3A_261 = arith.index_cast %add3A_260 : i32 to index
      %swap3A_262 = arith.constant 32 : index
      %swap3A_263 = tpu.vector_load %arg11[%swap3A_261, %swap3A_262] {strides = array<i32>} : memref<400x256xf32, #tpu.memory_space<vmem>>, vector<16xf32>,
      tpu.vector_store %arg11[%swap3A_261, %swap3A_262], %gather3A_256 {strides = array<i32>} : memref<400x256xf32, #tpu.memory_space<vmem>>, vector<16xf32>,
      %add3A_264 = arith.constant 5 : i32
      %add3A_265 = vector.broadcast %add3A_264 : i32 to vector<16xi32>
      %add3A_266 = arith.addi %mul3A_208, %add3A_265 : vector<16xi32>
      %gather3A_267 = tpu.vector_load_idx %arg12[%add3A_266] : memref<680xf32, #tpu.memory_space<vmem>>[vector<16xi32>], vector<16xf32>,
      %mul3A_268 = arith.constant 8 : i32
      %mul3A_269 = arith.muli %scan3A_32, %mul3A_268 : i32
      %add3A_270 = arith.constant 5 : i32
      %add3A_271 = arith.addi %mul3A_269, %add3A_270 : i32
      %swap3A_272 = arith.index_cast %add3A_271 : i32 to index
      %swap3A_273 = arith.constant 32 : index
      %swap3A_274 = tpu.vector_load %arg11[%swap3A_272, %swap3A_273] {strides = array<i32>} : memref<400x256xf32, #tpu.memory_space<vmem>>, vector<16xf32>,
      tpu.vector_store %arg11[%swap3A_272, %swap3A_273], %gather3A_267 {strides = array<i32>} : memref<400x256xf32, #tpu.memory_space<vmem>>, vector<16xf32>,
      %mul3A_275 = arith.constant 8 : i32
      %mul3A_276 = arith.muli %scan3A_32, %mul3A_275 : i32
      %add3A_277 = arith.constant 6 : i32
      %add3A_278 = arith.addi %mul3A_276, %add3A_277 : i32
      %swap3A_279 = arith.index_cast %add3A_278 : i32 to index
      %swap3A_280 = arith.constant 32 : index
      %swap3A_281 = tpu.vector_load %arg11[%swap3A_279, %swap3A_280] {strides = array<i32>} : memref<400x256xf32, #tpu.memory_space<vmem>>, vector<16xf32>,
      tpu.vector_store %arg11[%swap3A_279, %swap3A_280], %broadcast_in_dim3A_15 {strides = array<i32>} : memref<400x256xf32, #tpu.memory_space<vmem>>, vector<16xf32>,
      %mul3A_282 = arith.constant 8 : i32
      %mul3A_283 = arith.muli %scan3A_32, %mul3A_282 : i32
      %add3A_284 = arith.constant 7 : i32
      %add3A_285 = arith.addi %mul3A_283, %add3A_284 : i32
      %swap3A_286 = arith.index_cast %add3A_285 : i32 to index
      %swap3A_287 = arith.constant 32 : index
      %swap3A_288 = tpu.vector_load %arg11[%swap3A_286, %swap3A_287] {strides = array<i32>} : memref<400x256xf32, #tpu.memory_space<vmem>>, vector<16xf32>,
      tpu.vector_store %arg11[%swap3A_286, %swap3A_287], %broadcast_in_dim3A_17 {strides = array<i32>} : memref<400x256xf32, #tpu.memory_space<vmem>>, vector<16xf32>,
      %get3A_289 = arith.index_cast %scan3A_32 : i32 to index
      %get3A_290 = arith.constant 48 : index
      %get3A_291 = tpu.vector_load %arg10[%get3A_289, %get3A_290] {strides = array<i32>} : memref<50x256xi32, #tpu.memory_space<vmem>>, vector<16xi32>,
      %mul3A_292 = arith.constant 8 : i32
      %mul3A_293 = vector.broadcast %mul3A_292 : i32 to vector<16xi32>
      %mul3A_294 = arith.muli %get3A_291, %mul3A_293 : vector<16xi32>
      %add3A_295 = arith.constant 0 : i32
      %add3A_296 = vector.broadcast %add3A_295 : i32 to vector<16xi32>
      %add3A_297 = arith.addi %mul3A_294, %add3A_296 : vector<16xi32>
      %gather3A_298 = tpu.vector_load_idx %arg12[%add3A_297] : memref<680xf32, #tpu.memory_space<vmem>>[vector<16xi32>], vector<16xf32>,
      %mul3A_299 = arith.constant 8 : i32
      %mul3A_300 = arith.muli %scan3A_32, %mul3A_299 : i32
      %add3A_301 = arith.constant 0 : i32
      %add3A_302 = arith.addi %mul3A_300, %add3A_301 : i32
      %swap3A_303 = arith.index_cast %add3A_302 : i32 to index
      %swap3A_304 = arith.constant 48 : index
      %swap3A_305 = tpu.vector_load %arg11[%swap3A_303, %swap3A_304] {strides = array<i32>} : memref<400x256xf32, #tpu.memory_space<vmem>>, vector<16xf32>,
      tpu.vector_store %arg11[%swap3A_303, %swap3A_304], %gather3A_298 {strides = array<i32>} : memref<400x256xf32, #tpu.memory_space<vmem>>, vector<16xf32>,
      %add3A_306 = arith.constant 1 : i32
      %add3A_307 = vector.broadcast %add3A_306 : i32 to vector<16xi32>
      %add3A_308 = arith.addi %mul3A_294, %add3A_307 : vector<16xi32>
      %gather3A_309 = tpu.vector_load_idx %arg12[%add3A_308] : memref<680xf32, #tpu.memory_space<vmem>>[vector<16xi32>], vector<16xf32>,
      %mul3A_310 = arith.constant 8 : i32
      %mul3A_311 = arith.muli %scan3A_32, %mul3A_310 : i32
      %add3A_312 = arith.constant 1 : i32
      %add3A_313 = arith.addi %mul3A_311, %add3A_312 : i32
      %swap3A_314 = arith.index_cast %add3A_313 : i32 to index
      %swap3A_315 = arith.constant 48 : index
      %swap3A_316 = tpu.vector_load %arg11[%swap3A_314, %swap3A_315] {strides = array<i32>} : memref<400x256xf32, #tpu.memory_space<vmem>>, vector<16xf32>,
      tpu.vector_store %arg11[%swap3A_314, %swap3A_315], %gather3A_309 {strides = array<i32>} : memref<400x256xf32, #tpu.memory_space<vmem>>, vector<16xf32>,
      %add3A_317 = arith.constant 2 : i32
      %add3A_318 = vector.broadcast %add3A_317 : i32 to vector<16xi32>
      %add3A_319 = arith.addi %mul3A_294, %add3A_318 : vector<16xi32>
      %gather3A_320 = tpu.vector_load_idx %arg12[%add3A_319] : memref<680xf32, #tpu.memory_space<vmem>>[vector<16xi32>], vector<16xf32>,
      %mul3A_321 = arith.constant 8 : i32
      %mul3A_322 = arith.muli %scan3A_32, %mul3A_321 : i32
      %add3A_323 = arith.constant 2 : i32
      %add3A_324 = arith.addi %mul3A_322, %add3A_323 : i32
      %swap3A_325 = arith.index_cast %add3A_324 : i32 to index
      %swap3A_326 = arith.constant 48 : index
      %swap3A_327 = tpu.vector_load %arg11[%swap3A_325, %swap3A_326] {strides = array<i32>} : memref<400x256xf32, #tpu.memory_space<vmem>>, vector<16xf32>,
      tpu.vector_store %arg11[%swap3A_325, %swap3A_326], %gather3A_320 {strides = array<i32>} : memref<400x256xf32, #tpu.memory_space<vmem>>, vector<16xf32>,
      %add3A_328 = arith.constant 3 : i32
      %add3A_329 = vector.broadcast %add3A_328 : i32 to vector<16xi32>
      %add3A_330 = arith.addi %mul3A_294, %add3A_329 : vector<16xi32>
      %gather3A_331 = tpu.vector_load_idx %arg12[%add3A_330] : memref<680xf32, #tpu.memory_space<vmem>>[vector<16xi32>], vector<16xf32>,
      %mul3A_332 = arith.constant 8 : i32
      %mul3A_333 = arith.muli %scan3A_32, %mul3A_332 : i32
      %add3A_334 = arith.constant 3 : i32
      %add3A_335 = arith.addi %mul3A_333, %add3A_334 : i32
      %swap3A_336 = arith.index_cast %add3A_335 : i32 to index
      %swap3A_337 = arith.constant 48 : index
      %swap3A_338 = tpu.vector_load %arg11[%swap3A_336, %swap3A_337] {strides = array<i32>} : memref<400x256xf32, #tpu.memory_space<vmem>>, vector<16xf32>,
      tpu.vector_store %arg11[%swap3A_336, %swap3A_337], %gather3A_331 {strides = array<i32>} : memref<400x256xf32, #tpu.memory_space<vmem>>, vector<16xf32>,
      %add3A_339 = arith.constant 4 : i32
      %add3A_340 = vector.broadcast %add3A_339 : i32 to vector<16xi32>
      %add3A_341 = arith.addi %mul3A_294, %add3A_340 : vector<16xi32>
      %gather3A_342 = tpu.vector_load_idx %arg12[%add3A_341] : memref<680xf32, #tpu.memory_space<vmem>>[vector<16xi32>], vector<16xf32>,
      %mul3A_343 = arith.constant 8 : i32
      %mul3A_344 = arith.muli %scan3A_32, %mul3A_343 : i32
      %add3A_345 = arith.constant 4 : i32
      %add3A_346 = arith.addi %mul3A_344, %add3A_345 : i32
      %swap3A_347 = arith.index_cast %add3A_346 : i32 to index
      %swap3A_348 = arith.constant 48 : index
      %swap3A_349 = tpu.vector_load %arg11[%swap3A_347, %swap3A_348] {strides = array<i32>} : memref<400x256xf32, #tpu.memory_space<vmem>>, vector<16xf32>,
      tpu.vector_store %arg11[%swap3A_347, %swap3A_348], %gather3A_342 {strides = array<i32>} : memref<400x256xf32, #tpu.memory_space<vmem>>, vector<16xf32>,
      %add3A_350 = arith.constant 5 : i32
      %add3A_351 = vector.broadcast %add3A_350 : i32 to vector<16xi32>
      %add3A_352 = arith.addi %mul3A_294, %add3A_351 : vector<16xi32>
      %gather3A_353 = tpu.vector_load_idx %arg12[%add3A_352] : memref<680xf32, #tpu.memory_space<vmem>>[vector<16xi32>], vector<16xf32>,
      %mul3A_354 = arith.constant 8 : i32
      %mul3A_355 = arith.muli %scan3A_32, %mul3A_354 : i32
      %add3A_356 = arith.constant 5 : i32
      %add3A_357 = arith.addi %mul3A_355, %add3A_356 : i32
      %swap3A_358 = arith.index_cast %add3A_357 : i32 to index
      %swap3A_359 = arith.constant 48 : index
      %swap3A_360 = tpu.vector_load %arg11[%swap3A_358, %swap3A_359] {strides = array<i32>} : memref<400x256xf32, #tpu.memory_space<vmem>>, vector<16xf32>,
      tpu.vector_store %arg11[%swap3A_358, %swap3A_359], %gather3A_353 {strides = array<i32>} : memref<400x256xf32, #tpu.memory_space<vmem>>, vector<16xf32>,
      %mul3A_361 = arith.constant 8 : i32
      %mul3A_362 = arith.muli %scan3A_32, %mul3A_361 : i32
      %add3A_363 = arith.constant 6 : i32
      %add3A_364 = arith.addi %mul3A_362, %add3A_363 : i32
      %swap3A_365 = arith.index_cast %add3A_364 : i32 to index
      %swap3A_366 = arith.constant 48 : index
      %swap3A_367 = tpu.vector_load %arg11[%swap3A_365, %swap3A_366] {strides = array<i32>} : memref<400x256xf32, #tpu.memory_space<vmem>>, vector<16xf32>,
      tpu.vector_store %arg11[%swap3A_365, %swap3A_366], %broadcast_in_dim3A_15 {strides = array<i32>} : memref<400x256xf32, #tpu.memory_space<vmem>>, vector<16xf32>,
      %mul3A_368 = arith.constant 8 : i32
      %mul3A_369 = arith.muli %scan3A_32, %mul3A_368 : i32
      %add3A_370 = arith.constant 7 : i32
      %add3A_371 = arith.addi %mul3A_369, %add3A_370 : i32
      %swap3A_372 = arith.index_cast %add3A_371 : i32 to index
      %swap3A_373 = arith.constant 48 : index
      %swap3A_374 = tpu.vector_load %arg11[%swap3A_372, %swap3A_373] {strides = array<i32>} : memref<400x256xf32, #tpu.memory_space<vmem>>, vector<16xf32>,
      tpu.vector_store %arg11[%swap3A_372, %swap3A_373], %broadcast_in_dim3A_17 {strides = array<i32>} : memref<400x256xf32, #tpu.memory_space<vmem>>, vector<16xf32>,
      %get3A_375 = arith.index_cast %scan3A_32 : i32 to index
      %get3A_376 = arith.constant 64 : index
      %get3A_377 = tpu.vector_load %arg10[%get3A_375, %get3A_376] {strides = array<i32>} : memref<50x256xi32, #tpu.memory_space<vmem>>, vector<16xi32>,
      %mul3A_378 = arith.constant 8 : i32
      %mul3A_379 = vector.broadcast %mul3A_378 : i32 to vector<16xi32>
      %mul3A_380 = arith.muli %get3A_377, %mul3A_379 : vector<16xi32>
      %add3A_381 = arith.constant 0 : i32
      %add3A_382 = vector.broadcast %add3A_381 : i32 to vector<16xi32>
      %add3A_383 = arith.addi %mul3A_380, %add3A_382 : vector<16xi32>
      %gather3A_384 = tpu.vector_load_idx %arg12[%add3A_383] : memref<680xf32, #tpu.memory_space<vmem>>[vector<16xi32>], vector<16xf32>,
      %mul3A_385 = arith.constant 8 : i32
      %mul3A_386 = arith.muli %scan3A_32, %mul3A_385 : i32
      %add3A_387 = arith.constant 0 : i32
      %add3A_388 = arith.addi %mul3A_386, %add3A_387 : i32
      %swap3A_389 = arith.index_cast %add3A_388 : i32 to index
      %swap3A_390 = arith.constant 64 : index
      %swap3A_391 = tpu.vector_load %arg11[%swap3A_389, %swap3A_390] {strides = array<i32>} : memref<400x256xf32, #tpu.memory_space<vmem>>, vector<16xf32>,
      tpu.vector_store %arg11[%swap3A_389, %swap3A_390], %gather3A_384 {strides = array<i32>} : memref<400x256xf32, #tpu.memory_space<vmem>>, vector<16xf32>,
      %add3A_392 = arith.constant 1 : i32
      %add3A_393 = vector.broadcast %add3A_392 : i32 to vector<16xi32>
      %add3A_394 = arith.addi %mul3A_380, %add3A_393 : vector<16xi32>
      %gather3A_395 = tpu.vector_load_idx %arg12[%add3A_394] : memref<680xf32, #tpu.memory_space<vmem>>[vector<16xi32>], vector<16xf32>,
      %mul3A_396 = arith.constant 8 : i32
      %mul3A_397 = arith.muli %scan3A_32, %mul3A_396 : i32
      %add3A_398 = arith.constant 1 : i32
      %add3A_399 = arith.addi %mul3A_397, %add3A_398 : i32
      %swap3A_400 = arith.index_cast %add3A_399 : i32 to index
      %swap3A_401 = arith.constant 64 : index
      %swap3A_402 = tpu.vector_load %arg11[%swap3A_400, %swap3A_401] {strides = array<i32>} : memref<400x256xf32, #tpu.memory_space<vmem>>, vector<16xf32>,
      tpu.vector_store %arg11[%swap3A_400, %swap3A_401], %gather3A_395 {strides = array<i32>} : memref<400x256xf32, #tpu.memory_space<vmem>>, vector<16xf32>,
      %add3A_403 = arith.constant 2 : i32
      %add3A_404 = vector.broadcast %add3A_403 : i32 to vector<16xi32>
      %add3A_405 = arith.addi %mul3A_380, %add3A_404 : vector<16xi32>
      %gather3A_406 = tpu.vector_load_idx %arg12[%add3A_405] : memref<680xf32, #tpu.memory_space<vmem>>[vector<16xi32>], vector<16xf32>,
      %mul3A_407 = arith.constant 8 : i32
      %mul3A_408 = arith.muli %scan3A_32, %mul3A_407 : i32
      %add3A_409 = arith.constant 2 : i32
      %add3A_410 = arith.addi %mul3A_408, %add3A_409 : i32
      %swap3A_411 = arith.index_cast %add3A_410 : i32 to index
      %swap3A_412 = arith.constant 64 : index
      %swap3A_413 = tpu.vector_load %arg11[%swap3A_411, %swap3A_412] {strides = array<i32>} : memref<400x256xf32, #tpu.memory_space<vmem>>, vector<16xf32>,
      tpu.vector_store %arg11[%swap3A_411, %swap3A_412], %gather3A_406 {strides = array<i32>} : memref<400x256xf32, #tpu.memory_space<vmem>>, vector<16xf32>,
      %add3A_414 = arith.constant 3 : i32
      %add3A_415 = vector.broadcast %add3A_414 : i32 to vector<16xi32>
      %add3A_416 = arith.addi %mul3A_380, %add3A_415 : vector<16xi32>
      %gather3A_417 = tpu.vector_load_idx %arg12[%add3A_416] : memref<680xf32, #tpu.memory_space<vmem>>[vector<16xi32>], vector<16xf32>,
      %mul3A_418 = arith.constant 8 : i32
      %mul3A_419 = arith.muli %scan3A_32, %mul3A_418 : i32
      %add3A_420 = arith.constant 3 : i32
      %add3A_421 = arith.addi %mul3A_419, %add3A_420 : i32
      %swap3A_422 = arith.index_cast %add3A_421 : i32 to index
      %swap3A_423 = arith.constant 64 : index
      %swap3A_424 = tpu.vector_load %arg11[%swap3A_422, %swap3A_423] {strides = array<i32>} : memref<400x256xf32, #tpu.memory_space<vmem>>, vector<16xf32>,
      tpu.vector_store %arg11[%swap3A_422, %swap3A_423], %gather3A_417 {strides = array<i32>} : memref<400x256xf32, #tpu.memory_space<vmem>>, vector<16xf32>,
      %add3A_425 = arith.constant 4 : i32
      %add3A_426 = vector.broadcast %add3A_425 : i32 to vector<16xi32>
      %add3A_427 = arith.addi %mul3A_380, %add3A_426 : vector<16xi32>
      %gather3A_428 = tpu.vector_load_idx %arg12[%add3A_427] : memref<680xf32, #tpu.memory_space<vmem>>[vector<16xi32>], vector<16xf32>,
      %mul3A_429 = arith.constant 8 : i32
      %mul3A_430 = arith.muli %scan3A_32, %mul3A_429 : i32
      %add3A_431 = arith.constant 4 : i32
      %add3A_432 = arith.addi %mul3A_430, %add3A_431 : i32
      %swap3A_433 = arith.index_cast %add3A_432 : i32 to index
      %swap3A_434 = arith.constant 64 : index
      %swap3A_435 = tpu.vector_load %arg11[%swap3A_433, %swap3A_434] {strides = array<i32>} : memref<400x256xf32, #tpu.memory_space<vmem>>, vector<16xf32>,
      tpu.vector_store %arg11[%swap3A_433, %swap3A_434], %gather3A_428 {strides = array<i32>} : memref<400x256xf32, #tpu.memory_space<vmem>>, vector<16xf32>,
      %add3A_436 = arith.constant 5 : i32
      %add3A_437 = vector.broadcast %add3A_436 : i32 to vector<16xi32>
      %add3A_438 = arith.addi %mul3A_380, %add3A_437 : vector<16xi32>
      %gather3A_439 = tpu.vector_load_idx %arg12[%add3A_438] : memref<680xf32, #tpu.memory_space<vmem>>[vector<16xi32>], vector<16xf32>,
      %mul3A_440 = arith.constant 8 : i32
      %mul3A_441 = arith.muli %scan3A_32, %mul3A_440 : i32
      %add3A_442 = arith.constant 5 : i32
      %add3A_443 = arith.addi %mul3A_441, %add3A_442 : i32
      %swap3A_444 = arith.index_cast %add3A_443 : i32 to index
      %swap3A_445 = arith.constant 64 : index
      %swap3A_446 = tpu.vector_load %arg11[%swap3A_444, %swap3A_445] {strides = array<i32>} : memref<400x256xf32, #tpu.memory_space<vmem>>, vector<16xf32>,
      tpu.vector_store %arg11[%swap3A_444, %swap3A_445], %gather3A_439 {strides = array<i32>} : memref<400x256xf32, #tpu.memory_space<vmem>>, vector<16xf32>,
      %mul3A_447 = arith.constant 8 : i32
      %mul3A_448 = arith.muli %scan3A_32, %mul3A_447 : i32
      %add3A_449 = arith.constant 6 : i32
      %add3A_450 = arith.addi %mul3A_448, %add3A_449 : i32
      %swap3A_451 = arith.index_cast %add3A_450 : i32 to index
      %swap3A_452 = arith.constant 64 : index
      %swap3A_453 = tpu.vector_load %arg11[%swap3A_451, %swap3A_452] {strides = array<i32>} : memref<400x256xf32, #tpu.memory_space<vmem>>, vector<16xf32>,
      tpu.vector_store %arg11[%swap3A_451, %swap3A_452], %broadcast_in_dim3A_15 {strides = array<i32>} : memref<400x256xf32, #tpu.memory_space<vmem>>, vector<16xf32>,
      %mul3A_454 = arith.constant 8 : i32
      %mul3A_455 = arith.muli %scan3A_32, %mul3A_454 : i32
      %add3A_456 = arith.constant 7 : i32
      %add3A_457 = arith.addi %mul3A_455, %add3A_456 : i32
      %swap3A_458 = arith.index_cast %add3A_457 : i32 to index
      %swap3A_459 = arith.constant 64 : index
      %swap3A_460 = tpu.vector_load %arg11[%swap3A_458, %swap3A_459] {strides = array<i32>} : memref<400x256xf32, #tpu.memory_space<vmem>>, vector<16xf32>,
      tpu.vector_store %arg11[%swap3A_458, %swap3A_459], %broadcast_in_dim3A_17 {strides = array<i32>} : memref<400x256xf32, #tpu.memory_space<vmem>>, vector<16xf32>,
      %get3A_461 = arith.index_cast %scan3A_32 : i32 to index
      %get3A_462 = arith.constant 80 : index
      %get3A_463 = tpu.vector_load %arg10[%get3A_461, %get3A_462] {strides = array<i32>} : memref<50x256xi32, #tpu.memory_space<vmem>>, vector<16xi32>,
      %mul3A_464 = arith.constant 8 : i32
      %mul3A_465 = vector.broadcast %mul3A_464 : i32 to vector<16xi32>
      %mul3A_466 = arith.muli %get3A_463, %mul3A_465 : vector<16xi32>
      %add3A_467 = arith.constant 0 : i32
      %add3A_468 = vector.broadcast %add3A_467 : i32 to vector<16xi32>
      %add3A_469 = arith.addi %mul3A_466, %add3A_468 : vector<16xi32>
      %gather3A_470 = tpu.vector_load_idx %arg12[%add3A_469] : memref<680xf32, #tpu.memory_space<vmem>>[vector<16xi32>], vector<16xf32>,
      %mul3A_471 = arith.constant 8 : i32
      %mul3A_472 = arith.muli %scan3A_32, %mul3A_471 : i32
      %add3A_473 = arith.constant 0 : i32
      %add3A_474 = arith.addi %mul3A_472, %add3A_473 : i32
      %swap3A_475 = arith.index_cast %add3A_474 : i32 to index
      %swap3A_476 = arith.constant 80 : index
      %swap3A_477 = tpu.vector_load %arg11[%swap3A_475, %swap3A_476] {strides = array<i32>} : memref<400x256xf32, #tpu.memory_space<vmem>>, vector<16xf32>,
      tpu.vector_store %arg11[%swap3A_475, %swap3A_476], %gather3A_470 {strides = array<i32>} : memref<400x256xf32, #tpu.memory_space<vmem>>, vector<16xf32>,
      %add3A_478 = arith.constant 1 : i32
      %add3A_479 = vector.broadcast %add3A_478 : i32 to vector<16xi32>
      %add3A_480 = arith.addi %mul3A_466, %add3A_479 : vector<16xi32>
      %gather3A_481 = tpu.vector_load_idx %arg12[%add3A_480] : memref<680xf32, #tpu.memory_space<vmem>>[vector<16xi32>], vector<16xf32>,
      %mul3A_482 = arith.constant 8 : i32
      %mul3A_483 = arith.muli %scan3A_32, %mul3A_482 : i32
      %add3A_484 = arith.constant 1 : i32
      %add3A_485 = arith.addi %mul3A_483, %add3A_484 : i32
      %swap3A_486 = arith.index_cast %add3A_485 : i32 to index
      %swap3A_487 = arith.constant 80 : index
      %swap3A_488 = tpu.vector_load %arg11[%swap3A_486, %swap3A_487] {strides = array<i32>} : memref<400x256xf32, #tpu.memory_space<vmem>>, vector<16xf32>,
      tpu.vector_store %arg11[%swap3A_486, %swap3A_487], %gather3A_481 {strides = array<i32>} : memref<400x256xf32, #tpu.memory_space<vmem>>, vector<16xf32>,
      %add3A_489 = arith.constant 2 : i32
      %add3A_490 = vector.broadcast %add3A_489 : i32 to vector<16xi32>
      %add3A_491 = arith.addi %mul3A_466, %add3A_490 : vector<16xi32>
      %gather3A_492 = tpu.vector_load_idx %arg12[%add3A_491] : memref<680xf32, #tpu.memory_space<vmem>>[vector<16xi32>], vector<16xf32>,
      %mul3A_493 = arith.constant 8 : i32
      %mul3A_494 = arith.muli %scan3A_32, %mul3A_493 : i32
      %add3A_495 = arith.constant 2 : i32
      %add3A_496 = arith.addi %mul3A_494, %add3A_495 : i32
      %swap3A_497 = arith.index_cast %add3A_496 : i32 to index
      %swap3A_498 = arith.constant 80 : index
      %swap3A_499 = tpu.vector_load %arg11[%swap3A_497, %swap3A_498] {strides = array<i32>} : memref<400x256xf32, #tpu.memory_space<vmem>>, vector<16xf32>,
      tpu.vector_store %arg11[%swap3A_497, %swap3A_498], %gather3A_492 {strides = array<i32>} : memref<400x256xf32, #tpu.memory_space<vmem>>, vector<16xf32>,
      %add3A_500 = arith.constant 3 : i32
      %add3A_501 = vector.broadcast %add3A_500 : i32 to vector<16xi32>
      %add3A_502 = arith.addi %mul3A_466, %add3A_501 : vector<16xi32>
      %gather3A_503 = tpu.vector_load_idx %arg12[%add3A_502] : memref<680xf32, #tpu.memory_space<vmem>>[vector<16xi32>], vector<16xf32>,
      %mul3A_504 = arith.constant 8 : i32
      %mul3A_505 = arith.muli %scan3A_32, %mul3A_504 : i32
      %add3A_506 = arith.constant 3 : i32
      %add3A_507 = arith.addi %mul3A_505, %add3A_506 : i32
      %swap3A_508 = arith.index_cast %add3A_507 : i32 to index
      %swap3A_509 = arith.constant 80 : index
      %swap3A_510 = tpu.vector_load %arg11[%swap3A_508, %swap3A_509] {strides = array<i32>} : memref<400x256xf32, #tpu.memory_space<vmem>>, vector<16xf32>,
      tpu.vector_store %arg11[%swap3A_508, %swap3A_509], %gather3A_503 {strides = array<i32>} : memref<400x256xf32, #tpu.memory_space<vmem>>, vector<16xf32>,
      %add3A_511 = arith.constant 4 : i32
      %add3A_512 = vector.broadcast %add3A_511 : i32 to vector<16xi32>
      %add3A_513 = arith.addi %mul3A_466, %add3A_512 : vector<16xi32>
      %gather3A_514 = tpu.vector_load_idx %arg12[%add3A_513] : memref<680xf32, #tpu.memory_space<vmem>>[vector<16xi32>], vector<16xf32>,
      %mul3A_515 = arith.constant 8 : i32
      %mul3A_516 = arith.muli %scan3A_32, %mul3A_515 : i32
      %add3A_517 = arith.constant 4 : i32
      %add3A_518 = arith.addi %mul3A_516, %add3A_517 : i32
      %swap3A_519 = arith.index_cast %add3A_518 : i32 to index
      %swap3A_520 = arith.constant 80 : index
      %swap3A_521 = tpu.vector_load %arg11[%swap3A_519, %swap3A_520] {strides = array<i32>} : memref<400x256xf32, #tpu.memory_space<vmem>>, vector<16xf32>,
      tpu.vector_store %arg11[%swap3A_519, %swap3A_520], %gather3A_514 {strides = array<i32>} : memref<400x256xf32, #tpu.memory_space<vmem>>, vector<16xf32>,
      %add3A_522 = arith.constant 5 : i32
      %add3A_523 = vector.broadcast %add3A_522 : i32 to vector<16xi32>
      %add3A_524 = arith.addi %mul3A_466, %add3A_523 : vector<16xi32>
      %gather3A_525 = tpu.vector_load_idx %arg12[%add3A_524] : memref<680xf32, #tpu.memory_space<vmem>>[vector<16xi32>], vector<16xf32>,
      %mul3A_526 = arith.constant 8 : i32
      %mul3A_527 = arith.muli %scan3A_32, %mul3A_526 : i32
      %add3A_528 = arith.constant 5 : i32
      %add3A_529 = arith.addi %mul3A_527, %add3A_528 : i32
      %swap3A_530 = arith.index_cast %add3A_529 : i32 to index
      %swap3A_531 = arith.constant 80 : index
      %swap3A_532 = tpu.vector_load %arg11[%swap3A_530, %swap3A_531] {strides = array<i32>} : memref<400x256xf32, #tpu.memory_space<vmem>>, vector<16xf32>,
      tpu.vector_store %arg11[%swap3A_530, %swap3A_531], %gather3A_525 {strides = array<i32>} : memref<400x256xf32, #tpu.memory_space<vmem>>, vector<16xf32>,
      %mul3A_533 = arith.constant 8 : i32
      %mul3A_534 = arith.muli %scan3A_32, %mul3A_533 : i32
      %add3A_535 = arith.constant 6 : i32
      %add3A_536 = arith.addi %mul3A_534, %add3A_535 : i32
      %swap3A_537 = arith.index_cast %add3A_536 : i32 to index
      %swap3A_538 = arith.constant 80 : index
      %swap3A_539 = tpu.vector_load %arg11[%swap3A_537, %swap3A_538] {strides = array<i32>} : memref<400x256xf32, #tpu.memory_space<vmem>>, vector<16xf32>,
      tpu.vector_store %arg11[%swap3A_537, %swap3A_538], %broadcast_in_dim3A_15 {strides = array<i32>} : memref<400x256xf32, #tpu.memory_space<vmem>>, vector<16xf32>,
      %mul3A_540 = arith.constant 8 : i32
      %mul3A_541 = arith.muli %scan3A_32, %mul3A_540 : i32
      %add3A_542 = arith.constant 7 : i32
      %add3A_543 = arith.addi %mul3A_541, %add3A_542 : i32
      %swap3A_544 = arith.index_cast %add3A_543 : i32 to index
      %swap3A_545 = arith.constant 80 : index
      %swap3A_546 = tpu.vector_load %arg11[%swap3A_544, %swap3A_545] {strides = array<i32>} : memref<400x256xf32, #tpu.memory_space<vmem>>, vector<16xf32>,
      tpu.vector_store %arg11[%swap3A_544, %swap3A_545], %broadcast_in_dim3A_17 {strides = array<i32>} : memref<400x256xf32, #tpu.memory_space<vmem>>, vector<16xf32>,
      %get3A_547 = arith.index_cast %scan3A_32 : i32 to index
      %get3A_548 = arith.constant 96 : index
      %get3A_549 = tpu.vector_load %arg10[%get3A_547, %get3A_548] {strides = array<i32>} : memref<50x256xi32, #tpu.memory_space<vmem>>, vector<16xi32>,
      %mul3A_550 = arith.constant 8 : i32
      %mul3A_551 = vector.broadcast %mul3A_550 : i32 to vector<16xi32>
      %mul3A_552 = arith.muli %get3A_549, %mul3A_551 : vector<16xi32>
      %add3A_553 = arith.constant 0 : i32
      %add3A_554 = vector.broadcast %add3A_553 : i32 to vector<16xi32>
      %add3A_555 = arith.addi %mul3A_552, %add3A_554 : vector<16xi32>
      %gather3A_556 = tpu.vector_load_idx %arg12[%add3A_555] : memref<680xf32, #tpu.memory_space<vmem>>[vector<16xi32>], vector<16xf32>,
      %mul3A_557 = arith.constant 8 : i32
      %mul3A_558 = arith.muli %scan3A_32, %mul3A_557 : i32
      %add3A_559 = arith.constant 0 : i32
      %add3A_560 = arith.addi %mul3A_558, %add3A_559 : i32
      %swap3A_561 = arith.index_cast %add3A_560 : i32 to index
      %swap3A_562 = arith.constant 96 : index
      %swap3A_563 = tpu.vector_load %arg11[%swap3A_561, %swap3A_562] {strides = array<i32>} : memref<400x256xf32, #tpu.memory_space<vmem>>, vector<16xf32>,
      tpu.vector_store %arg11[%swap3A_561, %swap3A_562], %gather3A_556 {strides = array<i32>} : memref<400x256xf32, #tpu.memory_space<vmem>>, vector<16xf32>,
      %add3A_564 = arith.constant 1 : i32
      %add3A_565 = vector.broadcast %add3A_564 : i32 to vector<16xi32>
      %add3A_566 = arith.addi %mul3A_552, %add3A_565 : vector<16xi32>
      %gather3A_567 = tpu.vector_load_idx %arg12[%add3A_566] : memref<680xf32, #tpu.memory_space<vmem>>[vector<16xi32>], vector<16xf32>,
      %mul3A_568 = arith.constant 8 : i32
      %mul3A_569 = arith.muli %scan3A_32, %mul3A_568 : i32
      %add3A_570 = arith.constant 1 : i32
      %add3A_571 = arith.addi %mul3A_569, %add3A_570 : i32
      %swap3A_572 = arith.index_cast %add3A_571 : i32 to index
      %swap3A_573 = arith.constant 96 : index
      %swap3A_574 = tpu.vector_load %arg11[%swap3A_572, %swap3A_573] {strides = array<i32>} : memref<400x256xf32, #tpu.memory_space<vmem>>, vector<16xf32>,
      tpu.vector_store %arg11[%swap3A_572, %swap3A_573], %gather3A_567 {strides = array<i32>} : memref<400x256xf32, #tpu.memory_space<vmem>>, vector<16xf32>,
      %add3A_575 = arith.constant 2 : i32
      %add3A_576 = vector.broadcast %add3A_575 : i32 to vector<16xi32>
      %add3A_577 = arith.addi %mul3A_552, %add3A_576 : vector<16xi32>
      %gather3A_578 = tpu.vector_load_idx %arg12[%add3A_577] : memref<680xf32, #tpu.memory_space<vmem>>[vector<16xi32>], vector<16xf32>,
      %mul3A_579 = arith.constant 8 : i32
      %mul3A_580 = arith.muli %scan3A_32, %mul3A_579 : i32
      %add3A_581 = arith.constant 2 : i32
      %add3A_582 = arith.addi %mul3A_580, %add3A_581 : i32
      %swap3A_583 = arith.index_cast %add3A_582 : i32 to index
      %swap3A_584 = arith.constant 96 : index
      %swap3A_585 = tpu.vector_load %arg11[%swap3A_583, %swap3A_584] {strides = array<i32>} : memref<400x256xf32, #tpu.memory_space<vmem>>, vector<16xf32>,
      tpu.vector_store %arg11[%swap3A_583, %swap3A_584], %gather3A_578 {strides = array<i32>} : memref<400x256xf32, #tpu.memory_space<vmem>>, vector<16xf32>,
      %add3A_586 = arith.constant 3 : i32
      %add3A_587 = vector.broadcast %add3A_586 : i32 to vector<16xi32>
      %add3A_588 = arith.addi %mul3A_552, %add3A_587 : vector<16xi32>
      %gather3A_589 = tpu.vector_load_idx %arg12[%add3A_588] : memref<680xf32, #tpu.memory_space<vmem>>[vector<16xi32>], vector<16xf32>,
      %mul3A_590 = arith.constant 8 : i32
      %mul3A_591 = arith.muli %scan3A_32, %mul3A_590 : i32
      %add3A_592 = arith.constant 3 : i32
      %add3A_593 = arith.addi %mul3A_591, %add3A_592 : i32
      %swap3A_594 = arith.index_cast %add3A_593 : i32 to index
      %swap3A_595 = arith.constant 96 : index
      %swap3A_596 = tpu.vector_load %arg11[%swap3A_594, %swap3A_595] {strides = array<i32>} : memref<400x256xf32, #tpu.memory_space<vmem>>, vector<16xf32>,
      tpu.vector_store %arg11[%swap3A_594, %swap3A_595], %gather3A_589 {strides = array<i32>} : memref<400x256xf32, #tpu.memory_space<vmem>>, vector<16xf32>,
      %add3A_597 = arith.constant 4 : i32
      %add3A_598 = vector.broadcast %add3A_597 : i32 to vector<16xi32>
      %add3A_599 = arith.addi %mul3A_552, %add3A_598 : vector<16xi32>
      %gather3A_600 = tpu.vector_load_idx %arg12[%add3A_599] : memref<680xf32, #tpu.memory_space<vmem>>[vector<16xi32>], vector<16xf32>,
      %mul3A_601 = arith.constant 8 : i32
      %mul3A_602 = arith.muli %scan3A_32, %mul3A_601 : i32
      %add3A_603 = arith.constant 4 : i32
      %add3A_604 = arith.addi %mul3A_602, %add3A_603 : i32
      %swap3A_605 = arith.index_cast %add3A_604 : i32 to index
      %swap3A_606 = arith.constant 96 : index
      %swap3A_607 = tpu.vector_load %arg11[%swap3A_605, %swap3A_606] {strides = array<i32>} : memref<400x256xf32, #tpu.memory_space<vmem>>, vector<16xf32>,
      tpu.vector_store %arg11[%swap3A_605, %swap3A_606], %gather3A_600 {strides = array<i32>} : memref<400x256xf32, #tpu.memory_space<vmem>>, vector<16xf32>,
      %add3A_608 = arith.constant 5 : i32
      %add3A_609 = vector.broadcast %add3A_608 : i32 to vector<16xi32>
      %add3A_610 = arith.addi %mul3A_552, %add3A_609 : vector<16xi32>
      %gather3A_611 = tpu.vector_load_idx %arg12[%add3A_610] : memref<680xf32, #tpu.memory_space<vmem>>[vector<16xi32>], vector<16xf32>,
      %mul3A_612 = arith.constant 8 : i32
      %mul3A_613 = arith.muli %scan3A_32, %mul3A_612 : i32
      %add3A_614 = arith.constant 5 : i32
      %add3A_615 = arith.addi %mul3A_613, %add3A_614 : i32
      %swap3A_616 = arith.index_cast %add3A_615 : i32 to index
      %swap3A_617 = arith.constant 96 : index
      %swap3A_618 = tpu.vector_load %arg11[%swap3A_616, %swap3A_617] {strides = array<i32>} : memref<400x256xf32, #tpu.memory_space<vmem>>, vector<16xf32>,
      tpu.vector_store %arg11[%swap3A_616, %swap3A_617], %gather3A_611 {strides = array<i32>} : memref<400x256xf32, #tpu.memory_space<vmem>>, vector<16xf32>,
      %mul3A_619 = arith.constant 8 : i32
      %mul3A_620 = arith.muli %scan3A_32, %mul3A_619 : i32
      %add3A_621 = arith.constant 6 : i32
      %add3A_622 = arith.addi %mul3A_620, %add3A_621 : i32
      %swap3A_623 = arith.index_cast %add3A_622 : i32 to index
      %swap3A_624 = arith.constant 96 : index
      %swap3A_625 = tpu.vector_load %arg11[%swap3A_623, %swap3A_624] {strides = array<i32>} : memref<400x256xf32, #tpu.memory_space<vmem>>, vector<16xf32>,
      tpu.vector_store %arg11[%swap3A_623, %swap3A_624], %broadcast_in_dim3A_15 {strides = array<i32>} : memref<400x256xf32, #tpu.memory_space<vmem>>, vector<16xf32>,
      %mul3A_626 = arith.constant 8 : i32
      %mul3A_627 = arith.muli %scan3A_32, %mul3A_626 : i32
      %add3A_628 = arith.constant 7 : i32
      %add3A_629 = arith.addi %mul3A_627, %add3A_628 : i32
      %swap3A_630 = arith.index_cast %add3A_629 : i32 to index
      %swap3A_631 = arith.constant 96 : index
      %swap3A_632 = tpu.vector_load %arg11[%swap3A_630, %swap3A_631] {strides = array<i32>} : memref<400x256xf32, #tpu.memory_space<vmem>>, vector<16xf32>,
      tpu.vector_store %arg11[%swap3A_630, %swap3A_631], %broadcast_in_dim3A_17 {strides = array<i32>} : memref<400x256xf32, #tpu.memory_space<vmem>>, vector<16xf32>,
      %get3A_633 = arith.index_cast %scan3A_32 : i32 to index
      %get3A_634 = arith.constant 112 : index
      %get3A_635 = tpu.vector_load %arg10[%get3A_633, %get3A_634] {strides = array<i32>} : memref<50x256xi32, #tpu.memory_space<vmem>>, vector<16xi32>,
      %mul3A_636 = arith.constant 8 : i32
      %mul3A_637 = vector.broadcast %mul3A_636 : i32 to vector<16xi32>
      %mul3A_638 = arith.muli %get3A_635, %mul3A_637 : vector<16xi32>
      %add3A_639 = arith.constant 0 : i32
      %add3A_640 = vector.broadcast %add3A_639 : i32 to vector<16xi32>
      %add3A_641 = arith.addi %mul3A_638, %add3A_640 : vector<16xi32>
      %gather3A_642 = tpu.vector_load_idx %arg12[%add3A_641] : memref<680xf32, #tpu.memory_space<vmem>>[vector<16xi32>], vector<16xf32>,
      %mul3A_643 = arith.constant 8 : i32
      %mul3A_644 = arith.muli %scan3A_32, %mul3A_643 : i32
      %add3A_645 = arith.constant 0 : i32
      %add3A_646 = arith.addi %mul3A_644, %add3A_645 : i32
      %swap3A_647 = arith.index_cast %add3A_646 : i32 to index
      %swap3A_648 = arith.constant 112 : index
      %swap3A_649 = tpu.vector_load %arg11[%swap3A_647, %swap3A_648] {strides = array<i32>} : memref<400x256xf32, #tpu.memory_space<vmem>>, vector<16xf32>,
      tpu.vector_store %arg11[%swap3A_647, %swap3A_648], %gather3A_642 {strides = array<i32>} : memref<400x256xf32, #tpu.memory_space<vmem>>, vector<16xf32>,
      %add3A_650 = arith.constant 1 : i32
      %add3A_651 = vector.broadcast %add3A_650 : i32 to vector<16xi32>
      %add3A_652 = arith.addi %mul3A_638, %add3A_651 : vector<16xi32>
      %gather3A_653 = tpu.vector_load_idx %arg12[%add3A_652] : memref<680xf32, #tpu.memory_space<vmem>>[vector<16xi32>], vector<16xf32>,
      %mul3A_654 = arith.constant 8 : i32
      %mul3A_655 = arith.muli %scan3A_32, %mul3A_654 : i32
      %add3A_656 = arith.constant 1 : i32
      %add3A_657 = arith.addi %mul3A_655, %add3A_656 : i32
      %swap3A_658 = arith.index_cast %add3A_657 : i32 to index
      %swap3A_659 = arith.constant 112 : index
      %swap3A_660 = tpu.vector_load %arg11[%swap3A_658, %swap3A_659] {strides = array<i32>} : memref<400x256xf32, #tpu.memory_space<vmem>>, vector<16xf32>,
      tpu.vector_store %arg11[%swap3A_658, %swap3A_659], %gather3A_653 {strides = array<i32>} : memref<400x256xf32, #tpu.memory_space<vmem>>, vector<16xf32>,
      %add3A_661 = arith.constant 2 : i32
      %add3A_662 = vector.broadcast %add3A_661 : i32 to vector<16xi32>
      %add3A_663 = arith.addi %mul3A_638, %add3A_662 : vector<16xi32>
      %gather3A_664 = tpu.vector_load_idx %arg12[%add3A_663] : memref<680xf32, #tpu.memory_space<vmem>>[vector<16xi32>], vector<16xf32>,
      %mul3A_665 = arith.constant 8 : i32
      %mul3A_666 = arith.muli %scan3A_32, %mul3A_665 : i32
      %add3A_667 = arith.constant 2 : i32
      %add3A_668 = arith.addi %mul3A_666, %add3A_667 : i32
      %swap3A_669 = arith.index_cast %add3A_668 : i32 to index
      %swap3A_670 = arith.constant 112 : index
      %swap3A_671 = tpu.vector_load %arg11[%swap3A_669, %swap3A_670] {strides = array<i32>} : memref<400x256xf32, #tpu.memory_space<vmem>>, vector<16xf32>,
      tpu.vector_store %arg11[%swap3A_669, %swap3A_670], %gather3A_664 {strides = array<i32>} : memref<400x256xf32, #tpu.memory_space<vmem>>, vector<16xf32>,
      %add3A_672 = arith.constant 3 : i32
      %add3A_673 = vector.broadcast %add3A_672 : i32 to vector<16xi32>
      %add3A_674 = arith.addi %mul3A_638, %add3A_673 : vector<16xi32>
      %gather3A_675 = tpu.vector_load_idx %arg12[%add3A_674] : memref<680xf32, #tpu.memory_space<vmem>>[vector<16xi32>], vector<16xf32>,
      %mul3A_676 = arith.constant 8 : i32
      %mul3A_677 = arith.muli %scan3A_32, %mul3A_676 : i32
      %add3A_678 = arith.constant 3 : i32
      %add3A_679 = arith.addi %mul3A_677, %add3A_678 : i32
      %swap3A_680 = arith.index_cast %add3A_679 : i32 to index
      %swap3A_681 = arith.constant 112 : index
      %swap3A_682 = tpu.vector_load %arg11[%swap3A_680, %swap3A_681] {strides = array<i32>} : memref<400x256xf32, #tpu.memory_space<vmem>>, vector<16xf32>,
      tpu.vector_store %arg11[%swap3A_680, %swap3A_681], %gather3A_675 {strides = array<i32>} : memref<400x256xf32, #tpu.memory_space<vmem>>, vector<16xf32>,
      %add3A_683 = arith.constant 4 : i32
      %add3A_684 = vector.broadcast %add3A_683 : i32 to vector<16xi32>
      %add3A_685 = arith.addi %mul3A_638, %add3A_684 : vector<16xi32>
      %gather3A_686 = tpu.vector_load_idx %arg12[%add3A_685] : memref<680xf32, #tpu.memory_space<vmem>>[vector<16xi32>], vector<16xf32>,
      %mul3A_687 = arith.constant 8 : i32
      %mul3A_688 = arith.muli %scan3A_32, %mul3A_687 : i32
      %add3A_689 = arith.constant 4 : i32
      %add3A_690 = arith.addi %mul3A_688, %add3A_689 : i32
      %swap3A_691 = arith.index_cast %add3A_690 : i32 to index
      %swap3A_692 = arith.constant 112 : index
      %swap3A_693 = tpu.vector_load %arg11[%swap3A_691, %swap3A_692] {strides = array<i32>} : memref<400x256xf32, #tpu.memory_space<vmem>>, vector<16xf32>,
      tpu.vector_store %arg11[%swap3A_691, %swap3A_692], %gather3A_686 {strides = array<i32>} : memref<400x256xf32, #tpu.memory_space<vmem>>, vector<16xf32>,
      %add3A_694 = arith.constant 5 : i32
      %add3A_695 = vector.broadcast %add3A_694 : i32 to vector<16xi32>
      %add3A_696 = arith.addi %mul3A_638, %add3A_695 : vector<16xi32>
      %gather3A_697 = tpu.vector_load_idx %arg12[%add3A_696] : memref<680xf32, #tpu.memory_space<vmem>>[vector<16xi32>], vector<16xf32>,
      %mul3A_698 = arith.constant 8 : i32
      %mul3A_699 = arith.muli %scan3A_32, %mul3A_698 : i32
      %add3A_700 = arith.constant 5 : i32
      %add3A_701 = arith.addi %mul3A_699, %add3A_700 : i32
      %swap3A_702 = arith.index_cast %add3A_701 : i32 to index
      %swap3A_703 = arith.constant 112 : index
      %swap3A_704 = tpu.vector_load %arg11[%swap3A_702, %swap3A_703] {strides = array<i32>} : memref<400x256xf32, #tpu.memory_space<vmem>>, vector<16xf32>,
      tpu.vector_store %arg11[%swap3A_702, %swap3A_703], %gather3A_697 {strides = array<i32>} : memref<400x256xf32, #tpu.memory_space<vmem>>, vector<16xf32>,
      %mul3A_705 = arith.constant 8 : i32
      %mul3A_706 = arith.muli %scan3A_32, %mul3A_705 : i32
      %add3A_707 = arith.constant 6 : i32
      %add3A_708 = arith.addi %mul3A_706, %add3A_707 : i32
      %swap3A_709 = arith.index_cast %add3A_708 : i32 to index
      %swap3A_710 = arith.constant 112 : index
      %swap3A_711 = tpu.vector_load %arg11[%swap3A_709, %swap3A_710] {strides = array<i32>} : memref<400x256xf32, #tpu.memory_space<vmem>>, vector<16xf32>,
      tpu.vector_store %arg11[%swap3A_709, %swap3A_710], %broadcast_in_dim3A_15 {strides = array<i32>} : memref<400x256xf32, #tpu.memory_space<vmem>>, vector<16xf32>,
      %mul3A_712 = arith.constant 8 : i32
      %mul3A_713 = arith.muli %scan3A_32, %mul3A_712 : i32
      %add3A_714 = arith.constant 7 : i32
      %add3A_715 = arith.addi %mul3A_713, %add3A_714 : i32
      %swap3A_716 = arith.index_cast %add3A_715 : i32 to index
      %swap3A_717 = arith.constant 112 : index
      %swap3A_718 = tpu.vector_load %arg11[%swap3A_716, %swap3A_717] {strides = array<i32>} : memref<400x256xf32, #tpu.memory_space<vmem>>, vector<16xf32>,
      tpu.vector_store %arg11[%swap3A_716, %swap3A_717], %broadcast_in_dim3A_17 {strides = array<i32>} : memref<400x256xf32, #tpu.memory_space<vmem>>, vector<16xf32>,
      %get3A_719 = arith.index_cast %scan3A_32 : i32 to index
      %get3A_720 = arith.constant 128 : index
      %get3A_721 = tpu.vector_load %arg10[%get3A_719, %get3A_720] {strides = array<i32>} : memref<50x256xi32, #tpu.memory_space<vmem>>, vector<16xi32>,
      %mul3A_722 = arith.constant 8 : i32
      %mul3A_723 = vector.broadcast %mul3A_722 : i32 to vector<16xi32>
      %mul3A_724 = arith.muli %get3A_721, %mul3A_723 : vector<16xi32>
      %add3A_725 = arith.constant 0 : i32
      %add3A_726 = vector.broadcast %add3A_725 : i32 to vector<16xi32>
      %add3A_727 = arith.addi %mul3A_724, %add3A_726 : vector<16xi32>
      %gather3A_728 = tpu.vector_load_idx %arg12[%add3A_727] : memref<680xf32, #tpu.memory_space<vmem>>[vector<16xi32>], vector<16xf32>,
      %mul3A_729 = arith.constant 8 : i32
      %mul3A_730 = arith.muli %scan3A_32, %mul3A_729 : i32
      %add3A_731 = arith.constant 0 : i32
      %add3A_732 = arith.addi %mul3A_730, %add3A_731 : i32
      %swap3A_733 = arith.index_cast %add3A_732 : i32 to index
      %swap3A_734 = arith.constant 128 : index
      %swap3A_735 = tpu.vector_load %arg11[%swap3A_733, %swap3A_734] {strides = array<i32>} : memref<400x256xf32, #tpu.memory_space<vmem>>, vector<16xf32>,
      tpu.vector_store %arg11[%swap3A_733, %swap3A_734], %gather3A_728 {strides = array<i32>} : memref<400x256xf32, #tpu.memory_space<vmem>>, vector<16xf32>,
      %add3A_736 = arith.constant 1 : i32
      %add3A_737 = vector.broadcast %add3A_736 : i32 to vector<16xi32>
      %add3A_738 = arith.addi %mul3A_724, %add3A_737 : vector<16xi32>
      %gather3A_739 = tpu.vector_load_idx %arg12[%add3A_738] : memref<680xf32, #tpu.memory_space<vmem>>[vector<16xi32>], vector<16xf32>,
      %mul3A_740 = arith.constant 8 : i32
      %mul3A_741 = arith.muli %scan3A_32, %mul3A_740 : i32
      %add3A_742 = arith.constant 1 : i32
      %add3A_743 = arith.addi %mul3A_741, %add3A_742 : i32
      %swap3A_744 = arith.index_cast %add3A_743 : i32 to index
      %swap3A_745 = arith.constant 128 : index
      %swap3A_746 = tpu.vector_load %arg11[%swap3A_744, %swap3A_745] {strides = array<i32>} : memref<400x256xf32, #tpu.memory_space<vmem>>, vector<16xf32>,
      tpu.vector_store %arg11[%swap3A_744, %swap3A_745], %gather3A_739 {strides = array<i32>} : memref<400x256xf32, #tpu.memory_space<vmem>>, vector<16xf32>,
      %add3A_747 = arith.constant 2 : i32
      %add3A_748 = vector.broadcast %add3A_747 : i32 to vector<16xi32>
      %add3A_749 = arith.addi %mul3A_724, %add3A_748 : vector<16xi32>
      %gather3A_750 = tpu.vector_load_idx %arg12[%add3A_749] : memref<680xf32, #tpu.memory_space<vmem>>[vector<16xi32>], vector<16xf32>,
      %mul3A_751 = arith.constant 8 : i32
      %mul3A_752 = arith.muli %scan3A_32, %mul3A_751 : i32
      %add3A_753 = arith.constant 2 : i32
      %add3A_754 = arith.addi %mul3A_752, %add3A_753 : i32
      %swap3A_755 = arith.index_cast %add3A_754 : i32 to index
      %swap3A_756 = arith.constant 128 : index
      %swap3A_757 = tpu.vector_load %arg11[%swap3A_755, %swap3A_756] {strides = array<i32>} : memref<400x256xf32, #tpu.memory_space<vmem>>, vector<16xf32>,
      tpu.vector_store %arg11[%swap3A_755, %swap3A_756], %gather3A_750 {strides = array<i32>} : memref<400x256xf32, #tpu.memory_space<vmem>>, vector<16xf32>,
      %add3A_758 = arith.constant 3 : i32
      %add3A_759 = vector.broadcast %add3A_758 : i32 to vector<16xi32>
      %add3A_760 = arith.addi %mul3A_724, %add3A_759 : vector<16xi32>
      %gather3A_761 = tpu.vector_load_idx %arg12[%add3A_760] : memref<680xf32, #tpu.memory_space<vmem>>[vector<16xi32>], vector<16xf32>,
      %mul3A_762 = arith.constant 8 : i32
      %mul3A_763 = arith.muli %scan3A_32, %mul3A_762 : i32
      %add3A_764 = arith.constant 3 : i32
      %add3A_765 = arith.addi %mul3A_763, %add3A_764 : i32
      %swap3A_766 = arith.index_cast %add3A_765 : i32 to index
      %swap3A_767 = arith.constant 128 : index
      %swap3A_768 = tpu.vector_load %arg11[%swap3A_766, %swap3A_767] {strides = array<i32>} : memref<400x256xf32, #tpu.memory_space<vmem>>, vector<16xf32>,
      tpu.vector_store %arg11[%swap3A_766, %swap3A_767], %gather3A_761 {strides = array<i32>} : memref<400x256xf32, #tpu.memory_space<vmem>>, vector<16xf32>,
      %add3A_769 = arith.constant 4 : i32
      %add3A_770 = vector.broadcast %add3A_769 : i32 to vector<16xi32>
      %add3A_771 = arith.addi %mul3A_724, %add3A_770 : vector<16xi32>
      %gather3A_772 = tpu.vector_load_idx %arg12[%add3A_771] : memref<680xf32, #tpu.memory_space<vmem>>[vector<16xi32>], vector<16xf32>,
      %mul3A_773 = arith.constant 8 : i32
      %mul3A_774 = arith.muli %scan3A_32, %mul3A_773 : i32
      %add3A_775 = arith.constant 4 : i32
      %add3A_776 = arith.addi %mul3A_774, %add3A_775 : i32
      %swap3A_777 = arith.index_cast %add3A_776 : i32 to index
      %swap3A_778 = arith.constant 128 : index
      %swap3A_779 = tpu.vector_load %arg11[%swap3A_777, %swap3A_778] {strides = array<i32>} : memref<400x256xf32, #tpu.memory_space<vmem>>, vector<16xf32>,
      tpu.vector_store %arg11[%swap3A_777, %swap3A_778], %gather3A_772 {strides = array<i32>} : memref<400x256xf32, #tpu.memory_space<vmem>>, vector<16xf32>,
      %add3A_780 = arith.constant 5 : i32
      %add3A_781 = vector.broadcast %add3A_780 : i32 to vector<16xi32>
      %add3A_782 = arith.addi %mul3A_724, %add3A_781 : vector<16xi32>
      %gather3A_783 = tpu.vector_load_idx %arg12[%add3A_782] : memref<680xf32, #tpu.memory_space<vmem>>[vector<16xi32>], vector<16xf32>,
      %mul3A_784 = arith.constant 8 : i32
      %mul3A_785 = arith.muli %scan3A_32, %mul3A_784 : i32
      %add3A_786 = arith.constant 5 : i32
      %add3A_787 = arith.addi %mul3A_785, %add3A_786 : i32
      %swap3A_788 = arith.index_cast %add3A_787 : i32 to index
      %swap3A_789 = arith.constant 128 : index
      %swap3A_790 = tpu.vector_load %arg11[%swap3A_788, %swap3A_789] {strides = array<i32>} : memref<400x256xf32, #tpu.memory_space<vmem>>, vector<16xf32>,
      tpu.vector_store %arg11[%swap3A_788, %swap3A_789], %gather3A_783 {strides = array<i32>} : memref<400x256xf32, #tpu.memory_space<vmem>>, vector<16xf32>,
      %mul3A_791 = arith.constant 8 : i32
      %mul3A_792 = arith.muli %scan3A_32, %mul3A_791 : i32
      %add3A_793 = arith.constant 6 : i32
      %add3A_794 = arith.addi %mul3A_792, %add3A_793 : i32
      %swap3A_795 = arith.index_cast %add3A_794 : i32 to index
      %swap3A_796 = arith.constant 128 : index
      %swap3A_797 = tpu.vector_load %arg11[%swap3A_795, %swap3A_796] {strides = array<i32>} : memref<400x256xf32, #tpu.memory_space<vmem>>, vector<16xf32>,
      tpu.vector_store %arg11[%swap3A_795, %swap3A_796], %broadcast_in_dim3A_15 {strides = array<i32>} : memref<400x256xf32, #tpu.memory_space<vmem>>, vector<16xf32>,
      %mul3A_798 = arith.constant 8 : i32
      %mul3A_799 = arith.muli %scan3A_32, %mul3A_798 : i32
      %add3A_800 = arith.constant 7 : i32
      %add3A_801 = arith.addi %mul3A_799, %add3A_800 : i32
      %swap3A_802 = arith.index_cast %add3A_801 : i32 to index
      %swap3A_803 = arith.constant 128 : index
      %swap3A_804 = tpu.vector_load %arg11[%swap3A_802, %swap3A_803] {strides = array<i32>} : memref<400x256xf32, #tpu.memory_space<vmem>>, vector<16xf32>,
      tpu.vector_store %arg11[%swap3A_802, %swap3A_803], %broadcast_in_dim3A_17 {strides = array<i32>} : memref<400x256xf32, #tpu.memory_space<vmem>>, vector<16xf32>,
      %get3A_805 = arith.index_cast %scan3A_32 : i32 to index
      %get3A_806 = arith.constant 144 : index
      %get3A_807 = tpu.vector_load %arg10[%get3A_805, %get3A_806] {strides = array<i32>} : memref<50x256xi32, #tpu.memory_space<vmem>>, vector<16xi32>,
      %mul3A_808 = arith.constant 8 : i32
      %mul3A_809 = vector.broadcast %mul3A_808 : i32 to vector<16xi32>
      %mul3A_810 = arith.muli %get3A_807, %mul3A_809 : vector<16xi32>
      %add3A_811 = arith.constant 0 : i32
      %add3A_812 = vector.broadcast %add3A_811 : i32 to vector<16xi32>
      %add3A_813 = arith.addi %mul3A_810, %add3A_812 : vector<16xi32>
      %gather3A_814 = tpu.vector_load_idx %arg12[%add3A_813] : memref<680xf32, #tpu.memory_space<vmem>>[vector<16xi32>], vector<16xf32>,
      %mul3A_815 = arith.constant 8 : i32
      %mul3A_816 = arith.muli %scan3A_32, %mul3A_815 : i32
      %add3A_817 = arith.constant 0 : i32
      %add3A_818 = arith.addi %mul3A_816, %add3A_817 : i32
      %swap3A_819 = arith.index_cast %add3A_818 : i32 to index
      %swap3A_820 = arith.constant 144 : index
      %swap3A_821 = tpu.vector_load %arg11[%swap3A_819, %swap3A_820] {strides = array<i32>} : memref<400x256xf32, #tpu.memory_space<vmem>>, vector<16xf32>,
      tpu.vector_store %arg11[%swap3A_819, %swap3A_820], %gather3A_814 {strides = array<i32>} : memref<400x256xf32, #tpu.memory_space<vmem>>, vector<16xf32>,
      %add3A_822 = arith.constant 1 : i32
      %add3A_823 = vector.broadcast %add3A_822 : i32 to vector<16xi32>
      %add3A_824 = arith.addi %mul3A_810, %add3A_823 : vector<16xi32>
      %gather3A_825 = tpu.vector_load_idx %arg12[%add3A_824] : memref<680xf32, #tpu.memory_space<vmem>>[vector<16xi32>], vector<16xf32>,
      %mul3A_826 = arith.constant 8 : i32
      %mul3A_827 = arith.muli %scan3A_32, %mul3A_826 : i32
      %add3A_828 = arith.constant 1 : i32
      %add3A_829 = arith.addi %mul3A_827, %add3A_828 : i32
      %swap3A_830 = arith.index_cast %add3A_829 : i32 to index
      %swap3A_831 = arith.constant 144 : index
      %swap3A_832 = tpu.vector_load %arg11[%swap3A_830, %swap3A_831] {strides = array<i32>} : memref<400x256xf32, #tpu.memory_space<vmem>>, vector<16xf32>,
      tpu.vector_store %arg11[%swap3A_830, %swap3A_831], %gather3A_825 {strides = array<i32>} : memref<400x256xf32, #tpu.memory_space<vmem>>, vector<16xf32>,
      %add3A_833 = arith.constant 2 : i32
      %add3A_834 = vector.broadcast %add3A_833 : i32 to vector<16xi32>
      %add3A_835 = arith.addi %mul3A_810, %add3A_834 : vector<16xi32>
      %gather3A_836 = tpu.vector_load_idx %arg12[%add3A_835] : memref<680xf32, #tpu.memory_space<vmem>>[vector<16xi32>], vector<16xf32>,
      %mul3A_837 = arith.constant 8 : i32
      %mul3A_838 = arith.muli %scan3A_32, %mul3A_837 : i32
      %add3A_839 = arith.constant 2 : i32
      %add3A_840 = arith.addi %mul3A_838, %add3A_839 : i32
      %swap3A_841 = arith.index_cast %add3A_840 : i32 to index
      %swap3A_842 = arith.constant 144 : index
      %swap3A_843 = tpu.vector_load %arg11[%swap3A_841, %swap3A_842] {strides = array<i32>} : memref<400x256xf32, #tpu.memory_space<vmem>>, vector<16xf32>,
      tpu.vector_store %arg11[%swap3A_841, %swap3A_842], %gather3A_836 {strides = array<i32>} : memref<400x256xf32, #tpu.memory_space<vmem>>, vector<16xf32>,
      %add3A_844 = arith.constant 3 : i32
      %add3A_845 = vector.broadcast %add3A_844 : i32 to vector<16xi32>
      %add3A_846 = arith.addi %mul3A_810, %add3A_845 : vector<16xi32>
      %gather3A_847 = tpu.vector_load_idx %arg12[%add3A_846] : memref<680xf32, #tpu.memory_space<vmem>>[vector<16xi32>], vector<16xf32>,
      %mul3A_848 = arith.constant 8 : i32
      %mul3A_849 = arith.muli %scan3A_32, %mul3A_848 : i32
      %add3A_850 = arith.constant 3 : i32
      %add3A_851 = arith.addi %mul3A_849, %add3A_850 : i32
      %swap3A_852 = arith.index_cast %add3A_851 : i32 to index
      %swap3A_853 = arith.constant 144 : index
      %swap3A_854 = tpu.vector_load %arg11[%swap3A_852, %swap3A_853] {strides = array<i32>} : memref<400x256xf32, #tpu.memory_space<vmem>>, vector<16xf32>,
      tpu.vector_store %arg11[%swap3A_852, %swap3A_853], %gather3A_847 {strides = array<i32>} : memref<400x256xf32, #tpu.memory_space<vmem>>, vector<16xf32>,
      %add3A_855 = arith.constant 4 : i32
      %add3A_856 = vector.broadcast %add3A_855 : i32 to vector<16xi32>
      %add3A_857 = arith.addi %mul3A_810, %add3A_856 : vector<16xi32>
      %gather3A_858 = tpu.vector_load_idx %arg12[%add3A_857] : memref<680xf32, #tpu.memory_space<vmem>>[vector<16xi32>], vector<16xf32>,
      %mul3A_859 = arith.constant 8 : i32
      %mul3A_860 = arith.muli %scan3A_32, %mul3A_859 : i32
      %add3A_861 = arith.constant 4 : i32
      %add3A_862 = arith.addi %mul3A_860, %add3A_861 : i32
      %swap3A_863 = arith.index_cast %add3A_862 : i32 to index
      %swap3A_864 = arith.constant 144 : index
      %swap3A_865 = tpu.vector_load %arg11[%swap3A_863, %swap3A_864] {strides = array<i32>} : memref<400x256xf32, #tpu.memory_space<vmem>>, vector<16xf32>,
      tpu.vector_store %arg11[%swap3A_863, %swap3A_864], %gather3A_858 {strides = array<i32>} : memref<400x256xf32, #tpu.memory_space<vmem>>, vector<16xf32>,
      %add3A_866 = arith.constant 5 : i32
      %add3A_867 = vector.broadcast %add3A_866 : i32 to vector<16xi32>
      %add3A_868 = arith.addi %mul3A_810, %add3A_867 : vector<16xi32>
      %gather3A_869 = tpu.vector_load_idx %arg12[%add3A_868] : memref<680xf32, #tpu.memory_space<vmem>>[vector<16xi32>], vector<16xf32>,
      %mul3A_870 = arith.constant 8 : i32
      %mul3A_871 = arith.muli %scan3A_32, %mul3A_870 : i32
      %add3A_872 = arith.constant 5 : i32
      %add3A_873 = arith.addi %mul3A_871, %add3A_872 : i32
      %swap3A_874 = arith.index_cast %add3A_873 : i32 to index
      %swap3A_875 = arith.constant 144 : index
      %swap3A_876 = tpu.vector_load %arg11[%swap3A_874, %swap3A_875] {strides = array<i32>} : memref<400x256xf32, #tpu.memory_space<vmem>>, vector<16xf32>,
      tpu.vector_store %arg11[%swap3A_874, %swap3A_875], %gather3A_869 {strides = array<i32>} : memref<400x256xf32, #tpu.memory_space<vmem>>, vector<16xf32>,
      %mul3A_877 = arith.constant 8 : i32
      %mul3A_878 = arith.muli %scan3A_32, %mul3A_877 : i32
      %add3A_879 = arith.constant 6 : i32
      %add3A_880 = arith.addi %mul3A_878, %add3A_879 : i32
      %swap3A_881 = arith.index_cast %add3A_880 : i32 to index
      %swap3A_882 = arith.constant 144 : index
      %swap3A_883 = tpu.vector_load %arg11[%swap3A_881, %swap3A_882] {strides = array<i32>} : memref<400x256xf32, #tpu.memory_space<vmem>>, vector<16xf32>,
      tpu.vector_store %arg11[%swap3A_881, %swap3A_882], %broadcast_in_dim3A_15 {strides = array<i32>} : memref<400x256xf32, #tpu.memory_space<vmem>>, vector<16xf32>,
      %mul3A_884 = arith.constant 8 : i32
      %mul3A_885 = arith.muli %scan3A_32, %mul3A_884 : i32
      %add3A_886 = arith.constant 7 : i32
      %add3A_887 = arith.addi %mul3A_885, %add3A_886 : i32
      %swap3A_888 = arith.index_cast %add3A_887 : i32 to index
      %swap3A_889 = arith.constant 144 : index
      %swap3A_890 = tpu.vector_load %arg11[%swap3A_888, %swap3A_889] {strides = array<i32>} : memref<400x256xf32, #tpu.memory_space<vmem>>, vector<16xf32>,
      tpu.vector_store %arg11[%swap3A_888, %swap3A_889], %broadcast_in_dim3A_17 {strides = array<i32>} : memref<400x256xf32, #tpu.memory_space<vmem>>, vector<16xf32>,
      %get3A_891 = arith.index_cast %scan3A_32 : i32 to index
      %get3A_892 = arith.constant 160 : index
      %get3A_893 = tpu.vector_load %arg10[%get3A_891, %get3A_892] {strides = array<i32>} : memref<50x256xi32, #tpu.memory_space<vmem>>, vector<16xi32>,
      %mul3A_894 = arith.constant 8 : i32
      %mul3A_895 = vector.broadcast %mul3A_894 : i32 to vector<16xi32>
      %mul3A_896 = arith.muli %get3A_893, %mul3A_895 : vector<16xi32>
      %add3A_897 = arith.constant 0 : i32
      %add3A_898 = vector.broadcast %add3A_897 : i32 to vector<16xi32>
      %add3A_899 = arith.addi %mul3A_896, %add3A_898 : vector<16xi32>
      %gather3A_900 = tpu.vector_load_idx %arg12[%add3A_899] : memref<680xf32, #tpu.memory_space<vmem>>[vector<16xi32>], vector<16xf32>,
      %mul3A_901 = arith.constant 8 : i32
      %mul3A_902 = arith.muli %scan3A_32, %mul3A_901 : i32
      %add3A_903 = arith.constant 0 : i32
      %add3A_904 = arith.addi %mul3A_902, %add3A_903 : i32
      %swap3A_905 = arith.index_cast %add3A_904 : i32 to index
      %swap3A_906 = arith.constant 160 : index
      %swap3A_907 = tpu.vector_load %arg11[%swap3A_905, %swap3A_906] {strides = array<i32>} : memref<400x256xf32, #tpu.memory_space<vmem>>, vector<16xf32>,
      tpu.vector_store %arg11[%swap3A_905, %swap3A_906], %gather3A_900 {strides = array<i32>} : memref<400x256xf32, #tpu.memory_space<vmem>>, vector<16xf32>,
      %add3A_908 = arith.constant 1 : i32
      %add3A_909 = vector.broadcast %add3A_908 : i32 to vector<16xi32>
      %add3A_910 = arith.addi %mul3A_896, %add3A_909 : vector<16xi32>
      %gather3A_911 = tpu.vector_load_idx %arg12[%add3A_910] : memref<680xf32, #tpu.memory_space<vmem>>[vector<16xi32>], vector<16xf32>,
      %mul3A_912 = arith.constant 8 : i32
      %mul3A_913 = arith.muli %scan3A_32, %mul3A_912 : i32
      %add3A_914 = arith.constant 1 : i32
      %add3A_915 = arith.addi %mul3A_913, %add3A_914 : i32
      %swap3A_916 = arith.index_cast %add3A_915 : i32 to index
      %swap3A_917 = arith.constant 160 : index
      %swap3A_918 = tpu.vector_load %arg11[%swap3A_916, %swap3A_917] {strides = array<i32>} : memref<400x256xf32, #tpu.memory_space<vmem>>, vector<16xf32>,
      tpu.vector_store %arg11[%swap3A_916, %swap3A_917], %gather3A_911 {strides = array<i32>} : memref<400x256xf32, #tpu.memory_space<vmem>>, vector<16xf32>,
      %add3A_919 = arith.constant 2 : i32
      %add3A_920 = vector.broadcast %add3A_919 : i32 to vector<16xi32>
      %add3A_921 = arith.addi %mul3A_896, %add3A_920 : vector<16xi32>
      %gather3A_922 = tpu.vector_load_idx %arg12[%add3A_921] : memref<680xf32, #tpu.memory_space<vmem>>[vector<16xi32>], vector<16xf32>,
      %mul3A_923 = arith.constant 8 : i32
      %mul3A_924 = arith.muli %scan3A_32, %mul3A_923 : i32
      %add3A_925 = arith.constant 2 : i32
      %add3A_926 = arith.addi %mul3A_924, %add3A_925 : i32
      %swap3A_927 = arith.index_cast %add3A_926 : i32 to index
      %swap3A_928 = arith.constant 160 : index
      %swap3A_929 = tpu.vector_load %arg11[%swap3A_927, %swap3A_928] {strides = array<i32>} : memref<400x256xf32, #tpu.memory_space<vmem>>, vector<16xf32>,
      tpu.vector_store %arg11[%swap3A_927, %swap3A_928], %gather3A_922 {strides = array<i32>} : memref<400x256xf32, #tpu.memory_space<vmem>>, vector<16xf32>,
      %add3A_930 = arith.constant 3 : i32
      %add3A_931 = vector.broadcast %add3A_930 : i32 to vector<16xi32>
      %add3A_932 = arith.addi %mul3A_896, %add3A_931 : vector<16xi32>
      %gather3A_933 = tpu.vector_load_idx %arg12[%add3A_932] : memref<680xf32, #tpu.memory_space<vmem>>[vector<16xi32>], vector<16xf32>,
      %mul3A_934 = arith.constant 8 : i32
      %mul3A_935 = arith.muli %scan3A_32, %mul3A_934 : i32
      %add3A_936 = arith.constant 3 : i32
      %add3A_937 = arith.addi %mul3A_935, %add3A_936 : i32
      %swap3A_938 = arith.index_cast %add3A_937 : i32 to index
      %swap3A_939 = arith.constant 160 : index
      %swap3A_940 = tpu.vector_load %arg11[%swap3A_938, %swap3A_939] {strides = array<i32>} : memref<400x256xf32, #tpu.memory_space<vmem>>, vector<16xf32>,
      tpu.vector_store %arg11[%swap3A_938, %swap3A_939], %gather3A_933 {strides = array<i32>} : memref<400x256xf32, #tpu.memory_space<vmem>>, vector<16xf32>,
      %add3A_941 = arith.constant 4 : i32
      %add3A_942 = vector.broadcast %add3A_941 : i32 to vector<16xi32>
      %add3A_943 = arith.addi %mul3A_896, %add3A_942 : vector<16xi32>
      %gather3A_944 = tpu.vector_load_idx %arg12[%add3A_943] : memref<680xf32, #tpu.memory_space<vmem>>[vector<16xi32>], vector<16xf32>,
      %mul3A_945 = arith.constant 8 : i32
      %mul3A_946 = arith.muli %scan3A_32, %mul3A_945 : i32
      %add3A_947 = arith.constant 4 : i32
      %add3A_948 = arith.addi %mul3A_946, %add3A_947 : i32
      %swap3A_949 = arith.index_cast %add3A_948 : i32 to index
      %swap3A_950 = arith.constant 160 : index
      %swap3A_951 = tpu.vector_load %arg11[%swap3A_949, %swap3A_950] {strides = array<i32>} : memref<400x256xf32, #tpu.memory_space<vmem>>, vector<16xf32>,
      tpu.vector_store %arg11[%swap3A_949, %swap3A_950], %gather3A_944 {strides = array<i32>} : memref<400x256xf32, #tpu.memory_space<vmem>>, vector<16xf32>,
      %add3A_952 = arith.constant 5 : i32
      %add3A_953 = vector.broadcast %add3A_952 : i32 to vector<16xi32>
      %add3A_954 = arith.addi %mul3A_896, %add3A_953 : vector<16xi32>
      %gather3A_955 = tpu.vector_load_idx %arg12[%add3A_954] : memref<680xf32, #tpu.memory_space<vmem>>[vector<16xi32>], vector<16xf32>,
      %mul3A_956 = arith.constant 8 : i32
      %mul3A_957 = arith.muli %scan3A_32, %mul3A_956 : i32
      %add3A_958 = arith.constant 5 : i32
      %add3A_959 = arith.addi %mul3A_957, %add3A_958 : i32
      %swap3A_960 = arith.index_cast %add3A_959 : i32 to index
      %swap3A_961 = arith.constant 160 : index
      %swap3A_962 = tpu.vector_load %arg11[%swap3A_960, %swap3A_961] {strides = array<i32>} : memref<400x256xf32, #tpu.memory_space<vmem>>, vector<16xf32>,
      tpu.vector_store %arg11[%swap3A_960, %swap3A_961], %gather3A_955 {strides = array<i32>} : memref<400x256xf32, #tpu.memory_space<vmem>>, vector<16xf32>,
      %mul3A_963 = arith.constant 8 : i32
      %mul3A_964 = arith.muli %scan3A_32, %mul3A_963 : i32
      %add3A_965 = arith.constant 6 : i32
      %add3A_966 = arith.addi %mul3A_964, %add3A_965 : i32
      %swap3A_967 = arith.index_cast %add3A_966 : i32 to index
      %swap3A_968 = arith.constant 160 : index
      %swap3A_969 = tpu.vector_load %arg11[%swap3A_967, %swap3A_968] {strides = array<i32>} : memref<400x256xf32, #tpu.memory_space<vmem>>, vector<16xf32>,
      tpu.vector_store %arg11[%swap3A_967, %swap3A_968], %broadcast_in_dim3A_15 {strides = array<i32>} : memref<400x256xf32, #tpu.memory_space<vmem>>, vector<16xf32>,
      %mul3A_970 = arith.constant 8 : i32
      %mul3A_971 = arith.muli %scan3A_32, %mul3A_970 : i32
      %add3A_972 = arith.constant 7 : i32
      %add3A_973 = arith.addi %mul3A_971, %add3A_972 : i32
      %swap3A_974 = arith.index_cast %add3A_973 : i32 to index
      %swap3A_975 = arith.constant 160 : index
      %swap3A_976 = tpu.vector_load %arg11[%swap3A_974, %swap3A_975] {strides = array<i32>} : memref<400x256xf32, #tpu.memory_space<vmem>>, vector<16xf32>,
      tpu.vector_store %arg11[%swap3A_974, %swap3A_975], %broadcast_in_dim3A_17 {strides = array<i32>} : memref<400x256xf32, #tpu.memory_space<vmem>>, vector<16xf32>,
      %get3A_977 = arith.index_cast %scan3A_32 : i32 to index
      %get3A_978 = arith.constant 176 : index
      %get3A_979 = tpu.vector_load %arg10[%get3A_977, %get3A_978] {strides = array<i32>} : memref<50x256xi32, #tpu.memory_space<vmem>>, vector<16xi32>,
      %mul3A_980 = arith.constant 8 : i32
      %mul3A_981 = vector.broadcast %mul3A_980 : i32 to vector<16xi32>
      %mul3A_982 = arith.muli %get3A_979, %mul3A_981 : vector<16xi32>
      %add3A_983 = arith.constant 0 : i32
      %add3A_984 = vector.broadcast %add3A_983 : i32 to vector<16xi32>
      %add3A_985 = arith.addi %mul3A_982, %add3A_984 : vector<16xi32>
      %gather3A_986 = tpu.vector_load_idx %arg12[%add3A_985] : memref<680xf32, #tpu.memory_space<vmem>>[vector<16xi32>], vector<16xf32>,
      %mul3A_987 = arith.constant 8 : i32
      %mul3A_988 = arith.muli %scan3A_32, %mul3A_987 : i32
      %add3A_989 = arith.constant 0 : i32
      %add3A_990 = arith.addi %mul3A_988, %add3A_989 : i32
      %swap3A_991 = arith.index_cast %add3A_990 : i32 to index
      %swap3A_992 = arith.constant 176 : index
      %swap3A_993 = tpu.vector_load %arg11[%swap3A_991, %swap3A_992] {strides = array<i32>} : memref<400x256xf32, #tpu.memory_space<vmem>>, vector<16xf32>,
      tpu.vector_store %arg11[%swap3A_991, %swap3A_992], %gather3A_986 {strides = array<i32>} : memref<400x256xf32, #tpu.memory_space<vmem>>, vector<16xf32>,
      %add3A_994 = arith.constant 1 : i32
      %add3A_995 = vector.broadcast %add3A_994 : i32 to vector<16xi32>
      %add3A_996 = arith.addi %mul3A_982, %add3A_995 : vector<16xi32>
      %gather3A_997 = tpu.vector_load_idx %arg12[%add3A_996] : memref<680xf32, #tpu.memory_space<vmem>>[vector<16xi32>], vector<16xf32>,
      %mul3A_998 = arith.constant 8 : i32
      %mul3A_999 = arith.muli %scan3A_32, %mul3A_998 : i32
      %add3A_1000 = arith.constant 1 : i32
      %add3A_1001 = arith.addi %mul3A_999, %add3A_1000 : i32
      %swap3A_1002 = arith.index_cast %add3A_1001 : i32 to index
      %swap3A_1003 = arith.constant 176 : index
      %swap3A_1004 = tpu.vector_load %arg11[%swap3A_1002, %swap3A_1003] {strides = array<i32>} : memref<400x256xf32, #tpu.memory_space<vmem>>, vector<16xf32>,
      tpu.vector_store %arg11[%swap3A_1002, %swap3A_1003], %gather3A_997 {strides = array<i32>} : memref<400x256xf32, #tpu.memory_space<vmem>>, vector<16xf32>,
      %add3A_1005 = arith.constant 2 : i32
      %add3A_1006 = vector.broadcast %add3A_1005 : i32 to vector<16xi32>
      %add3A_1007 = arith.addi %mul3A_982, %add3A_1006 : vector<16xi32>
      %gather3A_1008 = tpu.vector_load_idx %arg12[%add3A_1007] : memref<680xf32, #tpu.memory_space<vmem>>[vector<16xi32>], vector<16xf32>,
      %mul3A_1009 = arith.constant 8 : i32
      %mul3A_1010 = arith.muli %scan3A_32, %mul3A_1009 : i32
      %add3A_1011 = arith.constant 2 : i32
      %add3A_1012 = arith.addi %mul3A_1010, %add3A_1011 : i32
      %swap3A_1013 = arith.index_cast %add3A_1012 : i32 to index
      %swap3A_1014 = arith.constant 176 : index
      %swap3A_1015 = tpu.vector_load %arg11[%swap3A_1013, %swap3A_1014] {strides = array<i32>} : memref<400x256xf32, #tpu.memory_space<vmem>>, vector<16xf32>,
      tpu.vector_store %arg11[%swap3A_1013, %swap3A_1014], %gather3A_1008 {strides = array<i32>} : memref<400x256xf32, #tpu.memory_space<vmem>>, vector<16xf32>,
      %add3A_1016 = arith.constant 3 : i32
      %add3A_1017 = vector.broadcast %add3A_1016 : i32 to vector<16xi32>
      %add3A_1018 = arith.addi %mul3A_982, %add3A_1017 : vector<16xi32>
      %gather3A_1019 = tpu.vector_load_idx %arg12[%add3A_1018] : memref<680xf32, #tpu.memory_space<vmem>>[vector<16xi32>], vector<16xf32>,
      %mul3A_1020 = arith.constant 8 : i32
      %mul3A_1021 = arith.muli %scan3A_32, %mul3A_1020 : i32
      %add3A_1022 = arith.constant 3 : i32
      %add3A_1023 = arith.addi %mul3A_1021, %add3A_1022 : i32
      %swap3A_1024 = arith.index_cast %add3A_1023 : i32 to index
      %swap3A_1025 = arith.constant 176 : index
      %swap3A_1026 = tpu.vector_load %arg11[%swap3A_1024, %swap3A_1025] {strides = array<i32>} : memref<400x256xf32, #tpu.memory_space<vmem>>, vector<16xf32>,
      tpu.vector_store %arg11[%swap3A_1024, %swap3A_1025], %gather3A_1019 {strides = array<i32>} : memref<400x256xf32, #tpu.memory_space<vmem>>, vector<16xf32>,
      %add3A_1027 = arith.constant 4 : i32
      %add3A_1028 = vector.broadcast %add3A_1027 : i32 to vector<16xi32>
      %add3A_1029 = arith.addi %mul3A_982, %add3A_1028 : vector<16xi32>
      %gather3A_1030 = tpu.vector_load_idx %arg12[%add3A_1029] : memref<680xf32, #tpu.memory_space<vmem>>[vector<16xi32>], vector<16xf32>,
      %mul3A_1031 = arith.constant 8 : i32
      %mul3A_1032 = arith.muli %scan3A_32, %mul3A_1031 : i32
      %add3A_1033 = arith.constant 4 : i32
      %add3A_1034 = arith.addi %mul3A_1032, %add3A_1033 : i32
      %swap3A_1035 = arith.index_cast %add3A_1034 : i32 to index
      %swap3A_1036 = arith.constant 176 : index
      %swap3A_1037 = tpu.vector_load %arg11[%swap3A_1035, %swap3A_1036] {strides = array<i32>} : memref<400x256xf32, #tpu.memory_space<vmem>>, vector<16xf32>,
      tpu.vector_store %arg11[%swap3A_1035, %swap3A_1036], %gather3A_1030 {strides = array<i32>} : memref<400x256xf32, #tpu.memory_space<vmem>>, vector<16xf32>,
      %add3A_1038 = arith.constant 5 : i32
      %add3A_1039 = vector.broadcast %add3A_1038 : i32 to vector<16xi32>
      %add3A_1040 = arith.addi %mul3A_982, %add3A_1039 : vector<16xi32>
      %gather3A_1041 = tpu.vector_load_idx %arg12[%add3A_1040] : memref<680xf32, #tpu.memory_space<vmem>>[vector<16xi32>], vector<16xf32>,
      %mul3A_1042 = arith.constant 8 : i32
      %mul3A_1043 = arith.muli %scan3A_32, %mul3A_1042 : i32
      %add3A_1044 = arith.constant 5 : i32
      %add3A_1045 = arith.addi %mul3A_1043, %add3A_1044 : i32
      %swap3A_1046 = arith.index_cast %add3A_1045 : i32 to index
      %swap3A_1047 = arith.constant 176 : index
      %swap3A_1048 = tpu.vector_load %arg11[%swap3A_1046, %swap3A_1047] {strides = array<i32>} : memref<400x256xf32, #tpu.memory_space<vmem>>, vector<16xf32>,
      tpu.vector_store %arg11[%swap3A_1046, %swap3A_1047], %gather3A_1041 {strides = array<i32>} : memref<400x256xf32, #tpu.memory_space<vmem>>, vector<16xf32>,
      %mul3A_1049 = arith.constant 8 : i32
      %mul3A_1050 = arith.muli %scan3A_32, %mul3A_1049 : i32
      %add3A_1051 = arith.constant 6 : i32
      %add3A_1052 = arith.addi %mul3A_1050, %add3A_1051 : i32
      %swap3A_1053 = arith.index_cast %add3A_1052 : i32 to index
      %swap3A_1054 = arith.constant 176 : index
      %swap3A_1055 = tpu.vector_load %arg11[%swap3A_1053, %swap3A_1054] {strides = array<i32>} : memref<400x256xf32, #tpu.memory_space<vmem>>, vector<16xf32>,
      tpu.vector_store %arg11[%swap3A_1053, %swap3A_1054], %broadcast_in_dim3A_15 {strides = array<i32>} : memref<400x256xf32, #tpu.memory_space<vmem>>, vector<16xf32>,
      %mul3A_1056 = arith.constant 8 : i32
      %mul3A_1057 = arith.muli %scan3A_32, %mul3A_1056 : i32
      %add3A_1058 = arith.constant 7 : i32
      %add3A_1059 = arith.addi %mul3A_1057, %add3A_1058 : i32
      %swap3A_1060 = arith.index_cast %add3A_1059 : i32 to index
      %swap3A_1061 = arith.constant 176 : index
      %swap3A_1062 = tpu.vector_load %arg11[%swap3A_1060, %swap3A_1061] {strides = array<i32>} : memref<400x256xf32, #tpu.memory_space<vmem>>, vector<16xf32>,
      tpu.vector_store %arg11[%swap3A_1060, %swap3A_1061], %broadcast_in_dim3A_17 {strides = array<i32>} : memref<400x256xf32, #tpu.memory_space<vmem>>, vector<16xf32>,
      %get3A_1063 = arith.index_cast %scan3A_32 : i32 to index
      %get3A_1064 = arith.constant 192 : index
      %get3A_1065 = tpu.vector_load %arg10[%get3A_1063, %get3A_1064] {strides = array<i32>} : memref<50x256xi32, #tpu.memory_space<vmem>>, vector<16xi32>,
      %mul3A_1066 = arith.constant 8 : i32
      %mul3A_1067 = vector.broadcast %mul3A_1066 : i32 to vector<16xi32>
      %mul3A_1068 = arith.muli %get3A_1065, %mul3A_1067 : vector<16xi32>
      %add3A_1069 = arith.constant 0 : i32
      %add3A_1070 = vector.broadcast %add3A_1069 : i32 to vector<16xi32>
      %add3A_1071 = arith.addi %mul3A_1068, %add3A_1070 : vector<16xi32>
      %gather3A_1072 = tpu.vector_load_idx %arg12[%add3A_1071] : memref<680xf32, #tpu.memory_space<vmem>>[vector<16xi32>], vector<16xf32>,
      %mul3A_1073 = arith.constant 8 : i32
      %mul3A_1074 = arith.muli %scan3A_32, %mul3A_1073 : i32
      %add3A_1075 = arith.constant 0 : i32
      %add3A_1076 = arith.addi %mul3A_1074, %add3A_1075 : i32
      %swap3A_1077 = arith.index_cast %add3A_1076 : i32 to index
      %swap3A_1078 = arith.constant 192 : index
      %swap3A_1079 = tpu.vector_load %arg11[%swap3A_1077, %swap3A_1078] {strides = array<i32>} : memref<400x256xf32, #tpu.memory_space<vmem>>, vector<16xf32>,
      tpu.vector_store %arg11[%swap3A_1077, %swap3A_1078], %gather3A_1072 {strides = array<i32>} : memref<400x256xf32, #tpu.memory_space<vmem>>, vector<16xf32>,
      %add3A_1080 = arith.constant 1 : i32
      %add3A_1081 = vector.broadcast %add3A_1080 : i32 to vector<16xi32>
      %add3A_1082 = arith.addi %mul3A_1068, %add3A_1081 : vector<16xi32>
      %gather3A_1083 = tpu.vector_load_idx %arg12[%add3A_1082] : memref<680xf32, #tpu.memory_space<vmem>>[vector<16xi32>], vector<16xf32>,
      %mul3A_1084 = arith.constant 8 : i32
      %mul3A_1085 = arith.muli %scan3A_32, %mul3A_1084 : i32
      %add3A_1086 = arith.constant 1 : i32
      %add3A_1087 = arith.addi %mul3A_1085, %add3A_1086 : i32
      %swap3A_1088 = arith.index_cast %add3A_1087 : i32 to index
      %swap3A_1089 = arith.constant 192 : index
      %swap3A_1090 = tpu.vector_load %arg11[%swap3A_1088, %swap3A_1089] {strides = array<i32>} : memref<400x256xf32, #tpu.memory_space<vmem>>, vector<16xf32>,
      tpu.vector_store %arg11[%swap3A_1088, %swap3A_1089], %gather3A_1083 {strides = array<i32>} : memref<400x256xf32, #tpu.memory_space<vmem>>, vector<16xf32>,
      %add3A_1091 = arith.constant 2 : i32
      %add3A_1092 = vector.broadcast %add3A_1091 : i32 to vector<16xi32>
      %add3A_1093 = arith.addi %mul3A_1068, %add3A_1092 : vector<16xi32>
      %gather3A_1094 = tpu.vector_load_idx %arg12[%add3A_1093] : memref<680xf32, #tpu.memory_space<vmem>>[vector<16xi32>], vector<16xf32>,
      %mul3A_1095 = arith.constant 8 : i32
      %mul3A_1096 = arith.muli %scan3A_32, %mul3A_1095 : i32
      %add3A_1097 = arith.constant 2 : i32
      %add3A_1098 = arith.addi %mul3A_1096, %add3A_1097 : i32
      %swap3A_1099 = arith.index_cast %add3A_1098 : i32 to index
      %swap3A_1100 = arith.constant 192 : index
      %swap3A_1101 = tpu.vector_load %arg11[%swap3A_1099, %swap3A_1100] {strides = array<i32>} : memref<400x256xf32, #tpu.memory_space<vmem>>, vector<16xf32>,
      tpu.vector_store %arg11[%swap3A_1099, %swap3A_1100], %gather3A_1094 {strides = array<i32>} : memref<400x256xf32, #tpu.memory_space<vmem>>, vector<16xf32>,
      %add3A_1102 = arith.constant 3 : i32
      %add3A_1103 = vector.broadcast %add3A_1102 : i32 to vector<16xi32>
      %add3A_1104 = arith.addi %mul3A_1068, %add3A_1103 : vector<16xi32>
      %gather3A_1105 = tpu.vector_load_idx %arg12[%add3A_1104] : memref<680xf32, #tpu.memory_space<vmem>>[vector<16xi32>], vector<16xf32>,
      %mul3A_1106 = arith.constant 8 : i32
      %mul3A_1107 = arith.muli %scan3A_32, %mul3A_1106 : i32
      %add3A_1108 = arith.constant 3 : i32
      %add3A_1109 = arith.addi %mul3A_1107, %add3A_1108 : i32
      %swap3A_1110 = arith.index_cast %add3A_1109 : i32 to index
      %swap3A_1111 = arith.constant 192 : index
      %swap3A_1112 = tpu.vector_load %arg11[%swap3A_1110, %swap3A_1111] {strides = array<i32>} : memref<400x256xf32, #tpu.memory_space<vmem>>, vector<16xf32>,
      tpu.vector_store %arg11[%swap3A_1110, %swap3A_1111], %gather3A_1105 {strides = array<i32>} : memref<400x256xf32, #tpu.memory_space<vmem>>, vector<16xf32>,
      %add3A_1113 = arith.constant 4 : i32
      %add3A_1114 = vector.broadcast %add3A_1113 : i32 to vector<16xi32>
      %add3A_1115 = arith.addi %mul3A_1068, %add3A_1114 : vector<16xi32>
      %gather3A_1116 = tpu.vector_load_idx %arg12[%add3A_1115] : memref<680xf32, #tpu.memory_space<vmem>>[vector<16xi32>], vector<16xf32>,
      %mul3A_1117 = arith.constant 8 : i32
      %mul3A_1118 = arith.muli %scan3A_32, %mul3A_1117 : i32
      %add3A_1119 = arith.constant 4 : i32
      %add3A_1120 = arith.addi %mul3A_1118, %add3A_1119 : i32
      %swap3A_1121 = arith.index_cast %add3A_1120 : i32 to index
      %swap3A_1122 = arith.constant 192 : index
      %swap3A_1123 = tpu.vector_load %arg11[%swap3A_1121, %swap3A_1122] {strides = array<i32>} : memref<400x256xf32, #tpu.memory_space<vmem>>, vector<16xf32>,
      tpu.vector_store %arg11[%swap3A_1121, %swap3A_1122], %gather3A_1116 {strides = array<i32>} : memref<400x256xf32, #tpu.memory_space<vmem>>, vector<16xf32>,
      %add3A_1124 = arith.constant 5 : i32
      %add3A_1125 = vector.broadcast %add3A_1124 : i32 to vector<16xi32>
      %add3A_1126 = arith.addi %mul3A_1068, %add3A_1125 : vector<16xi32>
      %gather3A_1127 = tpu.vector_load_idx %arg12[%add3A_1126] : memref<680xf32, #tpu.memory_space<vmem>>[vector<16xi32>], vector<16xf32>,
      %mul3A_1128 = arith.constant 8 : i32
      %mul3A_1129 = arith.muli %scan3A_32, %mul3A_1128 : i32
      %add3A_1130 = arith.constant 5 : i32
      %add3A_1131 = arith.addi %mul3A_1129, %add3A_1130 : i32
      %swap3A_1132 = arith.index_cast %add3A_1131 : i32 to index
      %swap3A_1133 = arith.constant 192 : index
      %swap3A_1134 = tpu.vector_load %arg11[%swap3A_1132, %swap3A_1133] {strides = array<i32>} : memref<400x256xf32, #tpu.memory_space<vmem>>, vector<16xf32>,
      tpu.vector_store %arg11[%swap3A_1132, %swap3A_1133], %gather3A_1127 {strides = array<i32>} : memref<400x256xf32, #tpu.memory_space<vmem>>, vector<16xf32>,
      %mul3A_1135 = arith.constant 8 : i32
      %mul3A_1136 = arith.muli %scan3A_32, %mul3A_1135 : i32
      %add3A_1137 = arith.constant 6 : i32
      %add3A_1138 = arith.addi %mul3A_1136, %add3A_1137 : i32
      %swap3A_1139 = arith.index_cast %add3A_1138 : i32 to index
      %swap3A_1140 = arith.constant 192 : index
      %swap3A_1141 = tpu.vector_load %arg11[%swap3A_1139, %swap3A_1140] {strides = array<i32>} : memref<400x256xf32, #tpu.memory_space<vmem>>, vector<16xf32>,
      tpu.vector_store %arg11[%swap3A_1139, %swap3A_1140], %broadcast_in_dim3A_15 {strides = array<i32>} : memref<400x256xf32, #tpu.memory_space<vmem>>, vector<16xf32>,
      %mul3A_1142 = arith.constant 8 : i32
      %mul3A_1143 = arith.muli %scan3A_32, %mul3A_1142 : i32
      %add3A_1144 = arith.constant 7 : i32
      %add3A_1145 = arith.addi %mul3A_1143, %add3A_1144 : i32
      %swap3A_1146 = arith.index_cast %add3A_1145 : i32 to index
      %swap3A_1147 = arith.constant 192 : index
      %swap3A_1148 = tpu.vector_load %arg11[%swap3A_1146, %swap3A_1147] {strides = array<i32>} : memref<400x256xf32, #tpu.memory_space<vmem>>, vector<16xf32>,
      tpu.vector_store %arg11[%swap3A_1146, %swap3A_1147], %broadcast_in_dim3A_17 {strides = array<i32>} : memref<400x256xf32, #tpu.memory_space<vmem>>, vector<16xf32>,
      %get3A_1149 = arith.index_cast %scan3A_32 : i32 to index
      %get3A_1150 = arith.constant 208 : index
      %get3A_1151 = tpu.vector_load %arg10[%get3A_1149, %get3A_1150] {strides = array<i32>} : memref<50x256xi32, #tpu.memory_space<vmem>>, vector<16xi32>,
      %mul3A_1152 = arith.constant 8 : i32
      %mul3A_1153 = vector.broadcast %mul3A_1152 : i32 to vector<16xi32>
      %mul3A_1154 = arith.muli %get3A_1151, %mul3A_1153 : vector<16xi32>
      %add3A_1155 = arith.constant 0 : i32
      %add3A_1156 = vector.broadcast %add3A_1155 : i32 to vector<16xi32>
      %add3A_1157 = arith.addi %mul3A_1154, %add3A_1156 : vector<16xi32>
      %gather3A_1158 = tpu.vector_load_idx %arg12[%add3A_1157] : memref<680xf32, #tpu.memory_space<vmem>>[vector<16xi32>], vector<16xf32>,
      %mul3A_1159 = arith.constant 8 : i32
      %mul3A_1160 = arith.muli %scan3A_32, %mul3A_1159 : i32
      %add3A_1161 = arith.constant 0 : i32
      %add3A_1162 = arith.addi %mul3A_1160, %add3A_1161 : i32
      %swap3A_1163 = arith.index_cast %add3A_1162 : i32 to index
      %swap3A_1164 = arith.constant 208 : index
      %swap3A_1165 = tpu.vector_load %arg11[%swap3A_1163, %swap3A_1164] {strides = array<i32>} : memref<400x256xf32, #tpu.memory_space<vmem>>, vector<16xf32>,
      tpu.vector_store %arg11[%swap3A_1163, %swap3A_1164], %gather3A_1158 {strides = array<i32>} : memref<400x256xf32, #tpu.memory_space<vmem>>, vector<16xf32>,
      %add3A_1166 = arith.constant 1 : i32
      %add3A_1167 = vector.broadcast %add3A_1166 : i32 to vector<16xi32>
      %add3A_1168 = arith.addi %mul3A_1154, %add3A_1167 : vector<16xi32>
      %gather3A_1169 = tpu.vector_load_idx %arg12[%add3A_1168] : memref<680xf32, #tpu.memory_space<vmem>>[vector<16xi32>], vector<16xf32>,
      %mul3A_1170 = arith.constant 8 : i32
      %mul3A_1171 = arith.muli %scan3A_32, %mul3A_1170 : i32
      %add3A_1172 = arith.constant 1 : i32
      %add3A_1173 = arith.addi %mul3A_1171, %add3A_1172 : i32
      %swap3A_1174 = arith.index_cast %add3A_1173 : i32 to index
      %swap3A_1175 = arith.constant 208 : index
      %swap3A_1176 = tpu.vector_load %arg11[%swap3A_1174, %swap3A_1175] {strides = array<i32>} : memref<400x256xf32, #tpu.memory_space<vmem>>, vector<16xf32>,
      tpu.vector_store %arg11[%swap3A_1174, %swap3A_1175], %gather3A_1169 {strides = array<i32>} : memref<400x256xf32, #tpu.memory_space<vmem>>, vector<16xf32>,
      %add3A_1177 = arith.constant 2 : i32
      %add3A_1178 = vector.broadcast %add3A_1177 : i32 to vector<16xi32>
      %add3A_1179 = arith.addi %mul3A_1154, %add3A_1178 : vector<16xi32>
      %gather3A_1180 = tpu.vector_load_idx %arg12[%add3A_1179] : memref<680xf32, #tpu.memory_space<vmem>>[vector<16xi32>], vector<16xf32>,
      %mul3A_1181 = arith.constant 8 : i32
      %mul3A_1182 = arith.muli %scan3A_32, %mul3A_1181 : i32
      %add3A_1183 = arith.constant 2 : i32
      %add3A_1184 = arith.addi %mul3A_1182, %add3A_1183 : i32
      %swap3A_1185 = arith.index_cast %add3A_1184 : i32 to index
      %swap3A_1186 = arith.constant 208 : index
      %swap3A_1187 = tpu.vector_load %arg11[%swap3A_1185, %swap3A_1186] {strides = array<i32>} : memref<400x256xf32, #tpu.memory_space<vmem>>, vector<16xf32>,
      tpu.vector_store %arg11[%swap3A_1185, %swap3A_1186], %gather3A_1180 {strides = array<i32>} : memref<400x256xf32, #tpu.memory_space<vmem>>, vector<16xf32>,
      %add3A_1188 = arith.constant 3 : i32
      %add3A_1189 = vector.broadcast %add3A_1188 : i32 to vector<16xi32>
      %add3A_1190 = arith.addi %mul3A_1154, %add3A_1189 : vector<16xi32>
      %gather3A_1191 = tpu.vector_load_idx %arg12[%add3A_1190] : memref<680xf32, #tpu.memory_space<vmem>>[vector<16xi32>], vector<16xf32>,
      %mul3A_1192 = arith.constant 8 : i32
      %mul3A_1193 = arith.muli %scan3A_32, %mul3A_1192 : i32
      %add3A_1194 = arith.constant 3 : i32
      %add3A_1195 = arith.addi %mul3A_1193, %add3A_1194 : i32
      %swap3A_1196 = arith.index_cast %add3A_1195 : i32 to index
      %swap3A_1197 = arith.constant 208 : index
      %swap3A_1198 = tpu.vector_load %arg11[%swap3A_1196, %swap3A_1197] {strides = array<i32>} : memref<400x256xf32, #tpu.memory_space<vmem>>, vector<16xf32>,
      tpu.vector_store %arg11[%swap3A_1196, %swap3A_1197], %gather3A_1191 {strides = array<i32>} : memref<400x256xf32, #tpu.memory_space<vmem>>, vector<16xf32>,
      %add3A_1199 = arith.constant 4 : i32
      %add3A_1200 = vector.broadcast %add3A_1199 : i32 to vector<16xi32>
      %add3A_1201 = arith.addi %mul3A_1154, %add3A_1200 : vector<16xi32>
      %gather3A_1202 = tpu.vector_load_idx %arg12[%add3A_1201] : memref<680xf32, #tpu.memory_space<vmem>>[vector<16xi32>], vector<16xf32>,
      %mul3A_1203 = arith.constant 8 : i32
      %mul3A_1204 = arith.muli %scan3A_32, %mul3A_1203 : i32
      %add3A_1205 = arith.constant 4 : i32
      %add3A_1206 = arith.addi %mul3A_1204, %add3A_1205 : i32
      %swap3A_1207 = arith.index_cast %add3A_1206 : i32 to index
      %swap3A_1208 = arith.constant 208 : index
      %swap3A_1209 = tpu.vector_load %arg11[%swap3A_1207, %swap3A_1208] {strides = array<i32>} : memref<400x256xf32, #tpu.memory_space<vmem>>, vector<16xf32>,
      tpu.vector_store %arg11[%swap3A_1207, %swap3A_1208], %gather3A_1202 {strides = array<i32>} : memref<400x256xf32, #tpu.memory_space<vmem>>, vector<16xf32>,
      %add3A_1210 = arith.constant 5 : i32
      %add3A_1211 = vector.broadcast %add3A_1210 : i32 to vector<16xi32>
      %add3A_1212 = arith.addi %mul3A_1154, %add3A_1211 : vector<16xi32>
      %gather3A_1213 = tpu.vector_load_idx %arg12[%add3A_1212] : memref<680xf32, #tpu.memory_space<vmem>>[vector<16xi32>], vector<16xf32>,
      %mul3A_1214 = arith.constant 8 : i32
      %mul3A_1215 = arith.muli %scan3A_32, %mul3A_1214 : i32
      %add3A_1216 = arith.constant 5 : i32
      %add3A_1217 = arith.addi %mul3A_1215, %add3A_1216 : i32
      %swap3A_1218 = arith.index_cast %add3A_1217 : i32 to index
      %swap3A_1219 = arith.constant 208 : index
      %swap3A_1220 = tpu.vector_load %arg11[%swap3A_1218, %swap3A_1219] {strides = array<i32>} : memref<400x256xf32, #tpu.memory_space<vmem>>, vector<16xf32>,
      tpu.vector_store %arg11[%swap3A_1218, %swap3A_1219], %gather3A_1213 {strides = array<i32>} : memref<400x256xf32, #tpu.memory_space<vmem>>, vector<16xf32>,
      %mul3A_1221 = arith.constant 8 : i32
      %mul3A_1222 = arith.muli %scan3A_32, %mul3A_1221 : i32
      %add3A_1223 = arith.constant 6 : i32
      %add3A_1224 = arith.addi %mul3A_1222, %add3A_1223 : i32
      %swap3A_1225 = arith.index_cast %add3A_1224 : i32 to index
      %swap3A_1226 = arith.constant 208 : index
      %swap3A_1227 = tpu.vector_load %arg11[%swap3A_1225, %swap3A_1226] {strides = array<i32>} : memref<400x256xf32, #tpu.memory_space<vmem>>, vector<16xf32>,
      tpu.vector_store %arg11[%swap3A_1225, %swap3A_1226], %broadcast_in_dim3A_15 {strides = array<i32>} : memref<400x256xf32, #tpu.memory_space<vmem>>, vector<16xf32>,
      %mul3A_1228 = arith.constant 8 : i32
      %mul3A_1229 = arith.muli %scan3A_32, %mul3A_1228 : i32
      %add3A_1230 = arith.constant 7 : i32
      %add3A_1231 = arith.addi %mul3A_1229, %add3A_1230 : i32
      %swap3A_1232 = arith.index_cast %add3A_1231 : i32 to index
      %swap3A_1233 = arith.constant 208 : index
      %swap3A_1234 = tpu.vector_load %arg11[%swap3A_1232, %swap3A_1233] {strides = array<i32>} : memref<400x256xf32, #tpu.memory_space<vmem>>, vector<16xf32>,
      tpu.vector_store %arg11[%swap3A_1232, %swap3A_1233], %broadcast_in_dim3A_17 {strides = array<i32>} : memref<400x256xf32, #tpu.memory_space<vmem>>, vector<16xf32>,
      %get3A_1235 = arith.index_cast %scan3A_32 : i32 to index
      %get3A_1236 = arith.constant 224 : index
      %get3A_1237 = tpu.vector_load %arg10[%get3A_1235, %get3A_1236] {strides = array<i32>} : memref<50x256xi32, #tpu.memory_space<vmem>>, vector<16xi32>,
      %mul3A_1238 = arith.constant 8 : i32
      %mul3A_1239 = vector.broadcast %mul3A_1238 : i32 to vector<16xi32>
      %mul3A_1240 = arith.muli %get3A_1237, %mul3A_1239 : vector<16xi32>
      %add3A_1241 = arith.constant 0 : i32
      %add3A_1242 = vector.broadcast %add3A_1241 : i32 to vector<16xi32>
      %add3A_1243 = arith.addi %mul3A_1240, %add3A_1242 : vector<16xi32>
      %gather3A_1244 = tpu.vector_load_idx %arg12[%add3A_1243] : memref<680xf32, #tpu.memory_space<vmem>>[vector<16xi32>], vector<16xf32>,
      %mul3A_1245 = arith.constant 8 : i32
      %mul3A_1246 = arith.muli %scan3A_32, %mul3A_1245 : i32
      %add3A_1247 = arith.constant 0 : i32
      %add3A_1248 = arith.addi %mul3A_1246, %add3A_1247 : i32
      %swap3A_1249 = arith.index_cast %add3A_1248 : i32 to index
      %swap3A_1250 = arith.constant 224 : index
      %swap3A_1251 = tpu.vector_load %arg11[%swap3A_1249, %swap3A_1250] {strides = array<i32>} : memref<400x256xf32, #tpu.memory_space<vmem>>, vector<16xf32>,
      tpu.vector_store %arg11[%swap3A_1249, %swap3A_1250], %gather3A_1244 {strides = array<i32>} : memref<400x256xf32, #tpu.memory_space<vmem>>, vector<16xf32>,
      %add3A_1252 = arith.constant 1 : i32
      %add3A_1253 = vector.broadcast %add3A_1252 : i32 to vector<16xi32>
      %add3A_1254 = arith.addi %mul3A_1240, %add3A_1253 : vector<16xi32>
      %gather3A_1255 = tpu.vector_load_idx %arg12[%add3A_1254] : memref<680xf32, #tpu.memory_space<vmem>>[vector<16xi32>], vector<16xf32>,
      %mul3A_1256 = arith.constant 8 : i32
      %mul3A_1257 = arith.muli %scan3A_32, %mul3A_1256 : i32
      %add3A_1258 = arith.constant 1 : i32
      %add3A_1259 = arith.addi %mul3A_1257, %add3A_1258 : i32
      %swap3A_1260 = arith.index_cast %add3A_1259 : i32 to index
      %swap3A_1261 = arith.constant 224 : index
      %swap3A_1262 = tpu.vector_load %arg11[%swap3A_1260, %swap3A_1261] {strides = array<i32>} : memref<400x256xf32, #tpu.memory_space<vmem>>, vector<16xf32>,
      tpu.vector_store %arg11[%swap3A_1260, %swap3A_1261], %gather3A_1255 {strides = array<i32>} : memref<400x256xf32, #tpu.memory_space<vmem>>, vector<16xf32>,
      %add3A_1263 = arith.constant 2 : i32
      %add3A_1264 = vector.broadcast %add3A_1263 : i32 to vector<16xi32>
      %add3A_1265 = arith.addi %mul3A_1240, %add3A_1264 : vector<16xi32>
      %gather3A_1266 = tpu.vector_load_idx %arg12[%add3A_1265] : memref<680xf32, #tpu.memory_space<vmem>>[vector<16xi32>], vector<16xf32>,
      %mul3A_1267 = arith.constant 8 : i32
      %mul3A_1268 = arith.muli %scan3A_32, %mul3A_1267 : i32
      %add3A_1269 = arith.constant 2 : i32
      %add3A_1270 = arith.addi %mul3A_1268, %add3A_1269 : i32
      %swap3A_1271 = arith.index_cast %add3A_1270 : i32 to index
      %swap3A_1272 = arith.constant 224 : index
      %swap3A_1273 = tpu.vector_load %arg11[%swap3A_1271, %swap3A_1272] {strides = array<i32>} : memref<400x256xf32, #tpu.memory_space<vmem>>, vector<16xf32>,
      tpu.vector_store %arg11[%swap3A_1271, %swap3A_1272], %gather3A_1266 {strides = array<i32>} : memref<400x256xf32, #tpu.memory_space<vmem>>, vector<16xf32>,
      %add3A_1274 = arith.constant 3 : i32
      %add3A_1275 = vector.broadcast %add3A_1274 : i32 to vector<16xi32>
      %add3A_1276 = arith.addi %mul3A_1240, %add3A_1275 : vector<16xi32>
      %gather3A_1277 = tpu.vector_load_idx %arg12[%add3A_1276] : memref<680xf32, #tpu.memory_space<vmem>>[vector<16xi32>], vector<16xf32>,
      %mul3A_1278 = arith.constant 8 : i32
      %mul3A_1279 = arith.muli %scan3A_32, %mul3A_1278 : i32
      %add3A_1280 = arith.constant 3 : i32
      %add3A_1281 = arith.addi %mul3A_1279, %add3A_1280 : i32
      %swap3A_1282 = arith.index_cast %add3A_1281 : i32 to index
      %swap3A_1283 = arith.constant 224 : index
      %swap3A_1284 = tpu.vector_load %arg11[%swap3A_1282, %swap3A_1283] {strides = array<i32>} : memref<400x256xf32, #tpu.memory_space<vmem>>, vector<16xf32>,
      tpu.vector_store %arg11[%swap3A_1282, %swap3A_1283], %gather3A_1277 {strides = array<i32>} : memref<400x256xf32, #tpu.memory_space<vmem>>, vector<16xf32>,
      %add3A_1285 = arith.constant 4 : i32
      %add3A_1286 = vector.broadcast %add3A_1285 : i32 to vector<16xi32>
      %add3A_1287 = arith.addi %mul3A_1240, %add3A_1286 : vector<16xi32>
      %gather3A_1288 = tpu.vector_load_idx %arg12[%add3A_1287] : memref<680xf32, #tpu.memory_space<vmem>>[vector<16xi32>], vector<16xf32>,
      %mul3A_1289 = arith.constant 8 : i32
      %mul3A_1290 = arith.muli %scan3A_32, %mul3A_1289 : i32
      %add3A_1291 = arith.constant 4 : i32
      %add3A_1292 = arith.addi %mul3A_1290, %add3A_1291 : i32
      %swap3A_1293 = arith.index_cast %add3A_1292 : i32 to index
      %swap3A_1294 = arith.constant 224 : index
      %swap3A_1295 = tpu.vector_load %arg11[%swap3A_1293, %swap3A_1294] {strides = array<i32>} : memref<400x256xf32, #tpu.memory_space<vmem>>, vector<16xf32>,
      tpu.vector_store %arg11[%swap3A_1293, %swap3A_1294], %gather3A_1288 {strides = array<i32>} : memref<400x256xf32, #tpu.memory_space<vmem>>, vector<16xf32>,
      %add3A_1296 = arith.constant 5 : i32
      %add3A_1297 = vector.broadcast %add3A_1296 : i32 to vector<16xi32>
      %add3A_1298 = arith.addi %mul3A_1240, %add3A_1297 : vector<16xi32>
      %gather3A_1299 = tpu.vector_load_idx %arg12[%add3A_1298] : memref<680xf32, #tpu.memory_space<vmem>>[vector<16xi32>], vector<16xf32>,
      %mul3A_1300 = arith.constant 8 : i32
      %mul3A_1301 = arith.muli %scan3A_32, %mul3A_1300 : i32
      %add3A_1302 = arith.constant 5 : i32
      %add3A_1303 = arith.addi %mul3A_1301, %add3A_1302 : i32
      %swap3A_1304 = arith.index_cast %add3A_1303 : i32 to index
      %swap3A_1305 = arith.constant 224 : index
      %swap3A_1306 = tpu.vector_load %arg11[%swap3A_1304, %swap3A_1305] {strides = array<i32>} : memref<400x256xf32, #tpu.memory_space<vmem>>, vector<16xf32>,
      tpu.vector_store %arg11[%swap3A_1304, %swap3A_1305], %gather3A_1299 {strides = array<i32>} : memref<400x256xf32, #tpu.memory_space<vmem>>, vector<16xf32>,
      %mul3A_1307 = arith.constant 8 : i32
      %mul3A_1308 = arith.muli %scan3A_32, %mul3A_1307 : i32
      %add3A_1309 = arith.constant 6 : i32
      %add3A_1310 = arith.addi %mul3A_1308, %add3A_1309 : i32
      %swap3A_1311 = arith.index_cast %add3A_1310 : i32 to index
      %swap3A_1312 = arith.constant 224 : index
      %swap3A_1313 = tpu.vector_load %arg11[%swap3A_1311, %swap3A_1312] {strides = array<i32>} : memref<400x256xf32, #tpu.memory_space<vmem>>, vector<16xf32>,
      tpu.vector_store %arg11[%swap3A_1311, %swap3A_1312], %broadcast_in_dim3A_15 {strides = array<i32>} : memref<400x256xf32, #tpu.memory_space<vmem>>, vector<16xf32>,
      %mul3A_1314 = arith.constant 8 : i32
      %mul3A_1315 = arith.muli %scan3A_32, %mul3A_1314 : i32
      %add3A_1316 = arith.constant 7 : i32
      %add3A_1317 = arith.addi %mul3A_1315, %add3A_1316 : i32
      %swap3A_1318 = arith.index_cast %add3A_1317 : i32 to index
      %swap3A_1319 = arith.constant 224 : index
      %swap3A_1320 = tpu.vector_load %arg11[%swap3A_1318, %swap3A_1319] {strides = array<i32>} : memref<400x256xf32, #tpu.memory_space<vmem>>, vector<16xf32>,
      tpu.vector_store %arg11[%swap3A_1318, %swap3A_1319], %broadcast_in_dim3A_17 {strides = array<i32>} : memref<400x256xf32, #tpu.memory_space<vmem>>, vector<16xf32>,
      %get3A_1321 = arith.index_cast %scan3A_32 : i32 to index
      %get3A_1322 = arith.constant 240 : index
      %get3A_1323 = tpu.vector_load %arg10[%get3A_1321, %get3A_1322] {strides = array<i32>} : memref<50x256xi32, #tpu.memory_space<vmem>>, vector<16xi32>,
      %mul3A_1324 = arith.constant 8 : i32
      %mul3A_1325 = vector.broadcast %mul3A_1324 : i32 to vector<16xi32>
      %mul3A_1326 = arith.muli %get3A_1323, %mul3A_1325 : vector<16xi32>
      %add3A_1327 = arith.constant 0 : i32
      %add3A_1328 = vector.broadcast %add3A_1327 : i32 to vector<16xi32>
      %add3A_1329 = arith.addi %mul3A_1326, %add3A_1328 : vector<16xi32>
      %gather3A_1330 = tpu.vector_load_idx %arg12[%add3A_1329] : memref<680xf32, #tpu.memory_space<vmem>>[vector<16xi32>], vector<16xf32>,
      %mul3A_1331 = arith.constant 8 : i32
      %mul3A_1332 = arith.muli %scan3A_32, %mul3A_1331 : i32
      %add3A_1333 = arith.constant 0 : i32
      %add3A_1334 = arith.addi %mul3A_1332, %add3A_1333 : i32
      %swap3A_1335 = arith.index_cast %add3A_1334 : i32 to index
      %swap3A_1336 = arith.constant 240 : index
      %swap3A_1337 = tpu.vector_load %arg11[%swap3A_1335, %swap3A_1336] {strides = array<i32>} : memref<400x256xf32, #tpu.memory_space<vmem>>, vector<16xf32>,
      tpu.vector_store %arg11[%swap3A_1335, %swap3A_1336], %gather3A_1330 {strides = array<i32>} : memref<400x256xf32, #tpu.memory_space<vmem>>, vector<16xf32>,
      %add3A_1338 = arith.constant 1 : i32
      %add3A_1339 = vector.broadcast %add3A_1338 : i32 to vector<16xi32>
      %add3A_1340 = arith.addi %mul3A_1326, %add3A_1339 : vector<16xi32>
      %gather3A_1341 = tpu.vector_load_idx %arg12[%add3A_1340] : memref<680xf32, #tpu.memory_space<vmem>>[vector<16xi32>], vector<16xf32>,
      %mul3A_1342 = arith.constant 8 : i32
      %mul3A_1343 = arith.muli %scan3A_32, %mul3A_1342 : i32
      %add3A_1344 = arith.constant 1 : i32
      %add3A_1345 = arith.addi %mul3A_1343, %add3A_1344 : i32
      %swap3A_1346 = arith.index_cast %add3A_1345 : i32 to index
      %swap3A_1347 = arith.constant 240 : index
      %swap3A_1348 = tpu.vector_load %arg11[%swap3A_1346, %swap3A_1347] {strides = array<i32>} : memref<400x256xf32, #tpu.memory_space<vmem>>, vector<16xf32>,
      tpu.vector_store %arg11[%swap3A_1346, %swap3A_1347], %gather3A_1341 {strides = array<i32>} : memref<400x256xf32, #tpu.memory_space<vmem>>, vector<16xf32>,
      %add3A_1349 = arith.constant 2 : i32
      %add3A_1350 = vector.broadcast %add3A_1349 : i32 to vector<16xi32>
      %add3A_1351 = arith.addi %mul3A_1326, %add3A_1350 : vector<16xi32>
      %gather3A_1352 = tpu.vector_load_idx %arg12[%add3A_1351] : memref<680xf32, #tpu.memory_space<vmem>>[vector<16xi32>], vector<16xf32>,
      %mul3A_1353 = arith.constant 8 : i32
      %mul3A_1354 = arith.muli %scan3A_32, %mul3A_1353 : i32
      %add3A_1355 = arith.constant 2 : i32
      %add3A_1356 = arith.addi %mul3A_1354, %add3A_1355 : i32
      %swap3A_1357 = arith.index_cast %add3A_1356 : i32 to index
      %swap3A_1358 = arith.constant 240 : index
      %swap3A_1359 = tpu.vector_load %arg11[%swap3A_1357, %swap3A_1358] {strides = array<i32>} : memref<400x256xf32, #tpu.memory_space<vmem>>, vector<16xf32>,
      tpu.vector_store %arg11[%swap3A_1357, %swap3A_1358], %gather3A_1352 {strides = array<i32>} : memref<400x256xf32, #tpu.memory_space<vmem>>, vector<16xf32>,
      %add3A_1360 = arith.constant 3 : i32
      %add3A_1361 = vector.broadcast %add3A_1360 : i32 to vector<16xi32>
      %add3A_1362 = arith.addi %mul3A_1326, %add3A_1361 : vector<16xi32>
      %gather3A_1363 = tpu.vector_load_idx %arg12[%add3A_1362] : memref<680xf32, #tpu.memory_space<vmem>>[vector<16xi32>], vector<16xf32>,
      %mul3A_1364 = arith.constant 8 : i32
      %mul3A_1365 = arith.muli %scan3A_32, %mul3A_1364 : i32
      %add3A_1366 = arith.constant 3 : i32
      %add3A_1367 = arith.addi %mul3A_1365, %add3A_1366 : i32
      %swap3A_1368 = arith.index_cast %add3A_1367 : i32 to index
      %swap3A_1369 = arith.constant 240 : index
      %swap3A_1370 = tpu.vector_load %arg11[%swap3A_1368, %swap3A_1369] {strides = array<i32>} : memref<400x256xf32, #tpu.memory_space<vmem>>, vector<16xf32>,
      tpu.vector_store %arg11[%swap3A_1368, %swap3A_1369], %gather3A_1363 {strides = array<i32>} : memref<400x256xf32, #tpu.memory_space<vmem>>, vector<16xf32>,
      %add3A_1371 = arith.constant 4 : i32
      %add3A_1372 = vector.broadcast %add3A_1371 : i32 to vector<16xi32>
      %add3A_1373 = arith.addi %mul3A_1326, %add3A_1372 : vector<16xi32>
      %gather3A_1374 = tpu.vector_load_idx %arg12[%add3A_1373] : memref<680xf32, #tpu.memory_space<vmem>>[vector<16xi32>], vector<16xf32>,
      %mul3A_1375 = arith.constant 8 : i32
      %mul3A_1376 = arith.muli %scan3A_32, %mul3A_1375 : i32
      %add3A_1377 = arith.constant 4 : i32
      %add3A_1378 = arith.addi %mul3A_1376, %add3A_1377 : i32
      %swap3A_1379 = arith.index_cast %add3A_1378 : i32 to index
      %swap3A_1380 = arith.constant 240 : index
      %swap3A_1381 = tpu.vector_load %arg11[%swap3A_1379, %swap3A_1380] {strides = array<i32>} : memref<400x256xf32, #tpu.memory_space<vmem>>, vector<16xf32>,
      tpu.vector_store %arg11[%swap3A_1379, %swap3A_1380], %gather3A_1374 {strides = array<i32>} : memref<400x256xf32, #tpu.memory_space<vmem>>, vector<16xf32>,
      %add3A_1382 = arith.constant 5 : i32
      %add3A_1383 = vector.broadcast %add3A_1382 : i32 to vector<16xi32>
      %add3A_1384 = arith.addi %mul3A_1326, %add3A_1383 : vector<16xi32>
      %gather3A_1385 = tpu.vector_load_idx %arg12[%add3A_1384] : memref<680xf32, #tpu.memory_space<vmem>>[vector<16xi32>], vector<16xf32>,
      %mul3A_1386 = arith.constant 8 : i32
      %mul3A_1387 = arith.muli %scan3A_32, %mul3A_1386 : i32
      %add3A_1388 = arith.constant 5 : i32
      %add3A_1389 = arith.addi %mul3A_1387, %add3A_1388 : i32
      %swap3A_1390 = arith.index_cast %add3A_1389 : i32 to index
      %swap3A_1391 = arith.constant 240 : index
      %swap3A_1392 = tpu.vector_load %arg11[%swap3A_1390, %swap3A_1391] {strides = array<i32>} : memref<400x256xf32, #tpu.memory_space<vmem>>, vector<16xf32>,
      tpu.vector_store %arg11[%swap3A_1390, %swap3A_1391], %gather3A_1385 {strides = array<i32>} : memref<400x256xf32, #tpu.memory_space<vmem>>, vector<16xf32>,
      %mul3A_1393 = arith.constant 8 : i32
      %mul3A_1394 = arith.muli %scan3A_32, %mul3A_1393 : i32
      %add3A_1395 = arith.constant 6 : i32
      %add3A_1396 = arith.addi %mul3A_1394, %add3A_1395 : i32
      %swap3A_1397 = arith.index_cast %add3A_1396 : i32 to index
      %swap3A_1398 = arith.constant 240 : index
      %swap3A_1399 = tpu.vector_load %arg11[%swap3A_1397, %swap3A_1398] {strides = array<i32>} : memref<400x256xf32, #tpu.memory_space<vmem>>, vector<16xf32>,
      tpu.vector_store %arg11[%swap3A_1397, %swap3A_1398], %broadcast_in_dim3A_15 {strides = array<i32>} : memref<400x256xf32, #tpu.memory_space<vmem>>, vector<16xf32>,
      %mul3A_1400 = arith.constant 8 : i32
      %mul3A_1401 = arith.muli %scan3A_32, %mul3A_1400 : i32
      %add3A_1402 = arith.constant 7 : i32
      %add3A_1403 = arith.addi %mul3A_1401, %add3A_1402 : i32
      %swap3A_1404 = arith.index_cast %add3A_1403 : i32 to index
      %swap3A_1405 = arith.constant 240 : index
      %swap3A_1406 = tpu.vector_load %arg11[%swap3A_1404, %swap3A_1405] {strides = array<i32>} : memref<400x256xf32, #tpu.memory_space<vmem>>, vector<16xf32>,
      tpu.vector_store %arg11[%swap3A_1404, %swap3A_1405], %broadcast_in_dim3A_17 {strides = array<i32>} : memref<400x256xf32, #tpu.memory_space<vmem>>, vector<16xf32>,
      %scan3A_1407 = arith.constant 0 : i32
      scf.yield %scan3A_1407 : i32
    }
    %scan3A_23 = arith.constant 50 : i32
    %dma_start3A_24 = arith.constant 0 : i32
    %dma_start3A_25 = tpu.memref_slice %arg7[%dma_start3A_24, %mul3A_2] : memref<400x8192xf32, #tpu.memory_space<hbm>> -> memref<400x256xf32, #tpu.memory_space<hbm>>
    %dma_start3A_26 = arith.constant 0 : i32
    %dma_start3A_27 = tpu.memref_slice %arg7[%dma_start3A_26, %mul3A_2] : memref<400x8192xf32, #tpu.memory_space<hbm>> -> memref<400x256xf32, #tpu.memory_space<hbm>>
    tpu.enqueue_dma source(%arg11 : memref<400x256xf32, #tpu.memory_space<vmem>>) target(%dma_start3A_27 : memref<400x256xf32, #tpu.memory_space<hbm>>) target_semaphore(%arg13 : memref<!tpu.dma_semaphore, #tpu.memory_space<semaphore_mem>>)
    %dma_wait3A_28 = arith.constant 0 : i32
    %dma_wait3A_29 = tpu.memref_slice %arg7[%dma_wait3A_28, %mul3A_2] : memref<400x8192xf32, #tpu.memory_space<hbm>> -> memref<400x256xf32, #tpu.memory_space<hbm>>
    %dma_wait3A_30 = arith.constant 0 : i32
    %dma_wait3A_31 = tpu.memref_slice %arg7[%dma_wait3A_30, %mul3A_2] : memref<400x8192xf32, #tpu.memory_space<hbm>> -> memref<400x256xf32, #tpu.memory_space<hbm>>
    tpu.wait_dma2 semaphore(%arg13 : memref<!tpu.dma_semaphore, #tpu.memory_space<semaphore_mem>>) src(%arg11 : memref<400x256xf32, #tpu.memory_space<vmem>>) dst(%dma_wait3A_31 : memref<400x256xf32, #tpu.memory_space<hbm>>)
    return
  }
}

module attributes {stable_mosaic.version = 14 : i64} {
  func.func @_tc_body(%arg0: i32, %arg1: memref<400x512xf32, #tpu.memory_space<vmem>>, %arg2: memref<400x512xf32, #tpu.memory_space<vmem>>, %arg3: memref<1x512xi32, #tpu.memory_space<vmem>>, %arg4: memref<1x512xi32, #tpu.memory_space<vmem>>, %arg5: memref<1x512xi32, #tpu.memory_space<vmem>>, %arg6: memref<8x512xf32, #tpu.memory_space<vmem>>, %arg7: memref<8x512xf32, #tpu.memory_space<vmem>>, %arg8: memref<256x72xf32, #tpu.memory_space<vmem>>, %arg9: memref<4x104xf32, #tpu.memory_space<vmem>>, %arg10: memref<64x4xf32, #tpu.memory_space<vmem>>, %arg11: memref<64x2xf32, #tpu.memory_space<vmem>>, %arg12: memref<64x2xf32, #tpu.memory_space<vmem>>, %arg13: memref<64x64xf32, #tpu.memory_space<vmem>>, %arg14: memref<64x64xf32, #tpu.memory_space<vmem>>, %arg15: memref<64x8xf32, #tpu.memory_space<vmem>>, %arg16: memref<64x8xf32, #tpu.memory_space<vmem>>, %arg17: memref<64x1xf32, #tpu.memory_space<vmem>>, %arg18: memref<64x512xf32, #tpu.memory_space<vmem>>) attributes {dimension_semantics = [#tpu.dimension_semantics<arbitrary>], iteration_bounds = array<i64: 8>, scalar_prefetch = 0 : i64, scratch_operands = 0 : i64, tpu.core_type = #tpu.core_type<tc>, window_params = [{transform_indices = @transform_0, window_bounds = array<i64: 400, 512>}, {transform_indices = @transform_1, window_bounds = array<i64: 400, 512>}, {transform_indices = @transform_2, window_bounds = array<i64: 1, 512>}, {transform_indices = @transform_3, window_bounds = array<i64: 1, 512>}, {transform_indices = @transform_4, window_bounds = array<i64: 1, 512>}, {transform_indices = @transform_5, window_bounds = array<i64: 8, 512>}, {transform_indices = @transform_6, window_bounds = array<i64: 8, 512>}, {pipeline_mode = #tpu.pipeline_mode<synchronous>, transform_indices = @transform_7, window_bounds = array<i64: 256, 72>}, {pipeline_mode = #tpu.pipeline_mode<synchronous>, transform_indices = @transform_8, window_bounds = array<i64: 4, 104>}, {pipeline_mode = #tpu.pipeline_mode<synchronous>, transform_indices = @transform_9, window_bounds = array<i64: 64, 4>}, {pipeline_mode = #tpu.pipeline_mode<synchronous>, transform_indices = @transform_10, window_bounds = array<i64: 64, 2>}, {pipeline_mode = #tpu.pipeline_mode<synchronous>, transform_indices = @transform_11, window_bounds = array<i64: 64, 2>}, {pipeline_mode = #tpu.pipeline_mode<synchronous>, transform_indices = @transform_12, window_bounds = array<i64: 64, 64>}, {pipeline_mode = #tpu.pipeline_mode<synchronous>, transform_indices = @transform_13, window_bounds = array<i64: 64, 64>}, {pipeline_mode = #tpu.pipeline_mode<synchronous>, transform_indices = @transform_14, window_bounds = array<i64: 64, 8>}, {pipeline_mode = #tpu.pipeline_mode<synchronous>, transform_indices = @transform_15, window_bounds = array<i64: 64, 8>}, {pipeline_mode = #tpu.pipeline_mode<synchronous>, transform_indices = @transform_16, window_bounds = array<i64: 64, 1>}, {transform_indices = @transform_17, window_bounds = array<i64: 64, 512>}]} {
    %get3A = arith.constant 0 : index
    %get3A_0 = arith.constant 0 : index
    %get3A_1 = vector.load %arg10[%get3A, %get3A_0] : memref<64x4xf32, #tpu.memory_space<vmem>>, vector<64x4xf32>
    %get3A_2 = arith.constant 0 : index
    %get3A_3 = arith.constant 0 : index
    %get3A_4 = vector.load %arg9[%get3A_2, %get3A_3] : memref<4x104xf32, #tpu.memory_space<vmem>>, vector<4x104xf32>
    %dot_general3A = arith.constant dense<0.000000e+00> : vector<64x104xf32>
    %dot_general3A_5 = tpu.matmul %get3A_1, %get3A_4, %dot_general3A {dimension_numbers = #tpu.dot_dimension_numbers<[1], [0], [0], [1], [0, 0, 1, 1], [], []>, transpose_lhs_hint = false} : vector<64x4xf32>, vector<4x104xf32>, vector<64x104xf32> -> vector<64x104xf32>
    %get3A_6 = arith.constant 0 : index
    %get3A_7 = arith.constant 0 : index
    %get3A_8 = vector.load %arg8[%get3A_6, %get3A_7] : memref<256x72xf32, #tpu.memory_space<vmem>>, vector<256x72xf32>
    %broadcast_in_dim3A = arith.constant 0.000000e+00 : f32
    %broadcast_in_dim3A_9 = vector.broadcast %broadcast_in_dim3A : f32 to vector<64x256xf32>
    %scan3A = arith.constant 0 : i32
    %scan3A_10 = arith.constant 2 : i32
    %scan3A_11 = arith.addi %scan3A, %scan3A_10 : i32
    %scan3A_12 = arith.constant 1 : i32
    %scan3A_13:8 = scf.for %scan3A_100 = %scan3A to %scan3A_11 step %scan3A_12 iter_args(%scan3A_101 = %broadcast_in_dim3A_9, %scan3A_102 = %broadcast_in_dim3A_9, %scan3A_103 = %broadcast_in_dim3A_9, %scan3A_104 = %broadcast_in_dim3A_9, %scan3A_105 = %broadcast_in_dim3A_9, %scan3A_106 = %broadcast_in_dim3A_9, %scan3A_107 = %broadcast_in_dim3A_9, %scan3A_108 = %broadcast_in_dim3A_9) -> (vector<64x256xf32>, vector<64x256xf32>, vector<64x256xf32>, vector<64x256xf32>, vector<64x256xf32>, vector<64x256xf32>, vector<64x256xf32>, vector<64x256xf32>)  : i32 {
      %mul3A = arith.constant 25 : i32
      %mul3A_109 = arith.muli %scan3A_100, %mul3A : i32
      %add3A_110 = arith.constant 0 : i32
      %add3A_111 = arith.addi %mul3A_109, %add3A_110 : i32
      %mul3A_112 = arith.constant 8 : i32
      %mul3A_113 = arith.muli %add3A_111, %mul3A_112 : i32
      %get3A_114 = arith.index_cast %mul3A_113 : i32 to index
      %get3A_115 = arith.constant 0 : index
      %get3A_116 = vector.load %arg1[%get3A_114, %get3A_115] : memref<400x512xf32, #tpu.memory_space<vmem>>, vector<8x512xf32>
      %mul3A_117 = arith.constant 8 : i32
      %mul3A_118 = arith.muli %add3A_111, %mul3A_117 : i32
      %get3A_119 = arith.index_cast %mul3A_118 : i32 to index
      %get3A_120 = arith.constant 0 : index
      %get3A_121 = vector.load %arg2[%get3A_119, %get3A_120] : memref<400x512xf32, #tpu.memory_space<vmem>>, vector<8x512xf32>
      %slice3A = vector.extract_strided_slice %get3A_116 {offsets = [0, 0], sizes = [8, 256], strides = [1, 1]} : vector<8x512xf32> to vector<8x256xf32>
      %slice3A_122 = vector.extract_strided_slice %get3A_116 {offsets = [0, 256], sizes = [8, 256], strides = [1, 1]} : vector<8x512xf32> to vector<8x256xf32>
      %slice3A_123 = vector.extract_strided_slice %get3A_121 {offsets = [0, 0], sizes = [8, 256], strides = [1, 1]} : vector<8x512xf32> to vector<8x256xf32>
      %slice3A_124 = vector.extract_strided_slice %get3A_121 {offsets = [0, 256], sizes = [8, 256], strides = [1, 1]} : vector<8x512xf32> to vector<8x256xf32>
      %concatenate3A_125 = tpu.concatenate %slice3A, %scan3A_101 in 0 : vector<8x256xf32>, vector<64x256xf32> -> vector<72x256xf32>
      %dot_general3A_126 = arith.constant dense<0.000000e+00> : vector<256x256xf32>
      %dot_general3A_127 = tpu.matmul %get3A_8, %concatenate3A_125, %dot_general3A_126 {dimension_numbers = #tpu.dot_dimension_numbers<[1], [0], [0], [1], [0, 0, 1, 1], [], []>, transpose_lhs_hint = false} : vector<256x72xf32>, vector<72x256xf32>, vector<256x256xf32> -> vector<256x256xf32>
      %concatenate3A_128 = tpu.concatenate %slice3A_122, %scan3A_102 in 0 : vector<8x256xf32>, vector<64x256xf32> -> vector<72x256xf32>
      %dot_general3A_129 = arith.constant dense<0.000000e+00> : vector<256x256xf32>
      %dot_general3A_130 = tpu.matmul %get3A_8, %concatenate3A_128, %dot_general3A_129 {dimension_numbers = #tpu.dot_dimension_numbers<[1], [0], [0], [1], [0, 0, 1, 1], [], []>, transpose_lhs_hint = false} : vector<256x72xf32>, vector<72x256xf32>, vector<256x256xf32> -> vector<256x256xf32>
      %concatenate3A_131 = tpu.concatenate %slice3A_123, %scan3A_103 in 0 : vector<8x256xf32>, vector<64x256xf32> -> vector<72x256xf32>
      %dot_general3A_132 = arith.constant dense<0.000000e+00> : vector<256x256xf32>
      %dot_general3A_133 = tpu.matmul %get3A_8, %concatenate3A_131, %dot_general3A_132 {dimension_numbers = #tpu.dot_dimension_numbers<[1], [0], [0], [1], [0, 0, 1, 1], [], []>, transpose_lhs_hint = false} : vector<256x72xf32>, vector<72x256xf32>, vector<256x256xf32> -> vector<256x256xf32>
      %concatenate3A_134 = tpu.concatenate %slice3A_124, %scan3A_104 in 0 : vector<8x256xf32>, vector<64x256xf32> -> vector<72x256xf32>
      %dot_general3A_135 = arith.constant dense<0.000000e+00> : vector<256x256xf32>
      %dot_general3A_136 = tpu.matmul %get3A_8, %concatenate3A_134, %dot_general3A_135 {dimension_numbers = #tpu.dot_dimension_numbers<[1], [0], [0], [1], [0, 0, 1, 1], [], []>, transpose_lhs_hint = false} : vector<256x72xf32>, vector<72x256xf32>, vector<256x256xf32> -> vector<256x256xf32>
      %slice3A_137 = vector.extract_strided_slice %dot_general3A_127 {offsets = [0, 0], sizes = [64, 256], strides = [1, 1]} : vector<256x256xf32> to vector<64x256xf32>
      %tanh3A = math.tanh %slice3A_137 : vector<64x256xf32>
      %mul3A_138 = arith.constant 5.000000e-01 : f32
      %mul3A_139 = vector.broadcast %mul3A_138 : f32 to vector<64x256xf32>
      %mul3A_140 = arith.mulf %mul3A_139, %tanh3A : vector<64x256xf32>
      %add3A_141 = arith.constant 5.000000e-01 : f32
      %add3A_142 = vector.broadcast %add3A_141 : f32 to vector<64x256xf32>
      %add3A_143 = arith.addf %mul3A_140, %add3A_142 : vector<64x256xf32>
      %slice3A_144 = vector.extract_strided_slice %dot_general3A_127 {offsets = [64, 0], sizes = [64, 256], strides = [1, 1]} : vector<256x256xf32> to vector<64x256xf32>
      %tanh3A_145 = math.tanh %slice3A_144 : vector<64x256xf32>
      %mul3A_146 = arith.constant 5.000000e-01 : f32
      %mul3A_147 = vector.broadcast %mul3A_146 : f32 to vector<64x256xf32>
      %mul3A_148 = arith.mulf %mul3A_147, %tanh3A_145 : vector<64x256xf32>
      %add3A_149 = arith.constant 5.000000e-01 : f32
      %add3A_150 = vector.broadcast %add3A_149 : f32 to vector<64x256xf32>
      %add3A_151 = arith.addf %mul3A_148, %add3A_150 : vector<64x256xf32>
      %slice3A_152 = vector.extract_strided_slice %dot_general3A_127 {offsets = [128, 0], sizes = [64, 256], strides = [1, 1]} : vector<256x256xf32> to vector<64x256xf32>
      %tanh3A_153 = math.tanh %slice3A_152 : vector<64x256xf32>
      %slice3A_154 = vector.extract_strided_slice %dot_general3A_127 {offsets = [192, 0], sizes = [64, 256], strides = [1, 1]} : vector<256x256xf32> to vector<64x256xf32>
      %tanh3A_155 = math.tanh %slice3A_154 : vector<64x256xf32>
      %mul3A_156 = arith.constant 5.000000e-01 : f32
      %mul3A_157 = vector.broadcast %mul3A_156 : f32 to vector<64x256xf32>
      %mul3A_158 = arith.mulf %mul3A_157, %tanh3A_155 : vector<64x256xf32>
      %add3A_159 = arith.constant 5.000000e-01 : f32
      %add3A_160 = vector.broadcast %add3A_159 : f32 to vector<64x256xf32>
      %add3A_161 = arith.addf %mul3A_158, %add3A_160 : vector<64x256xf32>
      %mul3A_162 = arith.mulf %add3A_151, %scan3A_105 : vector<64x256xf32>
      %mul3A_163 = arith.mulf %add3A_143, %tanh3A_153 : vector<64x256xf32>
      %add3A_164 = arith.addf %mul3A_162, %mul3A_163 : vector<64x256xf32>
      %tanh3A_165 = math.tanh %add3A_164 : vector<64x256xf32>
      %mul3A_166 = arith.mulf %add3A_161, %tanh3A_165 : vector<64x256xf32>
      %slice3A_167 = vector.extract_strided_slice %dot_general3A_130 {offsets = [0, 0], sizes = [64, 256], strides = [1, 1]} : vector<256x256xf32> to vector<64x256xf32>
      %tanh3A_168 = math.tanh %slice3A_167 : vector<64x256xf32>
      %mul3A_169 = arith.constant 5.000000e-01 : f32
      %mul3A_170 = vector.broadcast %mul3A_169 : f32 to vector<64x256xf32>
      %mul3A_171 = arith.mulf %mul3A_170, %tanh3A_168 : vector<64x256xf32>
      %add3A_172 = arith.constant 5.000000e-01 : f32
      %add3A_173 = vector.broadcast %add3A_172 : f32 to vector<64x256xf32>
      %add3A_174 = arith.addf %mul3A_171, %add3A_173 : vector<64x256xf32>
      %slice3A_175 = vector.extract_strided_slice %dot_general3A_130 {offsets = [64, 0], sizes = [64, 256], strides = [1, 1]} : vector<256x256xf32> to vector<64x256xf32>
      %tanh3A_176 = math.tanh %slice3A_175 : vector<64x256xf32>
      %mul3A_177 = arith.constant 5.000000e-01 : f32
      %mul3A_178 = vector.broadcast %mul3A_177 : f32 to vector<64x256xf32>
      %mul3A_179 = arith.mulf %mul3A_178, %tanh3A_176 : vector<64x256xf32>
      %add3A_180 = arith.constant 5.000000e-01 : f32
      %add3A_181 = vector.broadcast %add3A_180 : f32 to vector<64x256xf32>
      %add3A_182 = arith.addf %mul3A_179, %add3A_181 : vector<64x256xf32>
      %slice3A_183 = vector.extract_strided_slice %dot_general3A_130 {offsets = [128, 0], sizes = [64, 256], strides = [1, 1]} : vector<256x256xf32> to vector<64x256xf32>
      %tanh3A_184 = math.tanh %slice3A_183 : vector<64x256xf32>
      %slice3A_185 = vector.extract_strided_slice %dot_general3A_130 {offsets = [192, 0], sizes = [64, 256], strides = [1, 1]} : vector<256x256xf32> to vector<64x256xf32>
      %tanh3A_186 = math.tanh %slice3A_185 : vector<64x256xf32>
      %mul3A_187 = arith.constant 5.000000e-01 : f32
      %mul3A_188 = vector.broadcast %mul3A_187 : f32 to vector<64x256xf32>
      %mul3A_189 = arith.mulf %mul3A_188, %tanh3A_186 : vector<64x256xf32>
      %add3A_190 = arith.constant 5.000000e-01 : f32
      %add3A_191 = vector.broadcast %add3A_190 : f32 to vector<64x256xf32>
      %add3A_192 = arith.addf %mul3A_189, %add3A_191 : vector<64x256xf32>
      %mul3A_193 = arith.mulf %add3A_182, %scan3A_106 : vector<64x256xf32>
      %mul3A_194 = arith.mulf %add3A_174, %tanh3A_184 : vector<64x256xf32>
      %add3A_195 = arith.addf %mul3A_193, %mul3A_194 : vector<64x256xf32>
      %tanh3A_196 = math.tanh %add3A_195 : vector<64x256xf32>
      %mul3A_197 = arith.mulf %add3A_192, %tanh3A_196 : vector<64x256xf32>
      %slice3A_198 = vector.extract_strided_slice %dot_general3A_133 {offsets = [0, 0], sizes = [64, 256], strides = [1, 1]} : vector<256x256xf32> to vector<64x256xf32>
      %tanh3A_199 = math.tanh %slice3A_198 : vector<64x256xf32>
      %mul3A_200 = arith.constant 5.000000e-01 : f32
      %mul3A_201 = vector.broadcast %mul3A_200 : f32 to vector<64x256xf32>
      %mul3A_202 = arith.mulf %mul3A_201, %tanh3A_199 : vector<64x256xf32>
      %add3A_203 = arith.constant 5.000000e-01 : f32
      %add3A_204 = vector.broadcast %add3A_203 : f32 to vector<64x256xf32>
      %add3A_205 = arith.addf %mul3A_202, %add3A_204 : vector<64x256xf32>
      %slice3A_206 = vector.extract_strided_slice %dot_general3A_133 {offsets = [64, 0], sizes = [64, 256], strides = [1, 1]} : vector<256x256xf32> to vector<64x256xf32>
      %tanh3A_207 = math.tanh %slice3A_206 : vector<64x256xf32>
      %mul3A_208 = arith.constant 5.000000e-01 : f32
      %mul3A_209 = vector.broadcast %mul3A_208 : f32 to vector<64x256xf32>
      %mul3A_210 = arith.mulf %mul3A_209, %tanh3A_207 : vector<64x256xf32>
      %add3A_211 = arith.constant 5.000000e-01 : f32
      %add3A_212 = vector.broadcast %add3A_211 : f32 to vector<64x256xf32>
      %add3A_213 = arith.addf %mul3A_210, %add3A_212 : vector<64x256xf32>
      %slice3A_214 = vector.extract_strided_slice %dot_general3A_133 {offsets = [128, 0], sizes = [64, 256], strides = [1, 1]} : vector<256x256xf32> to vector<64x256xf32>
      %tanh3A_215 = math.tanh %slice3A_214 : vector<64x256xf32>
      %slice3A_216 = vector.extract_strided_slice %dot_general3A_133 {offsets = [192, 0], sizes = [64, 256], strides = [1, 1]} : vector<256x256xf32> to vector<64x256xf32>
      %tanh3A_217 = math.tanh %slice3A_216 : vector<64x256xf32>
      %mul3A_218 = arith.constant 5.000000e-01 : f32
      %mul3A_219 = vector.broadcast %mul3A_218 : f32 to vector<64x256xf32>
      %mul3A_220 = arith.mulf %mul3A_219, %tanh3A_217 : vector<64x256xf32>
      %add3A_221 = arith.constant 5.000000e-01 : f32
      %add3A_222 = vector.broadcast %add3A_221 : f32 to vector<64x256xf32>
      %add3A_223 = arith.addf %mul3A_220, %add3A_222 : vector<64x256xf32>
      %mul3A_224 = arith.mulf %add3A_213, %scan3A_107 : vector<64x256xf32>
      %mul3A_225 = arith.mulf %add3A_205, %tanh3A_215 : vector<64x256xf32>
      %add3A_226 = arith.addf %mul3A_224, %mul3A_225 : vector<64x256xf32>
      %tanh3A_227 = math.tanh %add3A_226 : vector<64x256xf32>
      %mul3A_228 = arith.mulf %add3A_223, %tanh3A_227 : vector<64x256xf32>
      %slice3A_229 = vector.extract_strided_slice %dot_general3A_136 {offsets = [0, 0], sizes = [64, 256], strides = [1, 1]} : vector<256x256xf32> to vector<64x256xf32>
      %tanh3A_230 = math.tanh %slice3A_229 : vector<64x256xf32>
      %mul3A_231 = arith.constant 5.000000e-01 : f32
      %mul3A_232 = vector.broadcast %mul3A_231 : f32 to vector<64x256xf32>
      %mul3A_233 = arith.mulf %mul3A_232, %tanh3A_230 : vector<64x256xf32>
      %add3A_234 = arith.constant 5.000000e-01 : f32
      %add3A_235 = vector.broadcast %add3A_234 : f32 to vector<64x256xf32>
      %add3A_236 = arith.addf %mul3A_233, %add3A_235 : vector<64x256xf32>
      %slice3A_237 = vector.extract_strided_slice %dot_general3A_136 {offsets = [64, 0], sizes = [64, 256], strides = [1, 1]} : vector<256x256xf32> to vector<64x256xf32>
      %tanh3A_238 = math.tanh %slice3A_237 : vector<64x256xf32>
      %mul3A_239 = arith.constant 5.000000e-01 : f32
      %mul3A_240 = vector.broadcast %mul3A_239 : f32 to vector<64x256xf32>
      %mul3A_241 = arith.mulf %mul3A_240, %tanh3A_238 : vector<64x256xf32>
      %add3A_242 = arith.constant 5.000000e-01 : f32
      %add3A_243 = vector.broadcast %add3A_242 : f32 to vector<64x256xf32>
      %add3A_244 = arith.addf %mul3A_241, %add3A_243 : vector<64x256xf32>
      %slice3A_245 = vector.extract_strided_slice %dot_general3A_136 {offsets = [128, 0], sizes = [64, 256], strides = [1, 1]} : vector<256x256xf32> to vector<64x256xf32>
      %tanh3A_246 = math.tanh %slice3A_245 : vector<64x256xf32>
      %slice3A_247 = vector.extract_strided_slice %dot_general3A_136 {offsets = [192, 0], sizes = [64, 256], strides = [1, 1]} : vector<256x256xf32> to vector<64x256xf32>
      %tanh3A_248 = math.tanh %slice3A_247 : vector<64x256xf32>
      %mul3A_249 = arith.constant 5.000000e-01 : f32
      %mul3A_250 = vector.broadcast %mul3A_249 : f32 to vector<64x256xf32>
      %mul3A_251 = arith.mulf %mul3A_250, %tanh3A_248 : vector<64x256xf32>
      %add3A_252 = arith.constant 5.000000e-01 : f32
      %add3A_253 = vector.broadcast %add3A_252 : f32 to vector<64x256xf32>
      %add3A_254 = arith.addf %mul3A_251, %add3A_253 : vector<64x256xf32>
      %mul3A_255 = arith.mulf %add3A_244, %scan3A_108 : vector<64x256xf32>
      %mul3A_256 = arith.mulf %add3A_236, %tanh3A_246 : vector<64x256xf32>
      %add3A_257 = arith.addf %mul3A_255, %mul3A_256 : vector<64x256xf32>
      %tanh3A_258 = math.tanh %add3A_257 : vector<64x256xf32>
      %mul3A_259 = arith.mulf %add3A_254, %tanh3A_258 : vector<64x256xf32>
      %mul3A_260 = arith.constant 25 : i32
      %mul3A_261 = arith.muli %scan3A_100, %mul3A_260 : i32
      %add3A_262 = arith.constant 1 : i32
      %add3A_263 = arith.addi %mul3A_261, %add3A_262 : i32
      %mul3A_264 = arith.constant 8 : i32
      %mul3A_265 = arith.muli %add3A_263, %mul3A_264 : i32
      %get3A_266 = arith.index_cast %mul3A_265 : i32 to index
      %get3A_267 = arith.constant 0 : index
      %get3A_268 = vector.load %arg1[%get3A_266, %get3A_267] : memref<400x512xf32, #tpu.memory_space<vmem>>, vector<8x512xf32>
      %mul3A_269 = arith.constant 8 : i32
      %mul3A_270 = arith.muli %add3A_263, %mul3A_269 : i32
      %get3A_271 = arith.index_cast %mul3A_270 : i32 to index
      %get3A_272 = arith.constant 0 : index
      %get3A_273 = vector.load %arg2[%get3A_271, %get3A_272] : memref<400x512xf32, #tpu.memory_space<vmem>>, vector<8x512xf32>
      %slice3A_274 = vector.extract_strided_slice %get3A_268 {offsets = [0, 0], sizes = [8, 256], strides = [1, 1]} : vector<8x512xf32> to vector<8x256xf32>
      %slice3A_275 = vector.extract_strided_slice %get3A_268 {offsets = [0, 256], sizes = [8, 256], strides = [1, 1]} : vector<8x512xf32> to vector<8x256xf32>
      %slice3A_276 = vector.extract_strided_slice %get3A_273 {offsets = [0, 0], sizes = [8, 256], strides = [1, 1]} : vector<8x512xf32> to vector<8x256xf32>
      %slice3A_277 = vector.extract_strided_slice %get3A_273 {offsets = [0, 256], sizes = [8, 256], strides = [1, 1]} : vector<8x512xf32> to vector<8x256xf32>
      %concatenate3A_278 = tpu.concatenate %slice3A_274, %mul3A_166 in 0 : vector<8x256xf32>, vector<64x256xf32> -> vector<72x256xf32>
      %dot_general3A_279 = arith.constant dense<0.000000e+00> : vector<256x256xf32>
      %dot_general3A_280 = tpu.matmul %get3A_8, %concatenate3A_278, %dot_general3A_279 {dimension_numbers = #tpu.dot_dimension_numbers<[1], [0], [0], [1], [0, 0, 1, 1], [], []>, transpose_lhs_hint = false} : vector<256x72xf32>, vector<72x256xf32>, vector<256x256xf32> -> vector<256x256xf32>
      %concatenate3A_281 = tpu.concatenate %slice3A_275, %mul3A_197 in 0 : vector<8x256xf32>, vector<64x256xf32> -> vector<72x256xf32>
      %dot_general3A_282 = arith.constant dense<0.000000e+00> : vector<256x256xf32>
      %dot_general3A_283 = tpu.matmul %get3A_8, %concatenate3A_281, %dot_general3A_282 {dimension_numbers = #tpu.dot_dimension_numbers<[1], [0], [0], [1], [0, 0, 1, 1], [], []>, transpose_lhs_hint = false} : vector<256x72xf32>, vector<72x256xf32>, vector<256x256xf32> -> vector<256x256xf32>
      %concatenate3A_284 = tpu.concatenate %slice3A_276, %mul3A_228 in 0 : vector<8x256xf32>, vector<64x256xf32> -> vector<72x256xf32>
      %dot_general3A_285 = arith.constant dense<0.000000e+00> : vector<256x256xf32>
      %dot_general3A_286 = tpu.matmul %get3A_8, %concatenate3A_284, %dot_general3A_285 {dimension_numbers = #tpu.dot_dimension_numbers<[1], [0], [0], [1], [0, 0, 1, 1], [], []>, transpose_lhs_hint = false} : vector<256x72xf32>, vector<72x256xf32>, vector<256x256xf32> -> vector<256x256xf32>
      %concatenate3A_287 = tpu.concatenate %slice3A_277, %mul3A_259 in 0 : vector<8x256xf32>, vector<64x256xf32> -> vector<72x256xf32>
      %dot_general3A_288 = arith.constant dense<0.000000e+00> : vector<256x256xf32>
      %dot_general3A_289 = tpu.matmul %get3A_8, %concatenate3A_287, %dot_general3A_288 {dimension_numbers = #tpu.dot_dimension_numbers<[1], [0], [0], [1], [0, 0, 1, 1], [], []>, transpose_lhs_hint = false} : vector<256x72xf32>, vector<72x256xf32>, vector<256x256xf32> -> vector<256x256xf32>
      %slice3A_290 = vector.extract_strided_slice %dot_general3A_280 {offsets = [0, 0], sizes = [64, 256], strides = [1, 1]} : vector<256x256xf32> to vector<64x256xf32>
      %tanh3A_291 = math.tanh %slice3A_290 : vector<64x256xf32>
      %mul3A_292 = arith.constant 5.000000e-01 : f32
      %mul3A_293 = vector.broadcast %mul3A_292 : f32 to vector<64x256xf32>
      %mul3A_294 = arith.mulf %mul3A_293, %tanh3A_291 : vector<64x256xf32>
      %add3A_295 = arith.constant 5.000000e-01 : f32
      %add3A_296 = vector.broadcast %add3A_295 : f32 to vector<64x256xf32>
      %add3A_297 = arith.addf %mul3A_294, %add3A_296 : vector<64x256xf32>
      %slice3A_298 = vector.extract_strided_slice %dot_general3A_280 {offsets = [64, 0], sizes = [64, 256], strides = [1, 1]} : vector<256x256xf32> to vector<64x256xf32>
      %tanh3A_299 = math.tanh %slice3A_298 : vector<64x256xf32>
      %mul3A_300 = arith.constant 5.000000e-01 : f32
      %mul3A_301 = vector.broadcast %mul3A_300 : f32 to vector<64x256xf32>
      %mul3A_302 = arith.mulf %mul3A_301, %tanh3A_299 : vector<64x256xf32>
      %add3A_303 = arith.constant 5.000000e-01 : f32
      %add3A_304 = vector.broadcast %add3A_303 : f32 to vector<64x256xf32>
      %add3A_305 = arith.addf %mul3A_302, %add3A_304 : vector<64x256xf32>
      %slice3A_306 = vector.extract_strided_slice %dot_general3A_280 {offsets = [128, 0], sizes = [64, 256], strides = [1, 1]} : vector<256x256xf32> to vector<64x256xf32>
      %tanh3A_307 = math.tanh %slice3A_306 : vector<64x256xf32>
      %slice3A_308 = vector.extract_strided_slice %dot_general3A_280 {offsets = [192, 0], sizes = [64, 256], strides = [1, 1]} : vector<256x256xf32> to vector<64x256xf32>
      %tanh3A_309 = math.tanh %slice3A_308 : vector<64x256xf32>
      %mul3A_310 = arith.constant 5.000000e-01 : f32
      %mul3A_311 = vector.broadcast %mul3A_310 : f32 to vector<64x256xf32>
      %mul3A_312 = arith.mulf %mul3A_311, %tanh3A_309 : vector<64x256xf32>
      %add3A_313 = arith.constant 5.000000e-01 : f32
      %add3A_314 = vector.broadcast %add3A_313 : f32 to vector<64x256xf32>
      %add3A_315 = arith.addf %mul3A_312, %add3A_314 : vector<64x256xf32>
      %mul3A_316 = arith.mulf %add3A_305, %add3A_164 : vector<64x256xf32>
      %mul3A_317 = arith.mulf %add3A_297, %tanh3A_307 : vector<64x256xf32>
      %add3A_318 = arith.addf %mul3A_316, %mul3A_317 : vector<64x256xf32>
      %tanh3A_319 = math.tanh %add3A_318 : vector<64x256xf32>
      %mul3A_320 = arith.mulf %add3A_315, %tanh3A_319 : vector<64x256xf32>
      %slice3A_321 = vector.extract_strided_slice %dot_general3A_283 {offsets = [0, 0], sizes = [64, 256], strides = [1, 1]} : vector<256x256xf32> to vector<64x256xf32>
      %tanh3A_322 = math.tanh %slice3A_321 : vector<64x256xf32>
      %mul3A_323 = arith.constant 5.000000e-01 : f32
      %mul3A_324 = vector.broadcast %mul3A_323 : f32 to vector<64x256xf32>
      %mul3A_325 = arith.mulf %mul3A_324, %tanh3A_322 : vector<64x256xf32>
      %add3A_326 = arith.constant 5.000000e-01 : f32
      %add3A_327 = vector.broadcast %add3A_326 : f32 to vector<64x256xf32>
      %add3A_328 = arith.addf %mul3A_325, %add3A_327 : vector<64x256xf32>
      %slice3A_329 = vector.extract_strided_slice %dot_general3A_283 {offsets = [64, 0], sizes = [64, 256], strides = [1, 1]} : vector<256x256xf32> to vector<64x256xf32>
      %tanh3A_330 = math.tanh %slice3A_329 : vector<64x256xf32>
      %mul3A_331 = arith.constant 5.000000e-01 : f32
      %mul3A_332 = vector.broadcast %mul3A_331 : f32 to vector<64x256xf32>
      %mul3A_333 = arith.mulf %mul3A_332, %tanh3A_330 : vector<64x256xf32>
      %add3A_334 = arith.constant 5.000000e-01 : f32
      %add3A_335 = vector.broadcast %add3A_334 : f32 to vector<64x256xf32>
      %add3A_336 = arith.addf %mul3A_333, %add3A_335 : vector<64x256xf32>
      %slice3A_337 = vector.extract_strided_slice %dot_general3A_283 {offsets = [128, 0], sizes = [64, 256], strides = [1, 1]} : vector<256x256xf32> to vector<64x256xf32>
      %tanh3A_338 = math.tanh %slice3A_337 : vector<64x256xf32>
      %slice3A_339 = vector.extract_strided_slice %dot_general3A_283 {offsets = [192, 0], sizes = [64, 256], strides = [1, 1]} : vector<256x256xf32> to vector<64x256xf32>
      %tanh3A_340 = math.tanh %slice3A_339 : vector<64x256xf32>
      %mul3A_341 = arith.constant 5.000000e-01 : f32
      %mul3A_342 = vector.broadcast %mul3A_341 : f32 to vector<64x256xf32>
      %mul3A_343 = arith.mulf %mul3A_342, %tanh3A_340 : vector<64x256xf32>
      %add3A_344 = arith.constant 5.000000e-01 : f32
      %add3A_345 = vector.broadcast %add3A_344 : f32 to vector<64x256xf32>
      %add3A_346 = arith.addf %mul3A_343, %add3A_345 : vector<64x256xf32>
      %mul3A_347 = arith.mulf %add3A_336, %add3A_195 : vector<64x256xf32>
      %mul3A_348 = arith.mulf %add3A_328, %tanh3A_338 : vector<64x256xf32>
      %add3A_349 = arith.addf %mul3A_347, %mul3A_348 : vector<64x256xf32>
      %tanh3A_350 = math.tanh %add3A_349 : vector<64x256xf32>
      %mul3A_351 = arith.mulf %add3A_346, %tanh3A_350 : vector<64x256xf32>
      %slice3A_352 = vector.extract_strided_slice %dot_general3A_286 {offsets = [0, 0], sizes = [64, 256], strides = [1, 1]} : vector<256x256xf32> to vector<64x256xf32>
      %tanh3A_353 = math.tanh %slice3A_352 : vector<64x256xf32>
      %mul3A_354 = arith.constant 5.000000e-01 : f32
      %mul3A_355 = vector.broadcast %mul3A_354 : f32 to vector<64x256xf32>
      %mul3A_356 = arith.mulf %mul3A_355, %tanh3A_353 : vector<64x256xf32>
      %add3A_357 = arith.constant 5.000000e-01 : f32
      %add3A_358 = vector.broadcast %add3A_357 : f32 to vector<64x256xf32>
      %add3A_359 = arith.addf %mul3A_356, %add3A_358 : vector<64x256xf32>
      %slice3A_360 = vector.extract_strided_slice %dot_general3A_286 {offsets = [64, 0], sizes = [64, 256], strides = [1, 1]} : vector<256x256xf32> to vector<64x256xf32>
      %tanh3A_361 = math.tanh %slice3A_360 : vector<64x256xf32>
      %mul3A_362 = arith.constant 5.000000e-01 : f32
      %mul3A_363 = vector.broadcast %mul3A_362 : f32 to vector<64x256xf32>
      %mul3A_364 = arith.mulf %mul3A_363, %tanh3A_361 : vector<64x256xf32>
      %add3A_365 = arith.constant 5.000000e-01 : f32
      %add3A_366 = vector.broadcast %add3A_365 : f32 to vector<64x256xf32>
      %add3A_367 = arith.addf %mul3A_364, %add3A_366 : vector<64x256xf32>
      %slice3A_368 = vector.extract_strided_slice %dot_general3A_286 {offsets = [128, 0], sizes = [64, 256], strides = [1, 1]} : vector<256x256xf32> to vector<64x256xf32>
      %tanh3A_369 = math.tanh %slice3A_368 : vector<64x256xf32>
      %slice3A_370 = vector.extract_strided_slice %dot_general3A_286 {offsets = [192, 0], sizes = [64, 256], strides = [1, 1]} : vector<256x256xf32> to vector<64x256xf32>
      %tanh3A_371 = math.tanh %slice3A_370 : vector<64x256xf32>
      %mul3A_372 = arith.constant 5.000000e-01 : f32
      %mul3A_373 = vector.broadcast %mul3A_372 : f32 to vector<64x256xf32>
      %mul3A_374 = arith.mulf %mul3A_373, %tanh3A_371 : vector<64x256xf32>
      %add3A_375 = arith.constant 5.000000e-01 : f32
      %add3A_376 = vector.broadcast %add3A_375 : f32 to vector<64x256xf32>
      %add3A_377 = arith.addf %mul3A_374, %add3A_376 : vector<64x256xf32>
      %mul3A_378 = arith.mulf %add3A_367, %add3A_226 : vector<64x256xf32>
      %mul3A_379 = arith.mulf %add3A_359, %tanh3A_369 : vector<64x256xf32>
      %add3A_380 = arith.addf %mul3A_378, %mul3A_379 : vector<64x256xf32>
      %tanh3A_381 = math.tanh %add3A_380 : vector<64x256xf32>
      %mul3A_382 = arith.mulf %add3A_377, %tanh3A_381 : vector<64x256xf32>
      %slice3A_383 = vector.extract_strided_slice %dot_general3A_289 {offsets = [0, 0], sizes = [64, 256], strides = [1, 1]} : vector<256x256xf32> to vector<64x256xf32>
      %tanh3A_384 = math.tanh %slice3A_383 : vector<64x256xf32>
      %mul3A_385 = arith.constant 5.000000e-01 : f32
      %mul3A_386 = vector.broadcast %mul3A_385 : f32 to vector<64x256xf32>
      %mul3A_387 = arith.mulf %mul3A_386, %tanh3A_384 : vector<64x256xf32>
      %add3A_388 = arith.constant 5.000000e-01 : f32
      %add3A_389 = vector.broadcast %add3A_388 : f32 to vector<64x256xf32>
      %add3A_390 = arith.addf %mul3A_387, %add3A_389 : vector<64x256xf32>
      %slice3A_391 = vector.extract_strided_slice %dot_general3A_289 {offsets = [64, 0], sizes = [64, 256], strides = [1, 1]} : vector<256x256xf32> to vector<64x256xf32>
      %tanh3A_392 = math.tanh %slice3A_391 : vector<64x256xf32>
      %mul3A_393 = arith.constant 5.000000e-01 : f32
      %mul3A_394 = vector.broadcast %mul3A_393 : f32 to vector<64x256xf32>
      %mul3A_395 = arith.mulf %mul3A_394, %tanh3A_392 : vector<64x256xf32>
      %add3A_396 = arith.constant 5.000000e-01 : f32
      %add3A_397 = vector.broadcast %add3A_396 : f32 to vector<64x256xf32>
      %add3A_398 = arith.addf %mul3A_395, %add3A_397 : vector<64x256xf32>
      %slice3A_399 = vector.extract_strided_slice %dot_general3A_289 {offsets = [128, 0], sizes = [64, 256], strides = [1, 1]} : vector<256x256xf32> to vector<64x256xf32>
      %tanh3A_400 = math.tanh %slice3A_399 : vector<64x256xf32>
      %slice3A_401 = vector.extract_strided_slice %dot_general3A_289 {offsets = [192, 0], sizes = [64, 256], strides = [1, 1]} : vector<256x256xf32> to vector<64x256xf32>
      %tanh3A_402 = math.tanh %slice3A_401 : vector<64x256xf32>
      %mul3A_403 = arith.constant 5.000000e-01 : f32
      %mul3A_404 = vector.broadcast %mul3A_403 : f32 to vector<64x256xf32>
      %mul3A_405 = arith.mulf %mul3A_404, %tanh3A_402 : vector<64x256xf32>
      %add3A_406 = arith.constant 5.000000e-01 : f32
      %add3A_407 = vector.broadcast %add3A_406 : f32 to vector<64x256xf32>
      %add3A_408 = arith.addf %mul3A_405, %add3A_407 : vector<64x256xf32>
      %mul3A_409 = arith.mulf %add3A_398, %add3A_257 : vector<64x256xf32>
      %mul3A_410 = arith.mulf %add3A_390, %tanh3A_400 : vector<64x256xf32>
      %add3A_411 = arith.addf %mul3A_409, %mul3A_410 : vector<64x256xf32>
      %tanh3A_412 = math.tanh %add3A_411 : vector<64x256xf32>
      %mul3A_413 = arith.mulf %add3A_408, %tanh3A_412 : vector<64x256xf32>
      %mul3A_414 = arith.constant 25 : i32
      %mul3A_415 = arith.muli %scan3A_100, %mul3A_414 : i32
      %add3A_416 = arith.constant 2 : i32
      %add3A_417 = arith.addi %mul3A_415, %add3A_416 : i32
      %mul3A_418 = arith.constant 8 : i32
      %mul3A_419 = arith.muli %add3A_417, %mul3A_418 : i32
      %get3A_420 = arith.index_cast %mul3A_419 : i32 to index
      %get3A_421 = arith.constant 0 : index
      %get3A_422 = vector.load %arg1[%get3A_420, %get3A_421] : memref<400x512xf32, #tpu.memory_space<vmem>>, vector<8x512xf32>
      %mul3A_423 = arith.constant 8 : i32
      %mul3A_424 = arith.muli %add3A_417, %mul3A_423 : i32
      %get3A_425 = arith.index_cast %mul3A_424 : i32 to index
      %get3A_426 = arith.constant 0 : index
      %get3A_427 = vector.load %arg2[%get3A_425, %get3A_426] : memref<400x512xf32, #tpu.memory_space<vmem>>, vector<8x512xf32>
      %slice3A_428 = vector.extract_strided_slice %get3A_422 {offsets = [0, 0], sizes = [8, 256], strides = [1, 1]} : vector<8x512xf32> to vector<8x256xf32>
      %slice3A_429 = vector.extract_strided_slice %get3A_422 {offsets = [0, 256], sizes = [8, 256], strides = [1, 1]} : vector<8x512xf32> to vector<8x256xf32>
      %slice3A_430 = vector.extract_strided_slice %get3A_427 {offsets = [0, 0], sizes = [8, 256], strides = [1, 1]} : vector<8x512xf32> to vector<8x256xf32>
      %slice3A_431 = vector.extract_strided_slice %get3A_427 {offsets = [0, 256], sizes = [8, 256], strides = [1, 1]} : vector<8x512xf32> to vector<8x256xf32>
      %concatenate3A_432 = tpu.concatenate %slice3A_428, %mul3A_320 in 0 : vector<8x256xf32>, vector<64x256xf32> -> vector<72x256xf32>
      %dot_general3A_433 = arith.constant dense<0.000000e+00> : vector<256x256xf32>
      %dot_general3A_434 = tpu.matmul %get3A_8, %concatenate3A_432, %dot_general3A_433 {dimension_numbers = #tpu.dot_dimension_numbers<[1], [0], [0], [1], [0, 0, 1, 1], [], []>, transpose_lhs_hint = false} : vector<256x72xf32>, vector<72x256xf32>, vector<256x256xf32> -> vector<256x256xf32>
      %concatenate3A_435 = tpu.concatenate %slice3A_429, %mul3A_351 in 0 : vector<8x256xf32>, vector<64x256xf32> -> vector<72x256xf32>
      %dot_general3A_436 = arith.constant dense<0.000000e+00> : vector<256x256xf32>
      %dot_general3A_437 = tpu.matmul %get3A_8, %concatenate3A_435, %dot_general3A_436 {dimension_numbers = #tpu.dot_dimension_numbers<[1], [0], [0], [1], [0, 0, 1, 1], [], []>, transpose_lhs_hint = false} : vector<256x72xf32>, vector<72x256xf32>, vector<256x256xf32> -> vector<256x256xf32>
      %concatenate3A_438 = tpu.concatenate %slice3A_430, %mul3A_382 in 0 : vector<8x256xf32>, vector<64x256xf32> -> vector<72x256xf32>
      %dot_general3A_439 = arith.constant dense<0.000000e+00> : vector<256x256xf32>
      %dot_general3A_440 = tpu.matmul %get3A_8, %concatenate3A_438, %dot_general3A_439 {dimension_numbers = #tpu.dot_dimension_numbers<[1], [0], [0], [1], [0, 0, 1, 1], [], []>, transpose_lhs_hint = false} : vector<256x72xf32>, vector<72x256xf32>, vector<256x256xf32> -> vector<256x256xf32>
      %concatenate3A_441 = tpu.concatenate %slice3A_431, %mul3A_413 in 0 : vector<8x256xf32>, vector<64x256xf32> -> vector<72x256xf32>
      %dot_general3A_442 = arith.constant dense<0.000000e+00> : vector<256x256xf32>
      %dot_general3A_443 = tpu.matmul %get3A_8, %concatenate3A_441, %dot_general3A_442 {dimension_numbers = #tpu.dot_dimension_numbers<[1], [0], [0], [1], [0, 0, 1, 1], [], []>, transpose_lhs_hint = false} : vector<256x72xf32>, vector<72x256xf32>, vector<256x256xf32> -> vector<256x256xf32>
      %slice3A_444 = vector.extract_strided_slice %dot_general3A_434 {offsets = [0, 0], sizes = [64, 256], strides = [1, 1]} : vector<256x256xf32> to vector<64x256xf32>
      %tanh3A_445 = math.tanh %slice3A_444 : vector<64x256xf32>
      %mul3A_446 = arith.constant 5.000000e-01 : f32
      %mul3A_447 = vector.broadcast %mul3A_446 : f32 to vector<64x256xf32>
      %mul3A_448 = arith.mulf %mul3A_447, %tanh3A_445 : vector<64x256xf32>
      %add3A_449 = arith.constant 5.000000e-01 : f32
      %add3A_450 = vector.broadcast %add3A_449 : f32 to vector<64x256xf32>
      %add3A_451 = arith.addf %mul3A_448, %add3A_450 : vector<64x256xf32>
      %slice3A_452 = vector.extract_strided_slice %dot_general3A_434 {offsets = [64, 0], sizes = [64, 256], strides = [1, 1]} : vector<256x256xf32> to vector<64x256xf32>
      %tanh3A_453 = math.tanh %slice3A_452 : vector<64x256xf32>
      %mul3A_454 = arith.constant 5.000000e-01 : f32
      %mul3A_455 = vector.broadcast %mul3A_454 : f32 to vector<64x256xf32>
      %mul3A_456 = arith.mulf %mul3A_455, %tanh3A_453 : vector<64x256xf32>
      %add3A_457 = arith.constant 5.000000e-01 : f32
      %add3A_458 = vector.broadcast %add3A_457 : f32 to vector<64x256xf32>
      %add3A_459 = arith.addf %mul3A_456, %add3A_458 : vector<64x256xf32>
      %slice3A_460 = vector.extract_strided_slice %dot_general3A_434 {offsets = [128, 0], sizes = [64, 256], strides = [1, 1]} : vector<256x256xf32> to vector<64x256xf32>
      %tanh3A_461 = math.tanh %slice3A_460 : vector<64x256xf32>
      %slice3A_462 = vector.extract_strided_slice %dot_general3A_434 {offsets = [192, 0], sizes = [64, 256], strides = [1, 1]} : vector<256x256xf32> to vector<64x256xf32>
      %tanh3A_463 = math.tanh %slice3A_462 : vector<64x256xf32>
      %mul3A_464 = arith.constant 5.000000e-01 : f32
      %mul3A_465 = vector.broadcast %mul3A_464 : f32 to vector<64x256xf32>
      %mul3A_466 = arith.mulf %mul3A_465, %tanh3A_463 : vector<64x256xf32>
      %add3A_467 = arith.constant 5.000000e-01 : f32
      %add3A_468 = vector.broadcast %add3A_467 : f32 to vector<64x256xf32>
      %add3A_469 = arith.addf %mul3A_466, %add3A_468 : vector<64x256xf32>
      %mul3A_470 = arith.mulf %add3A_459, %add3A_318 : vector<64x256xf32>
      %mul3A_471 = arith.mulf %add3A_451, %tanh3A_461 : vector<64x256xf32>
      %add3A_472 = arith.addf %mul3A_470, %mul3A_471 : vector<64x256xf32>
      %tanh3A_473 = math.tanh %add3A_472 : vector<64x256xf32>
      %mul3A_474 = arith.mulf %add3A_469, %tanh3A_473 : vector<64x256xf32>
      %slice3A_475 = vector.extract_strided_slice %dot_general3A_437 {offsets = [0, 0], sizes = [64, 256], strides = [1, 1]} : vector<256x256xf32> to vector<64x256xf32>
      %tanh3A_476 = math.tanh %slice3A_475 : vector<64x256xf32>
      %mul3A_477 = arith.constant 5.000000e-01 : f32
      %mul3A_478 = vector.broadcast %mul3A_477 : f32 to vector<64x256xf32>
      %mul3A_479 = arith.mulf %mul3A_478, %tanh3A_476 : vector<64x256xf32>
      %add3A_480 = arith.constant 5.000000e-01 : f32
      %add3A_481 = vector.broadcast %add3A_480 : f32 to vector<64x256xf32>
      %add3A_482 = arith.addf %mul3A_479, %add3A_481 : vector<64x256xf32>
      %slice3A_483 = vector.extract_strided_slice %dot_general3A_437 {offsets = [64, 0], sizes = [64, 256], strides = [1, 1]} : vector<256x256xf32> to vector<64x256xf32>
      %tanh3A_484 = math.tanh %slice3A_483 : vector<64x256xf32>
      %mul3A_485 = arith.constant 5.000000e-01 : f32
      %mul3A_486 = vector.broadcast %mul3A_485 : f32 to vector<64x256xf32>
      %mul3A_487 = arith.mulf %mul3A_486, %tanh3A_484 : vector<64x256xf32>
      %add3A_488 = arith.constant 5.000000e-01 : f32
      %add3A_489 = vector.broadcast %add3A_488 : f32 to vector<64x256xf32>
      %add3A_490 = arith.addf %mul3A_487, %add3A_489 : vector<64x256xf32>
      %slice3A_491 = vector.extract_strided_slice %dot_general3A_437 {offsets = [128, 0], sizes = [64, 256], strides = [1, 1]} : vector<256x256xf32> to vector<64x256xf32>
      %tanh3A_492 = math.tanh %slice3A_491 : vector<64x256xf32>
      %slice3A_493 = vector.extract_strided_slice %dot_general3A_437 {offsets = [192, 0], sizes = [64, 256], strides = [1, 1]} : vector<256x256xf32> to vector<64x256xf32>
      %tanh3A_494 = math.tanh %slice3A_493 : vector<64x256xf32>
      %mul3A_495 = arith.constant 5.000000e-01 : f32
      %mul3A_496 = vector.broadcast %mul3A_495 : f32 to vector<64x256xf32>
      %mul3A_497 = arith.mulf %mul3A_496, %tanh3A_494 : vector<64x256xf32>
      %add3A_498 = arith.constant 5.000000e-01 : f32
      %add3A_499 = vector.broadcast %add3A_498 : f32 to vector<64x256xf32>
      %add3A_500 = arith.addf %mul3A_497, %add3A_499 : vector<64x256xf32>
      %mul3A_501 = arith.mulf %add3A_490, %add3A_349 : vector<64x256xf32>
      %mul3A_502 = arith.mulf %add3A_482, %tanh3A_492 : vector<64x256xf32>
      %add3A_503 = arith.addf %mul3A_501, %mul3A_502 : vector<64x256xf32>
      %tanh3A_504 = math.tanh %add3A_503 : vector<64x256xf32>
      %mul3A_505 = arith.mulf %add3A_500, %tanh3A_504 : vector<64x256xf32>
      %slice3A_506 = vector.extract_strided_slice %dot_general3A_440 {offsets = [0, 0], sizes = [64, 256], strides = [1, 1]} : vector<256x256xf32> to vector<64x256xf32>
      %tanh3A_507 = math.tanh %slice3A_506 : vector<64x256xf32>
      %mul3A_508 = arith.constant 5.000000e-01 : f32
      %mul3A_509 = vector.broadcast %mul3A_508 : f32 to vector<64x256xf32>
      %mul3A_510 = arith.mulf %mul3A_509, %tanh3A_507 : vector<64x256xf32>
      %add3A_511 = arith.constant 5.000000e-01 : f32
      %add3A_512 = vector.broadcast %add3A_511 : f32 to vector<64x256xf32>
      %add3A_513 = arith.addf %mul3A_510, %add3A_512 : vector<64x256xf32>
      %slice3A_514 = vector.extract_strided_slice %dot_general3A_440 {offsets = [64, 0], sizes = [64, 256], strides = [1, 1]} : vector<256x256xf32> to vector<64x256xf32>
      %tanh3A_515 = math.tanh %slice3A_514 : vector<64x256xf32>
      %mul3A_516 = arith.constant 5.000000e-01 : f32
      %mul3A_517 = vector.broadcast %mul3A_516 : f32 to vector<64x256xf32>
      %mul3A_518 = arith.mulf %mul3A_517, %tanh3A_515 : vector<64x256xf32>
      %add3A_519 = arith.constant 5.000000e-01 : f32
      %add3A_520 = vector.broadcast %add3A_519 : f32 to vector<64x256xf32>
      %add3A_521 = arith.addf %mul3A_518, %add3A_520 : vector<64x256xf32>
      %slice3A_522 = vector.extract_strided_slice %dot_general3A_440 {offsets = [128, 0], sizes = [64, 256], strides = [1, 1]} : vector<256x256xf32> to vector<64x256xf32>
      %tanh3A_523 = math.tanh %slice3A_522 : vector<64x256xf32>
      %slice3A_524 = vector.extract_strided_slice %dot_general3A_440 {offsets = [192, 0], sizes = [64, 256], strides = [1, 1]} : vector<256x256xf32> to vector<64x256xf32>
      %tanh3A_525 = math.tanh %slice3A_524 : vector<64x256xf32>
      %mul3A_526 = arith.constant 5.000000e-01 : f32
      %mul3A_527 = vector.broadcast %mul3A_526 : f32 to vector<64x256xf32>
      %mul3A_528 = arith.mulf %mul3A_527, %tanh3A_525 : vector<64x256xf32>
      %add3A_529 = arith.constant 5.000000e-01 : f32
      %add3A_530 = vector.broadcast %add3A_529 : f32 to vector<64x256xf32>
      %add3A_531 = arith.addf %mul3A_528, %add3A_530 : vector<64x256xf32>
      %mul3A_532 = arith.mulf %add3A_521, %add3A_380 : vector<64x256xf32>
      %mul3A_533 = arith.mulf %add3A_513, %tanh3A_523 : vector<64x256xf32>
      %add3A_534 = arith.addf %mul3A_532, %mul3A_533 : vector<64x256xf32>
      %tanh3A_535 = math.tanh %add3A_534 : vector<64x256xf32>
      %mul3A_536 = arith.mulf %add3A_531, %tanh3A_535 : vector<64x256xf32>
      %slice3A_537 = vector.extract_strided_slice %dot_general3A_443 {offsets = [0, 0], sizes = [64, 256], strides = [1, 1]} : vector<256x256xf32> to vector<64x256xf32>
      %tanh3A_538 = math.tanh %slice3A_537 : vector<64x256xf32>
      %mul3A_539 = arith.constant 5.000000e-01 : f32
      %mul3A_540 = vector.broadcast %mul3A_539 : f32 to vector<64x256xf32>
      %mul3A_541 = arith.mulf %mul3A_540, %tanh3A_538 : vector<64x256xf32>
      %add3A_542 = arith.constant 5.000000e-01 : f32
      %add3A_543 = vector.broadcast %add3A_542 : f32 to vector<64x256xf32>
      %add3A_544 = arith.addf %mul3A_541, %add3A_543 : vector<64x256xf32>
      %slice3A_545 = vector.extract_strided_slice %dot_general3A_443 {offsets = [64, 0], sizes = [64, 256], strides = [1, 1]} : vector<256x256xf32> to vector<64x256xf32>
      %tanh3A_546 = math.tanh %slice3A_545 : vector<64x256xf32>
      %mul3A_547 = arith.constant 5.000000e-01 : f32
      %mul3A_548 = vector.broadcast %mul3A_547 : f32 to vector<64x256xf32>
      %mul3A_549 = arith.mulf %mul3A_548, %tanh3A_546 : vector<64x256xf32>
      %add3A_550 = arith.constant 5.000000e-01 : f32
      %add3A_551 = vector.broadcast %add3A_550 : f32 to vector<64x256xf32>
      %add3A_552 = arith.addf %mul3A_549, %add3A_551 : vector<64x256xf32>
      %slice3A_553 = vector.extract_strided_slice %dot_general3A_443 {offsets = [128, 0], sizes = [64, 256], strides = [1, 1]} : vector<256x256xf32> to vector<64x256xf32>
      %tanh3A_554 = math.tanh %slice3A_553 : vector<64x256xf32>
      %slice3A_555 = vector.extract_strided_slice %dot_general3A_443 {offsets = [192, 0], sizes = [64, 256], strides = [1, 1]} : vector<256x256xf32> to vector<64x256xf32>
      %tanh3A_556 = math.tanh %slice3A_555 : vector<64x256xf32>
      %mul3A_557 = arith.constant 5.000000e-01 : f32
      %mul3A_558 = vector.broadcast %mul3A_557 : f32 to vector<64x256xf32>
      %mul3A_559 = arith.mulf %mul3A_558, %tanh3A_556 : vector<64x256xf32>
      %add3A_560 = arith.constant 5.000000e-01 : f32
      %add3A_561 = vector.broadcast %add3A_560 : f32 to vector<64x256xf32>
      %add3A_562 = arith.addf %mul3A_559, %add3A_561 : vector<64x256xf32>
      %mul3A_563 = arith.mulf %add3A_552, %add3A_411 : vector<64x256xf32>
      %mul3A_564 = arith.mulf %add3A_544, %tanh3A_554 : vector<64x256xf32>
      %add3A_565 = arith.addf %mul3A_563, %mul3A_564 : vector<64x256xf32>
      %tanh3A_566 = math.tanh %add3A_565 : vector<64x256xf32>
      %mul3A_567 = arith.mulf %add3A_562, %tanh3A_566 : vector<64x256xf32>
      %mul3A_568 = arith.constant 25 : i32
      %mul3A_569 = arith.muli %scan3A_100, %mul3A_568 : i32
      %add3A_570 = arith.constant 3 : i32
      %add3A_571 = arith.addi %mul3A_569, %add3A_570 : i32
      %mul3A_572 = arith.constant 8 : i32
      %mul3A_573 = arith.muli %add3A_571, %mul3A_572 : i32
      %get3A_574 = arith.index_cast %mul3A_573 : i32 to index
      %get3A_575 = arith.constant 0 : index
      %get3A_576 = vector.load %arg1[%get3A_574, %get3A_575] : memref<400x512xf32, #tpu.memory_space<vmem>>, vector<8x512xf32>
      %mul3A_577 = arith.constant 8 : i32
      %mul3A_578 = arith.muli %add3A_571, %mul3A_577 : i32
      %get3A_579 = arith.index_cast %mul3A_578 : i32 to index
      %get3A_580 = arith.constant 0 : index
      %get3A_581 = vector.load %arg2[%get3A_579, %get3A_580] : memref<400x512xf32, #tpu.memory_space<vmem>>, vector<8x512xf32>
      %slice3A_582 = vector.extract_strided_slice %get3A_576 {offsets = [0, 0], sizes = [8, 256], strides = [1, 1]} : vector<8x512xf32> to vector<8x256xf32>
      %slice3A_583 = vector.extract_strided_slice %get3A_576 {offsets = [0, 256], sizes = [8, 256], strides = [1, 1]} : vector<8x512xf32> to vector<8x256xf32>
      %slice3A_584 = vector.extract_strided_slice %get3A_581 {offsets = [0, 0], sizes = [8, 256], strides = [1, 1]} : vector<8x512xf32> to vector<8x256xf32>
      %slice3A_585 = vector.extract_strided_slice %get3A_581 {offsets = [0, 256], sizes = [8, 256], strides = [1, 1]} : vector<8x512xf32> to vector<8x256xf32>
      %concatenate3A_586 = tpu.concatenate %slice3A_582, %mul3A_474 in 0 : vector<8x256xf32>, vector<64x256xf32> -> vector<72x256xf32>
      %dot_general3A_587 = arith.constant dense<0.000000e+00> : vector<256x256xf32>
      %dot_general3A_588 = tpu.matmul %get3A_8, %concatenate3A_586, %dot_general3A_587 {dimension_numbers = #tpu.dot_dimension_numbers<[1], [0], [0], [1], [0, 0, 1, 1], [], []>, transpose_lhs_hint = false} : vector<256x72xf32>, vector<72x256xf32>, vector<256x256xf32> -> vector<256x256xf32>
      %concatenate3A_589 = tpu.concatenate %slice3A_583, %mul3A_505 in 0 : vector<8x256xf32>, vector<64x256xf32> -> vector<72x256xf32>
      %dot_general3A_590 = arith.constant dense<0.000000e+00> : vector<256x256xf32>
      %dot_general3A_591 = tpu.matmul %get3A_8, %concatenate3A_589, %dot_general3A_590 {dimension_numbers = #tpu.dot_dimension_numbers<[1], [0], [0], [1], [0, 0, 1, 1], [], []>, transpose_lhs_hint = false} : vector<256x72xf32>, vector<72x256xf32>, vector<256x256xf32> -> vector<256x256xf32>
      %concatenate3A_592 = tpu.concatenate %slice3A_584, %mul3A_536 in 0 : vector<8x256xf32>, vector<64x256xf32> -> vector<72x256xf32>
      %dot_general3A_593 = arith.constant dense<0.000000e+00> : vector<256x256xf32>
      %dot_general3A_594 = tpu.matmul %get3A_8, %concatenate3A_592, %dot_general3A_593 {dimension_numbers = #tpu.dot_dimension_numbers<[1], [0], [0], [1], [0, 0, 1, 1], [], []>, transpose_lhs_hint = false} : vector<256x72xf32>, vector<72x256xf32>, vector<256x256xf32> -> vector<256x256xf32>
      %concatenate3A_595 = tpu.concatenate %slice3A_585, %mul3A_567 in 0 : vector<8x256xf32>, vector<64x256xf32> -> vector<72x256xf32>
      %dot_general3A_596 = arith.constant dense<0.000000e+00> : vector<256x256xf32>
      %dot_general3A_597 = tpu.matmul %get3A_8, %concatenate3A_595, %dot_general3A_596 {dimension_numbers = #tpu.dot_dimension_numbers<[1], [0], [0], [1], [0, 0, 1, 1], [], []>, transpose_lhs_hint = false} : vector<256x72xf32>, vector<72x256xf32>, vector<256x256xf32> -> vector<256x256xf32>
      %slice3A_598 = vector.extract_strided_slice %dot_general3A_588 {offsets = [0, 0], sizes = [64, 256], strides = [1, 1]} : vector<256x256xf32> to vector<64x256xf32>
      %tanh3A_599 = math.tanh %slice3A_598 : vector<64x256xf32>
      %mul3A_600 = arith.constant 5.000000e-01 : f32
      %mul3A_601 = vector.broadcast %mul3A_600 : f32 to vector<64x256xf32>
      %mul3A_602 = arith.mulf %mul3A_601, %tanh3A_599 : vector<64x256xf32>
      %add3A_603 = arith.constant 5.000000e-01 : f32
      %add3A_604 = vector.broadcast %add3A_603 : f32 to vector<64x256xf32>
      %add3A_605 = arith.addf %mul3A_602, %add3A_604 : vector<64x256xf32>
      %slice3A_606 = vector.extract_strided_slice %dot_general3A_588 {offsets = [64, 0], sizes = [64, 256], strides = [1, 1]} : vector<256x256xf32> to vector<64x256xf32>
      %tanh3A_607 = math.tanh %slice3A_606 : vector<64x256xf32>
      %mul3A_608 = arith.constant 5.000000e-01 : f32
      %mul3A_609 = vector.broadcast %mul3A_608 : f32 to vector<64x256xf32>
      %mul3A_610 = arith.mulf %mul3A_609, %tanh3A_607 : vector<64x256xf32>
      %add3A_611 = arith.constant 5.000000e-01 : f32
      %add3A_612 = vector.broadcast %add3A_611 : f32 to vector<64x256xf32>
      %add3A_613 = arith.addf %mul3A_610, %add3A_612 : vector<64x256xf32>
      %slice3A_614 = vector.extract_strided_slice %dot_general3A_588 {offsets = [128, 0], sizes = [64, 256], strides = [1, 1]} : vector<256x256xf32> to vector<64x256xf32>
      %tanh3A_615 = math.tanh %slice3A_614 : vector<64x256xf32>
      %slice3A_616 = vector.extract_strided_slice %dot_general3A_588 {offsets = [192, 0], sizes = [64, 256], strides = [1, 1]} : vector<256x256xf32> to vector<64x256xf32>
      %tanh3A_617 = math.tanh %slice3A_616 : vector<64x256xf32>
      %mul3A_618 = arith.constant 5.000000e-01 : f32
      %mul3A_619 = vector.broadcast %mul3A_618 : f32 to vector<64x256xf32>
      %mul3A_620 = arith.mulf %mul3A_619, %tanh3A_617 : vector<64x256xf32>
      %add3A_621 = arith.constant 5.000000e-01 : f32
      %add3A_622 = vector.broadcast %add3A_621 : f32 to vector<64x256xf32>
      %add3A_623 = arith.addf %mul3A_620, %add3A_622 : vector<64x256xf32>
      %mul3A_624 = arith.mulf %add3A_613, %add3A_472 : vector<64x256xf32>
      %mul3A_625 = arith.mulf %add3A_605, %tanh3A_615 : vector<64x256xf32>
      %add3A_626 = arith.addf %mul3A_624, %mul3A_625 : vector<64x256xf32>
      %tanh3A_627 = math.tanh %add3A_626 : vector<64x256xf32>
      %mul3A_628 = arith.mulf %add3A_623, %tanh3A_627 : vector<64x256xf32>
      %slice3A_629 = vector.extract_strided_slice %dot_general3A_591 {offsets = [0, 0], sizes = [64, 256], strides = [1, 1]} : vector<256x256xf32> to vector<64x256xf32>
      %tanh3A_630 = math.tanh %slice3A_629 : vector<64x256xf32>
      %mul3A_631 = arith.constant 5.000000e-01 : f32
      %mul3A_632 = vector.broadcast %mul3A_631 : f32 to vector<64x256xf32>
      %mul3A_633 = arith.mulf %mul3A_632, %tanh3A_630 : vector<64x256xf32>
      %add3A_634 = arith.constant 5.000000e-01 : f32
      %add3A_635 = vector.broadcast %add3A_634 : f32 to vector<64x256xf32>
      %add3A_636 = arith.addf %mul3A_633, %add3A_635 : vector<64x256xf32>
      %slice3A_637 = vector.extract_strided_slice %dot_general3A_591 {offsets = [64, 0], sizes = [64, 256], strides = [1, 1]} : vector<256x256xf32> to vector<64x256xf32>
      %tanh3A_638 = math.tanh %slice3A_637 : vector<64x256xf32>
      %mul3A_639 = arith.constant 5.000000e-01 : f32
      %mul3A_640 = vector.broadcast %mul3A_639 : f32 to vector<64x256xf32>
      %mul3A_641 = arith.mulf %mul3A_640, %tanh3A_638 : vector<64x256xf32>
      %add3A_642 = arith.constant 5.000000e-01 : f32
      %add3A_643 = vector.broadcast %add3A_642 : f32 to vector<64x256xf32>
      %add3A_644 = arith.addf %mul3A_641, %add3A_643 : vector<64x256xf32>
      %slice3A_645 = vector.extract_strided_slice %dot_general3A_591 {offsets = [128, 0], sizes = [64, 256], strides = [1, 1]} : vector<256x256xf32> to vector<64x256xf32>
      %tanh3A_646 = math.tanh %slice3A_645 : vector<64x256xf32>
      %slice3A_647 = vector.extract_strided_slice %dot_general3A_591 {offsets = [192, 0], sizes = [64, 256], strides = [1, 1]} : vector<256x256xf32> to vector<64x256xf32>
      %tanh3A_648 = math.tanh %slice3A_647 : vector<64x256xf32>
      %mul3A_649 = arith.constant 5.000000e-01 : f32
      %mul3A_650 = vector.broadcast %mul3A_649 : f32 to vector<64x256xf32>
      %mul3A_651 = arith.mulf %mul3A_650, %tanh3A_648 : vector<64x256xf32>
      %add3A_652 = arith.constant 5.000000e-01 : f32
      %add3A_653 = vector.broadcast %add3A_652 : f32 to vector<64x256xf32>
      %add3A_654 = arith.addf %mul3A_651, %add3A_653 : vector<64x256xf32>
      %mul3A_655 = arith.mulf %add3A_644, %add3A_503 : vector<64x256xf32>
      %mul3A_656 = arith.mulf %add3A_636, %tanh3A_646 : vector<64x256xf32>
      %add3A_657 = arith.addf %mul3A_655, %mul3A_656 : vector<64x256xf32>
      %tanh3A_658 = math.tanh %add3A_657 : vector<64x256xf32>
      %mul3A_659 = arith.mulf %add3A_654, %tanh3A_658 : vector<64x256xf32>
      %slice3A_660 = vector.extract_strided_slice %dot_general3A_594 {offsets = [0, 0], sizes = [64, 256], strides = [1, 1]} : vector<256x256xf32> to vector<64x256xf32>
      %tanh3A_661 = math.tanh %slice3A_660 : vector<64x256xf32>
      %mul3A_662 = arith.constant 5.000000e-01 : f32
      %mul3A_663 = vector.broadcast %mul3A_662 : f32 to vector<64x256xf32>
      %mul3A_664 = arith.mulf %mul3A_663, %tanh3A_661 : vector<64x256xf32>
      %add3A_665 = arith.constant 5.000000e-01 : f32
      %add3A_666 = vector.broadcast %add3A_665 : f32 to vector<64x256xf32>
      %add3A_667 = arith.addf %mul3A_664, %add3A_666 : vector<64x256xf32>
      %slice3A_668 = vector.extract_strided_slice %dot_general3A_594 {offsets = [64, 0], sizes = [64, 256], strides = [1, 1]} : vector<256x256xf32> to vector<64x256xf32>
      %tanh3A_669 = math.tanh %slice3A_668 : vector<64x256xf32>
      %mul3A_670 = arith.constant 5.000000e-01 : f32
      %mul3A_671 = vector.broadcast %mul3A_670 : f32 to vector<64x256xf32>
      %mul3A_672 = arith.mulf %mul3A_671, %tanh3A_669 : vector<64x256xf32>
      %add3A_673 = arith.constant 5.000000e-01 : f32
      %add3A_674 = vector.broadcast %add3A_673 : f32 to vector<64x256xf32>
      %add3A_675 = arith.addf %mul3A_672, %add3A_674 : vector<64x256xf32>
      %slice3A_676 = vector.extract_strided_slice %dot_general3A_594 {offsets = [128, 0], sizes = [64, 256], strides = [1, 1]} : vector<256x256xf32> to vector<64x256xf32>
      %tanh3A_677 = math.tanh %slice3A_676 : vector<64x256xf32>
      %slice3A_678 = vector.extract_strided_slice %dot_general3A_594 {offsets = [192, 0], sizes = [64, 256], strides = [1, 1]} : vector<256x256xf32> to vector<64x256xf32>
      %tanh3A_679 = math.tanh %slice3A_678 : vector<64x256xf32>
      %mul3A_680 = arith.constant 5.000000e-01 : f32
      %mul3A_681 = vector.broadcast %mul3A_680 : f32 to vector<64x256xf32>
      %mul3A_682 = arith.mulf %mul3A_681, %tanh3A_679 : vector<64x256xf32>
      %add3A_683 = arith.constant 5.000000e-01 : f32
      %add3A_684 = vector.broadcast %add3A_683 : f32 to vector<64x256xf32>
      %add3A_685 = arith.addf %mul3A_682, %add3A_684 : vector<64x256xf32>
      %mul3A_686 = arith.mulf %add3A_675, %add3A_534 : vector<64x256xf32>
      %mul3A_687 = arith.mulf %add3A_667, %tanh3A_677 : vector<64x256xf32>
      %add3A_688 = arith.addf %mul3A_686, %mul3A_687 : vector<64x256xf32>
      %tanh3A_689 = math.tanh %add3A_688 : vector<64x256xf32>
      %mul3A_690 = arith.mulf %add3A_685, %tanh3A_689 : vector<64x256xf32>
      %slice3A_691 = vector.extract_strided_slice %dot_general3A_597 {offsets = [0, 0], sizes = [64, 256], strides = [1, 1]} : vector<256x256xf32> to vector<64x256xf32>
      %tanh3A_692 = math.tanh %slice3A_691 : vector<64x256xf32>
      %mul3A_693 = arith.constant 5.000000e-01 : f32
      %mul3A_694 = vector.broadcast %mul3A_693 : f32 to vector<64x256xf32>
      %mul3A_695 = arith.mulf %mul3A_694, %tanh3A_692 : vector<64x256xf32>
      %add3A_696 = arith.constant 5.000000e-01 : f32
      %add3A_697 = vector.broadcast %add3A_696 : f32 to vector<64x256xf32>
      %add3A_698 = arith.addf %mul3A_695, %add3A_697 : vector<64x256xf32>
      %slice3A_699 = vector.extract_strided_slice %dot_general3A_597 {offsets = [64, 0], sizes = [64, 256], strides = [1, 1]} : vector<256x256xf32> to vector<64x256xf32>
      %tanh3A_700 = math.tanh %slice3A_699 : vector<64x256xf32>
      %mul3A_701 = arith.constant 5.000000e-01 : f32
      %mul3A_702 = vector.broadcast %mul3A_701 : f32 to vector<64x256xf32>
      %mul3A_703 = arith.mulf %mul3A_702, %tanh3A_700 : vector<64x256xf32>
      %add3A_704 = arith.constant 5.000000e-01 : f32
      %add3A_705 = vector.broadcast %add3A_704 : f32 to vector<64x256xf32>
      %add3A_706 = arith.addf %mul3A_703, %add3A_705 : vector<64x256xf32>
      %slice3A_707 = vector.extract_strided_slice %dot_general3A_597 {offsets = [128, 0], sizes = [64, 256], strides = [1, 1]} : vector<256x256xf32> to vector<64x256xf32>
      %tanh3A_708 = math.tanh %slice3A_707 : vector<64x256xf32>
      %slice3A_709 = vector.extract_strided_slice %dot_general3A_597 {offsets = [192, 0], sizes = [64, 256], strides = [1, 1]} : vector<256x256xf32> to vector<64x256xf32>
      %tanh3A_710 = math.tanh %slice3A_709 : vector<64x256xf32>
      %mul3A_711 = arith.constant 5.000000e-01 : f32
      %mul3A_712 = vector.broadcast %mul3A_711 : f32 to vector<64x256xf32>
      %mul3A_713 = arith.mulf %mul3A_712, %tanh3A_710 : vector<64x256xf32>
      %add3A_714 = arith.constant 5.000000e-01 : f32
      %add3A_715 = vector.broadcast %add3A_714 : f32 to vector<64x256xf32>
      %add3A_716 = arith.addf %mul3A_713, %add3A_715 : vector<64x256xf32>
      %mul3A_717 = arith.mulf %add3A_706, %add3A_565 : vector<64x256xf32>
      %mul3A_718 = arith.mulf %add3A_698, %tanh3A_708 : vector<64x256xf32>
      %add3A_719 = arith.addf %mul3A_717, %mul3A_718 : vector<64x256xf32>
      %tanh3A_720 = math.tanh %add3A_719 : vector<64x256xf32>
      %mul3A_721 = arith.mulf %add3A_716, %tanh3A_720 : vector<64x256xf32>
      %mul3A_722 = arith.constant 25 : i32
      %mul3A_723 = arith.muli %scan3A_100, %mul3A_722 : i32
      %add3A_724 = arith.constant 4 : i32
      %add3A_725 = arith.addi %mul3A_723, %add3A_724 : i32
      %mul3A_726 = arith.constant 8 : i32
      %mul3A_727 = arith.muli %add3A_725, %mul3A_726 : i32
      %get3A_728 = arith.index_cast %mul3A_727 : i32 to index
      %get3A_729 = arith.constant 0 : index
      %get3A_730 = vector.load %arg1[%get3A_728, %get3A_729] : memref<400x512xf32, #tpu.memory_space<vmem>>, vector<8x512xf32>
      %mul3A_731 = arith.constant 8 : i32
      %mul3A_732 = arith.muli %add3A_725, %mul3A_731 : i32
      %get3A_733 = arith.index_cast %mul3A_732 : i32 to index
      %get3A_734 = arith.constant 0 : index
      %get3A_735 = vector.load %arg2[%get3A_733, %get3A_734] : memref<400x512xf32, #tpu.memory_space<vmem>>, vector<8x512xf32>
      %slice3A_736 = vector.extract_strided_slice %get3A_730 {offsets = [0, 0], sizes = [8, 256], strides = [1, 1]} : vector<8x512xf32> to vector<8x256xf32>
      %slice3A_737 = vector.extract_strided_slice %get3A_730 {offsets = [0, 256], sizes = [8, 256], strides = [1, 1]} : vector<8x512xf32> to vector<8x256xf32>
      %slice3A_738 = vector.extract_strided_slice %get3A_735 {offsets = [0, 0], sizes = [8, 256], strides = [1, 1]} : vector<8x512xf32> to vector<8x256xf32>
      %slice3A_739 = vector.extract_strided_slice %get3A_735 {offsets = [0, 256], sizes = [8, 256], strides = [1, 1]} : vector<8x512xf32> to vector<8x256xf32>
      %concatenate3A_740 = tpu.concatenate %slice3A_736, %mul3A_628 in 0 : vector<8x256xf32>, vector<64x256xf32> -> vector<72x256xf32>
      %dot_general3A_741 = arith.constant dense<0.000000e+00> : vector<256x256xf32>
      %dot_general3A_742 = tpu.matmul %get3A_8, %concatenate3A_740, %dot_general3A_741 {dimension_numbers = #tpu.dot_dimension_numbers<[1], [0], [0], [1], [0, 0, 1, 1], [], []>, transpose_lhs_hint = false} : vector<256x72xf32>, vector<72x256xf32>, vector<256x256xf32> -> vector<256x256xf32>
      %concatenate3A_743 = tpu.concatenate %slice3A_737, %mul3A_659 in 0 : vector<8x256xf32>, vector<64x256xf32> -> vector<72x256xf32>
      %dot_general3A_744 = arith.constant dense<0.000000e+00> : vector<256x256xf32>
      %dot_general3A_745 = tpu.matmul %get3A_8, %concatenate3A_743, %dot_general3A_744 {dimension_numbers = #tpu.dot_dimension_numbers<[1], [0], [0], [1], [0, 0, 1, 1], [], []>, transpose_lhs_hint = false} : vector<256x72xf32>, vector<72x256xf32>, vector<256x256xf32> -> vector<256x256xf32>
      %concatenate3A_746 = tpu.concatenate %slice3A_738, %mul3A_690 in 0 : vector<8x256xf32>, vector<64x256xf32> -> vector<72x256xf32>
      %dot_general3A_747 = arith.constant dense<0.000000e+00> : vector<256x256xf32>
      %dot_general3A_748 = tpu.matmul %get3A_8, %concatenate3A_746, %dot_general3A_747 {dimension_numbers = #tpu.dot_dimension_numbers<[1], [0], [0], [1], [0, 0, 1, 1], [], []>, transpose_lhs_hint = false} : vector<256x72xf32>, vector<72x256xf32>, vector<256x256xf32> -> vector<256x256xf32>
      %concatenate3A_749 = tpu.concatenate %slice3A_739, %mul3A_721 in 0 : vector<8x256xf32>, vector<64x256xf32> -> vector<72x256xf32>
      %dot_general3A_750 = arith.constant dense<0.000000e+00> : vector<256x256xf32>
      %dot_general3A_751 = tpu.matmul %get3A_8, %concatenate3A_749, %dot_general3A_750 {dimension_numbers = #tpu.dot_dimension_numbers<[1], [0], [0], [1], [0, 0, 1, 1], [], []>, transpose_lhs_hint = false} : vector<256x72xf32>, vector<72x256xf32>, vector<256x256xf32> -> vector<256x256xf32>
      %slice3A_752 = vector.extract_strided_slice %dot_general3A_742 {offsets = [0, 0], sizes = [64, 256], strides = [1, 1]} : vector<256x256xf32> to vector<64x256xf32>
      %tanh3A_753 = math.tanh %slice3A_752 : vector<64x256xf32>
      %mul3A_754 = arith.constant 5.000000e-01 : f32
      %mul3A_755 = vector.broadcast %mul3A_754 : f32 to vector<64x256xf32>
      %mul3A_756 = arith.mulf %mul3A_755, %tanh3A_753 : vector<64x256xf32>
      %add3A_757 = arith.constant 5.000000e-01 : f32
      %add3A_758 = vector.broadcast %add3A_757 : f32 to vector<64x256xf32>
      %add3A_759 = arith.addf %mul3A_756, %add3A_758 : vector<64x256xf32>
      %slice3A_760 = vector.extract_strided_slice %dot_general3A_742 {offsets = [64, 0], sizes = [64, 256], strides = [1, 1]} : vector<256x256xf32> to vector<64x256xf32>
      %tanh3A_761 = math.tanh %slice3A_760 : vector<64x256xf32>
      %mul3A_762 = arith.constant 5.000000e-01 : f32
      %mul3A_763 = vector.broadcast %mul3A_762 : f32 to vector<64x256xf32>
      %mul3A_764 = arith.mulf %mul3A_763, %tanh3A_761 : vector<64x256xf32>
      %add3A_765 = arith.constant 5.000000e-01 : f32
      %add3A_766 = vector.broadcast %add3A_765 : f32 to vector<64x256xf32>
      %add3A_767 = arith.addf %mul3A_764, %add3A_766 : vector<64x256xf32>
      %slice3A_768 = vector.extract_strided_slice %dot_general3A_742 {offsets = [128, 0], sizes = [64, 256], strides = [1, 1]} : vector<256x256xf32> to vector<64x256xf32>
      %tanh3A_769 = math.tanh %slice3A_768 : vector<64x256xf32>
      %slice3A_770 = vector.extract_strided_slice %dot_general3A_742 {offsets = [192, 0], sizes = [64, 256], strides = [1, 1]} : vector<256x256xf32> to vector<64x256xf32>
      %tanh3A_771 = math.tanh %slice3A_770 : vector<64x256xf32>
      %mul3A_772 = arith.constant 5.000000e-01 : f32
      %mul3A_773 = vector.broadcast %mul3A_772 : f32 to vector<64x256xf32>
      %mul3A_774 = arith.mulf %mul3A_773, %tanh3A_771 : vector<64x256xf32>
      %add3A_775 = arith.constant 5.000000e-01 : f32
      %add3A_776 = vector.broadcast %add3A_775 : f32 to vector<64x256xf32>
      %add3A_777 = arith.addf %mul3A_774, %add3A_776 : vector<64x256xf32>
      %mul3A_778 = arith.mulf %add3A_767, %add3A_626 : vector<64x256xf32>
      %mul3A_779 = arith.mulf %add3A_759, %tanh3A_769 : vector<64x256xf32>
      %add3A_780 = arith.addf %mul3A_778, %mul3A_779 : vector<64x256xf32>
      %tanh3A_781 = math.tanh %add3A_780 : vector<64x256xf32>
      %mul3A_782 = arith.mulf %add3A_777, %tanh3A_781 : vector<64x256xf32>
      %slice3A_783 = vector.extract_strided_slice %dot_general3A_745 {offsets = [0, 0], sizes = [64, 256], strides = [1, 1]} : vector<256x256xf32> to vector<64x256xf32>
      %tanh3A_784 = math.tanh %slice3A_783 : vector<64x256xf32>
      %mul3A_785 = arith.constant 5.000000e-01 : f32
      %mul3A_786 = vector.broadcast %mul3A_785 : f32 to vector<64x256xf32>
      %mul3A_787 = arith.mulf %mul3A_786, %tanh3A_784 : vector<64x256xf32>
      %add3A_788 = arith.constant 5.000000e-01 : f32
      %add3A_789 = vector.broadcast %add3A_788 : f32 to vector<64x256xf32>
      %add3A_790 = arith.addf %mul3A_787, %add3A_789 : vector<64x256xf32>
      %slice3A_791 = vector.extract_strided_slice %dot_general3A_745 {offsets = [64, 0], sizes = [64, 256], strides = [1, 1]} : vector<256x256xf32> to vector<64x256xf32>
      %tanh3A_792 = math.tanh %slice3A_791 : vector<64x256xf32>
      %mul3A_793 = arith.constant 5.000000e-01 : f32
      %mul3A_794 = vector.broadcast %mul3A_793 : f32 to vector<64x256xf32>
      %mul3A_795 = arith.mulf %mul3A_794, %tanh3A_792 : vector<64x256xf32>
      %add3A_796 = arith.constant 5.000000e-01 : f32
      %add3A_797 = vector.broadcast %add3A_796 : f32 to vector<64x256xf32>
      %add3A_798 = arith.addf %mul3A_795, %add3A_797 : vector<64x256xf32>
      %slice3A_799 = vector.extract_strided_slice %dot_general3A_745 {offsets = [128, 0], sizes = [64, 256], strides = [1, 1]} : vector<256x256xf32> to vector<64x256xf32>
      %tanh3A_800 = math.tanh %slice3A_799 : vector<64x256xf32>
      %slice3A_801 = vector.extract_strided_slice %dot_general3A_745 {offsets = [192, 0], sizes = [64, 256], strides = [1, 1]} : vector<256x256xf32> to vector<64x256xf32>
      %tanh3A_802 = math.tanh %slice3A_801 : vector<64x256xf32>
      %mul3A_803 = arith.constant 5.000000e-01 : f32
      %mul3A_804 = vector.broadcast %mul3A_803 : f32 to vector<64x256xf32>
      %mul3A_805 = arith.mulf %mul3A_804, %tanh3A_802 : vector<64x256xf32>
      %add3A_806 = arith.constant 5.000000e-01 : f32
      %add3A_807 = vector.broadcast %add3A_806 : f32 to vector<64x256xf32>
      %add3A_808 = arith.addf %mul3A_805, %add3A_807 : vector<64x256xf32>
      %mul3A_809 = arith.mulf %add3A_798, %add3A_657 : vector<64x256xf32>
      %mul3A_810 = arith.mulf %add3A_790, %tanh3A_800 : vector<64x256xf32>
      %add3A_811 = arith.addf %mul3A_809, %mul3A_810 : vector<64x256xf32>
      %tanh3A_812 = math.tanh %add3A_811 : vector<64x256xf32>
      %mul3A_813 = arith.mulf %add3A_808, %tanh3A_812 : vector<64x256xf32>
      %slice3A_814 = vector.extract_strided_slice %dot_general3A_748 {offsets = [0, 0], sizes = [64, 256], strides = [1, 1]} : vector<256x256xf32> to vector<64x256xf32>
      %tanh3A_815 = math.tanh %slice3A_814 : vector<64x256xf32>
      %mul3A_816 = arith.constant 5.000000e-01 : f32
      %mul3A_817 = vector.broadcast %mul3A_816 : f32 to vector<64x256xf32>
      %mul3A_818 = arith.mulf %mul3A_817, %tanh3A_815 : vector<64x256xf32>
      %add3A_819 = arith.constant 5.000000e-01 : f32
      %add3A_820 = vector.broadcast %add3A_819 : f32 to vector<64x256xf32>
      %add3A_821 = arith.addf %mul3A_818, %add3A_820 : vector<64x256xf32>
      %slice3A_822 = vector.extract_strided_slice %dot_general3A_748 {offsets = [64, 0], sizes = [64, 256], strides = [1, 1]} : vector<256x256xf32> to vector<64x256xf32>
      %tanh3A_823 = math.tanh %slice3A_822 : vector<64x256xf32>
      %mul3A_824 = arith.constant 5.000000e-01 : f32
      %mul3A_825 = vector.broadcast %mul3A_824 : f32 to vector<64x256xf32>
      %mul3A_826 = arith.mulf %mul3A_825, %tanh3A_823 : vector<64x256xf32>
      %add3A_827 = arith.constant 5.000000e-01 : f32
      %add3A_828 = vector.broadcast %add3A_827 : f32 to vector<64x256xf32>
      %add3A_829 = arith.addf %mul3A_826, %add3A_828 : vector<64x256xf32>
      %slice3A_830 = vector.extract_strided_slice %dot_general3A_748 {offsets = [128, 0], sizes = [64, 256], strides = [1, 1]} : vector<256x256xf32> to vector<64x256xf32>
      %tanh3A_831 = math.tanh %slice3A_830 : vector<64x256xf32>
      %slice3A_832 = vector.extract_strided_slice %dot_general3A_748 {offsets = [192, 0], sizes = [64, 256], strides = [1, 1]} : vector<256x256xf32> to vector<64x256xf32>
      %tanh3A_833 = math.tanh %slice3A_832 : vector<64x256xf32>
      %mul3A_834 = arith.constant 5.000000e-01 : f32
      %mul3A_835 = vector.broadcast %mul3A_834 : f32 to vector<64x256xf32>
      %mul3A_836 = arith.mulf %mul3A_835, %tanh3A_833 : vector<64x256xf32>
      %add3A_837 = arith.constant 5.000000e-01 : f32
      %add3A_838 = vector.broadcast %add3A_837 : f32 to vector<64x256xf32>
      %add3A_839 = arith.addf %mul3A_836, %add3A_838 : vector<64x256xf32>
      %mul3A_840 = arith.mulf %add3A_829, %add3A_688 : vector<64x256xf32>
      %mul3A_841 = arith.mulf %add3A_821, %tanh3A_831 : vector<64x256xf32>
      %add3A_842 = arith.addf %mul3A_840, %mul3A_841 : vector<64x256xf32>
      %tanh3A_843 = math.tanh %add3A_842 : vector<64x256xf32>
      %mul3A_844 = arith.mulf %add3A_839, %tanh3A_843 : vector<64x256xf32>
      %slice3A_845 = vector.extract_strided_slice %dot_general3A_751 {offsets = [0, 0], sizes = [64, 256], strides = [1, 1]} : vector<256x256xf32> to vector<64x256xf32>
      %tanh3A_846 = math.tanh %slice3A_845 : vector<64x256xf32>
      %mul3A_847 = arith.constant 5.000000e-01 : f32
      %mul3A_848 = vector.broadcast %mul3A_847 : f32 to vector<64x256xf32>
      %mul3A_849 = arith.mulf %mul3A_848, %tanh3A_846 : vector<64x256xf32>
      %add3A_850 = arith.constant 5.000000e-01 : f32
      %add3A_851 = vector.broadcast %add3A_850 : f32 to vector<64x256xf32>
      %add3A_852 = arith.addf %mul3A_849, %add3A_851 : vector<64x256xf32>
      %slice3A_853 = vector.extract_strided_slice %dot_general3A_751 {offsets = [64, 0], sizes = [64, 256], strides = [1, 1]} : vector<256x256xf32> to vector<64x256xf32>
      %tanh3A_854 = math.tanh %slice3A_853 : vector<64x256xf32>
      %mul3A_855 = arith.constant 5.000000e-01 : f32
      %mul3A_856 = vector.broadcast %mul3A_855 : f32 to vector<64x256xf32>
      %mul3A_857 = arith.mulf %mul3A_856, %tanh3A_854 : vector<64x256xf32>
      %add3A_858 = arith.constant 5.000000e-01 : f32
      %add3A_859 = vector.broadcast %add3A_858 : f32 to vector<64x256xf32>
      %add3A_860 = arith.addf %mul3A_857, %add3A_859 : vector<64x256xf32>
      %slice3A_861 = vector.extract_strided_slice %dot_general3A_751 {offsets = [128, 0], sizes = [64, 256], strides = [1, 1]} : vector<256x256xf32> to vector<64x256xf32>
      %tanh3A_862 = math.tanh %slice3A_861 : vector<64x256xf32>
      %slice3A_863 = vector.extract_strided_slice %dot_general3A_751 {offsets = [192, 0], sizes = [64, 256], strides = [1, 1]} : vector<256x256xf32> to vector<64x256xf32>
      %tanh3A_864 = math.tanh %slice3A_863 : vector<64x256xf32>
      %mul3A_865 = arith.constant 5.000000e-01 : f32
      %mul3A_866 = vector.broadcast %mul3A_865 : f32 to vector<64x256xf32>
      %mul3A_867 = arith.mulf %mul3A_866, %tanh3A_864 : vector<64x256xf32>
      %add3A_868 = arith.constant 5.000000e-01 : f32
      %add3A_869 = vector.broadcast %add3A_868 : f32 to vector<64x256xf32>
      %add3A_870 = arith.addf %mul3A_867, %add3A_869 : vector<64x256xf32>
      %mul3A_871 = arith.mulf %add3A_860, %add3A_719 : vector<64x256xf32>
      %mul3A_872 = arith.mulf %add3A_852, %tanh3A_862 : vector<64x256xf32>
      %add3A_873 = arith.addf %mul3A_871, %mul3A_872 : vector<64x256xf32>
      %tanh3A_874 = math.tanh %add3A_873 : vector<64x256xf32>
      %mul3A_875 = arith.mulf %add3A_870, %tanh3A_874 : vector<64x256xf32>
      %mul3A_876 = arith.constant 25 : i32
      %mul3A_877 = arith.muli %scan3A_100, %mul3A_876 : i32
      %add3A_878 = arith.constant 5 : i32
      %add3A_879 = arith.addi %mul3A_877, %add3A_878 : i32
      %mul3A_880 = arith.constant 8 : i32
      %mul3A_881 = arith.muli %add3A_879, %mul3A_880 : i32
      %get3A_882 = arith.index_cast %mul3A_881 : i32 to index
      %get3A_883 = arith.constant 0 : index
      %get3A_884 = vector.load %arg1[%get3A_882, %get3A_883] : memref<400x512xf32, #tpu.memory_space<vmem>>, vector<8x512xf32>
      %mul3A_885 = arith.constant 8 : i32
      %mul3A_886 = arith.muli %add3A_879, %mul3A_885 : i32
      %get3A_887 = arith.index_cast %mul3A_886 : i32 to index
      %get3A_888 = arith.constant 0 : index
      %get3A_889 = vector.load %arg2[%get3A_887, %get3A_888] : memref<400x512xf32, #tpu.memory_space<vmem>>, vector<8x512xf32>
      %slice3A_890 = vector.extract_strided_slice %get3A_884 {offsets = [0, 0], sizes = [8, 256], strides = [1, 1]} : vector<8x512xf32> to vector<8x256xf32>
      %slice3A_891 = vector.extract_strided_slice %get3A_884 {offsets = [0, 256], sizes = [8, 256], strides = [1, 1]} : vector<8x512xf32> to vector<8x256xf32>
      %slice3A_892 = vector.extract_strided_slice %get3A_889 {offsets = [0, 0], sizes = [8, 256], strides = [1, 1]} : vector<8x512xf32> to vector<8x256xf32>
      %slice3A_893 = vector.extract_strided_slice %get3A_889 {offsets = [0, 256], sizes = [8, 256], strides = [1, 1]} : vector<8x512xf32> to vector<8x256xf32>
      %concatenate3A_894 = tpu.concatenate %slice3A_890, %mul3A_782 in 0 : vector<8x256xf32>, vector<64x256xf32> -> vector<72x256xf32>
      %dot_general3A_895 = arith.constant dense<0.000000e+00> : vector<256x256xf32>
      %dot_general3A_896 = tpu.matmul %get3A_8, %concatenate3A_894, %dot_general3A_895 {dimension_numbers = #tpu.dot_dimension_numbers<[1], [0], [0], [1], [0, 0, 1, 1], [], []>, transpose_lhs_hint = false} : vector<256x72xf32>, vector<72x256xf32>, vector<256x256xf32> -> vector<256x256xf32>
      %concatenate3A_897 = tpu.concatenate %slice3A_891, %mul3A_813 in 0 : vector<8x256xf32>, vector<64x256xf32> -> vector<72x256xf32>
      %dot_general3A_898 = arith.constant dense<0.000000e+00> : vector<256x256xf32>
      %dot_general3A_899 = tpu.matmul %get3A_8, %concatenate3A_897, %dot_general3A_898 {dimension_numbers = #tpu.dot_dimension_numbers<[1], [0], [0], [1], [0, 0, 1, 1], [], []>, transpose_lhs_hint = false} : vector<256x72xf32>, vector<72x256xf32>, vector<256x256xf32> -> vector<256x256xf32>
      %concatenate3A_900 = tpu.concatenate %slice3A_892, %mul3A_844 in 0 : vector<8x256xf32>, vector<64x256xf32> -> vector<72x256xf32>
      %dot_general3A_901 = arith.constant dense<0.000000e+00> : vector<256x256xf32>
      %dot_general3A_902 = tpu.matmul %get3A_8, %concatenate3A_900, %dot_general3A_901 {dimension_numbers = #tpu.dot_dimension_numbers<[1], [0], [0], [1], [0, 0, 1, 1], [], []>, transpose_lhs_hint = false} : vector<256x72xf32>, vector<72x256xf32>, vector<256x256xf32> -> vector<256x256xf32>
      %concatenate3A_903 = tpu.concatenate %slice3A_893, %mul3A_875 in 0 : vector<8x256xf32>, vector<64x256xf32> -> vector<72x256xf32>
      %dot_general3A_904 = arith.constant dense<0.000000e+00> : vector<256x256xf32>
      %dot_general3A_905 = tpu.matmul %get3A_8, %concatenate3A_903, %dot_general3A_904 {dimension_numbers = #tpu.dot_dimension_numbers<[1], [0], [0], [1], [0, 0, 1, 1], [], []>, transpose_lhs_hint = false} : vector<256x72xf32>, vector<72x256xf32>, vector<256x256xf32> -> vector<256x256xf32>
      %slice3A_906 = vector.extract_strided_slice %dot_general3A_896 {offsets = [0, 0], sizes = [64, 256], strides = [1, 1]} : vector<256x256xf32> to vector<64x256xf32>
      %tanh3A_907 = math.tanh %slice3A_906 : vector<64x256xf32>
      %mul3A_908 = arith.constant 5.000000e-01 : f32
      %mul3A_909 = vector.broadcast %mul3A_908 : f32 to vector<64x256xf32>
      %mul3A_910 = arith.mulf %mul3A_909, %tanh3A_907 : vector<64x256xf32>
      %add3A_911 = arith.constant 5.000000e-01 : f32
      %add3A_912 = vector.broadcast %add3A_911 : f32 to vector<64x256xf32>
      %add3A_913 = arith.addf %mul3A_910, %add3A_912 : vector<64x256xf32>
      %slice3A_914 = vector.extract_strided_slice %dot_general3A_896 {offsets = [64, 0], sizes = [64, 256], strides = [1, 1]} : vector<256x256xf32> to vector<64x256xf32>
      %tanh3A_915 = math.tanh %slice3A_914 : vector<64x256xf32>
      %mul3A_916 = arith.constant 5.000000e-01 : f32
      %mul3A_917 = vector.broadcast %mul3A_916 : f32 to vector<64x256xf32>
      %mul3A_918 = arith.mulf %mul3A_917, %tanh3A_915 : vector<64x256xf32>
      %add3A_919 = arith.constant 5.000000e-01 : f32
      %add3A_920 = vector.broadcast %add3A_919 : f32 to vector<64x256xf32>
      %add3A_921 = arith.addf %mul3A_918, %add3A_920 : vector<64x256xf32>
      %slice3A_922 = vector.extract_strided_slice %dot_general3A_896 {offsets = [128, 0], sizes = [64, 256], strides = [1, 1]} : vector<256x256xf32> to vector<64x256xf32>
      %tanh3A_923 = math.tanh %slice3A_922 : vector<64x256xf32>
      %slice3A_924 = vector.extract_strided_slice %dot_general3A_896 {offsets = [192, 0], sizes = [64, 256], strides = [1, 1]} : vector<256x256xf32> to vector<64x256xf32>
      %tanh3A_925 = math.tanh %slice3A_924 : vector<64x256xf32>
      %mul3A_926 = arith.constant 5.000000e-01 : f32
      %mul3A_927 = vector.broadcast %mul3A_926 : f32 to vector<64x256xf32>
      %mul3A_928 = arith.mulf %mul3A_927, %tanh3A_925 : vector<64x256xf32>
      %add3A_929 = arith.constant 5.000000e-01 : f32
      %add3A_930 = vector.broadcast %add3A_929 : f32 to vector<64x256xf32>
      %add3A_931 = arith.addf %mul3A_928, %add3A_930 : vector<64x256xf32>
      %mul3A_932 = arith.mulf %add3A_921, %add3A_780 : vector<64x256xf32>
      %mul3A_933 = arith.mulf %add3A_913, %tanh3A_923 : vector<64x256xf32>
      %add3A_934 = arith.addf %mul3A_932, %mul3A_933 : vector<64x256xf32>
      %tanh3A_935 = math.tanh %add3A_934 : vector<64x256xf32>
      %mul3A_936 = arith.mulf %add3A_931, %tanh3A_935 : vector<64x256xf32>
      %slice3A_937 = vector.extract_strided_slice %dot_general3A_899 {offsets = [0, 0], sizes = [64, 256], strides = [1, 1]} : vector<256x256xf32> to vector<64x256xf32>
      %tanh3A_938 = math.tanh %slice3A_937 : vector<64x256xf32>
      %mul3A_939 = arith.constant 5.000000e-01 : f32
      %mul3A_940 = vector.broadcast %mul3A_939 : f32 to vector<64x256xf32>
      %mul3A_941 = arith.mulf %mul3A_940, %tanh3A_938 : vector<64x256xf32>
      %add3A_942 = arith.constant 5.000000e-01 : f32
      %add3A_943 = vector.broadcast %add3A_942 : f32 to vector<64x256xf32>
      %add3A_944 = arith.addf %mul3A_941, %add3A_943 : vector<64x256xf32>
      %slice3A_945 = vector.extract_strided_slice %dot_general3A_899 {offsets = [64, 0], sizes = [64, 256], strides = [1, 1]} : vector<256x256xf32> to vector<64x256xf32>
      %tanh3A_946 = math.tanh %slice3A_945 : vector<64x256xf32>
      %mul3A_947 = arith.constant 5.000000e-01 : f32
      %mul3A_948 = vector.broadcast %mul3A_947 : f32 to vector<64x256xf32>
      %mul3A_949 = arith.mulf %mul3A_948, %tanh3A_946 : vector<64x256xf32>
      %add3A_950 = arith.constant 5.000000e-01 : f32
      %add3A_951 = vector.broadcast %add3A_950 : f32 to vector<64x256xf32>
      %add3A_952 = arith.addf %mul3A_949, %add3A_951 : vector<64x256xf32>
      %slice3A_953 = vector.extract_strided_slice %dot_general3A_899 {offsets = [128, 0], sizes = [64, 256], strides = [1, 1]} : vector<256x256xf32> to vector<64x256xf32>
      %tanh3A_954 = math.tanh %slice3A_953 : vector<64x256xf32>
      %slice3A_955 = vector.extract_strided_slice %dot_general3A_899 {offsets = [192, 0], sizes = [64, 256], strides = [1, 1]} : vector<256x256xf32> to vector<64x256xf32>
      %tanh3A_956 = math.tanh %slice3A_955 : vector<64x256xf32>
      %mul3A_957 = arith.constant 5.000000e-01 : f32
      %mul3A_958 = vector.broadcast %mul3A_957 : f32 to vector<64x256xf32>
      %mul3A_959 = arith.mulf %mul3A_958, %tanh3A_956 : vector<64x256xf32>
      %add3A_960 = arith.constant 5.000000e-01 : f32
      %add3A_961 = vector.broadcast %add3A_960 : f32 to vector<64x256xf32>
      %add3A_962 = arith.addf %mul3A_959, %add3A_961 : vector<64x256xf32>
      %mul3A_963 = arith.mulf %add3A_952, %add3A_811 : vector<64x256xf32>
      %mul3A_964 = arith.mulf %add3A_944, %tanh3A_954 : vector<64x256xf32>
      %add3A_965 = arith.addf %mul3A_963, %mul3A_964 : vector<64x256xf32>
      %tanh3A_966 = math.tanh %add3A_965 : vector<64x256xf32>
      %mul3A_967 = arith.mulf %add3A_962, %tanh3A_966 : vector<64x256xf32>
      %slice3A_968 = vector.extract_strided_slice %dot_general3A_902 {offsets = [0, 0], sizes = [64, 256], strides = [1, 1]} : vector<256x256xf32> to vector<64x256xf32>
      %tanh3A_969 = math.tanh %slice3A_968 : vector<64x256xf32>
      %mul3A_970 = arith.constant 5.000000e-01 : f32
      %mul3A_971 = vector.broadcast %mul3A_970 : f32 to vector<64x256xf32>
      %mul3A_972 = arith.mulf %mul3A_971, %tanh3A_969 : vector<64x256xf32>
      %add3A_973 = arith.constant 5.000000e-01 : f32
      %add3A_974 = vector.broadcast %add3A_973 : f32 to vector<64x256xf32>
      %add3A_975 = arith.addf %mul3A_972, %add3A_974 : vector<64x256xf32>
      %slice3A_976 = vector.extract_strided_slice %dot_general3A_902 {offsets = [64, 0], sizes = [64, 256], strides = [1, 1]} : vector<256x256xf32> to vector<64x256xf32>
      %tanh3A_977 = math.tanh %slice3A_976 : vector<64x256xf32>
      %mul3A_978 = arith.constant 5.000000e-01 : f32
      %mul3A_979 = vector.broadcast %mul3A_978 : f32 to vector<64x256xf32>
      %mul3A_980 = arith.mulf %mul3A_979, %tanh3A_977 : vector<64x256xf32>
      %add3A_981 = arith.constant 5.000000e-01 : f32
      %add3A_982 = vector.broadcast %add3A_981 : f32 to vector<64x256xf32>
      %add3A_983 = arith.addf %mul3A_980, %add3A_982 : vector<64x256xf32>
      %slice3A_984 = vector.extract_strided_slice %dot_general3A_902 {offsets = [128, 0], sizes = [64, 256], strides = [1, 1]} : vector<256x256xf32> to vector<64x256xf32>
      %tanh3A_985 = math.tanh %slice3A_984 : vector<64x256xf32>
      %slice3A_986 = vector.extract_strided_slice %dot_general3A_902 {offsets = [192, 0], sizes = [64, 256], strides = [1, 1]} : vector<256x256xf32> to vector<64x256xf32>
      %tanh3A_987 = math.tanh %slice3A_986 : vector<64x256xf32>
      %mul3A_988 = arith.constant 5.000000e-01 : f32
      %mul3A_989 = vector.broadcast %mul3A_988 : f32 to vector<64x256xf32>
      %mul3A_990 = arith.mulf %mul3A_989, %tanh3A_987 : vector<64x256xf32>
      %add3A_991 = arith.constant 5.000000e-01 : f32
      %add3A_992 = vector.broadcast %add3A_991 : f32 to vector<64x256xf32>
      %add3A_993 = arith.addf %mul3A_990, %add3A_992 : vector<64x256xf32>
      %mul3A_994 = arith.mulf %add3A_983, %add3A_842 : vector<64x256xf32>
      %mul3A_995 = arith.mulf %add3A_975, %tanh3A_985 : vector<64x256xf32>
      %add3A_996 = arith.addf %mul3A_994, %mul3A_995 : vector<64x256xf32>
      %tanh3A_997 = math.tanh %add3A_996 : vector<64x256xf32>
      %mul3A_998 = arith.mulf %add3A_993, %tanh3A_997 : vector<64x256xf32>
      %slice3A_999 = vector.extract_strided_slice %dot_general3A_905 {offsets = [0, 0], sizes = [64, 256], strides = [1, 1]} : vector<256x256xf32> to vector<64x256xf32>
      %tanh3A_1000 = math.tanh %slice3A_999 : vector<64x256xf32>
      %mul3A_1001 = arith.constant 5.000000e-01 : f32
      %mul3A_1002 = vector.broadcast %mul3A_1001 : f32 to vector<64x256xf32>
      %mul3A_1003 = arith.mulf %mul3A_1002, %tanh3A_1000 : vector<64x256xf32>
      %add3A_1004 = arith.constant 5.000000e-01 : f32
      %add3A_1005 = vector.broadcast %add3A_1004 : f32 to vector<64x256xf32>
      %add3A_1006 = arith.addf %mul3A_1003, %add3A_1005 : vector<64x256xf32>
      %slice3A_1007 = vector.extract_strided_slice %dot_general3A_905 {offsets = [64, 0], sizes = [64, 256], strides = [1, 1]} : vector<256x256xf32> to vector<64x256xf32>
      %tanh3A_1008 = math.tanh %slice3A_1007 : vector<64x256xf32>
      %mul3A_1009 = arith.constant 5.000000e-01 : f32
      %mul3A_1010 = vector.broadcast %mul3A_1009 : f32 to vector<64x256xf32>
      %mul3A_1011 = arith.mulf %mul3A_1010, %tanh3A_1008 : vector<64x256xf32>
      %add3A_1012 = arith.constant 5.000000e-01 : f32
      %add3A_1013 = vector.broadcast %add3A_1012 : f32 to vector<64x256xf32>
      %add3A_1014 = arith.addf %mul3A_1011, %add3A_1013 : vector<64x256xf32>
      %slice3A_1015 = vector.extract_strided_slice %dot_general3A_905 {offsets = [128, 0], sizes = [64, 256], strides = [1, 1]} : vector<256x256xf32> to vector<64x256xf32>
      %tanh3A_1016 = math.tanh %slice3A_1015 : vector<64x256xf32>
      %slice3A_1017 = vector.extract_strided_slice %dot_general3A_905 {offsets = [192, 0], sizes = [64, 256], strides = [1, 1]} : vector<256x256xf32> to vector<64x256xf32>
      %tanh3A_1018 = math.tanh %slice3A_1017 : vector<64x256xf32>
      %mul3A_1019 = arith.constant 5.000000e-01 : f32
      %mul3A_1020 = vector.broadcast %mul3A_1019 : f32 to vector<64x256xf32>
      %mul3A_1021 = arith.mulf %mul3A_1020, %tanh3A_1018 : vector<64x256xf32>
      %add3A_1022 = arith.constant 5.000000e-01 : f32
      %add3A_1023 = vector.broadcast %add3A_1022 : f32 to vector<64x256xf32>
      %add3A_1024 = arith.addf %mul3A_1021, %add3A_1023 : vector<64x256xf32>
      %mul3A_1025 = arith.mulf %add3A_1014, %add3A_873 : vector<64x256xf32>
      %mul3A_1026 = arith.mulf %add3A_1006, %tanh3A_1016 : vector<64x256xf32>
      %add3A_1027 = arith.addf %mul3A_1025, %mul3A_1026 : vector<64x256xf32>
      %tanh3A_1028 = math.tanh %add3A_1027 : vector<64x256xf32>
      %mul3A_1029 = arith.mulf %add3A_1024, %tanh3A_1028 : vector<64x256xf32>
      %mul3A_1030 = arith.constant 25 : i32
      %mul3A_1031 = arith.muli %scan3A_100, %mul3A_1030 : i32
      %add3A_1032 = arith.constant 6 : i32
      %add3A_1033 = arith.addi %mul3A_1031, %add3A_1032 : i32
      %mul3A_1034 = arith.constant 8 : i32
      %mul3A_1035 = arith.muli %add3A_1033, %mul3A_1034 : i32
      %get3A_1036 = arith.index_cast %mul3A_1035 : i32 to index
      %get3A_1037 = arith.constant 0 : index
      %get3A_1038 = vector.load %arg1[%get3A_1036, %get3A_1037] : memref<400x512xf32, #tpu.memory_space<vmem>>, vector<8x512xf32>
      %mul3A_1039 = arith.constant 8 : i32
      %mul3A_1040 = arith.muli %add3A_1033, %mul3A_1039 : i32
      %get3A_1041 = arith.index_cast %mul3A_1040 : i32 to index
      %get3A_1042 = arith.constant 0 : index
      %get3A_1043 = vector.load %arg2[%get3A_1041, %get3A_1042] : memref<400x512xf32, #tpu.memory_space<vmem>>, vector<8x512xf32>
      %slice3A_1044 = vector.extract_strided_slice %get3A_1038 {offsets = [0, 0], sizes = [8, 256], strides = [1, 1]} : vector<8x512xf32> to vector<8x256xf32>
      %slice3A_1045 = vector.extract_strided_slice %get3A_1038 {offsets = [0, 256], sizes = [8, 256], strides = [1, 1]} : vector<8x512xf32> to vector<8x256xf32>
      %slice3A_1046 = vector.extract_strided_slice %get3A_1043 {offsets = [0, 0], sizes = [8, 256], strides = [1, 1]} : vector<8x512xf32> to vector<8x256xf32>
      %slice3A_1047 = vector.extract_strided_slice %get3A_1043 {offsets = [0, 256], sizes = [8, 256], strides = [1, 1]} : vector<8x512xf32> to vector<8x256xf32>
      %concatenate3A_1048 = tpu.concatenate %slice3A_1044, %mul3A_936 in 0 : vector<8x256xf32>, vector<64x256xf32> -> vector<72x256xf32>
      %dot_general3A_1049 = arith.constant dense<0.000000e+00> : vector<256x256xf32>
      %dot_general3A_1050 = tpu.matmul %get3A_8, %concatenate3A_1048, %dot_general3A_1049 {dimension_numbers = #tpu.dot_dimension_numbers<[1], [0], [0], [1], [0, 0, 1, 1], [], []>, transpose_lhs_hint = false} : vector<256x72xf32>, vector<72x256xf32>, vector<256x256xf32> -> vector<256x256xf32>
      %concatenate3A_1051 = tpu.concatenate %slice3A_1045, %mul3A_967 in 0 : vector<8x256xf32>, vector<64x256xf32> -> vector<72x256xf32>
      %dot_general3A_1052 = arith.constant dense<0.000000e+00> : vector<256x256xf32>
      %dot_general3A_1053 = tpu.matmul %get3A_8, %concatenate3A_1051, %dot_general3A_1052 {dimension_numbers = #tpu.dot_dimension_numbers<[1], [0], [0], [1], [0, 0, 1, 1], [], []>, transpose_lhs_hint = false} : vector<256x72xf32>, vector<72x256xf32>, vector<256x256xf32> -> vector<256x256xf32>
      %concatenate3A_1054 = tpu.concatenate %slice3A_1046, %mul3A_998 in 0 : vector<8x256xf32>, vector<64x256xf32> -> vector<72x256xf32>
      %dot_general3A_1055 = arith.constant dense<0.000000e+00> : vector<256x256xf32>
      %dot_general3A_1056 = tpu.matmul %get3A_8, %concatenate3A_1054, %dot_general3A_1055 {dimension_numbers = #tpu.dot_dimension_numbers<[1], [0], [0], [1], [0, 0, 1, 1], [], []>, transpose_lhs_hint = false} : vector<256x72xf32>, vector<72x256xf32>, vector<256x256xf32> -> vector<256x256xf32>
      %concatenate3A_1057 = tpu.concatenate %slice3A_1047, %mul3A_1029 in 0 : vector<8x256xf32>, vector<64x256xf32> -> vector<72x256xf32>
      %dot_general3A_1058 = arith.constant dense<0.000000e+00> : vector<256x256xf32>
      %dot_general3A_1059 = tpu.matmul %get3A_8, %concatenate3A_1057, %dot_general3A_1058 {dimension_numbers = #tpu.dot_dimension_numbers<[1], [0], [0], [1], [0, 0, 1, 1], [], []>, transpose_lhs_hint = false} : vector<256x72xf32>, vector<72x256xf32>, vector<256x256xf32> -> vector<256x256xf32>
      %slice3A_1060 = vector.extract_strided_slice %dot_general3A_1050 {offsets = [0, 0], sizes = [64, 256], strides = [1, 1]} : vector<256x256xf32> to vector<64x256xf32>
      %tanh3A_1061 = math.tanh %slice3A_1060 : vector<64x256xf32>
      %mul3A_1062 = arith.constant 5.000000e-01 : f32
      %mul3A_1063 = vector.broadcast %mul3A_1062 : f32 to vector<64x256xf32>
      %mul3A_1064 = arith.mulf %mul3A_1063, %tanh3A_1061 : vector<64x256xf32>
      %add3A_1065 = arith.constant 5.000000e-01 : f32
      %add3A_1066 = vector.broadcast %add3A_1065 : f32 to vector<64x256xf32>
      %add3A_1067 = arith.addf %mul3A_1064, %add3A_1066 : vector<64x256xf32>
      %slice3A_1068 = vector.extract_strided_slice %dot_general3A_1050 {offsets = [64, 0], sizes = [64, 256], strides = [1, 1]} : vector<256x256xf32> to vector<64x256xf32>
      %tanh3A_1069 = math.tanh %slice3A_1068 : vector<64x256xf32>
      %mul3A_1070 = arith.constant 5.000000e-01 : f32
      %mul3A_1071 = vector.broadcast %mul3A_1070 : f32 to vector<64x256xf32>
      %mul3A_1072 = arith.mulf %mul3A_1071, %tanh3A_1069 : vector<64x256xf32>
      %add3A_1073 = arith.constant 5.000000e-01 : f32
      %add3A_1074 = vector.broadcast %add3A_1073 : f32 to vector<64x256xf32>
      %add3A_1075 = arith.addf %mul3A_1072, %add3A_1074 : vector<64x256xf32>
      %slice3A_1076 = vector.extract_strided_slice %dot_general3A_1050 {offsets = [128, 0], sizes = [64, 256], strides = [1, 1]} : vector<256x256xf32> to vector<64x256xf32>
      %tanh3A_1077 = math.tanh %slice3A_1076 : vector<64x256xf32>
      %slice3A_1078 = vector.extract_strided_slice %dot_general3A_1050 {offsets = [192, 0], sizes = [64, 256], strides = [1, 1]} : vector<256x256xf32> to vector<64x256xf32>
      %tanh3A_1079 = math.tanh %slice3A_1078 : vector<64x256xf32>
      %mul3A_1080 = arith.constant 5.000000e-01 : f32
      %mul3A_1081 = vector.broadcast %mul3A_1080 : f32 to vector<64x256xf32>
      %mul3A_1082 = arith.mulf %mul3A_1081, %tanh3A_1079 : vector<64x256xf32>
      %add3A_1083 = arith.constant 5.000000e-01 : f32
      %add3A_1084 = vector.broadcast %add3A_1083 : f32 to vector<64x256xf32>
      %add3A_1085 = arith.addf %mul3A_1082, %add3A_1084 : vector<64x256xf32>
      %mul3A_1086 = arith.mulf %add3A_1075, %add3A_934 : vector<64x256xf32>
      %mul3A_1087 = arith.mulf %add3A_1067, %tanh3A_1077 : vector<64x256xf32>
      %add3A_1088 = arith.addf %mul3A_1086, %mul3A_1087 : vector<64x256xf32>
      %tanh3A_1089 = math.tanh %add3A_1088 : vector<64x256xf32>
      %mul3A_1090 = arith.mulf %add3A_1085, %tanh3A_1089 : vector<64x256xf32>
      %slice3A_1091 = vector.extract_strided_slice %dot_general3A_1053 {offsets = [0, 0], sizes = [64, 256], strides = [1, 1]} : vector<256x256xf32> to vector<64x256xf32>
      %tanh3A_1092 = math.tanh %slice3A_1091 : vector<64x256xf32>
      %mul3A_1093 = arith.constant 5.000000e-01 : f32
      %mul3A_1094 = vector.broadcast %mul3A_1093 : f32 to vector<64x256xf32>
      %mul3A_1095 = arith.mulf %mul3A_1094, %tanh3A_1092 : vector<64x256xf32>
      %add3A_1096 = arith.constant 5.000000e-01 : f32
      %add3A_1097 = vector.broadcast %add3A_1096 : f32 to vector<64x256xf32>
      %add3A_1098 = arith.addf %mul3A_1095, %add3A_1097 : vector<64x256xf32>
      %slice3A_1099 = vector.extract_strided_slice %dot_general3A_1053 {offsets = [64, 0], sizes = [64, 256], strides = [1, 1]} : vector<256x256xf32> to vector<64x256xf32>
      %tanh3A_1100 = math.tanh %slice3A_1099 : vector<64x256xf32>
      %mul3A_1101 = arith.constant 5.000000e-01 : f32
      %mul3A_1102 = vector.broadcast %mul3A_1101 : f32 to vector<64x256xf32>
      %mul3A_1103 = arith.mulf %mul3A_1102, %tanh3A_1100 : vector<64x256xf32>
      %add3A_1104 = arith.constant 5.000000e-01 : f32
      %add3A_1105 = vector.broadcast %add3A_1104 : f32 to vector<64x256xf32>
      %add3A_1106 = arith.addf %mul3A_1103, %add3A_1105 : vector<64x256xf32>
      %slice3A_1107 = vector.extract_strided_slice %dot_general3A_1053 {offsets = [128, 0], sizes = [64, 256], strides = [1, 1]} : vector<256x256xf32> to vector<64x256xf32>
      %tanh3A_1108 = math.tanh %slice3A_1107 : vector<64x256xf32>
      %slice3A_1109 = vector.extract_strided_slice %dot_general3A_1053 {offsets = [192, 0], sizes = [64, 256], strides = [1, 1]} : vector<256x256xf32> to vector<64x256xf32>
      %tanh3A_1110 = math.tanh %slice3A_1109 : vector<64x256xf32>
      %mul3A_1111 = arith.constant 5.000000e-01 : f32
      %mul3A_1112 = vector.broadcast %mul3A_1111 : f32 to vector<64x256xf32>
      %mul3A_1113 = arith.mulf %mul3A_1112, %tanh3A_1110 : vector<64x256xf32>
      %add3A_1114 = arith.constant 5.000000e-01 : f32
      %add3A_1115 = vector.broadcast %add3A_1114 : f32 to vector<64x256xf32>
      %add3A_1116 = arith.addf %mul3A_1113, %add3A_1115 : vector<64x256xf32>
      %mul3A_1117 = arith.mulf %add3A_1106, %add3A_965 : vector<64x256xf32>
      %mul3A_1118 = arith.mulf %add3A_1098, %tanh3A_1108 : vector<64x256xf32>
      %add3A_1119 = arith.addf %mul3A_1117, %mul3A_1118 : vector<64x256xf32>
      %tanh3A_1120 = math.tanh %add3A_1119 : vector<64x256xf32>
      %mul3A_1121 = arith.mulf %add3A_1116, %tanh3A_1120 : vector<64x256xf32>
      %slice3A_1122 = vector.extract_strided_slice %dot_general3A_1056 {offsets = [0, 0], sizes = [64, 256], strides = [1, 1]} : vector<256x256xf32> to vector<64x256xf32>
      %tanh3A_1123 = math.tanh %slice3A_1122 : vector<64x256xf32>
      %mul3A_1124 = arith.constant 5.000000e-01 : f32
      %mul3A_1125 = vector.broadcast %mul3A_1124 : f32 to vector<64x256xf32>
      %mul3A_1126 = arith.mulf %mul3A_1125, %tanh3A_1123 : vector<64x256xf32>
      %add3A_1127 = arith.constant 5.000000e-01 : f32
      %add3A_1128 = vector.broadcast %add3A_1127 : f32 to vector<64x256xf32>
      %add3A_1129 = arith.addf %mul3A_1126, %add3A_1128 : vector<64x256xf32>
      %slice3A_1130 = vector.extract_strided_slice %dot_general3A_1056 {offsets = [64, 0], sizes = [64, 256], strides = [1, 1]} : vector<256x256xf32> to vector<64x256xf32>
      %tanh3A_1131 = math.tanh %slice3A_1130 : vector<64x256xf32>
      %mul3A_1132 = arith.constant 5.000000e-01 : f32
      %mul3A_1133 = vector.broadcast %mul3A_1132 : f32 to vector<64x256xf32>
      %mul3A_1134 = arith.mulf %mul3A_1133, %tanh3A_1131 : vector<64x256xf32>
      %add3A_1135 = arith.constant 5.000000e-01 : f32
      %add3A_1136 = vector.broadcast %add3A_1135 : f32 to vector<64x256xf32>
      %add3A_1137 = arith.addf %mul3A_1134, %add3A_1136 : vector<64x256xf32>
      %slice3A_1138 = vector.extract_strided_slice %dot_general3A_1056 {offsets = [128, 0], sizes = [64, 256], strides = [1, 1]} : vector<256x256xf32> to vector<64x256xf32>
      %tanh3A_1139 = math.tanh %slice3A_1138 : vector<64x256xf32>
      %slice3A_1140 = vector.extract_strided_slice %dot_general3A_1056 {offsets = [192, 0], sizes = [64, 256], strides = [1, 1]} : vector<256x256xf32> to vector<64x256xf32>
      %tanh3A_1141 = math.tanh %slice3A_1140 : vector<64x256xf32>
      %mul3A_1142 = arith.constant 5.000000e-01 : f32
      %mul3A_1143 = vector.broadcast %mul3A_1142 : f32 to vector<64x256xf32>
      %mul3A_1144 = arith.mulf %mul3A_1143, %tanh3A_1141 : vector<64x256xf32>
      %add3A_1145 = arith.constant 5.000000e-01 : f32
      %add3A_1146 = vector.broadcast %add3A_1145 : f32 to vector<64x256xf32>
      %add3A_1147 = arith.addf %mul3A_1144, %add3A_1146 : vector<64x256xf32>
      %mul3A_1148 = arith.mulf %add3A_1137, %add3A_996 : vector<64x256xf32>
      %mul3A_1149 = arith.mulf %add3A_1129, %tanh3A_1139 : vector<64x256xf32>
      %add3A_1150 = arith.addf %mul3A_1148, %mul3A_1149 : vector<64x256xf32>
      %tanh3A_1151 = math.tanh %add3A_1150 : vector<64x256xf32>
      %mul3A_1152 = arith.mulf %add3A_1147, %tanh3A_1151 : vector<64x256xf32>
      %slice3A_1153 = vector.extract_strided_slice %dot_general3A_1059 {offsets = [0, 0], sizes = [64, 256], strides = [1, 1]} : vector<256x256xf32> to vector<64x256xf32>
      %tanh3A_1154 = math.tanh %slice3A_1153 : vector<64x256xf32>
      %mul3A_1155 = arith.constant 5.000000e-01 : f32
      %mul3A_1156 = vector.broadcast %mul3A_1155 : f32 to vector<64x256xf32>
      %mul3A_1157 = arith.mulf %mul3A_1156, %tanh3A_1154 : vector<64x256xf32>
      %add3A_1158 = arith.constant 5.000000e-01 : f32
      %add3A_1159 = vector.broadcast %add3A_1158 : f32 to vector<64x256xf32>
      %add3A_1160 = arith.addf %mul3A_1157, %add3A_1159 : vector<64x256xf32>
      %slice3A_1161 = vector.extract_strided_slice %dot_general3A_1059 {offsets = [64, 0], sizes = [64, 256], strides = [1, 1]} : vector<256x256xf32> to vector<64x256xf32>
      %tanh3A_1162 = math.tanh %slice3A_1161 : vector<64x256xf32>
      %mul3A_1163 = arith.constant 5.000000e-01 : f32
      %mul3A_1164 = vector.broadcast %mul3A_1163 : f32 to vector<64x256xf32>
      %mul3A_1165 = arith.mulf %mul3A_1164, %tanh3A_1162 : vector<64x256xf32>
      %add3A_1166 = arith.constant 5.000000e-01 : f32
      %add3A_1167 = vector.broadcast %add3A_1166 : f32 to vector<64x256xf32>
      %add3A_1168 = arith.addf %mul3A_1165, %add3A_1167 : vector<64x256xf32>
      %slice3A_1169 = vector.extract_strided_slice %dot_general3A_1059 {offsets = [128, 0], sizes = [64, 256], strides = [1, 1]} : vector<256x256xf32> to vector<64x256xf32>
      %tanh3A_1170 = math.tanh %slice3A_1169 : vector<64x256xf32>
      %slice3A_1171 = vector.extract_strided_slice %dot_general3A_1059 {offsets = [192, 0], sizes = [64, 256], strides = [1, 1]} : vector<256x256xf32> to vector<64x256xf32>
      %tanh3A_1172 = math.tanh %slice3A_1171 : vector<64x256xf32>
      %mul3A_1173 = arith.constant 5.000000e-01 : f32
      %mul3A_1174 = vector.broadcast %mul3A_1173 : f32 to vector<64x256xf32>
      %mul3A_1175 = arith.mulf %mul3A_1174, %tanh3A_1172 : vector<64x256xf32>
      %add3A_1176 = arith.constant 5.000000e-01 : f32
      %add3A_1177 = vector.broadcast %add3A_1176 : f32 to vector<64x256xf32>
      %add3A_1178 = arith.addf %mul3A_1175, %add3A_1177 : vector<64x256xf32>
      %mul3A_1179 = arith.mulf %add3A_1168, %add3A_1027 : vector<64x256xf32>
      %mul3A_1180 = arith.mulf %add3A_1160, %tanh3A_1170 : vector<64x256xf32>
      %add3A_1181 = arith.addf %mul3A_1179, %mul3A_1180 : vector<64x256xf32>
      %tanh3A_1182 = math.tanh %add3A_1181 : vector<64x256xf32>
      %mul3A_1183 = arith.mulf %add3A_1178, %tanh3A_1182 : vector<64x256xf32>
      %mul3A_1184 = arith.constant 25 : i32
      %mul3A_1185 = arith.muli %scan3A_100, %mul3A_1184 : i32
      %add3A_1186 = arith.constant 7 : i32
      %add3A_1187 = arith.addi %mul3A_1185, %add3A_1186 : i32
      %mul3A_1188 = arith.constant 8 : i32
      %mul3A_1189 = arith.muli %add3A_1187, %mul3A_1188 : i32
      %get3A_1190 = arith.index_cast %mul3A_1189 : i32 to index
      %get3A_1191 = arith.constant 0 : index
      %get3A_1192 = vector.load %arg1[%get3A_1190, %get3A_1191] : memref<400x512xf32, #tpu.memory_space<vmem>>, vector<8x512xf32>
      %mul3A_1193 = arith.constant 8 : i32
      %mul3A_1194 = arith.muli %add3A_1187, %mul3A_1193 : i32
      %get3A_1195 = arith.index_cast %mul3A_1194 : i32 to index
      %get3A_1196 = arith.constant 0 : index
      %get3A_1197 = vector.load %arg2[%get3A_1195, %get3A_1196] : memref<400x512xf32, #tpu.memory_space<vmem>>, vector<8x512xf32>
      %slice3A_1198 = vector.extract_strided_slice %get3A_1192 {offsets = [0, 0], sizes = [8, 256], strides = [1, 1]} : vector<8x512xf32> to vector<8x256xf32>
      %slice3A_1199 = vector.extract_strided_slice %get3A_1192 {offsets = [0, 256], sizes = [8, 256], strides = [1, 1]} : vector<8x512xf32> to vector<8x256xf32>
      %slice3A_1200 = vector.extract_strided_slice %get3A_1197 {offsets = [0, 0], sizes = [8, 256], strides = [1, 1]} : vector<8x512xf32> to vector<8x256xf32>
      %slice3A_1201 = vector.extract_strided_slice %get3A_1197 {offsets = [0, 256], sizes = [8, 256], strides = [1, 1]} : vector<8x512xf32> to vector<8x256xf32>
      %concatenate3A_1202 = tpu.concatenate %slice3A_1198, %mul3A_1090 in 0 : vector<8x256xf32>, vector<64x256xf32> -> vector<72x256xf32>
      %dot_general3A_1203 = arith.constant dense<0.000000e+00> : vector<256x256xf32>
      %dot_general3A_1204 = tpu.matmul %get3A_8, %concatenate3A_1202, %dot_general3A_1203 {dimension_numbers = #tpu.dot_dimension_numbers<[1], [0], [0], [1], [0, 0, 1, 1], [], []>, transpose_lhs_hint = false} : vector<256x72xf32>, vector<72x256xf32>, vector<256x256xf32> -> vector<256x256xf32>
      %concatenate3A_1205 = tpu.concatenate %slice3A_1199, %mul3A_1121 in 0 : vector<8x256xf32>, vector<64x256xf32> -> vector<72x256xf32>
      %dot_general3A_1206 = arith.constant dense<0.000000e+00> : vector<256x256xf32>
      %dot_general3A_1207 = tpu.matmul %get3A_8, %concatenate3A_1205, %dot_general3A_1206 {dimension_numbers = #tpu.dot_dimension_numbers<[1], [0], [0], [1], [0, 0, 1, 1], [], []>, transpose_lhs_hint = false} : vector<256x72xf32>, vector<72x256xf32>, vector<256x256xf32> -> vector<256x256xf32>
      %concatenate3A_1208 = tpu.concatenate %slice3A_1200, %mul3A_1152 in 0 : vector<8x256xf32>, vector<64x256xf32> -> vector<72x256xf32>
      %dot_general3A_1209 = arith.constant dense<0.000000e+00> : vector<256x256xf32>
      %dot_general3A_1210 = tpu.matmul %get3A_8, %concatenate3A_1208, %dot_general3A_1209 {dimension_numbers = #tpu.dot_dimension_numbers<[1], [0], [0], [1], [0, 0, 1, 1], [], []>, transpose_lhs_hint = false} : vector<256x72xf32>, vector<72x256xf32>, vector<256x256xf32> -> vector<256x256xf32>
      %concatenate3A_1211 = tpu.concatenate %slice3A_1201, %mul3A_1183 in 0 : vector<8x256xf32>, vector<64x256xf32> -> vector<72x256xf32>
      %dot_general3A_1212 = arith.constant dense<0.000000e+00> : vector<256x256xf32>
      %dot_general3A_1213 = tpu.matmul %get3A_8, %concatenate3A_1211, %dot_general3A_1212 {dimension_numbers = #tpu.dot_dimension_numbers<[1], [0], [0], [1], [0, 0, 1, 1], [], []>, transpose_lhs_hint = false} : vector<256x72xf32>, vector<72x256xf32>, vector<256x256xf32> -> vector<256x256xf32>
      %slice3A_1214 = vector.extract_strided_slice %dot_general3A_1204 {offsets = [0, 0], sizes = [64, 256], strides = [1, 1]} : vector<256x256xf32> to vector<64x256xf32>
      %tanh3A_1215 = math.tanh %slice3A_1214 : vector<64x256xf32>
      %mul3A_1216 = arith.constant 5.000000e-01 : f32
      %mul3A_1217 = vector.broadcast %mul3A_1216 : f32 to vector<64x256xf32>
      %mul3A_1218 = arith.mulf %mul3A_1217, %tanh3A_1215 : vector<64x256xf32>
      %add3A_1219 = arith.constant 5.000000e-01 : f32
      %add3A_1220 = vector.broadcast %add3A_1219 : f32 to vector<64x256xf32>
      %add3A_1221 = arith.addf %mul3A_1218, %add3A_1220 : vector<64x256xf32>
      %slice3A_1222 = vector.extract_strided_slice %dot_general3A_1204 {offsets = [64, 0], sizes = [64, 256], strides = [1, 1]} : vector<256x256xf32> to vector<64x256xf32>
      %tanh3A_1223 = math.tanh %slice3A_1222 : vector<64x256xf32>
      %mul3A_1224 = arith.constant 5.000000e-01 : f32
      %mul3A_1225 = vector.broadcast %mul3A_1224 : f32 to vector<64x256xf32>
      %mul3A_1226 = arith.mulf %mul3A_1225, %tanh3A_1223 : vector<64x256xf32>
      %add3A_1227 = arith.constant 5.000000e-01 : f32
      %add3A_1228 = vector.broadcast %add3A_1227 : f32 to vector<64x256xf32>
      %add3A_1229 = arith.addf %mul3A_1226, %add3A_1228 : vector<64x256xf32>
      %slice3A_1230 = vector.extract_strided_slice %dot_general3A_1204 {offsets = [128, 0], sizes = [64, 256], strides = [1, 1]} : vector<256x256xf32> to vector<64x256xf32>
      %tanh3A_1231 = math.tanh %slice3A_1230 : vector<64x256xf32>
      %slice3A_1232 = vector.extract_strided_slice %dot_general3A_1204 {offsets = [192, 0], sizes = [64, 256], strides = [1, 1]} : vector<256x256xf32> to vector<64x256xf32>
      %tanh3A_1233 = math.tanh %slice3A_1232 : vector<64x256xf32>
      %mul3A_1234 = arith.constant 5.000000e-01 : f32
      %mul3A_1235 = vector.broadcast %mul3A_1234 : f32 to vector<64x256xf32>
      %mul3A_1236 = arith.mulf %mul3A_1235, %tanh3A_1233 : vector<64x256xf32>
      %add3A_1237 = arith.constant 5.000000e-01 : f32
      %add3A_1238 = vector.broadcast %add3A_1237 : f32 to vector<64x256xf32>
      %add3A_1239 = arith.addf %mul3A_1236, %add3A_1238 : vector<64x256xf32>
      %mul3A_1240 = arith.mulf %add3A_1229, %add3A_1088 : vector<64x256xf32>
      %mul3A_1241 = arith.mulf %add3A_1221, %tanh3A_1231 : vector<64x256xf32>
      %add3A_1242 = arith.addf %mul3A_1240, %mul3A_1241 : vector<64x256xf32>
      %tanh3A_1243 = math.tanh %add3A_1242 : vector<64x256xf32>
      %mul3A_1244 = arith.mulf %add3A_1239, %tanh3A_1243 : vector<64x256xf32>
      %slice3A_1245 = vector.extract_strided_slice %dot_general3A_1207 {offsets = [0, 0], sizes = [64, 256], strides = [1, 1]} : vector<256x256xf32> to vector<64x256xf32>
      %tanh3A_1246 = math.tanh %slice3A_1245 : vector<64x256xf32>
      %mul3A_1247 = arith.constant 5.000000e-01 : f32
      %mul3A_1248 = vector.broadcast %mul3A_1247 : f32 to vector<64x256xf32>
      %mul3A_1249 = arith.mulf %mul3A_1248, %tanh3A_1246 : vector<64x256xf32>
      %add3A_1250 = arith.constant 5.000000e-01 : f32
      %add3A_1251 = vector.broadcast %add3A_1250 : f32 to vector<64x256xf32>
      %add3A_1252 = arith.addf %mul3A_1249, %add3A_1251 : vector<64x256xf32>
      %slice3A_1253 = vector.extract_strided_slice %dot_general3A_1207 {offsets = [64, 0], sizes = [64, 256], strides = [1, 1]} : vector<256x256xf32> to vector<64x256xf32>
      %tanh3A_1254 = math.tanh %slice3A_1253 : vector<64x256xf32>
      %mul3A_1255 = arith.constant 5.000000e-01 : f32
      %mul3A_1256 = vector.broadcast %mul3A_1255 : f32 to vector<64x256xf32>
      %mul3A_1257 = arith.mulf %mul3A_1256, %tanh3A_1254 : vector<64x256xf32>
      %add3A_1258 = arith.constant 5.000000e-01 : f32
      %add3A_1259 = vector.broadcast %add3A_1258 : f32 to vector<64x256xf32>
      %add3A_1260 = arith.addf %mul3A_1257, %add3A_1259 : vector<64x256xf32>
      %slice3A_1261 = vector.extract_strided_slice %dot_general3A_1207 {offsets = [128, 0], sizes = [64, 256], strides = [1, 1]} : vector<256x256xf32> to vector<64x256xf32>
      %tanh3A_1262 = math.tanh %slice3A_1261 : vector<64x256xf32>
      %slice3A_1263 = vector.extract_strided_slice %dot_general3A_1207 {offsets = [192, 0], sizes = [64, 256], strides = [1, 1]} : vector<256x256xf32> to vector<64x256xf32>
      %tanh3A_1264 = math.tanh %slice3A_1263 : vector<64x256xf32>
      %mul3A_1265 = arith.constant 5.000000e-01 : f32
      %mul3A_1266 = vector.broadcast %mul3A_1265 : f32 to vector<64x256xf32>
      %mul3A_1267 = arith.mulf %mul3A_1266, %tanh3A_1264 : vector<64x256xf32>
      %add3A_1268 = arith.constant 5.000000e-01 : f32
      %add3A_1269 = vector.broadcast %add3A_1268 : f32 to vector<64x256xf32>
      %add3A_1270 = arith.addf %mul3A_1267, %add3A_1269 : vector<64x256xf32>
      %mul3A_1271 = arith.mulf %add3A_1260, %add3A_1119 : vector<64x256xf32>
      %mul3A_1272 = arith.mulf %add3A_1252, %tanh3A_1262 : vector<64x256xf32>
      %add3A_1273 = arith.addf %mul3A_1271, %mul3A_1272 : vector<64x256xf32>
      %tanh3A_1274 = math.tanh %add3A_1273 : vector<64x256xf32>
      %mul3A_1275 = arith.mulf %add3A_1270, %tanh3A_1274 : vector<64x256xf32>
      %slice3A_1276 = vector.extract_strided_slice %dot_general3A_1210 {offsets = [0, 0], sizes = [64, 256], strides = [1, 1]} : vector<256x256xf32> to vector<64x256xf32>
      %tanh3A_1277 = math.tanh %slice3A_1276 : vector<64x256xf32>
      %mul3A_1278 = arith.constant 5.000000e-01 : f32
      %mul3A_1279 = vector.broadcast %mul3A_1278 : f32 to vector<64x256xf32>
      %mul3A_1280 = arith.mulf %mul3A_1279, %tanh3A_1277 : vector<64x256xf32>
      %add3A_1281 = arith.constant 5.000000e-01 : f32
      %add3A_1282 = vector.broadcast %add3A_1281 : f32 to vector<64x256xf32>
      %add3A_1283 = arith.addf %mul3A_1280, %add3A_1282 : vector<64x256xf32>
      %slice3A_1284 = vector.extract_strided_slice %dot_general3A_1210 {offsets = [64, 0], sizes = [64, 256], strides = [1, 1]} : vector<256x256xf32> to vector<64x256xf32>
      %tanh3A_1285 = math.tanh %slice3A_1284 : vector<64x256xf32>
      %mul3A_1286 = arith.constant 5.000000e-01 : f32
      %mul3A_1287 = vector.broadcast %mul3A_1286 : f32 to vector<64x256xf32>
      %mul3A_1288 = arith.mulf %mul3A_1287, %tanh3A_1285 : vector<64x256xf32>
      %add3A_1289 = arith.constant 5.000000e-01 : f32
      %add3A_1290 = vector.broadcast %add3A_1289 : f32 to vector<64x256xf32>
      %add3A_1291 = arith.addf %mul3A_1288, %add3A_1290 : vector<64x256xf32>
      %slice3A_1292 = vector.extract_strided_slice %dot_general3A_1210 {offsets = [128, 0], sizes = [64, 256], strides = [1, 1]} : vector<256x256xf32> to vector<64x256xf32>
      %tanh3A_1293 = math.tanh %slice3A_1292 : vector<64x256xf32>
      %slice3A_1294 = vector.extract_strided_slice %dot_general3A_1210 {offsets = [192, 0], sizes = [64, 256], strides = [1, 1]} : vector<256x256xf32> to vector<64x256xf32>
      %tanh3A_1295 = math.tanh %slice3A_1294 : vector<64x256xf32>
      %mul3A_1296 = arith.constant 5.000000e-01 : f32
      %mul3A_1297 = vector.broadcast %mul3A_1296 : f32 to vector<64x256xf32>
      %mul3A_1298 = arith.mulf %mul3A_1297, %tanh3A_1295 : vector<64x256xf32>
      %add3A_1299 = arith.constant 5.000000e-01 : f32
      %add3A_1300 = vector.broadcast %add3A_1299 : f32 to vector<64x256xf32>
      %add3A_1301 = arith.addf %mul3A_1298, %add3A_1300 : vector<64x256xf32>
      %mul3A_1302 = arith.mulf %add3A_1291, %add3A_1150 : vector<64x256xf32>
      %mul3A_1303 = arith.mulf %add3A_1283, %tanh3A_1293 : vector<64x256xf32>
      %add3A_1304 = arith.addf %mul3A_1302, %mul3A_1303 : vector<64x256xf32>
      %tanh3A_1305 = math.tanh %add3A_1304 : vector<64x256xf32>
      %mul3A_1306 = arith.mulf %add3A_1301, %tanh3A_1305 : vector<64x256xf32>
      %slice3A_1307 = vector.extract_strided_slice %dot_general3A_1213 {offsets = [0, 0], sizes = [64, 256], strides = [1, 1]} : vector<256x256xf32> to vector<64x256xf32>
      %tanh3A_1308 = math.tanh %slice3A_1307 : vector<64x256xf32>
      %mul3A_1309 = arith.constant 5.000000e-01 : f32
      %mul3A_1310 = vector.broadcast %mul3A_1309 : f32 to vector<64x256xf32>
      %mul3A_1311 = arith.mulf %mul3A_1310, %tanh3A_1308 : vector<64x256xf32>
      %add3A_1312 = arith.constant 5.000000e-01 : f32
      %add3A_1313 = vector.broadcast %add3A_1312 : f32 to vector<64x256xf32>
      %add3A_1314 = arith.addf %mul3A_1311, %add3A_1313 : vector<64x256xf32>
      %slice3A_1315 = vector.extract_strided_slice %dot_general3A_1213 {offsets = [64, 0], sizes = [64, 256], strides = [1, 1]} : vector<256x256xf32> to vector<64x256xf32>
      %tanh3A_1316 = math.tanh %slice3A_1315 : vector<64x256xf32>
      %mul3A_1317 = arith.constant 5.000000e-01 : f32
      %mul3A_1318 = vector.broadcast %mul3A_1317 : f32 to vector<64x256xf32>
      %mul3A_1319 = arith.mulf %mul3A_1318, %tanh3A_1316 : vector<64x256xf32>
      %add3A_1320 = arith.constant 5.000000e-01 : f32
      %add3A_1321 = vector.broadcast %add3A_1320 : f32 to vector<64x256xf32>
      %add3A_1322 = arith.addf %mul3A_1319, %add3A_1321 : vector<64x256xf32>
      %slice3A_1323 = vector.extract_strided_slice %dot_general3A_1213 {offsets = [128, 0], sizes = [64, 256], strides = [1, 1]} : vector<256x256xf32> to vector<64x256xf32>
      %tanh3A_1324 = math.tanh %slice3A_1323 : vector<64x256xf32>
      %slice3A_1325 = vector.extract_strided_slice %dot_general3A_1213 {offsets = [192, 0], sizes = [64, 256], strides = [1, 1]} : vector<256x256xf32> to vector<64x256xf32>
      %tanh3A_1326 = math.tanh %slice3A_1325 : vector<64x256xf32>
      %mul3A_1327 = arith.constant 5.000000e-01 : f32
      %mul3A_1328 = vector.broadcast %mul3A_1327 : f32 to vector<64x256xf32>
      %mul3A_1329 = arith.mulf %mul3A_1328, %tanh3A_1326 : vector<64x256xf32>
      %add3A_1330 = arith.constant 5.000000e-01 : f32
      %add3A_1331 = vector.broadcast %add3A_1330 : f32 to vector<64x256xf32>
      %add3A_1332 = arith.addf %mul3A_1329, %add3A_1331 : vector<64x256xf32>
      %mul3A_1333 = arith.mulf %add3A_1322, %add3A_1181 : vector<64x256xf32>
      %mul3A_1334 = arith.mulf %add3A_1314, %tanh3A_1324 : vector<64x256xf32>
      %add3A_1335 = arith.addf %mul3A_1333, %mul3A_1334 : vector<64x256xf32>
      %tanh3A_1336 = math.tanh %add3A_1335 : vector<64x256xf32>
      %mul3A_1337 = arith.mulf %add3A_1332, %tanh3A_1336 : vector<64x256xf32>
      %mul3A_1338 = arith.constant 25 : i32
      %mul3A_1339 = arith.muli %scan3A_100, %mul3A_1338 : i32
      %add3A_1340 = arith.constant 8 : i32
      %add3A_1341 = arith.addi %mul3A_1339, %add3A_1340 : i32
      %mul3A_1342 = arith.constant 8 : i32
      %mul3A_1343 = arith.muli %add3A_1341, %mul3A_1342 : i32
      %get3A_1344 = arith.index_cast %mul3A_1343 : i32 to index
      %get3A_1345 = arith.constant 0 : index
      %get3A_1346 = vector.load %arg1[%get3A_1344, %get3A_1345] : memref<400x512xf32, #tpu.memory_space<vmem>>, vector<8x512xf32>
      %mul3A_1347 = arith.constant 8 : i32
      %mul3A_1348 = arith.muli %add3A_1341, %mul3A_1347 : i32
      %get3A_1349 = arith.index_cast %mul3A_1348 : i32 to index
      %get3A_1350 = arith.constant 0 : index
      %get3A_1351 = vector.load %arg2[%get3A_1349, %get3A_1350] : memref<400x512xf32, #tpu.memory_space<vmem>>, vector<8x512xf32>
      %slice3A_1352 = vector.extract_strided_slice %get3A_1346 {offsets = [0, 0], sizes = [8, 256], strides = [1, 1]} : vector<8x512xf32> to vector<8x256xf32>
      %slice3A_1353 = vector.extract_strided_slice %get3A_1346 {offsets = [0, 256], sizes = [8, 256], strides = [1, 1]} : vector<8x512xf32> to vector<8x256xf32>
      %slice3A_1354 = vector.extract_strided_slice %get3A_1351 {offsets = [0, 0], sizes = [8, 256], strides = [1, 1]} : vector<8x512xf32> to vector<8x256xf32>
      %slice3A_1355 = vector.extract_strided_slice %get3A_1351 {offsets = [0, 256], sizes = [8, 256], strides = [1, 1]} : vector<8x512xf32> to vector<8x256xf32>
      %concatenate3A_1356 = tpu.concatenate %slice3A_1352, %mul3A_1244 in 0 : vector<8x256xf32>, vector<64x256xf32> -> vector<72x256xf32>
      %dot_general3A_1357 = arith.constant dense<0.000000e+00> : vector<256x256xf32>
      %dot_general3A_1358 = tpu.matmul %get3A_8, %concatenate3A_1356, %dot_general3A_1357 {dimension_numbers = #tpu.dot_dimension_numbers<[1], [0], [0], [1], [0, 0, 1, 1], [], []>, transpose_lhs_hint = false} : vector<256x72xf32>, vector<72x256xf32>, vector<256x256xf32> -> vector<256x256xf32>
      %concatenate3A_1359 = tpu.concatenate %slice3A_1353, %mul3A_1275 in 0 : vector<8x256xf32>, vector<64x256xf32> -> vector<72x256xf32>
      %dot_general3A_1360 = arith.constant dense<0.000000e+00> : vector<256x256xf32>
      %dot_general3A_1361 = tpu.matmul %get3A_8, %concatenate3A_1359, %dot_general3A_1360 {dimension_numbers = #tpu.dot_dimension_numbers<[1], [0], [0], [1], [0, 0, 1, 1], [], []>, transpose_lhs_hint = false} : vector<256x72xf32>, vector<72x256xf32>, vector<256x256xf32> -> vector<256x256xf32>
      %concatenate3A_1362 = tpu.concatenate %slice3A_1354, %mul3A_1306 in 0 : vector<8x256xf32>, vector<64x256xf32> -> vector<72x256xf32>
      %dot_general3A_1363 = arith.constant dense<0.000000e+00> : vector<256x256xf32>
      %dot_general3A_1364 = tpu.matmul %get3A_8, %concatenate3A_1362, %dot_general3A_1363 {dimension_numbers = #tpu.dot_dimension_numbers<[1], [0], [0], [1], [0, 0, 1, 1], [], []>, transpose_lhs_hint = false} : vector<256x72xf32>, vector<72x256xf32>, vector<256x256xf32> -> vector<256x256xf32>
      %concatenate3A_1365 = tpu.concatenate %slice3A_1355, %mul3A_1337 in 0 : vector<8x256xf32>, vector<64x256xf32> -> vector<72x256xf32>
      %dot_general3A_1366 = arith.constant dense<0.000000e+00> : vector<256x256xf32>
      %dot_general3A_1367 = tpu.matmul %get3A_8, %concatenate3A_1365, %dot_general3A_1366 {dimension_numbers = #tpu.dot_dimension_numbers<[1], [0], [0], [1], [0, 0, 1, 1], [], []>, transpose_lhs_hint = false} : vector<256x72xf32>, vector<72x256xf32>, vector<256x256xf32> -> vector<256x256xf32>
      %slice3A_1368 = vector.extract_strided_slice %dot_general3A_1358 {offsets = [0, 0], sizes = [64, 256], strides = [1, 1]} : vector<256x256xf32> to vector<64x256xf32>
      %tanh3A_1369 = math.tanh %slice3A_1368 : vector<64x256xf32>
      %mul3A_1370 = arith.constant 5.000000e-01 : f32
      %mul3A_1371 = vector.broadcast %mul3A_1370 : f32 to vector<64x256xf32>
      %mul3A_1372 = arith.mulf %mul3A_1371, %tanh3A_1369 : vector<64x256xf32>
      %add3A_1373 = arith.constant 5.000000e-01 : f32
      %add3A_1374 = vector.broadcast %add3A_1373 : f32 to vector<64x256xf32>
      %add3A_1375 = arith.addf %mul3A_1372, %add3A_1374 : vector<64x256xf32>
      %slice3A_1376 = vector.extract_strided_slice %dot_general3A_1358 {offsets = [64, 0], sizes = [64, 256], strides = [1, 1]} : vector<256x256xf32> to vector<64x256xf32>
      %tanh3A_1377 = math.tanh %slice3A_1376 : vector<64x256xf32>
      %mul3A_1378 = arith.constant 5.000000e-01 : f32
      %mul3A_1379 = vector.broadcast %mul3A_1378 : f32 to vector<64x256xf32>
      %mul3A_1380 = arith.mulf %mul3A_1379, %tanh3A_1377 : vector<64x256xf32>
      %add3A_1381 = arith.constant 5.000000e-01 : f32
      %add3A_1382 = vector.broadcast %add3A_1381 : f32 to vector<64x256xf32>
      %add3A_1383 = arith.addf %mul3A_1380, %add3A_1382 : vector<64x256xf32>
      %slice3A_1384 = vector.extract_strided_slice %dot_general3A_1358 {offsets = [128, 0], sizes = [64, 256], strides = [1, 1]} : vector<256x256xf32> to vector<64x256xf32>
      %tanh3A_1385 = math.tanh %slice3A_1384 : vector<64x256xf32>
      %slice3A_1386 = vector.extract_strided_slice %dot_general3A_1358 {offsets = [192, 0], sizes = [64, 256], strides = [1, 1]} : vector<256x256xf32> to vector<64x256xf32>
      %tanh3A_1387 = math.tanh %slice3A_1386 : vector<64x256xf32>
      %mul3A_1388 = arith.constant 5.000000e-01 : f32
      %mul3A_1389 = vector.broadcast %mul3A_1388 : f32 to vector<64x256xf32>
      %mul3A_1390 = arith.mulf %mul3A_1389, %tanh3A_1387 : vector<64x256xf32>
      %add3A_1391 = arith.constant 5.000000e-01 : f32
      %add3A_1392 = vector.broadcast %add3A_1391 : f32 to vector<64x256xf32>
      %add3A_1393 = arith.addf %mul3A_1390, %add3A_1392 : vector<64x256xf32>
      %mul3A_1394 = arith.mulf %add3A_1383, %add3A_1242 : vector<64x256xf32>
      %mul3A_1395 = arith.mulf %add3A_1375, %tanh3A_1385 : vector<64x256xf32>
      %add3A_1396 = arith.addf %mul3A_1394, %mul3A_1395 : vector<64x256xf32>
      %tanh3A_1397 = math.tanh %add3A_1396 : vector<64x256xf32>
      %mul3A_1398 = arith.mulf %add3A_1393, %tanh3A_1397 : vector<64x256xf32>
      %slice3A_1399 = vector.extract_strided_slice %dot_general3A_1361 {offsets = [0, 0], sizes = [64, 256], strides = [1, 1]} : vector<256x256xf32> to vector<64x256xf32>
      %tanh3A_1400 = math.tanh %slice3A_1399 : vector<64x256xf32>
      %mul3A_1401 = arith.constant 5.000000e-01 : f32
      %mul3A_1402 = vector.broadcast %mul3A_1401 : f32 to vector<64x256xf32>
      %mul3A_1403 = arith.mulf %mul3A_1402, %tanh3A_1400 : vector<64x256xf32>
      %add3A_1404 = arith.constant 5.000000e-01 : f32
      %add3A_1405 = vector.broadcast %add3A_1404 : f32 to vector<64x256xf32>
      %add3A_1406 = arith.addf %mul3A_1403, %add3A_1405 : vector<64x256xf32>
      %slice3A_1407 = vector.extract_strided_slice %dot_general3A_1361 {offsets = [64, 0], sizes = [64, 256], strides = [1, 1]} : vector<256x256xf32> to vector<64x256xf32>
      %tanh3A_1408 = math.tanh %slice3A_1407 : vector<64x256xf32>
      %mul3A_1409 = arith.constant 5.000000e-01 : f32
      %mul3A_1410 = vector.broadcast %mul3A_1409 : f32 to vector<64x256xf32>
      %mul3A_1411 = arith.mulf %mul3A_1410, %tanh3A_1408 : vector<64x256xf32>
      %add3A_1412 = arith.constant 5.000000e-01 : f32
      %add3A_1413 = vector.broadcast %add3A_1412 : f32 to vector<64x256xf32>
      %add3A_1414 = arith.addf %mul3A_1411, %add3A_1413 : vector<64x256xf32>
      %slice3A_1415 = vector.extract_strided_slice %dot_general3A_1361 {offsets = [128, 0], sizes = [64, 256], strides = [1, 1]} : vector<256x256xf32> to vector<64x256xf32>
      %tanh3A_1416 = math.tanh %slice3A_1415 : vector<64x256xf32>
      %slice3A_1417 = vector.extract_strided_slice %dot_general3A_1361 {offsets = [192, 0], sizes = [64, 256], strides = [1, 1]} : vector<256x256xf32> to vector<64x256xf32>
      %tanh3A_1418 = math.tanh %slice3A_1417 : vector<64x256xf32>
      %mul3A_1419 = arith.constant 5.000000e-01 : f32
      %mul3A_1420 = vector.broadcast %mul3A_1419 : f32 to vector<64x256xf32>
      %mul3A_1421 = arith.mulf %mul3A_1420, %tanh3A_1418 : vector<64x256xf32>
      %add3A_1422 = arith.constant 5.000000e-01 : f32
      %add3A_1423 = vector.broadcast %add3A_1422 : f32 to vector<64x256xf32>
      %add3A_1424 = arith.addf %mul3A_1421, %add3A_1423 : vector<64x256xf32>
      %mul3A_1425 = arith.mulf %add3A_1414, %add3A_1273 : vector<64x256xf32>
      %mul3A_1426 = arith.mulf %add3A_1406, %tanh3A_1416 : vector<64x256xf32>
      %add3A_1427 = arith.addf %mul3A_1425, %mul3A_1426 : vector<64x256xf32>
      %tanh3A_1428 = math.tanh %add3A_1427 : vector<64x256xf32>
      %mul3A_1429 = arith.mulf %add3A_1424, %tanh3A_1428 : vector<64x256xf32>
      %slice3A_1430 = vector.extract_strided_slice %dot_general3A_1364 {offsets = [0, 0], sizes = [64, 256], strides = [1, 1]} : vector<256x256xf32> to vector<64x256xf32>
      %tanh3A_1431 = math.tanh %slice3A_1430 : vector<64x256xf32>
      %mul3A_1432 = arith.constant 5.000000e-01 : f32
      %mul3A_1433 = vector.broadcast %mul3A_1432 : f32 to vector<64x256xf32>
      %mul3A_1434 = arith.mulf %mul3A_1433, %tanh3A_1431 : vector<64x256xf32>
      %add3A_1435 = arith.constant 5.000000e-01 : f32
      %add3A_1436 = vector.broadcast %add3A_1435 : f32 to vector<64x256xf32>
      %add3A_1437 = arith.addf %mul3A_1434, %add3A_1436 : vector<64x256xf32>
      %slice3A_1438 = vector.extract_strided_slice %dot_general3A_1364 {offsets = [64, 0], sizes = [64, 256], strides = [1, 1]} : vector<256x256xf32> to vector<64x256xf32>
      %tanh3A_1439 = math.tanh %slice3A_1438 : vector<64x256xf32>
      %mul3A_1440 = arith.constant 5.000000e-01 : f32
      %mul3A_1441 = vector.broadcast %mul3A_1440 : f32 to vector<64x256xf32>
      %mul3A_1442 = arith.mulf %mul3A_1441, %tanh3A_1439 : vector<64x256xf32>
      %add3A_1443 = arith.constant 5.000000e-01 : f32
      %add3A_1444 = vector.broadcast %add3A_1443 : f32 to vector<64x256xf32>
      %add3A_1445 = arith.addf %mul3A_1442, %add3A_1444 : vector<64x256xf32>
      %slice3A_1446 = vector.extract_strided_slice %dot_general3A_1364 {offsets = [128, 0], sizes = [64, 256], strides = [1, 1]} : vector<256x256xf32> to vector<64x256xf32>
      %tanh3A_1447 = math.tanh %slice3A_1446 : vector<64x256xf32>
      %slice3A_1448 = vector.extract_strided_slice %dot_general3A_1364 {offsets = [192, 0], sizes = [64, 256], strides = [1, 1]} : vector<256x256xf32> to vector<64x256xf32>
      %tanh3A_1449 = math.tanh %slice3A_1448 : vector<64x256xf32>
      %mul3A_1450 = arith.constant 5.000000e-01 : f32
      %mul3A_1451 = vector.broadcast %mul3A_1450 : f32 to vector<64x256xf32>
      %mul3A_1452 = arith.mulf %mul3A_1451, %tanh3A_1449 : vector<64x256xf32>
      %add3A_1453 = arith.constant 5.000000e-01 : f32
      %add3A_1454 = vector.broadcast %add3A_1453 : f32 to vector<64x256xf32>
      %add3A_1455 = arith.addf %mul3A_1452, %add3A_1454 : vector<64x256xf32>
      %mul3A_1456 = arith.mulf %add3A_1445, %add3A_1304 : vector<64x256xf32>
      %mul3A_1457 = arith.mulf %add3A_1437, %tanh3A_1447 : vector<64x256xf32>
      %add3A_1458 = arith.addf %mul3A_1456, %mul3A_1457 : vector<64x256xf32>
      %tanh3A_1459 = math.tanh %add3A_1458 : vector<64x256xf32>
      %mul3A_1460 = arith.mulf %add3A_1455, %tanh3A_1459 : vector<64x256xf32>
      %slice3A_1461 = vector.extract_strided_slice %dot_general3A_1367 {offsets = [0, 0], sizes = [64, 256], strides = [1, 1]} : vector<256x256xf32> to vector<64x256xf32>
      %tanh3A_1462 = math.tanh %slice3A_1461 : vector<64x256xf32>
      %mul3A_1463 = arith.constant 5.000000e-01 : f32
      %mul3A_1464 = vector.broadcast %mul3A_1463 : f32 to vector<64x256xf32>
      %mul3A_1465 = arith.mulf %mul3A_1464, %tanh3A_1462 : vector<64x256xf32>
      %add3A_1466 = arith.constant 5.000000e-01 : f32
      %add3A_1467 = vector.broadcast %add3A_1466 : f32 to vector<64x256xf32>
      %add3A_1468 = arith.addf %mul3A_1465, %add3A_1467 : vector<64x256xf32>
      %slice3A_1469 = vector.extract_strided_slice %dot_general3A_1367 {offsets = [64, 0], sizes = [64, 256], strides = [1, 1]} : vector<256x256xf32> to vector<64x256xf32>
      %tanh3A_1470 = math.tanh %slice3A_1469 : vector<64x256xf32>
      %mul3A_1471 = arith.constant 5.000000e-01 : f32
      %mul3A_1472 = vector.broadcast %mul3A_1471 : f32 to vector<64x256xf32>
      %mul3A_1473 = arith.mulf %mul3A_1472, %tanh3A_1470 : vector<64x256xf32>
      %add3A_1474 = arith.constant 5.000000e-01 : f32
      %add3A_1475 = vector.broadcast %add3A_1474 : f32 to vector<64x256xf32>
      %add3A_1476 = arith.addf %mul3A_1473, %add3A_1475 : vector<64x256xf32>
      %slice3A_1477 = vector.extract_strided_slice %dot_general3A_1367 {offsets = [128, 0], sizes = [64, 256], strides = [1, 1]} : vector<256x256xf32> to vector<64x256xf32>
      %tanh3A_1478 = math.tanh %slice3A_1477 : vector<64x256xf32>
      %slice3A_1479 = vector.extract_strided_slice %dot_general3A_1367 {offsets = [192, 0], sizes = [64, 256], strides = [1, 1]} : vector<256x256xf32> to vector<64x256xf32>
      %tanh3A_1480 = math.tanh %slice3A_1479 : vector<64x256xf32>
      %mul3A_1481 = arith.constant 5.000000e-01 : f32
      %mul3A_1482 = vector.broadcast %mul3A_1481 : f32 to vector<64x256xf32>
      %mul3A_1483 = arith.mulf %mul3A_1482, %tanh3A_1480 : vector<64x256xf32>
      %add3A_1484 = arith.constant 5.000000e-01 : f32
      %add3A_1485 = vector.broadcast %add3A_1484 : f32 to vector<64x256xf32>
      %add3A_1486 = arith.addf %mul3A_1483, %add3A_1485 : vector<64x256xf32>
      %mul3A_1487 = arith.mulf %add3A_1476, %add3A_1335 : vector<64x256xf32>
      %mul3A_1488 = arith.mulf %add3A_1468, %tanh3A_1478 : vector<64x256xf32>
      %add3A_1489 = arith.addf %mul3A_1487, %mul3A_1488 : vector<64x256xf32>
      %tanh3A_1490 = math.tanh %add3A_1489 : vector<64x256xf32>
      %mul3A_1491 = arith.mulf %add3A_1486, %tanh3A_1490 : vector<64x256xf32>
      %mul3A_1492 = arith.constant 25 : i32
      %mul3A_1493 = arith.muli %scan3A_100, %mul3A_1492 : i32
      %add3A_1494 = arith.constant 9 : i32
      %add3A_1495 = arith.addi %mul3A_1493, %add3A_1494 : i32
      %mul3A_1496 = arith.constant 8 : i32
      %mul3A_1497 = arith.muli %add3A_1495, %mul3A_1496 : i32
      %get3A_1498 = arith.index_cast %mul3A_1497 : i32 to index
      %get3A_1499 = arith.constant 0 : index
      %get3A_1500 = vector.load %arg1[%get3A_1498, %get3A_1499] : memref<400x512xf32, #tpu.memory_space<vmem>>, vector<8x512xf32>
      %mul3A_1501 = arith.constant 8 : i32
      %mul3A_1502 = arith.muli %add3A_1495, %mul3A_1501 : i32
      %get3A_1503 = arith.index_cast %mul3A_1502 : i32 to index
      %get3A_1504 = arith.constant 0 : index
      %get3A_1505 = vector.load %arg2[%get3A_1503, %get3A_1504] : memref<400x512xf32, #tpu.memory_space<vmem>>, vector<8x512xf32>
      %slice3A_1506 = vector.extract_strided_slice %get3A_1500 {offsets = [0, 0], sizes = [8, 256], strides = [1, 1]} : vector<8x512xf32> to vector<8x256xf32>
      %slice3A_1507 = vector.extract_strided_slice %get3A_1500 {offsets = [0, 256], sizes = [8, 256], strides = [1, 1]} : vector<8x512xf32> to vector<8x256xf32>
      %slice3A_1508 = vector.extract_strided_slice %get3A_1505 {offsets = [0, 0], sizes = [8, 256], strides = [1, 1]} : vector<8x512xf32> to vector<8x256xf32>
      %slice3A_1509 = vector.extract_strided_slice %get3A_1505 {offsets = [0, 256], sizes = [8, 256], strides = [1, 1]} : vector<8x512xf32> to vector<8x256xf32>
      %concatenate3A_1510 = tpu.concatenate %slice3A_1506, %mul3A_1398 in 0 : vector<8x256xf32>, vector<64x256xf32> -> vector<72x256xf32>
      %dot_general3A_1511 = arith.constant dense<0.000000e+00> : vector<256x256xf32>
      %dot_general3A_1512 = tpu.matmul %get3A_8, %concatenate3A_1510, %dot_general3A_1511 {dimension_numbers = #tpu.dot_dimension_numbers<[1], [0], [0], [1], [0, 0, 1, 1], [], []>, transpose_lhs_hint = false} : vector<256x72xf32>, vector<72x256xf32>, vector<256x256xf32> -> vector<256x256xf32>
      %concatenate3A_1513 = tpu.concatenate %slice3A_1507, %mul3A_1429 in 0 : vector<8x256xf32>, vector<64x256xf32> -> vector<72x256xf32>
      %dot_general3A_1514 = arith.constant dense<0.000000e+00> : vector<256x256xf32>
      %dot_general3A_1515 = tpu.matmul %get3A_8, %concatenate3A_1513, %dot_general3A_1514 {dimension_numbers = #tpu.dot_dimension_numbers<[1], [0], [0], [1], [0, 0, 1, 1], [], []>, transpose_lhs_hint = false} : vector<256x72xf32>, vector<72x256xf32>, vector<256x256xf32> -> vector<256x256xf32>
      %concatenate3A_1516 = tpu.concatenate %slice3A_1508, %mul3A_1460 in 0 : vector<8x256xf32>, vector<64x256xf32> -> vector<72x256xf32>
      %dot_general3A_1517 = arith.constant dense<0.000000e+00> : vector<256x256xf32>
      %dot_general3A_1518 = tpu.matmul %get3A_8, %concatenate3A_1516, %dot_general3A_1517 {dimension_numbers = #tpu.dot_dimension_numbers<[1], [0], [0], [1], [0, 0, 1, 1], [], []>, transpose_lhs_hint = false} : vector<256x72xf32>, vector<72x256xf32>, vector<256x256xf32> -> vector<256x256xf32>
      %concatenate3A_1519 = tpu.concatenate %slice3A_1509, %mul3A_1491 in 0 : vector<8x256xf32>, vector<64x256xf32> -> vector<72x256xf32>
      %dot_general3A_1520 = arith.constant dense<0.000000e+00> : vector<256x256xf32>
      %dot_general3A_1521 = tpu.matmul %get3A_8, %concatenate3A_1519, %dot_general3A_1520 {dimension_numbers = #tpu.dot_dimension_numbers<[1], [0], [0], [1], [0, 0, 1, 1], [], []>, transpose_lhs_hint = false} : vector<256x72xf32>, vector<72x256xf32>, vector<256x256xf32> -> vector<256x256xf32>
      %slice3A_1522 = vector.extract_strided_slice %dot_general3A_1512 {offsets = [0, 0], sizes = [64, 256], strides = [1, 1]} : vector<256x256xf32> to vector<64x256xf32>
      %tanh3A_1523 = math.tanh %slice3A_1522 : vector<64x256xf32>
      %mul3A_1524 = arith.constant 5.000000e-01 : f32
      %mul3A_1525 = vector.broadcast %mul3A_1524 : f32 to vector<64x256xf32>
      %mul3A_1526 = arith.mulf %mul3A_1525, %tanh3A_1523 : vector<64x256xf32>
      %add3A_1527 = arith.constant 5.000000e-01 : f32
      %add3A_1528 = vector.broadcast %add3A_1527 : f32 to vector<64x256xf32>
      %add3A_1529 = arith.addf %mul3A_1526, %add3A_1528 : vector<64x256xf32>
      %slice3A_1530 = vector.extract_strided_slice %dot_general3A_1512 {offsets = [64, 0], sizes = [64, 256], strides = [1, 1]} : vector<256x256xf32> to vector<64x256xf32>
      %tanh3A_1531 = math.tanh %slice3A_1530 : vector<64x256xf32>
      %mul3A_1532 = arith.constant 5.000000e-01 : f32
      %mul3A_1533 = vector.broadcast %mul3A_1532 : f32 to vector<64x256xf32>
      %mul3A_1534 = arith.mulf %mul3A_1533, %tanh3A_1531 : vector<64x256xf32>
      %add3A_1535 = arith.constant 5.000000e-01 : f32
      %add3A_1536 = vector.broadcast %add3A_1535 : f32 to vector<64x256xf32>
      %add3A_1537 = arith.addf %mul3A_1534, %add3A_1536 : vector<64x256xf32>
      %slice3A_1538 = vector.extract_strided_slice %dot_general3A_1512 {offsets = [128, 0], sizes = [64, 256], strides = [1, 1]} : vector<256x256xf32> to vector<64x256xf32>
      %tanh3A_1539 = math.tanh %slice3A_1538 : vector<64x256xf32>
      %slice3A_1540 = vector.extract_strided_slice %dot_general3A_1512 {offsets = [192, 0], sizes = [64, 256], strides = [1, 1]} : vector<256x256xf32> to vector<64x256xf32>
      %tanh3A_1541 = math.tanh %slice3A_1540 : vector<64x256xf32>
      %mul3A_1542 = arith.constant 5.000000e-01 : f32
      %mul3A_1543 = vector.broadcast %mul3A_1542 : f32 to vector<64x256xf32>
      %mul3A_1544 = arith.mulf %mul3A_1543, %tanh3A_1541 : vector<64x256xf32>
      %add3A_1545 = arith.constant 5.000000e-01 : f32
      %add3A_1546 = vector.broadcast %add3A_1545 : f32 to vector<64x256xf32>
      %add3A_1547 = arith.addf %mul3A_1544, %add3A_1546 : vector<64x256xf32>
      %mul3A_1548 = arith.mulf %add3A_1537, %add3A_1396 : vector<64x256xf32>
      %mul3A_1549 = arith.mulf %add3A_1529, %tanh3A_1539 : vector<64x256xf32>
      %add3A_1550 = arith.addf %mul3A_1548, %mul3A_1549 : vector<64x256xf32>
      %tanh3A_1551 = math.tanh %add3A_1550 : vector<64x256xf32>
      %mul3A_1552 = arith.mulf %add3A_1547, %tanh3A_1551 : vector<64x256xf32>
      %slice3A_1553 = vector.extract_strided_slice %dot_general3A_1515 {offsets = [0, 0], sizes = [64, 256], strides = [1, 1]} : vector<256x256xf32> to vector<64x256xf32>
      %tanh3A_1554 = math.tanh %slice3A_1553 : vector<64x256xf32>
      %mul3A_1555 = arith.constant 5.000000e-01 : f32
      %mul3A_1556 = vector.broadcast %mul3A_1555 : f32 to vector<64x256xf32>
      %mul3A_1557 = arith.mulf %mul3A_1556, %tanh3A_1554 : vector<64x256xf32>
      %add3A_1558 = arith.constant 5.000000e-01 : f32
      %add3A_1559 = vector.broadcast %add3A_1558 : f32 to vector<64x256xf32>
      %add3A_1560 = arith.addf %mul3A_1557, %add3A_1559 : vector<64x256xf32>
      %slice3A_1561 = vector.extract_strided_slice %dot_general3A_1515 {offsets = [64, 0], sizes = [64, 256], strides = [1, 1]} : vector<256x256xf32> to vector<64x256xf32>
      %tanh3A_1562 = math.tanh %slice3A_1561 : vector<64x256xf32>
      %mul3A_1563 = arith.constant 5.000000e-01 : f32
      %mul3A_1564 = vector.broadcast %mul3A_1563 : f32 to vector<64x256xf32>
      %mul3A_1565 = arith.mulf %mul3A_1564, %tanh3A_1562 : vector<64x256xf32>
      %add3A_1566 = arith.constant 5.000000e-01 : f32
      %add3A_1567 = vector.broadcast %add3A_1566 : f32 to vector<64x256xf32>
      %add3A_1568 = arith.addf %mul3A_1565, %add3A_1567 : vector<64x256xf32>
      %slice3A_1569 = vector.extract_strided_slice %dot_general3A_1515 {offsets = [128, 0], sizes = [64, 256], strides = [1, 1]} : vector<256x256xf32> to vector<64x256xf32>
      %tanh3A_1570 = math.tanh %slice3A_1569 : vector<64x256xf32>
      %slice3A_1571 = vector.extract_strided_slice %dot_general3A_1515 {offsets = [192, 0], sizes = [64, 256], strides = [1, 1]} : vector<256x256xf32> to vector<64x256xf32>
      %tanh3A_1572 = math.tanh %slice3A_1571 : vector<64x256xf32>
      %mul3A_1573 = arith.constant 5.000000e-01 : f32
      %mul3A_1574 = vector.broadcast %mul3A_1573 : f32 to vector<64x256xf32>
      %mul3A_1575 = arith.mulf %mul3A_1574, %tanh3A_1572 : vector<64x256xf32>
      %add3A_1576 = arith.constant 5.000000e-01 : f32
      %add3A_1577 = vector.broadcast %add3A_1576 : f32 to vector<64x256xf32>
      %add3A_1578 = arith.addf %mul3A_1575, %add3A_1577 : vector<64x256xf32>
      %mul3A_1579 = arith.mulf %add3A_1568, %add3A_1427 : vector<64x256xf32>
      %mul3A_1580 = arith.mulf %add3A_1560, %tanh3A_1570 : vector<64x256xf32>
      %add3A_1581 = arith.addf %mul3A_1579, %mul3A_1580 : vector<64x256xf32>
      %tanh3A_1582 = math.tanh %add3A_1581 : vector<64x256xf32>
      %mul3A_1583 = arith.mulf %add3A_1578, %tanh3A_1582 : vector<64x256xf32>
      %slice3A_1584 = vector.extract_strided_slice %dot_general3A_1518 {offsets = [0, 0], sizes = [64, 256], strides = [1, 1]} : vector<256x256xf32> to vector<64x256xf32>
      %tanh3A_1585 = math.tanh %slice3A_1584 : vector<64x256xf32>
      %mul3A_1586 = arith.constant 5.000000e-01 : f32
      %mul3A_1587 = vector.broadcast %mul3A_1586 : f32 to vector<64x256xf32>
      %mul3A_1588 = arith.mulf %mul3A_1587, %tanh3A_1585 : vector<64x256xf32>
      %add3A_1589 = arith.constant 5.000000e-01 : f32
      %add3A_1590 = vector.broadcast %add3A_1589 : f32 to vector<64x256xf32>
      %add3A_1591 = arith.addf %mul3A_1588, %add3A_1590 : vector<64x256xf32>
      %slice3A_1592 = vector.extract_strided_slice %dot_general3A_1518 {offsets = [64, 0], sizes = [64, 256], strides = [1, 1]} : vector<256x256xf32> to vector<64x256xf32>
      %tanh3A_1593 = math.tanh %slice3A_1592 : vector<64x256xf32>
      %mul3A_1594 = arith.constant 5.000000e-01 : f32
      %mul3A_1595 = vector.broadcast %mul3A_1594 : f32 to vector<64x256xf32>
      %mul3A_1596 = arith.mulf %mul3A_1595, %tanh3A_1593 : vector<64x256xf32>
      %add3A_1597 = arith.constant 5.000000e-01 : f32
      %add3A_1598 = vector.broadcast %add3A_1597 : f32 to vector<64x256xf32>
      %add3A_1599 = arith.addf %mul3A_1596, %add3A_1598 : vector<64x256xf32>
      %slice3A_1600 = vector.extract_strided_slice %dot_general3A_1518 {offsets = [128, 0], sizes = [64, 256], strides = [1, 1]} : vector<256x256xf32> to vector<64x256xf32>
      %tanh3A_1601 = math.tanh %slice3A_1600 : vector<64x256xf32>
      %slice3A_1602 = vector.extract_strided_slice %dot_general3A_1518 {offsets = [192, 0], sizes = [64, 256], strides = [1, 1]} : vector<256x256xf32> to vector<64x256xf32>
      %tanh3A_1603 = math.tanh %slice3A_1602 : vector<64x256xf32>
      %mul3A_1604 = arith.constant 5.000000e-01 : f32
      %mul3A_1605 = vector.broadcast %mul3A_1604 : f32 to vector<64x256xf32>
      %mul3A_1606 = arith.mulf %mul3A_1605, %tanh3A_1603 : vector<64x256xf32>
      %add3A_1607 = arith.constant 5.000000e-01 : f32
      %add3A_1608 = vector.broadcast %add3A_1607 : f32 to vector<64x256xf32>
      %add3A_1609 = arith.addf %mul3A_1606, %add3A_1608 : vector<64x256xf32>
      %mul3A_1610 = arith.mulf %add3A_1599, %add3A_1458 : vector<64x256xf32>
      %mul3A_1611 = arith.mulf %add3A_1591, %tanh3A_1601 : vector<64x256xf32>
      %add3A_1612 = arith.addf %mul3A_1610, %mul3A_1611 : vector<64x256xf32>
      %tanh3A_1613 = math.tanh %add3A_1612 : vector<64x256xf32>
      %mul3A_1614 = arith.mulf %add3A_1609, %tanh3A_1613 : vector<64x256xf32>
      %slice3A_1615 = vector.extract_strided_slice %dot_general3A_1521 {offsets = [0, 0], sizes = [64, 256], strides = [1, 1]} : vector<256x256xf32> to vector<64x256xf32>
      %tanh3A_1616 = math.tanh %slice3A_1615 : vector<64x256xf32>
      %mul3A_1617 = arith.constant 5.000000e-01 : f32
      %mul3A_1618 = vector.broadcast %mul3A_1617 : f32 to vector<64x256xf32>
      %mul3A_1619 = arith.mulf %mul3A_1618, %tanh3A_1616 : vector<64x256xf32>
      %add3A_1620 = arith.constant 5.000000e-01 : f32
      %add3A_1621 = vector.broadcast %add3A_1620 : f32 to vector<64x256xf32>
      %add3A_1622 = arith.addf %mul3A_1619, %add3A_1621 : vector<64x256xf32>
      %slice3A_1623 = vector.extract_strided_slice %dot_general3A_1521 {offsets = [64, 0], sizes = [64, 256], strides = [1, 1]} : vector<256x256xf32> to vector<64x256xf32>
      %tanh3A_1624 = math.tanh %slice3A_1623 : vector<64x256xf32>
      %mul3A_1625 = arith.constant 5.000000e-01 : f32
      %mul3A_1626 = vector.broadcast %mul3A_1625 : f32 to vector<64x256xf32>
      %mul3A_1627 = arith.mulf %mul3A_1626, %tanh3A_1624 : vector<64x256xf32>
      %add3A_1628 = arith.constant 5.000000e-01 : f32
      %add3A_1629 = vector.broadcast %add3A_1628 : f32 to vector<64x256xf32>
      %add3A_1630 = arith.addf %mul3A_1627, %add3A_1629 : vector<64x256xf32>
      %slice3A_1631 = vector.extract_strided_slice %dot_general3A_1521 {offsets = [128, 0], sizes = [64, 256], strides = [1, 1]} : vector<256x256xf32> to vector<64x256xf32>
      %tanh3A_1632 = math.tanh %slice3A_1631 : vector<64x256xf32>
      %slice3A_1633 = vector.extract_strided_slice %dot_general3A_1521 {offsets = [192, 0], sizes = [64, 256], strides = [1, 1]} : vector<256x256xf32> to vector<64x256xf32>
      %tanh3A_1634 = math.tanh %slice3A_1633 : vector<64x256xf32>
      %mul3A_1635 = arith.constant 5.000000e-01 : f32
      %mul3A_1636 = vector.broadcast %mul3A_1635 : f32 to vector<64x256xf32>
      %mul3A_1637 = arith.mulf %mul3A_1636, %tanh3A_1634 : vector<64x256xf32>
      %add3A_1638 = arith.constant 5.000000e-01 : f32
      %add3A_1639 = vector.broadcast %add3A_1638 : f32 to vector<64x256xf32>
      %add3A_1640 = arith.addf %mul3A_1637, %add3A_1639 : vector<64x256xf32>
      %mul3A_1641 = arith.mulf %add3A_1630, %add3A_1489 : vector<64x256xf32>
      %mul3A_1642 = arith.mulf %add3A_1622, %tanh3A_1632 : vector<64x256xf32>
      %add3A_1643 = arith.addf %mul3A_1641, %mul3A_1642 : vector<64x256xf32>
      %tanh3A_1644 = math.tanh %add3A_1643 : vector<64x256xf32>
      %mul3A_1645 = arith.mulf %add3A_1640, %tanh3A_1644 : vector<64x256xf32>
      %mul3A_1646 = arith.constant 25 : i32
      %mul3A_1647 = arith.muli %scan3A_100, %mul3A_1646 : i32
      %add3A_1648 = arith.constant 10 : i32
      %add3A_1649 = arith.addi %mul3A_1647, %add3A_1648 : i32
      %mul3A_1650 = arith.constant 8 : i32
      %mul3A_1651 = arith.muli %add3A_1649, %mul3A_1650 : i32
      %get3A_1652 = arith.index_cast %mul3A_1651 : i32 to index
      %get3A_1653 = arith.constant 0 : index
      %get3A_1654 = vector.load %arg1[%get3A_1652, %get3A_1653] : memref<400x512xf32, #tpu.memory_space<vmem>>, vector<8x512xf32>
      %mul3A_1655 = arith.constant 8 : i32
      %mul3A_1656 = arith.muli %add3A_1649, %mul3A_1655 : i32
      %get3A_1657 = arith.index_cast %mul3A_1656 : i32 to index
      %get3A_1658 = arith.constant 0 : index
      %get3A_1659 = vector.load %arg2[%get3A_1657, %get3A_1658] : memref<400x512xf32, #tpu.memory_space<vmem>>, vector<8x512xf32>
      %slice3A_1660 = vector.extract_strided_slice %get3A_1654 {offsets = [0, 0], sizes = [8, 256], strides = [1, 1]} : vector<8x512xf32> to vector<8x256xf32>
      %slice3A_1661 = vector.extract_strided_slice %get3A_1654 {offsets = [0, 256], sizes = [8, 256], strides = [1, 1]} : vector<8x512xf32> to vector<8x256xf32>
      %slice3A_1662 = vector.extract_strided_slice %get3A_1659 {offsets = [0, 0], sizes = [8, 256], strides = [1, 1]} : vector<8x512xf32> to vector<8x256xf32>
      %slice3A_1663 = vector.extract_strided_slice %get3A_1659 {offsets = [0, 256], sizes = [8, 256], strides = [1, 1]} : vector<8x512xf32> to vector<8x256xf32>
      %concatenate3A_1664 = tpu.concatenate %slice3A_1660, %mul3A_1552 in 0 : vector<8x256xf32>, vector<64x256xf32> -> vector<72x256xf32>
      %dot_general3A_1665 = arith.constant dense<0.000000e+00> : vector<256x256xf32>
      %dot_general3A_1666 = tpu.matmul %get3A_8, %concatenate3A_1664, %dot_general3A_1665 {dimension_numbers = #tpu.dot_dimension_numbers<[1], [0], [0], [1], [0, 0, 1, 1], [], []>, transpose_lhs_hint = false} : vector<256x72xf32>, vector<72x256xf32>, vector<256x256xf32> -> vector<256x256xf32>
      %concatenate3A_1667 = tpu.concatenate %slice3A_1661, %mul3A_1583 in 0 : vector<8x256xf32>, vector<64x256xf32> -> vector<72x256xf32>
      %dot_general3A_1668 = arith.constant dense<0.000000e+00> : vector<256x256xf32>
      %dot_general3A_1669 = tpu.matmul %get3A_8, %concatenate3A_1667, %dot_general3A_1668 {dimension_numbers = #tpu.dot_dimension_numbers<[1], [0], [0], [1], [0, 0, 1, 1], [], []>, transpose_lhs_hint = false} : vector<256x72xf32>, vector<72x256xf32>, vector<256x256xf32> -> vector<256x256xf32>
      %concatenate3A_1670 = tpu.concatenate %slice3A_1662, %mul3A_1614 in 0 : vector<8x256xf32>, vector<64x256xf32> -> vector<72x256xf32>
      %dot_general3A_1671 = arith.constant dense<0.000000e+00> : vector<256x256xf32>
      %dot_general3A_1672 = tpu.matmul %get3A_8, %concatenate3A_1670, %dot_general3A_1671 {dimension_numbers = #tpu.dot_dimension_numbers<[1], [0], [0], [1], [0, 0, 1, 1], [], []>, transpose_lhs_hint = false} : vector<256x72xf32>, vector<72x256xf32>, vector<256x256xf32> -> vector<256x256xf32>
      %concatenate3A_1673 = tpu.concatenate %slice3A_1663, %mul3A_1645 in 0 : vector<8x256xf32>, vector<64x256xf32> -> vector<72x256xf32>
      %dot_general3A_1674 = arith.constant dense<0.000000e+00> : vector<256x256xf32>
      %dot_general3A_1675 = tpu.matmul %get3A_8, %concatenate3A_1673, %dot_general3A_1674 {dimension_numbers = #tpu.dot_dimension_numbers<[1], [0], [0], [1], [0, 0, 1, 1], [], []>, transpose_lhs_hint = false} : vector<256x72xf32>, vector<72x256xf32>, vector<256x256xf32> -> vector<256x256xf32>
      %slice3A_1676 = vector.extract_strided_slice %dot_general3A_1666 {offsets = [0, 0], sizes = [64, 256], strides = [1, 1]} : vector<256x256xf32> to vector<64x256xf32>
      %tanh3A_1677 = math.tanh %slice3A_1676 : vector<64x256xf32>
      %mul3A_1678 = arith.constant 5.000000e-01 : f32
      %mul3A_1679 = vector.broadcast %mul3A_1678 : f32 to vector<64x256xf32>
      %mul3A_1680 = arith.mulf %mul3A_1679, %tanh3A_1677 : vector<64x256xf32>
      %add3A_1681 = arith.constant 5.000000e-01 : f32
      %add3A_1682 = vector.broadcast %add3A_1681 : f32 to vector<64x256xf32>
      %add3A_1683 = arith.addf %mul3A_1680, %add3A_1682 : vector<64x256xf32>
      %slice3A_1684 = vector.extract_strided_slice %dot_general3A_1666 {offsets = [64, 0], sizes = [64, 256], strides = [1, 1]} : vector<256x256xf32> to vector<64x256xf32>
      %tanh3A_1685 = math.tanh %slice3A_1684 : vector<64x256xf32>
      %mul3A_1686 = arith.constant 5.000000e-01 : f32
      %mul3A_1687 = vector.broadcast %mul3A_1686 : f32 to vector<64x256xf32>
      %mul3A_1688 = arith.mulf %mul3A_1687, %tanh3A_1685 : vector<64x256xf32>
      %add3A_1689 = arith.constant 5.000000e-01 : f32
      %add3A_1690 = vector.broadcast %add3A_1689 : f32 to vector<64x256xf32>
      %add3A_1691 = arith.addf %mul3A_1688, %add3A_1690 : vector<64x256xf32>
      %slice3A_1692 = vector.extract_strided_slice %dot_general3A_1666 {offsets = [128, 0], sizes = [64, 256], strides = [1, 1]} : vector<256x256xf32> to vector<64x256xf32>
      %tanh3A_1693 = math.tanh %slice3A_1692 : vector<64x256xf32>
      %slice3A_1694 = vector.extract_strided_slice %dot_general3A_1666 {offsets = [192, 0], sizes = [64, 256], strides = [1, 1]} : vector<256x256xf32> to vector<64x256xf32>
      %tanh3A_1695 = math.tanh %slice3A_1694 : vector<64x256xf32>
      %mul3A_1696 = arith.constant 5.000000e-01 : f32
      %mul3A_1697 = vector.broadcast %mul3A_1696 : f32 to vector<64x256xf32>
      %mul3A_1698 = arith.mulf %mul3A_1697, %tanh3A_1695 : vector<64x256xf32>
      %add3A_1699 = arith.constant 5.000000e-01 : f32
      %add3A_1700 = vector.broadcast %add3A_1699 : f32 to vector<64x256xf32>
      %add3A_1701 = arith.addf %mul3A_1698, %add3A_1700 : vector<64x256xf32>
      %mul3A_1702 = arith.mulf %add3A_1691, %add3A_1550 : vector<64x256xf32>
      %mul3A_1703 = arith.mulf %add3A_1683, %tanh3A_1693 : vector<64x256xf32>
      %add3A_1704 = arith.addf %mul3A_1702, %mul3A_1703 : vector<64x256xf32>
      %tanh3A_1705 = math.tanh %add3A_1704 : vector<64x256xf32>
      %mul3A_1706 = arith.mulf %add3A_1701, %tanh3A_1705 : vector<64x256xf32>
      %slice3A_1707 = vector.extract_strided_slice %dot_general3A_1669 {offsets = [0, 0], sizes = [64, 256], strides = [1, 1]} : vector<256x256xf32> to vector<64x256xf32>
      %tanh3A_1708 = math.tanh %slice3A_1707 : vector<64x256xf32>
      %mul3A_1709 = arith.constant 5.000000e-01 : f32
      %mul3A_1710 = vector.broadcast %mul3A_1709 : f32 to vector<64x256xf32>
      %mul3A_1711 = arith.mulf %mul3A_1710, %tanh3A_1708 : vector<64x256xf32>
      %add3A_1712 = arith.constant 5.000000e-01 : f32
      %add3A_1713 = vector.broadcast %add3A_1712 : f32 to vector<64x256xf32>
      %add3A_1714 = arith.addf %mul3A_1711, %add3A_1713 : vector<64x256xf32>
      %slice3A_1715 = vector.extract_strided_slice %dot_general3A_1669 {offsets = [64, 0], sizes = [64, 256], strides = [1, 1]} : vector<256x256xf32> to vector<64x256xf32>
      %tanh3A_1716 = math.tanh %slice3A_1715 : vector<64x256xf32>
      %mul3A_1717 = arith.constant 5.000000e-01 : f32
      %mul3A_1718 = vector.broadcast %mul3A_1717 : f32 to vector<64x256xf32>
      %mul3A_1719 = arith.mulf %mul3A_1718, %tanh3A_1716 : vector<64x256xf32>
      %add3A_1720 = arith.constant 5.000000e-01 : f32
      %add3A_1721 = vector.broadcast %add3A_1720 : f32 to vector<64x256xf32>
      %add3A_1722 = arith.addf %mul3A_1719, %add3A_1721 : vector<64x256xf32>
      %slice3A_1723 = vector.extract_strided_slice %dot_general3A_1669 {offsets = [128, 0], sizes = [64, 256], strides = [1, 1]} : vector<256x256xf32> to vector<64x256xf32>
      %tanh3A_1724 = math.tanh %slice3A_1723 : vector<64x256xf32>
      %slice3A_1725 = vector.extract_strided_slice %dot_general3A_1669 {offsets = [192, 0], sizes = [64, 256], strides = [1, 1]} : vector<256x256xf32> to vector<64x256xf32>
      %tanh3A_1726 = math.tanh %slice3A_1725 : vector<64x256xf32>
      %mul3A_1727 = arith.constant 5.000000e-01 : f32
      %mul3A_1728 = vector.broadcast %mul3A_1727 : f32 to vector<64x256xf32>
      %mul3A_1729 = arith.mulf %mul3A_1728, %tanh3A_1726 : vector<64x256xf32>
      %add3A_1730 = arith.constant 5.000000e-01 : f32
      %add3A_1731 = vector.broadcast %add3A_1730 : f32 to vector<64x256xf32>
      %add3A_1732 = arith.addf %mul3A_1729, %add3A_1731 : vector<64x256xf32>
      %mul3A_1733 = arith.mulf %add3A_1722, %add3A_1581 : vector<64x256xf32>
      %mul3A_1734 = arith.mulf %add3A_1714, %tanh3A_1724 : vector<64x256xf32>
      %add3A_1735 = arith.addf %mul3A_1733, %mul3A_1734 : vector<64x256xf32>
      %tanh3A_1736 = math.tanh %add3A_1735 : vector<64x256xf32>
      %mul3A_1737 = arith.mulf %add3A_1732, %tanh3A_1736 : vector<64x256xf32>
      %slice3A_1738 = vector.extract_strided_slice %dot_general3A_1672 {offsets = [0, 0], sizes = [64, 256], strides = [1, 1]} : vector<256x256xf32> to vector<64x256xf32>
      %tanh3A_1739 = math.tanh %slice3A_1738 : vector<64x256xf32>
      %mul3A_1740 = arith.constant 5.000000e-01 : f32
      %mul3A_1741 = vector.broadcast %mul3A_1740 : f32 to vector<64x256xf32>
      %mul3A_1742 = arith.mulf %mul3A_1741, %tanh3A_1739 : vector<64x256xf32>
      %add3A_1743 = arith.constant 5.000000e-01 : f32
      %add3A_1744 = vector.broadcast %add3A_1743 : f32 to vector<64x256xf32>
      %add3A_1745 = arith.addf %mul3A_1742, %add3A_1744 : vector<64x256xf32>
      %slice3A_1746 = vector.extract_strided_slice %dot_general3A_1672 {offsets = [64, 0], sizes = [64, 256], strides = [1, 1]} : vector<256x256xf32> to vector<64x256xf32>
      %tanh3A_1747 = math.tanh %slice3A_1746 : vector<64x256xf32>
      %mul3A_1748 = arith.constant 5.000000e-01 : f32
      %mul3A_1749 = vector.broadcast %mul3A_1748 : f32 to vector<64x256xf32>
      %mul3A_1750 = arith.mulf %mul3A_1749, %tanh3A_1747 : vector<64x256xf32>
      %add3A_1751 = arith.constant 5.000000e-01 : f32
      %add3A_1752 = vector.broadcast %add3A_1751 : f32 to vector<64x256xf32>
      %add3A_1753 = arith.addf %mul3A_1750, %add3A_1752 : vector<64x256xf32>
      %slice3A_1754 = vector.extract_strided_slice %dot_general3A_1672 {offsets = [128, 0], sizes = [64, 256], strides = [1, 1]} : vector<256x256xf32> to vector<64x256xf32>
      %tanh3A_1755 = math.tanh %slice3A_1754 : vector<64x256xf32>
      %slice3A_1756 = vector.extract_strided_slice %dot_general3A_1672 {offsets = [192, 0], sizes = [64, 256], strides = [1, 1]} : vector<256x256xf32> to vector<64x256xf32>
      %tanh3A_1757 = math.tanh %slice3A_1756 : vector<64x256xf32>
      %mul3A_1758 = arith.constant 5.000000e-01 : f32
      %mul3A_1759 = vector.broadcast %mul3A_1758 : f32 to vector<64x256xf32>
      %mul3A_1760 = arith.mulf %mul3A_1759, %tanh3A_1757 : vector<64x256xf32>
      %add3A_1761 = arith.constant 5.000000e-01 : f32
      %add3A_1762 = vector.broadcast %add3A_1761 : f32 to vector<64x256xf32>
      %add3A_1763 = arith.addf %mul3A_1760, %add3A_1762 : vector<64x256xf32>
      %mul3A_1764 = arith.mulf %add3A_1753, %add3A_1612 : vector<64x256xf32>
      %mul3A_1765 = arith.mulf %add3A_1745, %tanh3A_1755 : vector<64x256xf32>
      %add3A_1766 = arith.addf %mul3A_1764, %mul3A_1765 : vector<64x256xf32>
      %tanh3A_1767 = math.tanh %add3A_1766 : vector<64x256xf32>
      %mul3A_1768 = arith.mulf %add3A_1763, %tanh3A_1767 : vector<64x256xf32>
      %slice3A_1769 = vector.extract_strided_slice %dot_general3A_1675 {offsets = [0, 0], sizes = [64, 256], strides = [1, 1]} : vector<256x256xf32> to vector<64x256xf32>
      %tanh3A_1770 = math.tanh %slice3A_1769 : vector<64x256xf32>
      %mul3A_1771 = arith.constant 5.000000e-01 : f32
      %mul3A_1772 = vector.broadcast %mul3A_1771 : f32 to vector<64x256xf32>
      %mul3A_1773 = arith.mulf %mul3A_1772, %tanh3A_1770 : vector<64x256xf32>
      %add3A_1774 = arith.constant 5.000000e-01 : f32
      %add3A_1775 = vector.broadcast %add3A_1774 : f32 to vector<64x256xf32>
      %add3A_1776 = arith.addf %mul3A_1773, %add3A_1775 : vector<64x256xf32>
      %slice3A_1777 = vector.extract_strided_slice %dot_general3A_1675 {offsets = [64, 0], sizes = [64, 256], strides = [1, 1]} : vector<256x256xf32> to vector<64x256xf32>
      %tanh3A_1778 = math.tanh %slice3A_1777 : vector<64x256xf32>
      %mul3A_1779 = arith.constant 5.000000e-01 : f32
      %mul3A_1780 = vector.broadcast %mul3A_1779 : f32 to vector<64x256xf32>
      %mul3A_1781 = arith.mulf %mul3A_1780, %tanh3A_1778 : vector<64x256xf32>
      %add3A_1782 = arith.constant 5.000000e-01 : f32
      %add3A_1783 = vector.broadcast %add3A_1782 : f32 to vector<64x256xf32>
      %add3A_1784 = arith.addf %mul3A_1781, %add3A_1783 : vector<64x256xf32>
      %slice3A_1785 = vector.extract_strided_slice %dot_general3A_1675 {offsets = [128, 0], sizes = [64, 256], strides = [1, 1]} : vector<256x256xf32> to vector<64x256xf32>
      %tanh3A_1786 = math.tanh %slice3A_1785 : vector<64x256xf32>
      %slice3A_1787 = vector.extract_strided_slice %dot_general3A_1675 {offsets = [192, 0], sizes = [64, 256], strides = [1, 1]} : vector<256x256xf32> to vector<64x256xf32>
      %tanh3A_1788 = math.tanh %slice3A_1787 : vector<64x256xf32>
      %mul3A_1789 = arith.constant 5.000000e-01 : f32
      %mul3A_1790 = vector.broadcast %mul3A_1789 : f32 to vector<64x256xf32>
      %mul3A_1791 = arith.mulf %mul3A_1790, %tanh3A_1788 : vector<64x256xf32>
      %add3A_1792 = arith.constant 5.000000e-01 : f32
      %add3A_1793 = vector.broadcast %add3A_1792 : f32 to vector<64x256xf32>
      %add3A_1794 = arith.addf %mul3A_1791, %add3A_1793 : vector<64x256xf32>
      %mul3A_1795 = arith.mulf %add3A_1784, %add3A_1643 : vector<64x256xf32>
      %mul3A_1796 = arith.mulf %add3A_1776, %tanh3A_1786 : vector<64x256xf32>
      %add3A_1797 = arith.addf %mul3A_1795, %mul3A_1796 : vector<64x256xf32>
      %tanh3A_1798 = math.tanh %add3A_1797 : vector<64x256xf32>
      %mul3A_1799 = arith.mulf %add3A_1794, %tanh3A_1798 : vector<64x256xf32>
      %mul3A_1800 = arith.constant 25 : i32
      %mul3A_1801 = arith.muli %scan3A_100, %mul3A_1800 : i32
      %add3A_1802 = arith.constant 11 : i32
      %add3A_1803 = arith.addi %mul3A_1801, %add3A_1802 : i32
      %mul3A_1804 = arith.constant 8 : i32
      %mul3A_1805 = arith.muli %add3A_1803, %mul3A_1804 : i32
      %get3A_1806 = arith.index_cast %mul3A_1805 : i32 to index
      %get3A_1807 = arith.constant 0 : index
      %get3A_1808 = vector.load %arg1[%get3A_1806, %get3A_1807] : memref<400x512xf32, #tpu.memory_space<vmem>>, vector<8x512xf32>
      %mul3A_1809 = arith.constant 8 : i32
      %mul3A_1810 = arith.muli %add3A_1803, %mul3A_1809 : i32
      %get3A_1811 = arith.index_cast %mul3A_1810 : i32 to index
      %get3A_1812 = arith.constant 0 : index
      %get3A_1813 = vector.load %arg2[%get3A_1811, %get3A_1812] : memref<400x512xf32, #tpu.memory_space<vmem>>, vector<8x512xf32>
      %slice3A_1814 = vector.extract_strided_slice %get3A_1808 {offsets = [0, 0], sizes = [8, 256], strides = [1, 1]} : vector<8x512xf32> to vector<8x256xf32>
      %slice3A_1815 = vector.extract_strided_slice %get3A_1808 {offsets = [0, 256], sizes = [8, 256], strides = [1, 1]} : vector<8x512xf32> to vector<8x256xf32>
      %slice3A_1816 = vector.extract_strided_slice %get3A_1813 {offsets = [0, 0], sizes = [8, 256], strides = [1, 1]} : vector<8x512xf32> to vector<8x256xf32>
      %slice3A_1817 = vector.extract_strided_slice %get3A_1813 {offsets = [0, 256], sizes = [8, 256], strides = [1, 1]} : vector<8x512xf32> to vector<8x256xf32>
      %concatenate3A_1818 = tpu.concatenate %slice3A_1814, %mul3A_1706 in 0 : vector<8x256xf32>, vector<64x256xf32> -> vector<72x256xf32>
      %dot_general3A_1819 = arith.constant dense<0.000000e+00> : vector<256x256xf32>
      %dot_general3A_1820 = tpu.matmul %get3A_8, %concatenate3A_1818, %dot_general3A_1819 {dimension_numbers = #tpu.dot_dimension_numbers<[1], [0], [0], [1], [0, 0, 1, 1], [], []>, transpose_lhs_hint = false} : vector<256x72xf32>, vector<72x256xf32>, vector<256x256xf32> -> vector<256x256xf32>
      %concatenate3A_1821 = tpu.concatenate %slice3A_1815, %mul3A_1737 in 0 : vector<8x256xf32>, vector<64x256xf32> -> vector<72x256xf32>
      %dot_general3A_1822 = arith.constant dense<0.000000e+00> : vector<256x256xf32>
      %dot_general3A_1823 = tpu.matmul %get3A_8, %concatenate3A_1821, %dot_general3A_1822 {dimension_numbers = #tpu.dot_dimension_numbers<[1], [0], [0], [1], [0, 0, 1, 1], [], []>, transpose_lhs_hint = false} : vector<256x72xf32>, vector<72x256xf32>, vector<256x256xf32> -> vector<256x256xf32>
      %concatenate3A_1824 = tpu.concatenate %slice3A_1816, %mul3A_1768 in 0 : vector<8x256xf32>, vector<64x256xf32> -> vector<72x256xf32>
      %dot_general3A_1825 = arith.constant dense<0.000000e+00> : vector<256x256xf32>
      %dot_general3A_1826 = tpu.matmul %get3A_8, %concatenate3A_1824, %dot_general3A_1825 {dimension_numbers = #tpu.dot_dimension_numbers<[1], [0], [0], [1], [0, 0, 1, 1], [], []>, transpose_lhs_hint = false} : vector<256x72xf32>, vector<72x256xf32>, vector<256x256xf32> -> vector<256x256xf32>
      %concatenate3A_1827 = tpu.concatenate %slice3A_1817, %mul3A_1799 in 0 : vector<8x256xf32>, vector<64x256xf32> -> vector<72x256xf32>
      %dot_general3A_1828 = arith.constant dense<0.000000e+00> : vector<256x256xf32>
      %dot_general3A_1829 = tpu.matmul %get3A_8, %concatenate3A_1827, %dot_general3A_1828 {dimension_numbers = #tpu.dot_dimension_numbers<[1], [0], [0], [1], [0, 0, 1, 1], [], []>, transpose_lhs_hint = false} : vector<256x72xf32>, vector<72x256xf32>, vector<256x256xf32> -> vector<256x256xf32>
      %slice3A_1830 = vector.extract_strided_slice %dot_general3A_1820 {offsets = [0, 0], sizes = [64, 256], strides = [1, 1]} : vector<256x256xf32> to vector<64x256xf32>
      %tanh3A_1831 = math.tanh %slice3A_1830 : vector<64x256xf32>
      %mul3A_1832 = arith.constant 5.000000e-01 : f32
      %mul3A_1833 = vector.broadcast %mul3A_1832 : f32 to vector<64x256xf32>
      %mul3A_1834 = arith.mulf %mul3A_1833, %tanh3A_1831 : vector<64x256xf32>
      %add3A_1835 = arith.constant 5.000000e-01 : f32
      %add3A_1836 = vector.broadcast %add3A_1835 : f32 to vector<64x256xf32>
      %add3A_1837 = arith.addf %mul3A_1834, %add3A_1836 : vector<64x256xf32>
      %slice3A_1838 = vector.extract_strided_slice %dot_general3A_1820 {offsets = [64, 0], sizes = [64, 256], strides = [1, 1]} : vector<256x256xf32> to vector<64x256xf32>
      %tanh3A_1839 = math.tanh %slice3A_1838 : vector<64x256xf32>
      %mul3A_1840 = arith.constant 5.000000e-01 : f32
      %mul3A_1841 = vector.broadcast %mul3A_1840 : f32 to vector<64x256xf32>
      %mul3A_1842 = arith.mulf %mul3A_1841, %tanh3A_1839 : vector<64x256xf32>
      %add3A_1843 = arith.constant 5.000000e-01 : f32
      %add3A_1844 = vector.broadcast %add3A_1843 : f32 to vector<64x256xf32>
      %add3A_1845 = arith.addf %mul3A_1842, %add3A_1844 : vector<64x256xf32>
      %slice3A_1846 = vector.extract_strided_slice %dot_general3A_1820 {offsets = [128, 0], sizes = [64, 256], strides = [1, 1]} : vector<256x256xf32> to vector<64x256xf32>
      %tanh3A_1847 = math.tanh %slice3A_1846 : vector<64x256xf32>
      %slice3A_1848 = vector.extract_strided_slice %dot_general3A_1820 {offsets = [192, 0], sizes = [64, 256], strides = [1, 1]} : vector<256x256xf32> to vector<64x256xf32>
      %tanh3A_1849 = math.tanh %slice3A_1848 : vector<64x256xf32>
      %mul3A_1850 = arith.constant 5.000000e-01 : f32
      %mul3A_1851 = vector.broadcast %mul3A_1850 : f32 to vector<64x256xf32>
      %mul3A_1852 = arith.mulf %mul3A_1851, %tanh3A_1849 : vector<64x256xf32>
      %add3A_1853 = arith.constant 5.000000e-01 : f32
      %add3A_1854 = vector.broadcast %add3A_1853 : f32 to vector<64x256xf32>
      %add3A_1855 = arith.addf %mul3A_1852, %add3A_1854 : vector<64x256xf32>
      %mul3A_1856 = arith.mulf %add3A_1845, %add3A_1704 : vector<64x256xf32>
      %mul3A_1857 = arith.mulf %add3A_1837, %tanh3A_1847 : vector<64x256xf32>
      %add3A_1858 = arith.addf %mul3A_1856, %mul3A_1857 : vector<64x256xf32>
      %tanh3A_1859 = math.tanh %add3A_1858 : vector<64x256xf32>
      %mul3A_1860 = arith.mulf %add3A_1855, %tanh3A_1859 : vector<64x256xf32>
      %slice3A_1861 = vector.extract_strided_slice %dot_general3A_1823 {offsets = [0, 0], sizes = [64, 256], strides = [1, 1]} : vector<256x256xf32> to vector<64x256xf32>
      %tanh3A_1862 = math.tanh %slice3A_1861 : vector<64x256xf32>
      %mul3A_1863 = arith.constant 5.000000e-01 : f32
      %mul3A_1864 = vector.broadcast %mul3A_1863 : f32 to vector<64x256xf32>
      %mul3A_1865 = arith.mulf %mul3A_1864, %tanh3A_1862 : vector<64x256xf32>
      %add3A_1866 = arith.constant 5.000000e-01 : f32
      %add3A_1867 = vector.broadcast %add3A_1866 : f32 to vector<64x256xf32>
      %add3A_1868 = arith.addf %mul3A_1865, %add3A_1867 : vector<64x256xf32>
      %slice3A_1869 = vector.extract_strided_slice %dot_general3A_1823 {offsets = [64, 0], sizes = [64, 256], strides = [1, 1]} : vector<256x256xf32> to vector<64x256xf32>
      %tanh3A_1870 = math.tanh %slice3A_1869 : vector<64x256xf32>
      %mul3A_1871 = arith.constant 5.000000e-01 : f32
      %mul3A_1872 = vector.broadcast %mul3A_1871 : f32 to vector<64x256xf32>
      %mul3A_1873 = arith.mulf %mul3A_1872, %tanh3A_1870 : vector<64x256xf32>
      %add3A_1874 = arith.constant 5.000000e-01 : f32
      %add3A_1875 = vector.broadcast %add3A_1874 : f32 to vector<64x256xf32>
      %add3A_1876 = arith.addf %mul3A_1873, %add3A_1875 : vector<64x256xf32>
      %slice3A_1877 = vector.extract_strided_slice %dot_general3A_1823 {offsets = [128, 0], sizes = [64, 256], strides = [1, 1]} : vector<256x256xf32> to vector<64x256xf32>
      %tanh3A_1878 = math.tanh %slice3A_1877 : vector<64x256xf32>
      %slice3A_1879 = vector.extract_strided_slice %dot_general3A_1823 {offsets = [192, 0], sizes = [64, 256], strides = [1, 1]} : vector<256x256xf32> to vector<64x256xf32>
      %tanh3A_1880 = math.tanh %slice3A_1879 : vector<64x256xf32>
      %mul3A_1881 = arith.constant 5.000000e-01 : f32
      %mul3A_1882 = vector.broadcast %mul3A_1881 : f32 to vector<64x256xf32>
      %mul3A_1883 = arith.mulf %mul3A_1882, %tanh3A_1880 : vector<64x256xf32>
      %add3A_1884 = arith.constant 5.000000e-01 : f32
      %add3A_1885 = vector.broadcast %add3A_1884 : f32 to vector<64x256xf32>
      %add3A_1886 = arith.addf %mul3A_1883, %add3A_1885 : vector<64x256xf32>
      %mul3A_1887 = arith.mulf %add3A_1876, %add3A_1735 : vector<64x256xf32>
      %mul3A_1888 = arith.mulf %add3A_1868, %tanh3A_1878 : vector<64x256xf32>
      %add3A_1889 = arith.addf %mul3A_1887, %mul3A_1888 : vector<64x256xf32>
      %tanh3A_1890 = math.tanh %add3A_1889 : vector<64x256xf32>
      %mul3A_1891 = arith.mulf %add3A_1886, %tanh3A_1890 : vector<64x256xf32>
      %slice3A_1892 = vector.extract_strided_slice %dot_general3A_1826 {offsets = [0, 0], sizes = [64, 256], strides = [1, 1]} : vector<256x256xf32> to vector<64x256xf32>
      %tanh3A_1893 = math.tanh %slice3A_1892 : vector<64x256xf32>
      %mul3A_1894 = arith.constant 5.000000e-01 : f32
      %mul3A_1895 = vector.broadcast %mul3A_1894 : f32 to vector<64x256xf32>
      %mul3A_1896 = arith.mulf %mul3A_1895, %tanh3A_1893 : vector<64x256xf32>
      %add3A_1897 = arith.constant 5.000000e-01 : f32
      %add3A_1898 = vector.broadcast %add3A_1897 : f32 to vector<64x256xf32>
      %add3A_1899 = arith.addf %mul3A_1896, %add3A_1898 : vector<64x256xf32>
      %slice3A_1900 = vector.extract_strided_slice %dot_general3A_1826 {offsets = [64, 0], sizes = [64, 256], strides = [1, 1]} : vector<256x256xf32> to vector<64x256xf32>
      %tanh3A_1901 = math.tanh %slice3A_1900 : vector<64x256xf32>
      %mul3A_1902 = arith.constant 5.000000e-01 : f32
      %mul3A_1903 = vector.broadcast %mul3A_1902 : f32 to vector<64x256xf32>
      %mul3A_1904 = arith.mulf %mul3A_1903, %tanh3A_1901 : vector<64x256xf32>
      %add3A_1905 = arith.constant 5.000000e-01 : f32
      %add3A_1906 = vector.broadcast %add3A_1905 : f32 to vector<64x256xf32>
      %add3A_1907 = arith.addf %mul3A_1904, %add3A_1906 : vector<64x256xf32>
      %slice3A_1908 = vector.extract_strided_slice %dot_general3A_1826 {offsets = [128, 0], sizes = [64, 256], strides = [1, 1]} : vector<256x256xf32> to vector<64x256xf32>
      %tanh3A_1909 = math.tanh %slice3A_1908 : vector<64x256xf32>
      %slice3A_1910 = vector.extract_strided_slice %dot_general3A_1826 {offsets = [192, 0], sizes = [64, 256], strides = [1, 1]} : vector<256x256xf32> to vector<64x256xf32>
      %tanh3A_1911 = math.tanh %slice3A_1910 : vector<64x256xf32>
      %mul3A_1912 = arith.constant 5.000000e-01 : f32
      %mul3A_1913 = vector.broadcast %mul3A_1912 : f32 to vector<64x256xf32>
      %mul3A_1914 = arith.mulf %mul3A_1913, %tanh3A_1911 : vector<64x256xf32>
      %add3A_1915 = arith.constant 5.000000e-01 : f32
      %add3A_1916 = vector.broadcast %add3A_1915 : f32 to vector<64x256xf32>
      %add3A_1917 = arith.addf %mul3A_1914, %add3A_1916 : vector<64x256xf32>
      %mul3A_1918 = arith.mulf %add3A_1907, %add3A_1766 : vector<64x256xf32>
      %mul3A_1919 = arith.mulf %add3A_1899, %tanh3A_1909 : vector<64x256xf32>
      %add3A_1920 = arith.addf %mul3A_1918, %mul3A_1919 : vector<64x256xf32>
      %tanh3A_1921 = math.tanh %add3A_1920 : vector<64x256xf32>
      %mul3A_1922 = arith.mulf %add3A_1917, %tanh3A_1921 : vector<64x256xf32>
      %slice3A_1923 = vector.extract_strided_slice %dot_general3A_1829 {offsets = [0, 0], sizes = [64, 256], strides = [1, 1]} : vector<256x256xf32> to vector<64x256xf32>
      %tanh3A_1924 = math.tanh %slice3A_1923 : vector<64x256xf32>
      %mul3A_1925 = arith.constant 5.000000e-01 : f32
      %mul3A_1926 = vector.broadcast %mul3A_1925 : f32 to vector<64x256xf32>
      %mul3A_1927 = arith.mulf %mul3A_1926, %tanh3A_1924 : vector<64x256xf32>
      %add3A_1928 = arith.constant 5.000000e-01 : f32
      %add3A_1929 = vector.broadcast %add3A_1928 : f32 to vector<64x256xf32>
      %add3A_1930 = arith.addf %mul3A_1927, %add3A_1929 : vector<64x256xf32>
      %slice3A_1931 = vector.extract_strided_slice %dot_general3A_1829 {offsets = [64, 0], sizes = [64, 256], strides = [1, 1]} : vector<256x256xf32> to vector<64x256xf32>
      %tanh3A_1932 = math.tanh %slice3A_1931 : vector<64x256xf32>
      %mul3A_1933 = arith.constant 5.000000e-01 : f32
      %mul3A_1934 = vector.broadcast %mul3A_1933 : f32 to vector<64x256xf32>
      %mul3A_1935 = arith.mulf %mul3A_1934, %tanh3A_1932 : vector<64x256xf32>
      %add3A_1936 = arith.constant 5.000000e-01 : f32
      %add3A_1937 = vector.broadcast %add3A_1936 : f32 to vector<64x256xf32>
      %add3A_1938 = arith.addf %mul3A_1935, %add3A_1937 : vector<64x256xf32>
      %slice3A_1939 = vector.extract_strided_slice %dot_general3A_1829 {offsets = [128, 0], sizes = [64, 256], strides = [1, 1]} : vector<256x256xf32> to vector<64x256xf32>
      %tanh3A_1940 = math.tanh %slice3A_1939 : vector<64x256xf32>
      %slice3A_1941 = vector.extract_strided_slice %dot_general3A_1829 {offsets = [192, 0], sizes = [64, 256], strides = [1, 1]} : vector<256x256xf32> to vector<64x256xf32>
      %tanh3A_1942 = math.tanh %slice3A_1941 : vector<64x256xf32>
      %mul3A_1943 = arith.constant 5.000000e-01 : f32
      %mul3A_1944 = vector.broadcast %mul3A_1943 : f32 to vector<64x256xf32>
      %mul3A_1945 = arith.mulf %mul3A_1944, %tanh3A_1942 : vector<64x256xf32>
      %add3A_1946 = arith.constant 5.000000e-01 : f32
      %add3A_1947 = vector.broadcast %add3A_1946 : f32 to vector<64x256xf32>
      %add3A_1948 = arith.addf %mul3A_1945, %add3A_1947 : vector<64x256xf32>
      %mul3A_1949 = arith.mulf %add3A_1938, %add3A_1797 : vector<64x256xf32>
      %mul3A_1950 = arith.mulf %add3A_1930, %tanh3A_1940 : vector<64x256xf32>
      %add3A_1951 = arith.addf %mul3A_1949, %mul3A_1950 : vector<64x256xf32>
      %tanh3A_1952 = math.tanh %add3A_1951 : vector<64x256xf32>
      %mul3A_1953 = arith.mulf %add3A_1948, %tanh3A_1952 : vector<64x256xf32>
      %mul3A_1954 = arith.constant 25 : i32
      %mul3A_1955 = arith.muli %scan3A_100, %mul3A_1954 : i32
      %add3A_1956 = arith.constant 12 : i32
      %add3A_1957 = arith.addi %mul3A_1955, %add3A_1956 : i32
      %mul3A_1958 = arith.constant 8 : i32
      %mul3A_1959 = arith.muli %add3A_1957, %mul3A_1958 : i32
      %get3A_1960 = arith.index_cast %mul3A_1959 : i32 to index
      %get3A_1961 = arith.constant 0 : index
      %get3A_1962 = vector.load %arg1[%get3A_1960, %get3A_1961] : memref<400x512xf32, #tpu.memory_space<vmem>>, vector<8x512xf32>
      %mul3A_1963 = arith.constant 8 : i32
      %mul3A_1964 = arith.muli %add3A_1957, %mul3A_1963 : i32
      %get3A_1965 = arith.index_cast %mul3A_1964 : i32 to index
      %get3A_1966 = arith.constant 0 : index
      %get3A_1967 = vector.load %arg2[%get3A_1965, %get3A_1966] : memref<400x512xf32, #tpu.memory_space<vmem>>, vector<8x512xf32>
      %slice3A_1968 = vector.extract_strided_slice %get3A_1962 {offsets = [0, 0], sizes = [8, 256], strides = [1, 1]} : vector<8x512xf32> to vector<8x256xf32>
      %slice3A_1969 = vector.extract_strided_slice %get3A_1962 {offsets = [0, 256], sizes = [8, 256], strides = [1, 1]} : vector<8x512xf32> to vector<8x256xf32>
      %slice3A_1970 = vector.extract_strided_slice %get3A_1967 {offsets = [0, 0], sizes = [8, 256], strides = [1, 1]} : vector<8x512xf32> to vector<8x256xf32>
      %slice3A_1971 = vector.extract_strided_slice %get3A_1967 {offsets = [0, 256], sizes = [8, 256], strides = [1, 1]} : vector<8x512xf32> to vector<8x256xf32>
      %concatenate3A_1972 = tpu.concatenate %slice3A_1968, %mul3A_1860 in 0 : vector<8x256xf32>, vector<64x256xf32> -> vector<72x256xf32>
      %dot_general3A_1973 = arith.constant dense<0.000000e+00> : vector<256x256xf32>
      %dot_general3A_1974 = tpu.matmul %get3A_8, %concatenate3A_1972, %dot_general3A_1973 {dimension_numbers = #tpu.dot_dimension_numbers<[1], [0], [0], [1], [0, 0, 1, 1], [], []>, transpose_lhs_hint = false} : vector<256x72xf32>, vector<72x256xf32>, vector<256x256xf32> -> vector<256x256xf32>
      %concatenate3A_1975 = tpu.concatenate %slice3A_1969, %mul3A_1891 in 0 : vector<8x256xf32>, vector<64x256xf32> -> vector<72x256xf32>
      %dot_general3A_1976 = arith.constant dense<0.000000e+00> : vector<256x256xf32>
      %dot_general3A_1977 = tpu.matmul %get3A_8, %concatenate3A_1975, %dot_general3A_1976 {dimension_numbers = #tpu.dot_dimension_numbers<[1], [0], [0], [1], [0, 0, 1, 1], [], []>, transpose_lhs_hint = false} : vector<256x72xf32>, vector<72x256xf32>, vector<256x256xf32> -> vector<256x256xf32>
      %concatenate3A_1978 = tpu.concatenate %slice3A_1970, %mul3A_1922 in 0 : vector<8x256xf32>, vector<64x256xf32> -> vector<72x256xf32>
      %dot_general3A_1979 = arith.constant dense<0.000000e+00> : vector<256x256xf32>
      %dot_general3A_1980 = tpu.matmul %get3A_8, %concatenate3A_1978, %dot_general3A_1979 {dimension_numbers = #tpu.dot_dimension_numbers<[1], [0], [0], [1], [0, 0, 1, 1], [], []>, transpose_lhs_hint = false} : vector<256x72xf32>, vector<72x256xf32>, vector<256x256xf32> -> vector<256x256xf32>
      %concatenate3A_1981 = tpu.concatenate %slice3A_1971, %mul3A_1953 in 0 : vector<8x256xf32>, vector<64x256xf32> -> vector<72x256xf32>
      %dot_general3A_1982 = arith.constant dense<0.000000e+00> : vector<256x256xf32>
      %dot_general3A_1983 = tpu.matmul %get3A_8, %concatenate3A_1981, %dot_general3A_1982 {dimension_numbers = #tpu.dot_dimension_numbers<[1], [0], [0], [1], [0, 0, 1, 1], [], []>, transpose_lhs_hint = false} : vector<256x72xf32>, vector<72x256xf32>, vector<256x256xf32> -> vector<256x256xf32>
      %slice3A_1984 = vector.extract_strided_slice %dot_general3A_1974 {offsets = [0, 0], sizes = [64, 256], strides = [1, 1]} : vector<256x256xf32> to vector<64x256xf32>
      %tanh3A_1985 = math.tanh %slice3A_1984 : vector<64x256xf32>
      %mul3A_1986 = arith.constant 5.000000e-01 : f32
      %mul3A_1987 = vector.broadcast %mul3A_1986 : f32 to vector<64x256xf32>
      %mul3A_1988 = arith.mulf %mul3A_1987, %tanh3A_1985 : vector<64x256xf32>
      %add3A_1989 = arith.constant 5.000000e-01 : f32
      %add3A_1990 = vector.broadcast %add3A_1989 : f32 to vector<64x256xf32>
      %add3A_1991 = arith.addf %mul3A_1988, %add3A_1990 : vector<64x256xf32>
      %slice3A_1992 = vector.extract_strided_slice %dot_general3A_1974 {offsets = [64, 0], sizes = [64, 256], strides = [1, 1]} : vector<256x256xf32> to vector<64x256xf32>
      %tanh3A_1993 = math.tanh %slice3A_1992 : vector<64x256xf32>
      %mul3A_1994 = arith.constant 5.000000e-01 : f32
      %mul3A_1995 = vector.broadcast %mul3A_1994 : f32 to vector<64x256xf32>
      %mul3A_1996 = arith.mulf %mul3A_1995, %tanh3A_1993 : vector<64x256xf32>
      %add3A_1997 = arith.constant 5.000000e-01 : f32
      %add3A_1998 = vector.broadcast %add3A_1997 : f32 to vector<64x256xf32>
      %add3A_1999 = arith.addf %mul3A_1996, %add3A_1998 : vector<64x256xf32>
      %slice3A_2000 = vector.extract_strided_slice %dot_general3A_1974 {offsets = [128, 0], sizes = [64, 256], strides = [1, 1]} : vector<256x256xf32> to vector<64x256xf32>
      %tanh3A_2001 = math.tanh %slice3A_2000 : vector<64x256xf32>
      %slice3A_2002 = vector.extract_strided_slice %dot_general3A_1974 {offsets = [192, 0], sizes = [64, 256], strides = [1, 1]} : vector<256x256xf32> to vector<64x256xf32>
      %tanh3A_2003 = math.tanh %slice3A_2002 : vector<64x256xf32>
      %mul3A_2004 = arith.constant 5.000000e-01 : f32
      %mul3A_2005 = vector.broadcast %mul3A_2004 : f32 to vector<64x256xf32>
      %mul3A_2006 = arith.mulf %mul3A_2005, %tanh3A_2003 : vector<64x256xf32>
      %add3A_2007 = arith.constant 5.000000e-01 : f32
      %add3A_2008 = vector.broadcast %add3A_2007 : f32 to vector<64x256xf32>
      %add3A_2009 = arith.addf %mul3A_2006, %add3A_2008 : vector<64x256xf32>
      %mul3A_2010 = arith.mulf %add3A_1999, %add3A_1858 : vector<64x256xf32>
      %mul3A_2011 = arith.mulf %add3A_1991, %tanh3A_2001 : vector<64x256xf32>
      %add3A_2012 = arith.addf %mul3A_2010, %mul3A_2011 : vector<64x256xf32>
      %tanh3A_2013 = math.tanh %add3A_2012 : vector<64x256xf32>
      %mul3A_2014 = arith.mulf %add3A_2009, %tanh3A_2013 : vector<64x256xf32>
      %slice3A_2015 = vector.extract_strided_slice %dot_general3A_1977 {offsets = [0, 0], sizes = [64, 256], strides = [1, 1]} : vector<256x256xf32> to vector<64x256xf32>
      %tanh3A_2016 = math.tanh %slice3A_2015 : vector<64x256xf32>
      %mul3A_2017 = arith.constant 5.000000e-01 : f32
      %mul3A_2018 = vector.broadcast %mul3A_2017 : f32 to vector<64x256xf32>
      %mul3A_2019 = arith.mulf %mul3A_2018, %tanh3A_2016 : vector<64x256xf32>
      %add3A_2020 = arith.constant 5.000000e-01 : f32
      %add3A_2021 = vector.broadcast %add3A_2020 : f32 to vector<64x256xf32>
      %add3A_2022 = arith.addf %mul3A_2019, %add3A_2021 : vector<64x256xf32>
      %slice3A_2023 = vector.extract_strided_slice %dot_general3A_1977 {offsets = [64, 0], sizes = [64, 256], strides = [1, 1]} : vector<256x256xf32> to vector<64x256xf32>
      %tanh3A_2024 = math.tanh %slice3A_2023 : vector<64x256xf32>
      %mul3A_2025 = arith.constant 5.000000e-01 : f32
      %mul3A_2026 = vector.broadcast %mul3A_2025 : f32 to vector<64x256xf32>
      %mul3A_2027 = arith.mulf %mul3A_2026, %tanh3A_2024 : vector<64x256xf32>
      %add3A_2028 = arith.constant 5.000000e-01 : f32
      %add3A_2029 = vector.broadcast %add3A_2028 : f32 to vector<64x256xf32>
      %add3A_2030 = arith.addf %mul3A_2027, %add3A_2029 : vector<64x256xf32>
      %slice3A_2031 = vector.extract_strided_slice %dot_general3A_1977 {offsets = [128, 0], sizes = [64, 256], strides = [1, 1]} : vector<256x256xf32> to vector<64x256xf32>
      %tanh3A_2032 = math.tanh %slice3A_2031 : vector<64x256xf32>
      %slice3A_2033 = vector.extract_strided_slice %dot_general3A_1977 {offsets = [192, 0], sizes = [64, 256], strides = [1, 1]} : vector<256x256xf32> to vector<64x256xf32>
      %tanh3A_2034 = math.tanh %slice3A_2033 : vector<64x256xf32>
      %mul3A_2035 = arith.constant 5.000000e-01 : f32
      %mul3A_2036 = vector.broadcast %mul3A_2035 : f32 to vector<64x256xf32>
      %mul3A_2037 = arith.mulf %mul3A_2036, %tanh3A_2034 : vector<64x256xf32>
      %add3A_2038 = arith.constant 5.000000e-01 : f32
      %add3A_2039 = vector.broadcast %add3A_2038 : f32 to vector<64x256xf32>
      %add3A_2040 = arith.addf %mul3A_2037, %add3A_2039 : vector<64x256xf32>
      %mul3A_2041 = arith.mulf %add3A_2030, %add3A_1889 : vector<64x256xf32>
      %mul3A_2042 = arith.mulf %add3A_2022, %tanh3A_2032 : vector<64x256xf32>
      %add3A_2043 = arith.addf %mul3A_2041, %mul3A_2042 : vector<64x256xf32>
      %tanh3A_2044 = math.tanh %add3A_2043 : vector<64x256xf32>
      %mul3A_2045 = arith.mulf %add3A_2040, %tanh3A_2044 : vector<64x256xf32>
      %slice3A_2046 = vector.extract_strided_slice %dot_general3A_1980 {offsets = [0, 0], sizes = [64, 256], strides = [1, 1]} : vector<256x256xf32> to vector<64x256xf32>
      %tanh3A_2047 = math.tanh %slice3A_2046 : vector<64x256xf32>
      %mul3A_2048 = arith.constant 5.000000e-01 : f32
      %mul3A_2049 = vector.broadcast %mul3A_2048 : f32 to vector<64x256xf32>
      %mul3A_2050 = arith.mulf %mul3A_2049, %tanh3A_2047 : vector<64x256xf32>
      %add3A_2051 = arith.constant 5.000000e-01 : f32
      %add3A_2052 = vector.broadcast %add3A_2051 : f32 to vector<64x256xf32>
      %add3A_2053 = arith.addf %mul3A_2050, %add3A_2052 : vector<64x256xf32>
      %slice3A_2054 = vector.extract_strided_slice %dot_general3A_1980 {offsets = [64, 0], sizes = [64, 256], strides = [1, 1]} : vector<256x256xf32> to vector<64x256xf32>
      %tanh3A_2055 = math.tanh %slice3A_2054 : vector<64x256xf32>
      %mul3A_2056 = arith.constant 5.000000e-01 : f32
      %mul3A_2057 = vector.broadcast %mul3A_2056 : f32 to vector<64x256xf32>
      %mul3A_2058 = arith.mulf %mul3A_2057, %tanh3A_2055 : vector<64x256xf32>
      %add3A_2059 = arith.constant 5.000000e-01 : f32
      %add3A_2060 = vector.broadcast %add3A_2059 : f32 to vector<64x256xf32>
      %add3A_2061 = arith.addf %mul3A_2058, %add3A_2060 : vector<64x256xf32>
      %slice3A_2062 = vector.extract_strided_slice %dot_general3A_1980 {offsets = [128, 0], sizes = [64, 256], strides = [1, 1]} : vector<256x256xf32> to vector<64x256xf32>
      %tanh3A_2063 = math.tanh %slice3A_2062 : vector<64x256xf32>
      %slice3A_2064 = vector.extract_strided_slice %dot_general3A_1980 {offsets = [192, 0], sizes = [64, 256], strides = [1, 1]} : vector<256x256xf32> to vector<64x256xf32>
      %tanh3A_2065 = math.tanh %slice3A_2064 : vector<64x256xf32>
      %mul3A_2066 = arith.constant 5.000000e-01 : f32
      %mul3A_2067 = vector.broadcast %mul3A_2066 : f32 to vector<64x256xf32>
      %mul3A_2068 = arith.mulf %mul3A_2067, %tanh3A_2065 : vector<64x256xf32>
      %add3A_2069 = arith.constant 5.000000e-01 : f32
      %add3A_2070 = vector.broadcast %add3A_2069 : f32 to vector<64x256xf32>
      %add3A_2071 = arith.addf %mul3A_2068, %add3A_2070 : vector<64x256xf32>
      %mul3A_2072 = arith.mulf %add3A_2061, %add3A_1920 : vector<64x256xf32>
      %mul3A_2073 = arith.mulf %add3A_2053, %tanh3A_2063 : vector<64x256xf32>
      %add3A_2074 = arith.addf %mul3A_2072, %mul3A_2073 : vector<64x256xf32>
      %tanh3A_2075 = math.tanh %add3A_2074 : vector<64x256xf32>
      %mul3A_2076 = arith.mulf %add3A_2071, %tanh3A_2075 : vector<64x256xf32>
      %slice3A_2077 = vector.extract_strided_slice %dot_general3A_1983 {offsets = [0, 0], sizes = [64, 256], strides = [1, 1]} : vector<256x256xf32> to vector<64x256xf32>
      %tanh3A_2078 = math.tanh %slice3A_2077 : vector<64x256xf32>
      %mul3A_2079 = arith.constant 5.000000e-01 : f32
      %mul3A_2080 = vector.broadcast %mul3A_2079 : f32 to vector<64x256xf32>
      %mul3A_2081 = arith.mulf %mul3A_2080, %tanh3A_2078 : vector<64x256xf32>
      %add3A_2082 = arith.constant 5.000000e-01 : f32
      %add3A_2083 = vector.broadcast %add3A_2082 : f32 to vector<64x256xf32>
      %add3A_2084 = arith.addf %mul3A_2081, %add3A_2083 : vector<64x256xf32>
      %slice3A_2085 = vector.extract_strided_slice %dot_general3A_1983 {offsets = [64, 0], sizes = [64, 256], strides = [1, 1]} : vector<256x256xf32> to vector<64x256xf32>
      %tanh3A_2086 = math.tanh %slice3A_2085 : vector<64x256xf32>
      %mul3A_2087 = arith.constant 5.000000e-01 : f32
      %mul3A_2088 = vector.broadcast %mul3A_2087 : f32 to vector<64x256xf32>
      %mul3A_2089 = arith.mulf %mul3A_2088, %tanh3A_2086 : vector<64x256xf32>
      %add3A_2090 = arith.constant 5.000000e-01 : f32
      %add3A_2091 = vector.broadcast %add3A_2090 : f32 to vector<64x256xf32>
      %add3A_2092 = arith.addf %mul3A_2089, %add3A_2091 : vector<64x256xf32>
      %slice3A_2093 = vector.extract_strided_slice %dot_general3A_1983 {offsets = [128, 0], sizes = [64, 256], strides = [1, 1]} : vector<256x256xf32> to vector<64x256xf32>
      %tanh3A_2094 = math.tanh %slice3A_2093 : vector<64x256xf32>
      %slice3A_2095 = vector.extract_strided_slice %dot_general3A_1983 {offsets = [192, 0], sizes = [64, 256], strides = [1, 1]} : vector<256x256xf32> to vector<64x256xf32>
      %tanh3A_2096 = math.tanh %slice3A_2095 : vector<64x256xf32>
      %mul3A_2097 = arith.constant 5.000000e-01 : f32
      %mul3A_2098 = vector.broadcast %mul3A_2097 : f32 to vector<64x256xf32>
      %mul3A_2099 = arith.mulf %mul3A_2098, %tanh3A_2096 : vector<64x256xf32>
      %add3A_2100 = arith.constant 5.000000e-01 : f32
      %add3A_2101 = vector.broadcast %add3A_2100 : f32 to vector<64x256xf32>
      %add3A_2102 = arith.addf %mul3A_2099, %add3A_2101 : vector<64x256xf32>
      %mul3A_2103 = arith.mulf %add3A_2092, %add3A_1951 : vector<64x256xf32>
      %mul3A_2104 = arith.mulf %add3A_2084, %tanh3A_2094 : vector<64x256xf32>
      %add3A_2105 = arith.addf %mul3A_2103, %mul3A_2104 : vector<64x256xf32>
      %tanh3A_2106 = math.tanh %add3A_2105 : vector<64x256xf32>
      %mul3A_2107 = arith.mulf %add3A_2102, %tanh3A_2106 : vector<64x256xf32>
      %mul3A_2108 = arith.constant 25 : i32
      %mul3A_2109 = arith.muli %scan3A_100, %mul3A_2108 : i32
      %add3A_2110 = arith.constant 13 : i32
      %add3A_2111 = arith.addi %mul3A_2109, %add3A_2110 : i32
      %mul3A_2112 = arith.constant 8 : i32
      %mul3A_2113 = arith.muli %add3A_2111, %mul3A_2112 : i32
      %get3A_2114 = arith.index_cast %mul3A_2113 : i32 to index
      %get3A_2115 = arith.constant 0 : index
      %get3A_2116 = vector.load %arg1[%get3A_2114, %get3A_2115] : memref<400x512xf32, #tpu.memory_space<vmem>>, vector<8x512xf32>
      %mul3A_2117 = arith.constant 8 : i32
      %mul3A_2118 = arith.muli %add3A_2111, %mul3A_2117 : i32
      %get3A_2119 = arith.index_cast %mul3A_2118 : i32 to index
      %get3A_2120 = arith.constant 0 : index
      %get3A_2121 = vector.load %arg2[%get3A_2119, %get3A_2120] : memref<400x512xf32, #tpu.memory_space<vmem>>, vector<8x512xf32>
      %slice3A_2122 = vector.extract_strided_slice %get3A_2116 {offsets = [0, 0], sizes = [8, 256], strides = [1, 1]} : vector<8x512xf32> to vector<8x256xf32>
      %slice3A_2123 = vector.extract_strided_slice %get3A_2116 {offsets = [0, 256], sizes = [8, 256], strides = [1, 1]} : vector<8x512xf32> to vector<8x256xf32>
      %slice3A_2124 = vector.extract_strided_slice %get3A_2121 {offsets = [0, 0], sizes = [8, 256], strides = [1, 1]} : vector<8x512xf32> to vector<8x256xf32>
      %slice3A_2125 = vector.extract_strided_slice %get3A_2121 {offsets = [0, 256], sizes = [8, 256], strides = [1, 1]} : vector<8x512xf32> to vector<8x256xf32>
      %concatenate3A_2126 = tpu.concatenate %slice3A_2122, %mul3A_2014 in 0 : vector<8x256xf32>, vector<64x256xf32> -> vector<72x256xf32>
      %dot_general3A_2127 = arith.constant dense<0.000000e+00> : vector<256x256xf32>
      %dot_general3A_2128 = tpu.matmul %get3A_8, %concatenate3A_2126, %dot_general3A_2127 {dimension_numbers = #tpu.dot_dimension_numbers<[1], [0], [0], [1], [0, 0, 1, 1], [], []>, transpose_lhs_hint = false} : vector<256x72xf32>, vector<72x256xf32>, vector<256x256xf32> -> vector<256x256xf32>
      %concatenate3A_2129 = tpu.concatenate %slice3A_2123, %mul3A_2045 in 0 : vector<8x256xf32>, vector<64x256xf32> -> vector<72x256xf32>
      %dot_general3A_2130 = arith.constant dense<0.000000e+00> : vector<256x256xf32>
      %dot_general3A_2131 = tpu.matmul %get3A_8, %concatenate3A_2129, %dot_general3A_2130 {dimension_numbers = #tpu.dot_dimension_numbers<[1], [0], [0], [1], [0, 0, 1, 1], [], []>, transpose_lhs_hint = false} : vector<256x72xf32>, vector<72x256xf32>, vector<256x256xf32> -> vector<256x256xf32>
      %concatenate3A_2132 = tpu.concatenate %slice3A_2124, %mul3A_2076 in 0 : vector<8x256xf32>, vector<64x256xf32> -> vector<72x256xf32>
      %dot_general3A_2133 = arith.constant dense<0.000000e+00> : vector<256x256xf32>
      %dot_general3A_2134 = tpu.matmul %get3A_8, %concatenate3A_2132, %dot_general3A_2133 {dimension_numbers = #tpu.dot_dimension_numbers<[1], [0], [0], [1], [0, 0, 1, 1], [], []>, transpose_lhs_hint = false} : vector<256x72xf32>, vector<72x256xf32>, vector<256x256xf32> -> vector<256x256xf32>
      %concatenate3A_2135 = tpu.concatenate %slice3A_2125, %mul3A_2107 in 0 : vector<8x256xf32>, vector<64x256xf32> -> vector<72x256xf32>
      %dot_general3A_2136 = arith.constant dense<0.000000e+00> : vector<256x256xf32>
      %dot_general3A_2137 = tpu.matmul %get3A_8, %concatenate3A_2135, %dot_general3A_2136 {dimension_numbers = #tpu.dot_dimension_numbers<[1], [0], [0], [1], [0, 0, 1, 1], [], []>, transpose_lhs_hint = false} : vector<256x72xf32>, vector<72x256xf32>, vector<256x256xf32> -> vector<256x256xf32>
      %slice3A_2138 = vector.extract_strided_slice %dot_general3A_2128 {offsets = [0, 0], sizes = [64, 256], strides = [1, 1]} : vector<256x256xf32> to vector<64x256xf32>
      %tanh3A_2139 = math.tanh %slice3A_2138 : vector<64x256xf32>
      %mul3A_2140 = arith.constant 5.000000e-01 : f32
      %mul3A_2141 = vector.broadcast %mul3A_2140 : f32 to vector<64x256xf32>
      %mul3A_2142 = arith.mulf %mul3A_2141, %tanh3A_2139 : vector<64x256xf32>
      %add3A_2143 = arith.constant 5.000000e-01 : f32
      %add3A_2144 = vector.broadcast %add3A_2143 : f32 to vector<64x256xf32>
      %add3A_2145 = arith.addf %mul3A_2142, %add3A_2144 : vector<64x256xf32>
      %slice3A_2146 = vector.extract_strided_slice %dot_general3A_2128 {offsets = [64, 0], sizes = [64, 256], strides = [1, 1]} : vector<256x256xf32> to vector<64x256xf32>
      %tanh3A_2147 = math.tanh %slice3A_2146 : vector<64x256xf32>
      %mul3A_2148 = arith.constant 5.000000e-01 : f32
      %mul3A_2149 = vector.broadcast %mul3A_2148 : f32 to vector<64x256xf32>
      %mul3A_2150 = arith.mulf %mul3A_2149, %tanh3A_2147 : vector<64x256xf32>
      %add3A_2151 = arith.constant 5.000000e-01 : f32
      %add3A_2152 = vector.broadcast %add3A_2151 : f32 to vector<64x256xf32>
      %add3A_2153 = arith.addf %mul3A_2150, %add3A_2152 : vector<64x256xf32>
      %slice3A_2154 = vector.extract_strided_slice %dot_general3A_2128 {offsets = [128, 0], sizes = [64, 256], strides = [1, 1]} : vector<256x256xf32> to vector<64x256xf32>
      %tanh3A_2155 = math.tanh %slice3A_2154 : vector<64x256xf32>
      %slice3A_2156 = vector.extract_strided_slice %dot_general3A_2128 {offsets = [192, 0], sizes = [64, 256], strides = [1, 1]} : vector<256x256xf32> to vector<64x256xf32>
      %tanh3A_2157 = math.tanh %slice3A_2156 : vector<64x256xf32>
      %mul3A_2158 = arith.constant 5.000000e-01 : f32
      %mul3A_2159 = vector.broadcast %mul3A_2158 : f32 to vector<64x256xf32>
      %mul3A_2160 = arith.mulf %mul3A_2159, %tanh3A_2157 : vector<64x256xf32>
      %add3A_2161 = arith.constant 5.000000e-01 : f32
      %add3A_2162 = vector.broadcast %add3A_2161 : f32 to vector<64x256xf32>
      %add3A_2163 = arith.addf %mul3A_2160, %add3A_2162 : vector<64x256xf32>
      %mul3A_2164 = arith.mulf %add3A_2153, %add3A_2012 : vector<64x256xf32>
      %mul3A_2165 = arith.mulf %add3A_2145, %tanh3A_2155 : vector<64x256xf32>
      %add3A_2166 = arith.addf %mul3A_2164, %mul3A_2165 : vector<64x256xf32>
      %tanh3A_2167 = math.tanh %add3A_2166 : vector<64x256xf32>
      %mul3A_2168 = arith.mulf %add3A_2163, %tanh3A_2167 : vector<64x256xf32>
      %slice3A_2169 = vector.extract_strided_slice %dot_general3A_2131 {offsets = [0, 0], sizes = [64, 256], strides = [1, 1]} : vector<256x256xf32> to vector<64x256xf32>
      %tanh3A_2170 = math.tanh %slice3A_2169 : vector<64x256xf32>
      %mul3A_2171 = arith.constant 5.000000e-01 : f32
      %mul3A_2172 = vector.broadcast %mul3A_2171 : f32 to vector<64x256xf32>
      %mul3A_2173 = arith.mulf %mul3A_2172, %tanh3A_2170 : vector<64x256xf32>
      %add3A_2174 = arith.constant 5.000000e-01 : f32
      %add3A_2175 = vector.broadcast %add3A_2174 : f32 to vector<64x256xf32>
      %add3A_2176 = arith.addf %mul3A_2173, %add3A_2175 : vector<64x256xf32>
      %slice3A_2177 = vector.extract_strided_slice %dot_general3A_2131 {offsets = [64, 0], sizes = [64, 256], strides = [1, 1]} : vector<256x256xf32> to vector<64x256xf32>
      %tanh3A_2178 = math.tanh %slice3A_2177 : vector<64x256xf32>
      %mul3A_2179 = arith.constant 5.000000e-01 : f32
      %mul3A_2180 = vector.broadcast %mul3A_2179 : f32 to vector<64x256xf32>
      %mul3A_2181 = arith.mulf %mul3A_2180, %tanh3A_2178 : vector<64x256xf32>
      %add3A_2182 = arith.constant 5.000000e-01 : f32
      %add3A_2183 = vector.broadcast %add3A_2182 : f32 to vector<64x256xf32>
      %add3A_2184 = arith.addf %mul3A_2181, %add3A_2183 : vector<64x256xf32>
      %slice3A_2185 = vector.extract_strided_slice %dot_general3A_2131 {offsets = [128, 0], sizes = [64, 256], strides = [1, 1]} : vector<256x256xf32> to vector<64x256xf32>
      %tanh3A_2186 = math.tanh %slice3A_2185 : vector<64x256xf32>
      %slice3A_2187 = vector.extract_strided_slice %dot_general3A_2131 {offsets = [192, 0], sizes = [64, 256], strides = [1, 1]} : vector<256x256xf32> to vector<64x256xf32>
      %tanh3A_2188 = math.tanh %slice3A_2187 : vector<64x256xf32>
      %mul3A_2189 = arith.constant 5.000000e-01 : f32
      %mul3A_2190 = vector.broadcast %mul3A_2189 : f32 to vector<64x256xf32>
      %mul3A_2191 = arith.mulf %mul3A_2190, %tanh3A_2188 : vector<64x256xf32>
      %add3A_2192 = arith.constant 5.000000e-01 : f32
      %add3A_2193 = vector.broadcast %add3A_2192 : f32 to vector<64x256xf32>
      %add3A_2194 = arith.addf %mul3A_2191, %add3A_2193 : vector<64x256xf32>
      %mul3A_2195 = arith.mulf %add3A_2184, %add3A_2043 : vector<64x256xf32>
      %mul3A_2196 = arith.mulf %add3A_2176, %tanh3A_2186 : vector<64x256xf32>
      %add3A_2197 = arith.addf %mul3A_2195, %mul3A_2196 : vector<64x256xf32>
      %tanh3A_2198 = math.tanh %add3A_2197 : vector<64x256xf32>
      %mul3A_2199 = arith.mulf %add3A_2194, %tanh3A_2198 : vector<64x256xf32>
      %slice3A_2200 = vector.extract_strided_slice %dot_general3A_2134 {offsets = [0, 0], sizes = [64, 256], strides = [1, 1]} : vector<256x256xf32> to vector<64x256xf32>
      %tanh3A_2201 = math.tanh %slice3A_2200 : vector<64x256xf32>
      %mul3A_2202 = arith.constant 5.000000e-01 : f32
      %mul3A_2203 = vector.broadcast %mul3A_2202 : f32 to vector<64x256xf32>
      %mul3A_2204 = arith.mulf %mul3A_2203, %tanh3A_2201 : vector<64x256xf32>
      %add3A_2205 = arith.constant 5.000000e-01 : f32
      %add3A_2206 = vector.broadcast %add3A_2205 : f32 to vector<64x256xf32>
      %add3A_2207 = arith.addf %mul3A_2204, %add3A_2206 : vector<64x256xf32>
      %slice3A_2208 = vector.extract_strided_slice %dot_general3A_2134 {offsets = [64, 0], sizes = [64, 256], strides = [1, 1]} : vector<256x256xf32> to vector<64x256xf32>
      %tanh3A_2209 = math.tanh %slice3A_2208 : vector<64x256xf32>
      %mul3A_2210 = arith.constant 5.000000e-01 : f32
      %mul3A_2211 = vector.broadcast %mul3A_2210 : f32 to vector<64x256xf32>
      %mul3A_2212 = arith.mulf %mul3A_2211, %tanh3A_2209 : vector<64x256xf32>
      %add3A_2213 = arith.constant 5.000000e-01 : f32
      %add3A_2214 = vector.broadcast %add3A_2213 : f32 to vector<64x256xf32>
      %add3A_2215 = arith.addf %mul3A_2212, %add3A_2214 : vector<64x256xf32>
      %slice3A_2216 = vector.extract_strided_slice %dot_general3A_2134 {offsets = [128, 0], sizes = [64, 256], strides = [1, 1]} : vector<256x256xf32> to vector<64x256xf32>
      %tanh3A_2217 = math.tanh %slice3A_2216 : vector<64x256xf32>
      %slice3A_2218 = vector.extract_strided_slice %dot_general3A_2134 {offsets = [192, 0], sizes = [64, 256], strides = [1, 1]} : vector<256x256xf32> to vector<64x256xf32>
      %tanh3A_2219 = math.tanh %slice3A_2218 : vector<64x256xf32>
      %mul3A_2220 = arith.constant 5.000000e-01 : f32
      %mul3A_2221 = vector.broadcast %mul3A_2220 : f32 to vector<64x256xf32>
      %mul3A_2222 = arith.mulf %mul3A_2221, %tanh3A_2219 : vector<64x256xf32>
      %add3A_2223 = arith.constant 5.000000e-01 : f32
      %add3A_2224 = vector.broadcast %add3A_2223 : f32 to vector<64x256xf32>
      %add3A_2225 = arith.addf %mul3A_2222, %add3A_2224 : vector<64x256xf32>
      %mul3A_2226 = arith.mulf %add3A_2215, %add3A_2074 : vector<64x256xf32>
      %mul3A_2227 = arith.mulf %add3A_2207, %tanh3A_2217 : vector<64x256xf32>
      %add3A_2228 = arith.addf %mul3A_2226, %mul3A_2227 : vector<64x256xf32>
      %tanh3A_2229 = math.tanh %add3A_2228 : vector<64x256xf32>
      %mul3A_2230 = arith.mulf %add3A_2225, %tanh3A_2229 : vector<64x256xf32>
      %slice3A_2231 = vector.extract_strided_slice %dot_general3A_2137 {offsets = [0, 0], sizes = [64, 256], strides = [1, 1]} : vector<256x256xf32> to vector<64x256xf32>
      %tanh3A_2232 = math.tanh %slice3A_2231 : vector<64x256xf32>
      %mul3A_2233 = arith.constant 5.000000e-01 : f32
      %mul3A_2234 = vector.broadcast %mul3A_2233 : f32 to vector<64x256xf32>
      %mul3A_2235 = arith.mulf %mul3A_2234, %tanh3A_2232 : vector<64x256xf32>
      %add3A_2236 = arith.constant 5.000000e-01 : f32
      %add3A_2237 = vector.broadcast %add3A_2236 : f32 to vector<64x256xf32>
      %add3A_2238 = arith.addf %mul3A_2235, %add3A_2237 : vector<64x256xf32>
      %slice3A_2239 = vector.extract_strided_slice %dot_general3A_2137 {offsets = [64, 0], sizes = [64, 256], strides = [1, 1]} : vector<256x256xf32> to vector<64x256xf32>
      %tanh3A_2240 = math.tanh %slice3A_2239 : vector<64x256xf32>
      %mul3A_2241 = arith.constant 5.000000e-01 : f32
      %mul3A_2242 = vector.broadcast %mul3A_2241 : f32 to vector<64x256xf32>
      %mul3A_2243 = arith.mulf %mul3A_2242, %tanh3A_2240 : vector<64x256xf32>
      %add3A_2244 = arith.constant 5.000000e-01 : f32
      %add3A_2245 = vector.broadcast %add3A_2244 : f32 to vector<64x256xf32>
      %add3A_2246 = arith.addf %mul3A_2243, %add3A_2245 : vector<64x256xf32>
      %slice3A_2247 = vector.extract_strided_slice %dot_general3A_2137 {offsets = [128, 0], sizes = [64, 256], strides = [1, 1]} : vector<256x256xf32> to vector<64x256xf32>
      %tanh3A_2248 = math.tanh %slice3A_2247 : vector<64x256xf32>
      %slice3A_2249 = vector.extract_strided_slice %dot_general3A_2137 {offsets = [192, 0], sizes = [64, 256], strides = [1, 1]} : vector<256x256xf32> to vector<64x256xf32>
      %tanh3A_2250 = math.tanh %slice3A_2249 : vector<64x256xf32>
      %mul3A_2251 = arith.constant 5.000000e-01 : f32
      %mul3A_2252 = vector.broadcast %mul3A_2251 : f32 to vector<64x256xf32>
      %mul3A_2253 = arith.mulf %mul3A_2252, %tanh3A_2250 : vector<64x256xf32>
      %add3A_2254 = arith.constant 5.000000e-01 : f32
      %add3A_2255 = vector.broadcast %add3A_2254 : f32 to vector<64x256xf32>
      %add3A_2256 = arith.addf %mul3A_2253, %add3A_2255 : vector<64x256xf32>
      %mul3A_2257 = arith.mulf %add3A_2246, %add3A_2105 : vector<64x256xf32>
      %mul3A_2258 = arith.mulf %add3A_2238, %tanh3A_2248 : vector<64x256xf32>
      %add3A_2259 = arith.addf %mul3A_2257, %mul3A_2258 : vector<64x256xf32>
      %tanh3A_2260 = math.tanh %add3A_2259 : vector<64x256xf32>
      %mul3A_2261 = arith.mulf %add3A_2256, %tanh3A_2260 : vector<64x256xf32>
      %mul3A_2262 = arith.constant 25 : i32
      %mul3A_2263 = arith.muli %scan3A_100, %mul3A_2262 : i32
      %add3A_2264 = arith.constant 14 : i32
      %add3A_2265 = arith.addi %mul3A_2263, %add3A_2264 : i32
      %mul3A_2266 = arith.constant 8 : i32
      %mul3A_2267 = arith.muli %add3A_2265, %mul3A_2266 : i32
      %get3A_2268 = arith.index_cast %mul3A_2267 : i32 to index
      %get3A_2269 = arith.constant 0 : index
      %get3A_2270 = vector.load %arg1[%get3A_2268, %get3A_2269] : memref<400x512xf32, #tpu.memory_space<vmem>>, vector<8x512xf32>
      %mul3A_2271 = arith.constant 8 : i32
      %mul3A_2272 = arith.muli %add3A_2265, %mul3A_2271 : i32
      %get3A_2273 = arith.index_cast %mul3A_2272 : i32 to index
      %get3A_2274 = arith.constant 0 : index
      %get3A_2275 = vector.load %arg2[%get3A_2273, %get3A_2274] : memref<400x512xf32, #tpu.memory_space<vmem>>, vector<8x512xf32>
      %slice3A_2276 = vector.extract_strided_slice %get3A_2270 {offsets = [0, 0], sizes = [8, 256], strides = [1, 1]} : vector<8x512xf32> to vector<8x256xf32>
      %slice3A_2277 = vector.extract_strided_slice %get3A_2270 {offsets = [0, 256], sizes = [8, 256], strides = [1, 1]} : vector<8x512xf32> to vector<8x256xf32>
      %slice3A_2278 = vector.extract_strided_slice %get3A_2275 {offsets = [0, 0], sizes = [8, 256], strides = [1, 1]} : vector<8x512xf32> to vector<8x256xf32>
      %slice3A_2279 = vector.extract_strided_slice %get3A_2275 {offsets = [0, 256], sizes = [8, 256], strides = [1, 1]} : vector<8x512xf32> to vector<8x256xf32>
      %concatenate3A_2280 = tpu.concatenate %slice3A_2276, %mul3A_2168 in 0 : vector<8x256xf32>, vector<64x256xf32> -> vector<72x256xf32>
      %dot_general3A_2281 = arith.constant dense<0.000000e+00> : vector<256x256xf32>
      %dot_general3A_2282 = tpu.matmul %get3A_8, %concatenate3A_2280, %dot_general3A_2281 {dimension_numbers = #tpu.dot_dimension_numbers<[1], [0], [0], [1], [0, 0, 1, 1], [], []>, transpose_lhs_hint = false} : vector<256x72xf32>, vector<72x256xf32>, vector<256x256xf32> -> vector<256x256xf32>
      %concatenate3A_2283 = tpu.concatenate %slice3A_2277, %mul3A_2199 in 0 : vector<8x256xf32>, vector<64x256xf32> -> vector<72x256xf32>
      %dot_general3A_2284 = arith.constant dense<0.000000e+00> : vector<256x256xf32>
      %dot_general3A_2285 = tpu.matmul %get3A_8, %concatenate3A_2283, %dot_general3A_2284 {dimension_numbers = #tpu.dot_dimension_numbers<[1], [0], [0], [1], [0, 0, 1, 1], [], []>, transpose_lhs_hint = false} : vector<256x72xf32>, vector<72x256xf32>, vector<256x256xf32> -> vector<256x256xf32>
      %concatenate3A_2286 = tpu.concatenate %slice3A_2278, %mul3A_2230 in 0 : vector<8x256xf32>, vector<64x256xf32> -> vector<72x256xf32>
      %dot_general3A_2287 = arith.constant dense<0.000000e+00> : vector<256x256xf32>
      %dot_general3A_2288 = tpu.matmul %get3A_8, %concatenate3A_2286, %dot_general3A_2287 {dimension_numbers = #tpu.dot_dimension_numbers<[1], [0], [0], [1], [0, 0, 1, 1], [], []>, transpose_lhs_hint = false} : vector<256x72xf32>, vector<72x256xf32>, vector<256x256xf32> -> vector<256x256xf32>
      %concatenate3A_2289 = tpu.concatenate %slice3A_2279, %mul3A_2261 in 0 : vector<8x256xf32>, vector<64x256xf32> -> vector<72x256xf32>
      %dot_general3A_2290 = arith.constant dense<0.000000e+00> : vector<256x256xf32>
      %dot_general3A_2291 = tpu.matmul %get3A_8, %concatenate3A_2289, %dot_general3A_2290 {dimension_numbers = #tpu.dot_dimension_numbers<[1], [0], [0], [1], [0, 0, 1, 1], [], []>, transpose_lhs_hint = false} : vector<256x72xf32>, vector<72x256xf32>, vector<256x256xf32> -> vector<256x256xf32>
      %slice3A_2292 = vector.extract_strided_slice %dot_general3A_2282 {offsets = [0, 0], sizes = [64, 256], strides = [1, 1]} : vector<256x256xf32> to vector<64x256xf32>
      %tanh3A_2293 = math.tanh %slice3A_2292 : vector<64x256xf32>
      %mul3A_2294 = arith.constant 5.000000e-01 : f32
      %mul3A_2295 = vector.broadcast %mul3A_2294 : f32 to vector<64x256xf32>
      %mul3A_2296 = arith.mulf %mul3A_2295, %tanh3A_2293 : vector<64x256xf32>
      %add3A_2297 = arith.constant 5.000000e-01 : f32
      %add3A_2298 = vector.broadcast %add3A_2297 : f32 to vector<64x256xf32>
      %add3A_2299 = arith.addf %mul3A_2296, %add3A_2298 : vector<64x256xf32>
      %slice3A_2300 = vector.extract_strided_slice %dot_general3A_2282 {offsets = [64, 0], sizes = [64, 256], strides = [1, 1]} : vector<256x256xf32> to vector<64x256xf32>
      %tanh3A_2301 = math.tanh %slice3A_2300 : vector<64x256xf32>
      %mul3A_2302 = arith.constant 5.000000e-01 : f32
      %mul3A_2303 = vector.broadcast %mul3A_2302 : f32 to vector<64x256xf32>
      %mul3A_2304 = arith.mulf %mul3A_2303, %tanh3A_2301 : vector<64x256xf32>
      %add3A_2305 = arith.constant 5.000000e-01 : f32
      %add3A_2306 = vector.broadcast %add3A_2305 : f32 to vector<64x256xf32>
      %add3A_2307 = arith.addf %mul3A_2304, %add3A_2306 : vector<64x256xf32>
      %slice3A_2308 = vector.extract_strided_slice %dot_general3A_2282 {offsets = [128, 0], sizes = [64, 256], strides = [1, 1]} : vector<256x256xf32> to vector<64x256xf32>
      %tanh3A_2309 = math.tanh %slice3A_2308 : vector<64x256xf32>
      %slice3A_2310 = vector.extract_strided_slice %dot_general3A_2282 {offsets = [192, 0], sizes = [64, 256], strides = [1, 1]} : vector<256x256xf32> to vector<64x256xf32>
      %tanh3A_2311 = math.tanh %slice3A_2310 : vector<64x256xf32>
      %mul3A_2312 = arith.constant 5.000000e-01 : f32
      %mul3A_2313 = vector.broadcast %mul3A_2312 : f32 to vector<64x256xf32>
      %mul3A_2314 = arith.mulf %mul3A_2313, %tanh3A_2311 : vector<64x256xf32>
      %add3A_2315 = arith.constant 5.000000e-01 : f32
      %add3A_2316 = vector.broadcast %add3A_2315 : f32 to vector<64x256xf32>
      %add3A_2317 = arith.addf %mul3A_2314, %add3A_2316 : vector<64x256xf32>
      %mul3A_2318 = arith.mulf %add3A_2307, %add3A_2166 : vector<64x256xf32>
      %mul3A_2319 = arith.mulf %add3A_2299, %tanh3A_2309 : vector<64x256xf32>
      %add3A_2320 = arith.addf %mul3A_2318, %mul3A_2319 : vector<64x256xf32>
      %tanh3A_2321 = math.tanh %add3A_2320 : vector<64x256xf32>
      %mul3A_2322 = arith.mulf %add3A_2317, %tanh3A_2321 : vector<64x256xf32>
      %slice3A_2323 = vector.extract_strided_slice %dot_general3A_2285 {offsets = [0, 0], sizes = [64, 256], strides = [1, 1]} : vector<256x256xf32> to vector<64x256xf32>
      %tanh3A_2324 = math.tanh %slice3A_2323 : vector<64x256xf32>
      %mul3A_2325 = arith.constant 5.000000e-01 : f32
      %mul3A_2326 = vector.broadcast %mul3A_2325 : f32 to vector<64x256xf32>
      %mul3A_2327 = arith.mulf %mul3A_2326, %tanh3A_2324 : vector<64x256xf32>
      %add3A_2328 = arith.constant 5.000000e-01 : f32
      %add3A_2329 = vector.broadcast %add3A_2328 : f32 to vector<64x256xf32>
      %add3A_2330 = arith.addf %mul3A_2327, %add3A_2329 : vector<64x256xf32>
      %slice3A_2331 = vector.extract_strided_slice %dot_general3A_2285 {offsets = [64, 0], sizes = [64, 256], strides = [1, 1]} : vector<256x256xf32> to vector<64x256xf32>
      %tanh3A_2332 = math.tanh %slice3A_2331 : vector<64x256xf32>
      %mul3A_2333 = arith.constant 5.000000e-01 : f32
      %mul3A_2334 = vector.broadcast %mul3A_2333 : f32 to vector<64x256xf32>
      %mul3A_2335 = arith.mulf %mul3A_2334, %tanh3A_2332 : vector<64x256xf32>
      %add3A_2336 = arith.constant 5.000000e-01 : f32
      %add3A_2337 = vector.broadcast %add3A_2336 : f32 to vector<64x256xf32>
      %add3A_2338 = arith.addf %mul3A_2335, %add3A_2337 : vector<64x256xf32>
      %slice3A_2339 = vector.extract_strided_slice %dot_general3A_2285 {offsets = [128, 0], sizes = [64, 256], strides = [1, 1]} : vector<256x256xf32> to vector<64x256xf32>
      %tanh3A_2340 = math.tanh %slice3A_2339 : vector<64x256xf32>
      %slice3A_2341 = vector.extract_strided_slice %dot_general3A_2285 {offsets = [192, 0], sizes = [64, 256], strides = [1, 1]} : vector<256x256xf32> to vector<64x256xf32>
      %tanh3A_2342 = math.tanh %slice3A_2341 : vector<64x256xf32>
      %mul3A_2343 = arith.constant 5.000000e-01 : f32
      %mul3A_2344 = vector.broadcast %mul3A_2343 : f32 to vector<64x256xf32>
      %mul3A_2345 = arith.mulf %mul3A_2344, %tanh3A_2342 : vector<64x256xf32>
      %add3A_2346 = arith.constant 5.000000e-01 : f32
      %add3A_2347 = vector.broadcast %add3A_2346 : f32 to vector<64x256xf32>
      %add3A_2348 = arith.addf %mul3A_2345, %add3A_2347 : vector<64x256xf32>
      %mul3A_2349 = arith.mulf %add3A_2338, %add3A_2197 : vector<64x256xf32>
      %mul3A_2350 = arith.mulf %add3A_2330, %tanh3A_2340 : vector<64x256xf32>
      %add3A_2351 = arith.addf %mul3A_2349, %mul3A_2350 : vector<64x256xf32>
      %tanh3A_2352 = math.tanh %add3A_2351 : vector<64x256xf32>
      %mul3A_2353 = arith.mulf %add3A_2348, %tanh3A_2352 : vector<64x256xf32>
      %slice3A_2354 = vector.extract_strided_slice %dot_general3A_2288 {offsets = [0, 0], sizes = [64, 256], strides = [1, 1]} : vector<256x256xf32> to vector<64x256xf32>
      %tanh3A_2355 = math.tanh %slice3A_2354 : vector<64x256xf32>
      %mul3A_2356 = arith.constant 5.000000e-01 : f32
      %mul3A_2357 = vector.broadcast %mul3A_2356 : f32 to vector<64x256xf32>
      %mul3A_2358 = arith.mulf %mul3A_2357, %tanh3A_2355 : vector<64x256xf32>
      %add3A_2359 = arith.constant 5.000000e-01 : f32
      %add3A_2360 = vector.broadcast %add3A_2359 : f32 to vector<64x256xf32>
      %add3A_2361 = arith.addf %mul3A_2358, %add3A_2360 : vector<64x256xf32>
      %slice3A_2362 = vector.extract_strided_slice %dot_general3A_2288 {offsets = [64, 0], sizes = [64, 256], strides = [1, 1]} : vector<256x256xf32> to vector<64x256xf32>
      %tanh3A_2363 = math.tanh %slice3A_2362 : vector<64x256xf32>
      %mul3A_2364 = arith.constant 5.000000e-01 : f32
      %mul3A_2365 = vector.broadcast %mul3A_2364 : f32 to vector<64x256xf32>
      %mul3A_2366 = arith.mulf %mul3A_2365, %tanh3A_2363 : vector<64x256xf32>
      %add3A_2367 = arith.constant 5.000000e-01 : f32
      %add3A_2368 = vector.broadcast %add3A_2367 : f32 to vector<64x256xf32>
      %add3A_2369 = arith.addf %mul3A_2366, %add3A_2368 : vector<64x256xf32>
      %slice3A_2370 = vector.extract_strided_slice %dot_general3A_2288 {offsets = [128, 0], sizes = [64, 256], strides = [1, 1]} : vector<256x256xf32> to vector<64x256xf32>
      %tanh3A_2371 = math.tanh %slice3A_2370 : vector<64x256xf32>
      %slice3A_2372 = vector.extract_strided_slice %dot_general3A_2288 {offsets = [192, 0], sizes = [64, 256], strides = [1, 1]} : vector<256x256xf32> to vector<64x256xf32>
      %tanh3A_2373 = math.tanh %slice3A_2372 : vector<64x256xf32>
      %mul3A_2374 = arith.constant 5.000000e-01 : f32
      %mul3A_2375 = vector.broadcast %mul3A_2374 : f32 to vector<64x256xf32>
      %mul3A_2376 = arith.mulf %mul3A_2375, %tanh3A_2373 : vector<64x256xf32>
      %add3A_2377 = arith.constant 5.000000e-01 : f32
      %add3A_2378 = vector.broadcast %add3A_2377 : f32 to vector<64x256xf32>
      %add3A_2379 = arith.addf %mul3A_2376, %add3A_2378 : vector<64x256xf32>
      %mul3A_2380 = arith.mulf %add3A_2369, %add3A_2228 : vector<64x256xf32>
      %mul3A_2381 = arith.mulf %add3A_2361, %tanh3A_2371 : vector<64x256xf32>
      %add3A_2382 = arith.addf %mul3A_2380, %mul3A_2381 : vector<64x256xf32>
      %tanh3A_2383 = math.tanh %add3A_2382 : vector<64x256xf32>
      %mul3A_2384 = arith.mulf %add3A_2379, %tanh3A_2383 : vector<64x256xf32>
      %slice3A_2385 = vector.extract_strided_slice %dot_general3A_2291 {offsets = [0, 0], sizes = [64, 256], strides = [1, 1]} : vector<256x256xf32> to vector<64x256xf32>
      %tanh3A_2386 = math.tanh %slice3A_2385 : vector<64x256xf32>
      %mul3A_2387 = arith.constant 5.000000e-01 : f32
      %mul3A_2388 = vector.broadcast %mul3A_2387 : f32 to vector<64x256xf32>
      %mul3A_2389 = arith.mulf %mul3A_2388, %tanh3A_2386 : vector<64x256xf32>
      %add3A_2390 = arith.constant 5.000000e-01 : f32
      %add3A_2391 = vector.broadcast %add3A_2390 : f32 to vector<64x256xf32>
      %add3A_2392 = arith.addf %mul3A_2389, %add3A_2391 : vector<64x256xf32>
      %slice3A_2393 = vector.extract_strided_slice %dot_general3A_2291 {offsets = [64, 0], sizes = [64, 256], strides = [1, 1]} : vector<256x256xf32> to vector<64x256xf32>
      %tanh3A_2394 = math.tanh %slice3A_2393 : vector<64x256xf32>
      %mul3A_2395 = arith.constant 5.000000e-01 : f32
      %mul3A_2396 = vector.broadcast %mul3A_2395 : f32 to vector<64x256xf32>
      %mul3A_2397 = arith.mulf %mul3A_2396, %tanh3A_2394 : vector<64x256xf32>
      %add3A_2398 = arith.constant 5.000000e-01 : f32
      %add3A_2399 = vector.broadcast %add3A_2398 : f32 to vector<64x256xf32>
      %add3A_2400 = arith.addf %mul3A_2397, %add3A_2399 : vector<64x256xf32>
      %slice3A_2401 = vector.extract_strided_slice %dot_general3A_2291 {offsets = [128, 0], sizes = [64, 256], strides = [1, 1]} : vector<256x256xf32> to vector<64x256xf32>
      %tanh3A_2402 = math.tanh %slice3A_2401 : vector<64x256xf32>
      %slice3A_2403 = vector.extract_strided_slice %dot_general3A_2291 {offsets = [192, 0], sizes = [64, 256], strides = [1, 1]} : vector<256x256xf32> to vector<64x256xf32>
      %tanh3A_2404 = math.tanh %slice3A_2403 : vector<64x256xf32>
      %mul3A_2405 = arith.constant 5.000000e-01 : f32
      %mul3A_2406 = vector.broadcast %mul3A_2405 : f32 to vector<64x256xf32>
      %mul3A_2407 = arith.mulf %mul3A_2406, %tanh3A_2404 : vector<64x256xf32>
      %add3A_2408 = arith.constant 5.000000e-01 : f32
      %add3A_2409 = vector.broadcast %add3A_2408 : f32 to vector<64x256xf32>
      %add3A_2410 = arith.addf %mul3A_2407, %add3A_2409 : vector<64x256xf32>
      %mul3A_2411 = arith.mulf %add3A_2400, %add3A_2259 : vector<64x256xf32>
      %mul3A_2412 = arith.mulf %add3A_2392, %tanh3A_2402 : vector<64x256xf32>
      %add3A_2413 = arith.addf %mul3A_2411, %mul3A_2412 : vector<64x256xf32>
      %tanh3A_2414 = math.tanh %add3A_2413 : vector<64x256xf32>
      %mul3A_2415 = arith.mulf %add3A_2410, %tanh3A_2414 : vector<64x256xf32>
      %mul3A_2416 = arith.constant 25 : i32
      %mul3A_2417 = arith.muli %scan3A_100, %mul3A_2416 : i32
      %add3A_2418 = arith.constant 15 : i32
      %add3A_2419 = arith.addi %mul3A_2417, %add3A_2418 : i32
      %mul3A_2420 = arith.constant 8 : i32
      %mul3A_2421 = arith.muli %add3A_2419, %mul3A_2420 : i32
      %get3A_2422 = arith.index_cast %mul3A_2421 : i32 to index
      %get3A_2423 = arith.constant 0 : index
      %get3A_2424 = vector.load %arg1[%get3A_2422, %get3A_2423] : memref<400x512xf32, #tpu.memory_space<vmem>>, vector<8x512xf32>
      %mul3A_2425 = arith.constant 8 : i32
      %mul3A_2426 = arith.muli %add3A_2419, %mul3A_2425 : i32
      %get3A_2427 = arith.index_cast %mul3A_2426 : i32 to index
      %get3A_2428 = arith.constant 0 : index
      %get3A_2429 = vector.load %arg2[%get3A_2427, %get3A_2428] : memref<400x512xf32, #tpu.memory_space<vmem>>, vector<8x512xf32>
      %slice3A_2430 = vector.extract_strided_slice %get3A_2424 {offsets = [0, 0], sizes = [8, 256], strides = [1, 1]} : vector<8x512xf32> to vector<8x256xf32>
      %slice3A_2431 = vector.extract_strided_slice %get3A_2424 {offsets = [0, 256], sizes = [8, 256], strides = [1, 1]} : vector<8x512xf32> to vector<8x256xf32>
      %slice3A_2432 = vector.extract_strided_slice %get3A_2429 {offsets = [0, 0], sizes = [8, 256], strides = [1, 1]} : vector<8x512xf32> to vector<8x256xf32>
      %slice3A_2433 = vector.extract_strided_slice %get3A_2429 {offsets = [0, 256], sizes = [8, 256], strides = [1, 1]} : vector<8x512xf32> to vector<8x256xf32>
      %concatenate3A_2434 = tpu.concatenate %slice3A_2430, %mul3A_2322 in 0 : vector<8x256xf32>, vector<64x256xf32> -> vector<72x256xf32>
      %dot_general3A_2435 = arith.constant dense<0.000000e+00> : vector<256x256xf32>
      %dot_general3A_2436 = tpu.matmul %get3A_8, %concatenate3A_2434, %dot_general3A_2435 {dimension_numbers = #tpu.dot_dimension_numbers<[1], [0], [0], [1], [0, 0, 1, 1], [], []>, transpose_lhs_hint = false} : vector<256x72xf32>, vector<72x256xf32>, vector<256x256xf32> -> vector<256x256xf32>
      %concatenate3A_2437 = tpu.concatenate %slice3A_2431, %mul3A_2353 in 0 : vector<8x256xf32>, vector<64x256xf32> -> vector<72x256xf32>
      %dot_general3A_2438 = arith.constant dense<0.000000e+00> : vector<256x256xf32>
      %dot_general3A_2439 = tpu.matmul %get3A_8, %concatenate3A_2437, %dot_general3A_2438 {dimension_numbers = #tpu.dot_dimension_numbers<[1], [0], [0], [1], [0, 0, 1, 1], [], []>, transpose_lhs_hint = false} : vector<256x72xf32>, vector<72x256xf32>, vector<256x256xf32> -> vector<256x256xf32>
      %concatenate3A_2440 = tpu.concatenate %slice3A_2432, %mul3A_2384 in 0 : vector<8x256xf32>, vector<64x256xf32> -> vector<72x256xf32>
      %dot_general3A_2441 = arith.constant dense<0.000000e+00> : vector<256x256xf32>
      %dot_general3A_2442 = tpu.matmul %get3A_8, %concatenate3A_2440, %dot_general3A_2441 {dimension_numbers = #tpu.dot_dimension_numbers<[1], [0], [0], [1], [0, 0, 1, 1], [], []>, transpose_lhs_hint = false} : vector<256x72xf32>, vector<72x256xf32>, vector<256x256xf32> -> vector<256x256xf32>
      %concatenate3A_2443 = tpu.concatenate %slice3A_2433, %mul3A_2415 in 0 : vector<8x256xf32>, vector<64x256xf32> -> vector<72x256xf32>
      %dot_general3A_2444 = arith.constant dense<0.000000e+00> : vector<256x256xf32>
      %dot_general3A_2445 = tpu.matmul %get3A_8, %concatenate3A_2443, %dot_general3A_2444 {dimension_numbers = #tpu.dot_dimension_numbers<[1], [0], [0], [1], [0, 0, 1, 1], [], []>, transpose_lhs_hint = false} : vector<256x72xf32>, vector<72x256xf32>, vector<256x256xf32> -> vector<256x256xf32>
      %slice3A_2446 = vector.extract_strided_slice %dot_general3A_2436 {offsets = [0, 0], sizes = [64, 256], strides = [1, 1]} : vector<256x256xf32> to vector<64x256xf32>
      %tanh3A_2447 = math.tanh %slice3A_2446 : vector<64x256xf32>
      %mul3A_2448 = arith.constant 5.000000e-01 : f32
      %mul3A_2449 = vector.broadcast %mul3A_2448 : f32 to vector<64x256xf32>
      %mul3A_2450 = arith.mulf %mul3A_2449, %tanh3A_2447 : vector<64x256xf32>
      %add3A_2451 = arith.constant 5.000000e-01 : f32
      %add3A_2452 = vector.broadcast %add3A_2451 : f32 to vector<64x256xf32>
      %add3A_2453 = arith.addf %mul3A_2450, %add3A_2452 : vector<64x256xf32>
      %slice3A_2454 = vector.extract_strided_slice %dot_general3A_2436 {offsets = [64, 0], sizes = [64, 256], strides = [1, 1]} : vector<256x256xf32> to vector<64x256xf32>
      %tanh3A_2455 = math.tanh %slice3A_2454 : vector<64x256xf32>
      %mul3A_2456 = arith.constant 5.000000e-01 : f32
      %mul3A_2457 = vector.broadcast %mul3A_2456 : f32 to vector<64x256xf32>
      %mul3A_2458 = arith.mulf %mul3A_2457, %tanh3A_2455 : vector<64x256xf32>
      %add3A_2459 = arith.constant 5.000000e-01 : f32
      %add3A_2460 = vector.broadcast %add3A_2459 : f32 to vector<64x256xf32>
      %add3A_2461 = arith.addf %mul3A_2458, %add3A_2460 : vector<64x256xf32>
      %slice3A_2462 = vector.extract_strided_slice %dot_general3A_2436 {offsets = [128, 0], sizes = [64, 256], strides = [1, 1]} : vector<256x256xf32> to vector<64x256xf32>
      %tanh3A_2463 = math.tanh %slice3A_2462 : vector<64x256xf32>
      %slice3A_2464 = vector.extract_strided_slice %dot_general3A_2436 {offsets = [192, 0], sizes = [64, 256], strides = [1, 1]} : vector<256x256xf32> to vector<64x256xf32>
      %tanh3A_2465 = math.tanh %slice3A_2464 : vector<64x256xf32>
      %mul3A_2466 = arith.constant 5.000000e-01 : f32
      %mul3A_2467 = vector.broadcast %mul3A_2466 : f32 to vector<64x256xf32>
      %mul3A_2468 = arith.mulf %mul3A_2467, %tanh3A_2465 : vector<64x256xf32>
      %add3A_2469 = arith.constant 5.000000e-01 : f32
      %add3A_2470 = vector.broadcast %add3A_2469 : f32 to vector<64x256xf32>
      %add3A_2471 = arith.addf %mul3A_2468, %add3A_2470 : vector<64x256xf32>
      %mul3A_2472 = arith.mulf %add3A_2461, %add3A_2320 : vector<64x256xf32>
      %mul3A_2473 = arith.mulf %add3A_2453, %tanh3A_2463 : vector<64x256xf32>
      %add3A_2474 = arith.addf %mul3A_2472, %mul3A_2473 : vector<64x256xf32>
      %tanh3A_2475 = math.tanh %add3A_2474 : vector<64x256xf32>
      %mul3A_2476 = arith.mulf %add3A_2471, %tanh3A_2475 : vector<64x256xf32>
      %slice3A_2477 = vector.extract_strided_slice %dot_general3A_2439 {offsets = [0, 0], sizes = [64, 256], strides = [1, 1]} : vector<256x256xf32> to vector<64x256xf32>
      %tanh3A_2478 = math.tanh %slice3A_2477 : vector<64x256xf32>
      %mul3A_2479 = arith.constant 5.000000e-01 : f32
      %mul3A_2480 = vector.broadcast %mul3A_2479 : f32 to vector<64x256xf32>
      %mul3A_2481 = arith.mulf %mul3A_2480, %tanh3A_2478 : vector<64x256xf32>
      %add3A_2482 = arith.constant 5.000000e-01 : f32
      %add3A_2483 = vector.broadcast %add3A_2482 : f32 to vector<64x256xf32>
      %add3A_2484 = arith.addf %mul3A_2481, %add3A_2483 : vector<64x256xf32>
      %slice3A_2485 = vector.extract_strided_slice %dot_general3A_2439 {offsets = [64, 0], sizes = [64, 256], strides = [1, 1]} : vector<256x256xf32> to vector<64x256xf32>
      %tanh3A_2486 = math.tanh %slice3A_2485 : vector<64x256xf32>
      %mul3A_2487 = arith.constant 5.000000e-01 : f32
      %mul3A_2488 = vector.broadcast %mul3A_2487 : f32 to vector<64x256xf32>
      %mul3A_2489 = arith.mulf %mul3A_2488, %tanh3A_2486 : vector<64x256xf32>
      %add3A_2490 = arith.constant 5.000000e-01 : f32
      %add3A_2491 = vector.broadcast %add3A_2490 : f32 to vector<64x256xf32>
      %add3A_2492 = arith.addf %mul3A_2489, %add3A_2491 : vector<64x256xf32>
      %slice3A_2493 = vector.extract_strided_slice %dot_general3A_2439 {offsets = [128, 0], sizes = [64, 256], strides = [1, 1]} : vector<256x256xf32> to vector<64x256xf32>
      %tanh3A_2494 = math.tanh %slice3A_2493 : vector<64x256xf32>
      %slice3A_2495 = vector.extract_strided_slice %dot_general3A_2439 {offsets = [192, 0], sizes = [64, 256], strides = [1, 1]} : vector<256x256xf32> to vector<64x256xf32>
      %tanh3A_2496 = math.tanh %slice3A_2495 : vector<64x256xf32>
      %mul3A_2497 = arith.constant 5.000000e-01 : f32
      %mul3A_2498 = vector.broadcast %mul3A_2497 : f32 to vector<64x256xf32>
      %mul3A_2499 = arith.mulf %mul3A_2498, %tanh3A_2496 : vector<64x256xf32>
      %add3A_2500 = arith.constant 5.000000e-01 : f32
      %add3A_2501 = vector.broadcast %add3A_2500 : f32 to vector<64x256xf32>
      %add3A_2502 = arith.addf %mul3A_2499, %add3A_2501 : vector<64x256xf32>
      %mul3A_2503 = arith.mulf %add3A_2492, %add3A_2351 : vector<64x256xf32>
      %mul3A_2504 = arith.mulf %add3A_2484, %tanh3A_2494 : vector<64x256xf32>
      %add3A_2505 = arith.addf %mul3A_2503, %mul3A_2504 : vector<64x256xf32>
      %tanh3A_2506 = math.tanh %add3A_2505 : vector<64x256xf32>
      %mul3A_2507 = arith.mulf %add3A_2502, %tanh3A_2506 : vector<64x256xf32>
      %slice3A_2508 = vector.extract_strided_slice %dot_general3A_2442 {offsets = [0, 0], sizes = [64, 256], strides = [1, 1]} : vector<256x256xf32> to vector<64x256xf32>
      %tanh3A_2509 = math.tanh %slice3A_2508 : vector<64x256xf32>
      %mul3A_2510 = arith.constant 5.000000e-01 : f32
      %mul3A_2511 = vector.broadcast %mul3A_2510 : f32 to vector<64x256xf32>
      %mul3A_2512 = arith.mulf %mul3A_2511, %tanh3A_2509 : vector<64x256xf32>
      %add3A_2513 = arith.constant 5.000000e-01 : f32
      %add3A_2514 = vector.broadcast %add3A_2513 : f32 to vector<64x256xf32>
      %add3A_2515 = arith.addf %mul3A_2512, %add3A_2514 : vector<64x256xf32>
      %slice3A_2516 = vector.extract_strided_slice %dot_general3A_2442 {offsets = [64, 0], sizes = [64, 256], strides = [1, 1]} : vector<256x256xf32> to vector<64x256xf32>
      %tanh3A_2517 = math.tanh %slice3A_2516 : vector<64x256xf32>
      %mul3A_2518 = arith.constant 5.000000e-01 : f32
      %mul3A_2519 = vector.broadcast %mul3A_2518 : f32 to vector<64x256xf32>
      %mul3A_2520 = arith.mulf %mul3A_2519, %tanh3A_2517 : vector<64x256xf32>
      %add3A_2521 = arith.constant 5.000000e-01 : f32
      %add3A_2522 = vector.broadcast %add3A_2521 : f32 to vector<64x256xf32>
      %add3A_2523 = arith.addf %mul3A_2520, %add3A_2522 : vector<64x256xf32>
      %slice3A_2524 = vector.extract_strided_slice %dot_general3A_2442 {offsets = [128, 0], sizes = [64, 256], strides = [1, 1]} : vector<256x256xf32> to vector<64x256xf32>
      %tanh3A_2525 = math.tanh %slice3A_2524 : vector<64x256xf32>
      %slice3A_2526 = vector.extract_strided_slice %dot_general3A_2442 {offsets = [192, 0], sizes = [64, 256], strides = [1, 1]} : vector<256x256xf32> to vector<64x256xf32>
      %tanh3A_2527 = math.tanh %slice3A_2526 : vector<64x256xf32>
      %mul3A_2528 = arith.constant 5.000000e-01 : f32
      %mul3A_2529 = vector.broadcast %mul3A_2528 : f32 to vector<64x256xf32>
      %mul3A_2530 = arith.mulf %mul3A_2529, %tanh3A_2527 : vector<64x256xf32>
      %add3A_2531 = arith.constant 5.000000e-01 : f32
      %add3A_2532 = vector.broadcast %add3A_2531 : f32 to vector<64x256xf32>
      %add3A_2533 = arith.addf %mul3A_2530, %add3A_2532 : vector<64x256xf32>
      %mul3A_2534 = arith.mulf %add3A_2523, %add3A_2382 : vector<64x256xf32>
      %mul3A_2535 = arith.mulf %add3A_2515, %tanh3A_2525 : vector<64x256xf32>
      %add3A_2536 = arith.addf %mul3A_2534, %mul3A_2535 : vector<64x256xf32>
      %tanh3A_2537 = math.tanh %add3A_2536 : vector<64x256xf32>
      %mul3A_2538 = arith.mulf %add3A_2533, %tanh3A_2537 : vector<64x256xf32>
      %slice3A_2539 = vector.extract_strided_slice %dot_general3A_2445 {offsets = [0, 0], sizes = [64, 256], strides = [1, 1]} : vector<256x256xf32> to vector<64x256xf32>
      %tanh3A_2540 = math.tanh %slice3A_2539 : vector<64x256xf32>
      %mul3A_2541 = arith.constant 5.000000e-01 : f32
      %mul3A_2542 = vector.broadcast %mul3A_2541 : f32 to vector<64x256xf32>
      %mul3A_2543 = arith.mulf %mul3A_2542, %tanh3A_2540 : vector<64x256xf32>
      %add3A_2544 = arith.constant 5.000000e-01 : f32
      %add3A_2545 = vector.broadcast %add3A_2544 : f32 to vector<64x256xf32>
      %add3A_2546 = arith.addf %mul3A_2543, %add3A_2545 : vector<64x256xf32>
      %slice3A_2547 = vector.extract_strided_slice %dot_general3A_2445 {offsets = [64, 0], sizes = [64, 256], strides = [1, 1]} : vector<256x256xf32> to vector<64x256xf32>
      %tanh3A_2548 = math.tanh %slice3A_2547 : vector<64x256xf32>
      %mul3A_2549 = arith.constant 5.000000e-01 : f32
      %mul3A_2550 = vector.broadcast %mul3A_2549 : f32 to vector<64x256xf32>
      %mul3A_2551 = arith.mulf %mul3A_2550, %tanh3A_2548 : vector<64x256xf32>
      %add3A_2552 = arith.constant 5.000000e-01 : f32
      %add3A_2553 = vector.broadcast %add3A_2552 : f32 to vector<64x256xf32>
      %add3A_2554 = arith.addf %mul3A_2551, %add3A_2553 : vector<64x256xf32>
      %slice3A_2555 = vector.extract_strided_slice %dot_general3A_2445 {offsets = [128, 0], sizes = [64, 256], strides = [1, 1]} : vector<256x256xf32> to vector<64x256xf32>
      %tanh3A_2556 = math.tanh %slice3A_2555 : vector<64x256xf32>
      %slice3A_2557 = vector.extract_strided_slice %dot_general3A_2445 {offsets = [192, 0], sizes = [64, 256], strides = [1, 1]} : vector<256x256xf32> to vector<64x256xf32>
      %tanh3A_2558 = math.tanh %slice3A_2557 : vector<64x256xf32>
      %mul3A_2559 = arith.constant 5.000000e-01 : f32
      %mul3A_2560 = vector.broadcast %mul3A_2559 : f32 to vector<64x256xf32>
      %mul3A_2561 = arith.mulf %mul3A_2560, %tanh3A_2558 : vector<64x256xf32>
      %add3A_2562 = arith.constant 5.000000e-01 : f32
      %add3A_2563 = vector.broadcast %add3A_2562 : f32 to vector<64x256xf32>
      %add3A_2564 = arith.addf %mul3A_2561, %add3A_2563 : vector<64x256xf32>
      %mul3A_2565 = arith.mulf %add3A_2554, %add3A_2413 : vector<64x256xf32>
      %mul3A_2566 = arith.mulf %add3A_2546, %tanh3A_2556 : vector<64x256xf32>
      %add3A_2567 = arith.addf %mul3A_2565, %mul3A_2566 : vector<64x256xf32>
      %tanh3A_2568 = math.tanh %add3A_2567 : vector<64x256xf32>
      %mul3A_2569 = arith.mulf %add3A_2564, %tanh3A_2568 : vector<64x256xf32>
      %mul3A_2570 = arith.constant 25 : i32
      %mul3A_2571 = arith.muli %scan3A_100, %mul3A_2570 : i32
      %add3A_2572 = arith.constant 16 : i32
      %add3A_2573 = arith.addi %mul3A_2571, %add3A_2572 : i32
      %mul3A_2574 = arith.constant 8 : i32
      %mul3A_2575 = arith.muli %add3A_2573, %mul3A_2574 : i32
      %get3A_2576 = arith.index_cast %mul3A_2575 : i32 to index
      %get3A_2577 = arith.constant 0 : index
      %get3A_2578 = vector.load %arg1[%get3A_2576, %get3A_2577] : memref<400x512xf32, #tpu.memory_space<vmem>>, vector<8x512xf32>
      %mul3A_2579 = arith.constant 8 : i32
      %mul3A_2580 = arith.muli %add3A_2573, %mul3A_2579 : i32
      %get3A_2581 = arith.index_cast %mul3A_2580 : i32 to index
      %get3A_2582 = arith.constant 0 : index
      %get3A_2583 = vector.load %arg2[%get3A_2581, %get3A_2582] : memref<400x512xf32, #tpu.memory_space<vmem>>, vector<8x512xf32>
      %slice3A_2584 = vector.extract_strided_slice %get3A_2578 {offsets = [0, 0], sizes = [8, 256], strides = [1, 1]} : vector<8x512xf32> to vector<8x256xf32>
      %slice3A_2585 = vector.extract_strided_slice %get3A_2578 {offsets = [0, 256], sizes = [8, 256], strides = [1, 1]} : vector<8x512xf32> to vector<8x256xf32>
      %slice3A_2586 = vector.extract_strided_slice %get3A_2583 {offsets = [0, 0], sizes = [8, 256], strides = [1, 1]} : vector<8x512xf32> to vector<8x256xf32>
      %slice3A_2587 = vector.extract_strided_slice %get3A_2583 {offsets = [0, 256], sizes = [8, 256], strides = [1, 1]} : vector<8x512xf32> to vector<8x256xf32>
      %concatenate3A_2588 = tpu.concatenate %slice3A_2584, %mul3A_2476 in 0 : vector<8x256xf32>, vector<64x256xf32> -> vector<72x256xf32>
      %dot_general3A_2589 = arith.constant dense<0.000000e+00> : vector<256x256xf32>
      %dot_general3A_2590 = tpu.matmul %get3A_8, %concatenate3A_2588, %dot_general3A_2589 {dimension_numbers = #tpu.dot_dimension_numbers<[1], [0], [0], [1], [0, 0, 1, 1], [], []>, transpose_lhs_hint = false} : vector<256x72xf32>, vector<72x256xf32>, vector<256x256xf32> -> vector<256x256xf32>
      %concatenate3A_2591 = tpu.concatenate %slice3A_2585, %mul3A_2507 in 0 : vector<8x256xf32>, vector<64x256xf32> -> vector<72x256xf32>
      %dot_general3A_2592 = arith.constant dense<0.000000e+00> : vector<256x256xf32>
      %dot_general3A_2593 = tpu.matmul %get3A_8, %concatenate3A_2591, %dot_general3A_2592 {dimension_numbers = #tpu.dot_dimension_numbers<[1], [0], [0], [1], [0, 0, 1, 1], [], []>, transpose_lhs_hint = false} : vector<256x72xf32>, vector<72x256xf32>, vector<256x256xf32> -> vector<256x256xf32>
      %concatenate3A_2594 = tpu.concatenate %slice3A_2586, %mul3A_2538 in 0 : vector<8x256xf32>, vector<64x256xf32> -> vector<72x256xf32>
      %dot_general3A_2595 = arith.constant dense<0.000000e+00> : vector<256x256xf32>
      %dot_general3A_2596 = tpu.matmul %get3A_8, %concatenate3A_2594, %dot_general3A_2595 {dimension_numbers = #tpu.dot_dimension_numbers<[1], [0], [0], [1], [0, 0, 1, 1], [], []>, transpose_lhs_hint = false} : vector<256x72xf32>, vector<72x256xf32>, vector<256x256xf32> -> vector<256x256xf32>
      %concatenate3A_2597 = tpu.concatenate %slice3A_2587, %mul3A_2569 in 0 : vector<8x256xf32>, vector<64x256xf32> -> vector<72x256xf32>
      %dot_general3A_2598 = arith.constant dense<0.000000e+00> : vector<256x256xf32>
      %dot_general3A_2599 = tpu.matmul %get3A_8, %concatenate3A_2597, %dot_general3A_2598 {dimension_numbers = #tpu.dot_dimension_numbers<[1], [0], [0], [1], [0, 0, 1, 1], [], []>, transpose_lhs_hint = false} : vector<256x72xf32>, vector<72x256xf32>, vector<256x256xf32> -> vector<256x256xf32>
      %slice3A_2600 = vector.extract_strided_slice %dot_general3A_2590 {offsets = [0, 0], sizes = [64, 256], strides = [1, 1]} : vector<256x256xf32> to vector<64x256xf32>
      %tanh3A_2601 = math.tanh %slice3A_2600 : vector<64x256xf32>
      %mul3A_2602 = arith.constant 5.000000e-01 : f32
      %mul3A_2603 = vector.broadcast %mul3A_2602 : f32 to vector<64x256xf32>
      %mul3A_2604 = arith.mulf %mul3A_2603, %tanh3A_2601 : vector<64x256xf32>
      %add3A_2605 = arith.constant 5.000000e-01 : f32
      %add3A_2606 = vector.broadcast %add3A_2605 : f32 to vector<64x256xf32>
      %add3A_2607 = arith.addf %mul3A_2604, %add3A_2606 : vector<64x256xf32>
      %slice3A_2608 = vector.extract_strided_slice %dot_general3A_2590 {offsets = [64, 0], sizes = [64, 256], strides = [1, 1]} : vector<256x256xf32> to vector<64x256xf32>
      %tanh3A_2609 = math.tanh %slice3A_2608 : vector<64x256xf32>
      %mul3A_2610 = arith.constant 5.000000e-01 : f32
      %mul3A_2611 = vector.broadcast %mul3A_2610 : f32 to vector<64x256xf32>
      %mul3A_2612 = arith.mulf %mul3A_2611, %tanh3A_2609 : vector<64x256xf32>
      %add3A_2613 = arith.constant 5.000000e-01 : f32
      %add3A_2614 = vector.broadcast %add3A_2613 : f32 to vector<64x256xf32>
      %add3A_2615 = arith.addf %mul3A_2612, %add3A_2614 : vector<64x256xf32>
      %slice3A_2616 = vector.extract_strided_slice %dot_general3A_2590 {offsets = [128, 0], sizes = [64, 256], strides = [1, 1]} : vector<256x256xf32> to vector<64x256xf32>
      %tanh3A_2617 = math.tanh %slice3A_2616 : vector<64x256xf32>
      %slice3A_2618 = vector.extract_strided_slice %dot_general3A_2590 {offsets = [192, 0], sizes = [64, 256], strides = [1, 1]} : vector<256x256xf32> to vector<64x256xf32>
      %tanh3A_2619 = math.tanh %slice3A_2618 : vector<64x256xf32>
      %mul3A_2620 = arith.constant 5.000000e-01 : f32
      %mul3A_2621 = vector.broadcast %mul3A_2620 : f32 to vector<64x256xf32>
      %mul3A_2622 = arith.mulf %mul3A_2621, %tanh3A_2619 : vector<64x256xf32>
      %add3A_2623 = arith.constant 5.000000e-01 : f32
      %add3A_2624 = vector.broadcast %add3A_2623 : f32 to vector<64x256xf32>
      %add3A_2625 = arith.addf %mul3A_2622, %add3A_2624 : vector<64x256xf32>
      %mul3A_2626 = arith.mulf %add3A_2615, %add3A_2474 : vector<64x256xf32>
      %mul3A_2627 = arith.mulf %add3A_2607, %tanh3A_2617 : vector<64x256xf32>
      %add3A_2628 = arith.addf %mul3A_2626, %mul3A_2627 : vector<64x256xf32>
      %tanh3A_2629 = math.tanh %add3A_2628 : vector<64x256xf32>
      %mul3A_2630 = arith.mulf %add3A_2625, %tanh3A_2629 : vector<64x256xf32>
      %slice3A_2631 = vector.extract_strided_slice %dot_general3A_2593 {offsets = [0, 0], sizes = [64, 256], strides = [1, 1]} : vector<256x256xf32> to vector<64x256xf32>
      %tanh3A_2632 = math.tanh %slice3A_2631 : vector<64x256xf32>
      %mul3A_2633 = arith.constant 5.000000e-01 : f32
      %mul3A_2634 = vector.broadcast %mul3A_2633 : f32 to vector<64x256xf32>
      %mul3A_2635 = arith.mulf %mul3A_2634, %tanh3A_2632 : vector<64x256xf32>
      %add3A_2636 = arith.constant 5.000000e-01 : f32
      %add3A_2637 = vector.broadcast %add3A_2636 : f32 to vector<64x256xf32>
      %add3A_2638 = arith.addf %mul3A_2635, %add3A_2637 : vector<64x256xf32>
      %slice3A_2639 = vector.extract_strided_slice %dot_general3A_2593 {offsets = [64, 0], sizes = [64, 256], strides = [1, 1]} : vector<256x256xf32> to vector<64x256xf32>
      %tanh3A_2640 = math.tanh %slice3A_2639 : vector<64x256xf32>
      %mul3A_2641 = arith.constant 5.000000e-01 : f32
      %mul3A_2642 = vector.broadcast %mul3A_2641 : f32 to vector<64x256xf32>
      %mul3A_2643 = arith.mulf %mul3A_2642, %tanh3A_2640 : vector<64x256xf32>
      %add3A_2644 = arith.constant 5.000000e-01 : f32
      %add3A_2645 = vector.broadcast %add3A_2644 : f32 to vector<64x256xf32>
      %add3A_2646 = arith.addf %mul3A_2643, %add3A_2645 : vector<64x256xf32>
      %slice3A_2647 = vector.extract_strided_slice %dot_general3A_2593 {offsets = [128, 0], sizes = [64, 256], strides = [1, 1]} : vector<256x256xf32> to vector<64x256xf32>
      %tanh3A_2648 = math.tanh %slice3A_2647 : vector<64x256xf32>
      %slice3A_2649 = vector.extract_strided_slice %dot_general3A_2593 {offsets = [192, 0], sizes = [64, 256], strides = [1, 1]} : vector<256x256xf32> to vector<64x256xf32>
      %tanh3A_2650 = math.tanh %slice3A_2649 : vector<64x256xf32>
      %mul3A_2651 = arith.constant 5.000000e-01 : f32
      %mul3A_2652 = vector.broadcast %mul3A_2651 : f32 to vector<64x256xf32>
      %mul3A_2653 = arith.mulf %mul3A_2652, %tanh3A_2650 : vector<64x256xf32>
      %add3A_2654 = arith.constant 5.000000e-01 : f32
      %add3A_2655 = vector.broadcast %add3A_2654 : f32 to vector<64x256xf32>
      %add3A_2656 = arith.addf %mul3A_2653, %add3A_2655 : vector<64x256xf32>
      %mul3A_2657 = arith.mulf %add3A_2646, %add3A_2505 : vector<64x256xf32>
      %mul3A_2658 = arith.mulf %add3A_2638, %tanh3A_2648 : vector<64x256xf32>
      %add3A_2659 = arith.addf %mul3A_2657, %mul3A_2658 : vector<64x256xf32>
      %tanh3A_2660 = math.tanh %add3A_2659 : vector<64x256xf32>
      %mul3A_2661 = arith.mulf %add3A_2656, %tanh3A_2660 : vector<64x256xf32>
      %slice3A_2662 = vector.extract_strided_slice %dot_general3A_2596 {offsets = [0, 0], sizes = [64, 256], strides = [1, 1]} : vector<256x256xf32> to vector<64x256xf32>
      %tanh3A_2663 = math.tanh %slice3A_2662 : vector<64x256xf32>
      %mul3A_2664 = arith.constant 5.000000e-01 : f32
      %mul3A_2665 = vector.broadcast %mul3A_2664 : f32 to vector<64x256xf32>
      %mul3A_2666 = arith.mulf %mul3A_2665, %tanh3A_2663 : vector<64x256xf32>
      %add3A_2667 = arith.constant 5.000000e-01 : f32
      %add3A_2668 = vector.broadcast %add3A_2667 : f32 to vector<64x256xf32>
      %add3A_2669 = arith.addf %mul3A_2666, %add3A_2668 : vector<64x256xf32>
      %slice3A_2670 = vector.extract_strided_slice %dot_general3A_2596 {offsets = [64, 0], sizes = [64, 256], strides = [1, 1]} : vector<256x256xf32> to vector<64x256xf32>
      %tanh3A_2671 = math.tanh %slice3A_2670 : vector<64x256xf32>
      %mul3A_2672 = arith.constant 5.000000e-01 : f32
      %mul3A_2673 = vector.broadcast %mul3A_2672 : f32 to vector<64x256xf32>
      %mul3A_2674 = arith.mulf %mul3A_2673, %tanh3A_2671 : vector<64x256xf32>
      %add3A_2675 = arith.constant 5.000000e-01 : f32
      %add3A_2676 = vector.broadcast %add3A_2675 : f32 to vector<64x256xf32>
      %add3A_2677 = arith.addf %mul3A_2674, %add3A_2676 : vector<64x256xf32>
      %slice3A_2678 = vector.extract_strided_slice %dot_general3A_2596 {offsets = [128, 0], sizes = [64, 256], strides = [1, 1]} : vector<256x256xf32> to vector<64x256xf32>
      %tanh3A_2679 = math.tanh %slice3A_2678 : vector<64x256xf32>
      %slice3A_2680 = vector.extract_strided_slice %dot_general3A_2596 {offsets = [192, 0], sizes = [64, 256], strides = [1, 1]} : vector<256x256xf32> to vector<64x256xf32>
      %tanh3A_2681 = math.tanh %slice3A_2680 : vector<64x256xf32>
      %mul3A_2682 = arith.constant 5.000000e-01 : f32
      %mul3A_2683 = vector.broadcast %mul3A_2682 : f32 to vector<64x256xf32>
      %mul3A_2684 = arith.mulf %mul3A_2683, %tanh3A_2681 : vector<64x256xf32>
      %add3A_2685 = arith.constant 5.000000e-01 : f32
      %add3A_2686 = vector.broadcast %add3A_2685 : f32 to vector<64x256xf32>
      %add3A_2687 = arith.addf %mul3A_2684, %add3A_2686 : vector<64x256xf32>
      %mul3A_2688 = arith.mulf %add3A_2677, %add3A_2536 : vector<64x256xf32>
      %mul3A_2689 = arith.mulf %add3A_2669, %tanh3A_2679 : vector<64x256xf32>
      %add3A_2690 = arith.addf %mul3A_2688, %mul3A_2689 : vector<64x256xf32>
      %tanh3A_2691 = math.tanh %add3A_2690 : vector<64x256xf32>
      %mul3A_2692 = arith.mulf %add3A_2687, %tanh3A_2691 : vector<64x256xf32>
      %slice3A_2693 = vector.extract_strided_slice %dot_general3A_2599 {offsets = [0, 0], sizes = [64, 256], strides = [1, 1]} : vector<256x256xf32> to vector<64x256xf32>
      %tanh3A_2694 = math.tanh %slice3A_2693 : vector<64x256xf32>
      %mul3A_2695 = arith.constant 5.000000e-01 : f32
      %mul3A_2696 = vector.broadcast %mul3A_2695 : f32 to vector<64x256xf32>
      %mul3A_2697 = arith.mulf %mul3A_2696, %tanh3A_2694 : vector<64x256xf32>
      %add3A_2698 = arith.constant 5.000000e-01 : f32
      %add3A_2699 = vector.broadcast %add3A_2698 : f32 to vector<64x256xf32>
      %add3A_2700 = arith.addf %mul3A_2697, %add3A_2699 : vector<64x256xf32>
      %slice3A_2701 = vector.extract_strided_slice %dot_general3A_2599 {offsets = [64, 0], sizes = [64, 256], strides = [1, 1]} : vector<256x256xf32> to vector<64x256xf32>
      %tanh3A_2702 = math.tanh %slice3A_2701 : vector<64x256xf32>
      %mul3A_2703 = arith.constant 5.000000e-01 : f32
      %mul3A_2704 = vector.broadcast %mul3A_2703 : f32 to vector<64x256xf32>
      %mul3A_2705 = arith.mulf %mul3A_2704, %tanh3A_2702 : vector<64x256xf32>
      %add3A_2706 = arith.constant 5.000000e-01 : f32
      %add3A_2707 = vector.broadcast %add3A_2706 : f32 to vector<64x256xf32>
      %add3A_2708 = arith.addf %mul3A_2705, %add3A_2707 : vector<64x256xf32>
      %slice3A_2709 = vector.extract_strided_slice %dot_general3A_2599 {offsets = [128, 0], sizes = [64, 256], strides = [1, 1]} : vector<256x256xf32> to vector<64x256xf32>
      %tanh3A_2710 = math.tanh %slice3A_2709 : vector<64x256xf32>
      %slice3A_2711 = vector.extract_strided_slice %dot_general3A_2599 {offsets = [192, 0], sizes = [64, 256], strides = [1, 1]} : vector<256x256xf32> to vector<64x256xf32>
      %tanh3A_2712 = math.tanh %slice3A_2711 : vector<64x256xf32>
      %mul3A_2713 = arith.constant 5.000000e-01 : f32
      %mul3A_2714 = vector.broadcast %mul3A_2713 : f32 to vector<64x256xf32>
      %mul3A_2715 = arith.mulf %mul3A_2714, %tanh3A_2712 : vector<64x256xf32>
      %add3A_2716 = arith.constant 5.000000e-01 : f32
      %add3A_2717 = vector.broadcast %add3A_2716 : f32 to vector<64x256xf32>
      %add3A_2718 = arith.addf %mul3A_2715, %add3A_2717 : vector<64x256xf32>
      %mul3A_2719 = arith.mulf %add3A_2708, %add3A_2567 : vector<64x256xf32>
      %mul3A_2720 = arith.mulf %add3A_2700, %tanh3A_2710 : vector<64x256xf32>
      %add3A_2721 = arith.addf %mul3A_2719, %mul3A_2720 : vector<64x256xf32>
      %tanh3A_2722 = math.tanh %add3A_2721 : vector<64x256xf32>
      %mul3A_2723 = arith.mulf %add3A_2718, %tanh3A_2722 : vector<64x256xf32>
      %mul3A_2724 = arith.constant 25 : i32
      %mul3A_2725 = arith.muli %scan3A_100, %mul3A_2724 : i32
      %add3A_2726 = arith.constant 17 : i32
      %add3A_2727 = arith.addi %mul3A_2725, %add3A_2726 : i32
      %mul3A_2728 = arith.constant 8 : i32
      %mul3A_2729 = arith.muli %add3A_2727, %mul3A_2728 : i32
      %get3A_2730 = arith.index_cast %mul3A_2729 : i32 to index
      %get3A_2731 = arith.constant 0 : index
      %get3A_2732 = vector.load %arg1[%get3A_2730, %get3A_2731] : memref<400x512xf32, #tpu.memory_space<vmem>>, vector<8x512xf32>
      %mul3A_2733 = arith.constant 8 : i32
      %mul3A_2734 = arith.muli %add3A_2727, %mul3A_2733 : i32
      %get3A_2735 = arith.index_cast %mul3A_2734 : i32 to index
      %get3A_2736 = arith.constant 0 : index
      %get3A_2737 = vector.load %arg2[%get3A_2735, %get3A_2736] : memref<400x512xf32, #tpu.memory_space<vmem>>, vector<8x512xf32>
      %slice3A_2738 = vector.extract_strided_slice %get3A_2732 {offsets = [0, 0], sizes = [8, 256], strides = [1, 1]} : vector<8x512xf32> to vector<8x256xf32>
      %slice3A_2739 = vector.extract_strided_slice %get3A_2732 {offsets = [0, 256], sizes = [8, 256], strides = [1, 1]} : vector<8x512xf32> to vector<8x256xf32>
      %slice3A_2740 = vector.extract_strided_slice %get3A_2737 {offsets = [0, 0], sizes = [8, 256], strides = [1, 1]} : vector<8x512xf32> to vector<8x256xf32>
      %slice3A_2741 = vector.extract_strided_slice %get3A_2737 {offsets = [0, 256], sizes = [8, 256], strides = [1, 1]} : vector<8x512xf32> to vector<8x256xf32>
      %concatenate3A_2742 = tpu.concatenate %slice3A_2738, %mul3A_2630 in 0 : vector<8x256xf32>, vector<64x256xf32> -> vector<72x256xf32>
      %dot_general3A_2743 = arith.constant dense<0.000000e+00> : vector<256x256xf32>
      %dot_general3A_2744 = tpu.matmul %get3A_8, %concatenate3A_2742, %dot_general3A_2743 {dimension_numbers = #tpu.dot_dimension_numbers<[1], [0], [0], [1], [0, 0, 1, 1], [], []>, transpose_lhs_hint = false} : vector<256x72xf32>, vector<72x256xf32>, vector<256x256xf32> -> vector<256x256xf32>
      %concatenate3A_2745 = tpu.concatenate %slice3A_2739, %mul3A_2661 in 0 : vector<8x256xf32>, vector<64x256xf32> -> vector<72x256xf32>
      %dot_general3A_2746 = arith.constant dense<0.000000e+00> : vector<256x256xf32>
      %dot_general3A_2747 = tpu.matmul %get3A_8, %concatenate3A_2745, %dot_general3A_2746 {dimension_numbers = #tpu.dot_dimension_numbers<[1], [0], [0], [1], [0, 0, 1, 1], [], []>, transpose_lhs_hint = false} : vector<256x72xf32>, vector<72x256xf32>, vector<256x256xf32> -> vector<256x256xf32>
      %concatenate3A_2748 = tpu.concatenate %slice3A_2740, %mul3A_2692 in 0 : vector<8x256xf32>, vector<64x256xf32> -> vector<72x256xf32>
      %dot_general3A_2749 = arith.constant dense<0.000000e+00> : vector<256x256xf32>
      %dot_general3A_2750 = tpu.matmul %get3A_8, %concatenate3A_2748, %dot_general3A_2749 {dimension_numbers = #tpu.dot_dimension_numbers<[1], [0], [0], [1], [0, 0, 1, 1], [], []>, transpose_lhs_hint = false} : vector<256x72xf32>, vector<72x256xf32>, vector<256x256xf32> -> vector<256x256xf32>
      %concatenate3A_2751 = tpu.concatenate %slice3A_2741, %mul3A_2723 in 0 : vector<8x256xf32>, vector<64x256xf32> -> vector<72x256xf32>
      %dot_general3A_2752 = arith.constant dense<0.000000e+00> : vector<256x256xf32>
      %dot_general3A_2753 = tpu.matmul %get3A_8, %concatenate3A_2751, %dot_general3A_2752 {dimension_numbers = #tpu.dot_dimension_numbers<[1], [0], [0], [1], [0, 0, 1, 1], [], []>, transpose_lhs_hint = false} : vector<256x72xf32>, vector<72x256xf32>, vector<256x256xf32> -> vector<256x256xf32>
      %slice3A_2754 = vector.extract_strided_slice %dot_general3A_2744 {offsets = [0, 0], sizes = [64, 256], strides = [1, 1]} : vector<256x256xf32> to vector<64x256xf32>
      %tanh3A_2755 = math.tanh %slice3A_2754 : vector<64x256xf32>
      %mul3A_2756 = arith.constant 5.000000e-01 : f32
      %mul3A_2757 = vector.broadcast %mul3A_2756 : f32 to vector<64x256xf32>
      %mul3A_2758 = arith.mulf %mul3A_2757, %tanh3A_2755 : vector<64x256xf32>
      %add3A_2759 = arith.constant 5.000000e-01 : f32
      %add3A_2760 = vector.broadcast %add3A_2759 : f32 to vector<64x256xf32>
      %add3A_2761 = arith.addf %mul3A_2758, %add3A_2760 : vector<64x256xf32>
      %slice3A_2762 = vector.extract_strided_slice %dot_general3A_2744 {offsets = [64, 0], sizes = [64, 256], strides = [1, 1]} : vector<256x256xf32> to vector<64x256xf32>
      %tanh3A_2763 = math.tanh %slice3A_2762 : vector<64x256xf32>
      %mul3A_2764 = arith.constant 5.000000e-01 : f32
      %mul3A_2765 = vector.broadcast %mul3A_2764 : f32 to vector<64x256xf32>
      %mul3A_2766 = arith.mulf %mul3A_2765, %tanh3A_2763 : vector<64x256xf32>
      %add3A_2767 = arith.constant 5.000000e-01 : f32
      %add3A_2768 = vector.broadcast %add3A_2767 : f32 to vector<64x256xf32>
      %add3A_2769 = arith.addf %mul3A_2766, %add3A_2768 : vector<64x256xf32>
      %slice3A_2770 = vector.extract_strided_slice %dot_general3A_2744 {offsets = [128, 0], sizes = [64, 256], strides = [1, 1]} : vector<256x256xf32> to vector<64x256xf32>
      %tanh3A_2771 = math.tanh %slice3A_2770 : vector<64x256xf32>
      %slice3A_2772 = vector.extract_strided_slice %dot_general3A_2744 {offsets = [192, 0], sizes = [64, 256], strides = [1, 1]} : vector<256x256xf32> to vector<64x256xf32>
      %tanh3A_2773 = math.tanh %slice3A_2772 : vector<64x256xf32>
      %mul3A_2774 = arith.constant 5.000000e-01 : f32
      %mul3A_2775 = vector.broadcast %mul3A_2774 : f32 to vector<64x256xf32>
      %mul3A_2776 = arith.mulf %mul3A_2775, %tanh3A_2773 : vector<64x256xf32>
      %add3A_2777 = arith.constant 5.000000e-01 : f32
      %add3A_2778 = vector.broadcast %add3A_2777 : f32 to vector<64x256xf32>
      %add3A_2779 = arith.addf %mul3A_2776, %add3A_2778 : vector<64x256xf32>
      %mul3A_2780 = arith.mulf %add3A_2769, %add3A_2628 : vector<64x256xf32>
      %mul3A_2781 = arith.mulf %add3A_2761, %tanh3A_2771 : vector<64x256xf32>
      %add3A_2782 = arith.addf %mul3A_2780, %mul3A_2781 : vector<64x256xf32>
      %tanh3A_2783 = math.tanh %add3A_2782 : vector<64x256xf32>
      %mul3A_2784 = arith.mulf %add3A_2779, %tanh3A_2783 : vector<64x256xf32>
      %slice3A_2785 = vector.extract_strided_slice %dot_general3A_2747 {offsets = [0, 0], sizes = [64, 256], strides = [1, 1]} : vector<256x256xf32> to vector<64x256xf32>
      %tanh3A_2786 = math.tanh %slice3A_2785 : vector<64x256xf32>
      %mul3A_2787 = arith.constant 5.000000e-01 : f32
      %mul3A_2788 = vector.broadcast %mul3A_2787 : f32 to vector<64x256xf32>
      %mul3A_2789 = arith.mulf %mul3A_2788, %tanh3A_2786 : vector<64x256xf32>
      %add3A_2790 = arith.constant 5.000000e-01 : f32
      %add3A_2791 = vector.broadcast %add3A_2790 : f32 to vector<64x256xf32>
      %add3A_2792 = arith.addf %mul3A_2789, %add3A_2791 : vector<64x256xf32>
      %slice3A_2793 = vector.extract_strided_slice %dot_general3A_2747 {offsets = [64, 0], sizes = [64, 256], strides = [1, 1]} : vector<256x256xf32> to vector<64x256xf32>
      %tanh3A_2794 = math.tanh %slice3A_2793 : vector<64x256xf32>
      %mul3A_2795 = arith.constant 5.000000e-01 : f32
      %mul3A_2796 = vector.broadcast %mul3A_2795 : f32 to vector<64x256xf32>
      %mul3A_2797 = arith.mulf %mul3A_2796, %tanh3A_2794 : vector<64x256xf32>
      %add3A_2798 = arith.constant 5.000000e-01 : f32
      %add3A_2799 = vector.broadcast %add3A_2798 : f32 to vector<64x256xf32>
      %add3A_2800 = arith.addf %mul3A_2797, %add3A_2799 : vector<64x256xf32>
      %slice3A_2801 = vector.extract_strided_slice %dot_general3A_2747 {offsets = [128, 0], sizes = [64, 256], strides = [1, 1]} : vector<256x256xf32> to vector<64x256xf32>
      %tanh3A_2802 = math.tanh %slice3A_2801 : vector<64x256xf32>
      %slice3A_2803 = vector.extract_strided_slice %dot_general3A_2747 {offsets = [192, 0], sizes = [64, 256], strides = [1, 1]} : vector<256x256xf32> to vector<64x256xf32>
      %tanh3A_2804 = math.tanh %slice3A_2803 : vector<64x256xf32>
      %mul3A_2805 = arith.constant 5.000000e-01 : f32
      %mul3A_2806 = vector.broadcast %mul3A_2805 : f32 to vector<64x256xf32>
      %mul3A_2807 = arith.mulf %mul3A_2806, %tanh3A_2804 : vector<64x256xf32>
      %add3A_2808 = arith.constant 5.000000e-01 : f32
      %add3A_2809 = vector.broadcast %add3A_2808 : f32 to vector<64x256xf32>
      %add3A_2810 = arith.addf %mul3A_2807, %add3A_2809 : vector<64x256xf32>
      %mul3A_2811 = arith.mulf %add3A_2800, %add3A_2659 : vector<64x256xf32>
      %mul3A_2812 = arith.mulf %add3A_2792, %tanh3A_2802 : vector<64x256xf32>
      %add3A_2813 = arith.addf %mul3A_2811, %mul3A_2812 : vector<64x256xf32>
      %tanh3A_2814 = math.tanh %add3A_2813 : vector<64x256xf32>
      %mul3A_2815 = arith.mulf %add3A_2810, %tanh3A_2814 : vector<64x256xf32>
      %slice3A_2816 = vector.extract_strided_slice %dot_general3A_2750 {offsets = [0, 0], sizes = [64, 256], strides = [1, 1]} : vector<256x256xf32> to vector<64x256xf32>
      %tanh3A_2817 = math.tanh %slice3A_2816 : vector<64x256xf32>
      %mul3A_2818 = arith.constant 5.000000e-01 : f32
      %mul3A_2819 = vector.broadcast %mul3A_2818 : f32 to vector<64x256xf32>
      %mul3A_2820 = arith.mulf %mul3A_2819, %tanh3A_2817 : vector<64x256xf32>
      %add3A_2821 = arith.constant 5.000000e-01 : f32
      %add3A_2822 = vector.broadcast %add3A_2821 : f32 to vector<64x256xf32>
      %add3A_2823 = arith.addf %mul3A_2820, %add3A_2822 : vector<64x256xf32>
      %slice3A_2824 = vector.extract_strided_slice %dot_general3A_2750 {offsets = [64, 0], sizes = [64, 256], strides = [1, 1]} : vector<256x256xf32> to vector<64x256xf32>
      %tanh3A_2825 = math.tanh %slice3A_2824 : vector<64x256xf32>
      %mul3A_2826 = arith.constant 5.000000e-01 : f32
      %mul3A_2827 = vector.broadcast %mul3A_2826 : f32 to vector<64x256xf32>
      %mul3A_2828 = arith.mulf %mul3A_2827, %tanh3A_2825 : vector<64x256xf32>
      %add3A_2829 = arith.constant 5.000000e-01 : f32
      %add3A_2830 = vector.broadcast %add3A_2829 : f32 to vector<64x256xf32>
      %add3A_2831 = arith.addf %mul3A_2828, %add3A_2830 : vector<64x256xf32>
      %slice3A_2832 = vector.extract_strided_slice %dot_general3A_2750 {offsets = [128, 0], sizes = [64, 256], strides = [1, 1]} : vector<256x256xf32> to vector<64x256xf32>
      %tanh3A_2833 = math.tanh %slice3A_2832 : vector<64x256xf32>
      %slice3A_2834 = vector.extract_strided_slice %dot_general3A_2750 {offsets = [192, 0], sizes = [64, 256], strides = [1, 1]} : vector<256x256xf32> to vector<64x256xf32>
      %tanh3A_2835 = math.tanh %slice3A_2834 : vector<64x256xf32>
      %mul3A_2836 = arith.constant 5.000000e-01 : f32
      %mul3A_2837 = vector.broadcast %mul3A_2836 : f32 to vector<64x256xf32>
      %mul3A_2838 = arith.mulf %mul3A_2837, %tanh3A_2835 : vector<64x256xf32>
      %add3A_2839 = arith.constant 5.000000e-01 : f32
      %add3A_2840 = vector.broadcast %add3A_2839 : f32 to vector<64x256xf32>
      %add3A_2841 = arith.addf %mul3A_2838, %add3A_2840 : vector<64x256xf32>
      %mul3A_2842 = arith.mulf %add3A_2831, %add3A_2690 : vector<64x256xf32>
      %mul3A_2843 = arith.mulf %add3A_2823, %tanh3A_2833 : vector<64x256xf32>
      %add3A_2844 = arith.addf %mul3A_2842, %mul3A_2843 : vector<64x256xf32>
      %tanh3A_2845 = math.tanh %add3A_2844 : vector<64x256xf32>
      %mul3A_2846 = arith.mulf %add3A_2841, %tanh3A_2845 : vector<64x256xf32>
      %slice3A_2847 = vector.extract_strided_slice %dot_general3A_2753 {offsets = [0, 0], sizes = [64, 256], strides = [1, 1]} : vector<256x256xf32> to vector<64x256xf32>
      %tanh3A_2848 = math.tanh %slice3A_2847 : vector<64x256xf32>
      %mul3A_2849 = arith.constant 5.000000e-01 : f32
      %mul3A_2850 = vector.broadcast %mul3A_2849 : f32 to vector<64x256xf32>
      %mul3A_2851 = arith.mulf %mul3A_2850, %tanh3A_2848 : vector<64x256xf32>
      %add3A_2852 = arith.constant 5.000000e-01 : f32
      %add3A_2853 = vector.broadcast %add3A_2852 : f32 to vector<64x256xf32>
      %add3A_2854 = arith.addf %mul3A_2851, %add3A_2853 : vector<64x256xf32>
      %slice3A_2855 = vector.extract_strided_slice %dot_general3A_2753 {offsets = [64, 0], sizes = [64, 256], strides = [1, 1]} : vector<256x256xf32> to vector<64x256xf32>
      %tanh3A_2856 = math.tanh %slice3A_2855 : vector<64x256xf32>
      %mul3A_2857 = arith.constant 5.000000e-01 : f32
      %mul3A_2858 = vector.broadcast %mul3A_2857 : f32 to vector<64x256xf32>
      %mul3A_2859 = arith.mulf %mul3A_2858, %tanh3A_2856 : vector<64x256xf32>
      %add3A_2860 = arith.constant 5.000000e-01 : f32
      %add3A_2861 = vector.broadcast %add3A_2860 : f32 to vector<64x256xf32>
      %add3A_2862 = arith.addf %mul3A_2859, %add3A_2861 : vector<64x256xf32>
      %slice3A_2863 = vector.extract_strided_slice %dot_general3A_2753 {offsets = [128, 0], sizes = [64, 256], strides = [1, 1]} : vector<256x256xf32> to vector<64x256xf32>
      %tanh3A_2864 = math.tanh %slice3A_2863 : vector<64x256xf32>
      %slice3A_2865 = vector.extract_strided_slice %dot_general3A_2753 {offsets = [192, 0], sizes = [64, 256], strides = [1, 1]} : vector<256x256xf32> to vector<64x256xf32>
      %tanh3A_2866 = math.tanh %slice3A_2865 : vector<64x256xf32>
      %mul3A_2867 = arith.constant 5.000000e-01 : f32
      %mul3A_2868 = vector.broadcast %mul3A_2867 : f32 to vector<64x256xf32>
      %mul3A_2869 = arith.mulf %mul3A_2868, %tanh3A_2866 : vector<64x256xf32>
      %add3A_2870 = arith.constant 5.000000e-01 : f32
      %add3A_2871 = vector.broadcast %add3A_2870 : f32 to vector<64x256xf32>
      %add3A_2872 = arith.addf %mul3A_2869, %add3A_2871 : vector<64x256xf32>
      %mul3A_2873 = arith.mulf %add3A_2862, %add3A_2721 : vector<64x256xf32>
      %mul3A_2874 = arith.mulf %add3A_2854, %tanh3A_2864 : vector<64x256xf32>
      %add3A_2875 = arith.addf %mul3A_2873, %mul3A_2874 : vector<64x256xf32>
      %tanh3A_2876 = math.tanh %add3A_2875 : vector<64x256xf32>
      %mul3A_2877 = arith.mulf %add3A_2872, %tanh3A_2876 : vector<64x256xf32>
      %mul3A_2878 = arith.constant 25 : i32
      %mul3A_2879 = arith.muli %scan3A_100, %mul3A_2878 : i32
      %add3A_2880 = arith.constant 18 : i32
      %add3A_2881 = arith.addi %mul3A_2879, %add3A_2880 : i32
      %mul3A_2882 = arith.constant 8 : i32
      %mul3A_2883 = arith.muli %add3A_2881, %mul3A_2882 : i32
      %get3A_2884 = arith.index_cast %mul3A_2883 : i32 to index
      %get3A_2885 = arith.constant 0 : index
      %get3A_2886 = vector.load %arg1[%get3A_2884, %get3A_2885] : memref<400x512xf32, #tpu.memory_space<vmem>>, vector<8x512xf32>
      %mul3A_2887 = arith.constant 8 : i32
      %mul3A_2888 = arith.muli %add3A_2881, %mul3A_2887 : i32
      %get3A_2889 = arith.index_cast %mul3A_2888 : i32 to index
      %get3A_2890 = arith.constant 0 : index
      %get3A_2891 = vector.load %arg2[%get3A_2889, %get3A_2890] : memref<400x512xf32, #tpu.memory_space<vmem>>, vector<8x512xf32>
      %slice3A_2892 = vector.extract_strided_slice %get3A_2886 {offsets = [0, 0], sizes = [8, 256], strides = [1, 1]} : vector<8x512xf32> to vector<8x256xf32>
      %slice3A_2893 = vector.extract_strided_slice %get3A_2886 {offsets = [0, 256], sizes = [8, 256], strides = [1, 1]} : vector<8x512xf32> to vector<8x256xf32>
      %slice3A_2894 = vector.extract_strided_slice %get3A_2891 {offsets = [0, 0], sizes = [8, 256], strides = [1, 1]} : vector<8x512xf32> to vector<8x256xf32>
      %slice3A_2895 = vector.extract_strided_slice %get3A_2891 {offsets = [0, 256], sizes = [8, 256], strides = [1, 1]} : vector<8x512xf32> to vector<8x256xf32>
      %concatenate3A_2896 = tpu.concatenate %slice3A_2892, %mul3A_2784 in 0 : vector<8x256xf32>, vector<64x256xf32> -> vector<72x256xf32>
      %dot_general3A_2897 = arith.constant dense<0.000000e+00> : vector<256x256xf32>
      %dot_general3A_2898 = tpu.matmul %get3A_8, %concatenate3A_2896, %dot_general3A_2897 {dimension_numbers = #tpu.dot_dimension_numbers<[1], [0], [0], [1], [0, 0, 1, 1], [], []>, transpose_lhs_hint = false} : vector<256x72xf32>, vector<72x256xf32>, vector<256x256xf32> -> vector<256x256xf32>
      %concatenate3A_2899 = tpu.concatenate %slice3A_2893, %mul3A_2815 in 0 : vector<8x256xf32>, vector<64x256xf32> -> vector<72x256xf32>
      %dot_general3A_2900 = arith.constant dense<0.000000e+00> : vector<256x256xf32>
      %dot_general3A_2901 = tpu.matmul %get3A_8, %concatenate3A_2899, %dot_general3A_2900 {dimension_numbers = #tpu.dot_dimension_numbers<[1], [0], [0], [1], [0, 0, 1, 1], [], []>, transpose_lhs_hint = false} : vector<256x72xf32>, vector<72x256xf32>, vector<256x256xf32> -> vector<256x256xf32>
      %concatenate3A_2902 = tpu.concatenate %slice3A_2894, %mul3A_2846 in 0 : vector<8x256xf32>, vector<64x256xf32> -> vector<72x256xf32>
      %dot_general3A_2903 = arith.constant dense<0.000000e+00> : vector<256x256xf32>
      %dot_general3A_2904 = tpu.matmul %get3A_8, %concatenate3A_2902, %dot_general3A_2903 {dimension_numbers = #tpu.dot_dimension_numbers<[1], [0], [0], [1], [0, 0, 1, 1], [], []>, transpose_lhs_hint = false} : vector<256x72xf32>, vector<72x256xf32>, vector<256x256xf32> -> vector<256x256xf32>
      %concatenate3A_2905 = tpu.concatenate %slice3A_2895, %mul3A_2877 in 0 : vector<8x256xf32>, vector<64x256xf32> -> vector<72x256xf32>
      %dot_general3A_2906 = arith.constant dense<0.000000e+00> : vector<256x256xf32>
      %dot_general3A_2907 = tpu.matmul %get3A_8, %concatenate3A_2905, %dot_general3A_2906 {dimension_numbers = #tpu.dot_dimension_numbers<[1], [0], [0], [1], [0, 0, 1, 1], [], []>, transpose_lhs_hint = false} : vector<256x72xf32>, vector<72x256xf32>, vector<256x256xf32> -> vector<256x256xf32>
      %slice3A_2908 = vector.extract_strided_slice %dot_general3A_2898 {offsets = [0, 0], sizes = [64, 256], strides = [1, 1]} : vector<256x256xf32> to vector<64x256xf32>
      %tanh3A_2909 = math.tanh %slice3A_2908 : vector<64x256xf32>
      %mul3A_2910 = arith.constant 5.000000e-01 : f32
      %mul3A_2911 = vector.broadcast %mul3A_2910 : f32 to vector<64x256xf32>
      %mul3A_2912 = arith.mulf %mul3A_2911, %tanh3A_2909 : vector<64x256xf32>
      %add3A_2913 = arith.constant 5.000000e-01 : f32
      %add3A_2914 = vector.broadcast %add3A_2913 : f32 to vector<64x256xf32>
      %add3A_2915 = arith.addf %mul3A_2912, %add3A_2914 : vector<64x256xf32>
      %slice3A_2916 = vector.extract_strided_slice %dot_general3A_2898 {offsets = [64, 0], sizes = [64, 256], strides = [1, 1]} : vector<256x256xf32> to vector<64x256xf32>
      %tanh3A_2917 = math.tanh %slice3A_2916 : vector<64x256xf32>
      %mul3A_2918 = arith.constant 5.000000e-01 : f32
      %mul3A_2919 = vector.broadcast %mul3A_2918 : f32 to vector<64x256xf32>
      %mul3A_2920 = arith.mulf %mul3A_2919, %tanh3A_2917 : vector<64x256xf32>
      %add3A_2921 = arith.constant 5.000000e-01 : f32
      %add3A_2922 = vector.broadcast %add3A_2921 : f32 to vector<64x256xf32>
      %add3A_2923 = arith.addf %mul3A_2920, %add3A_2922 : vector<64x256xf32>
      %slice3A_2924 = vector.extract_strided_slice %dot_general3A_2898 {offsets = [128, 0], sizes = [64, 256], strides = [1, 1]} : vector<256x256xf32> to vector<64x256xf32>
      %tanh3A_2925 = math.tanh %slice3A_2924 : vector<64x256xf32>
      %slice3A_2926 = vector.extract_strided_slice %dot_general3A_2898 {offsets = [192, 0], sizes = [64, 256], strides = [1, 1]} : vector<256x256xf32> to vector<64x256xf32>
      %tanh3A_2927 = math.tanh %slice3A_2926 : vector<64x256xf32>
      %mul3A_2928 = arith.constant 5.000000e-01 : f32
      %mul3A_2929 = vector.broadcast %mul3A_2928 : f32 to vector<64x256xf32>
      %mul3A_2930 = arith.mulf %mul3A_2929, %tanh3A_2927 : vector<64x256xf32>
      %add3A_2931 = arith.constant 5.000000e-01 : f32
      %add3A_2932 = vector.broadcast %add3A_2931 : f32 to vector<64x256xf32>
      %add3A_2933 = arith.addf %mul3A_2930, %add3A_2932 : vector<64x256xf32>
      %mul3A_2934 = arith.mulf %add3A_2923, %add3A_2782 : vector<64x256xf32>
      %mul3A_2935 = arith.mulf %add3A_2915, %tanh3A_2925 : vector<64x256xf32>
      %add3A_2936 = arith.addf %mul3A_2934, %mul3A_2935 : vector<64x256xf32>
      %tanh3A_2937 = math.tanh %add3A_2936 : vector<64x256xf32>
      %mul3A_2938 = arith.mulf %add3A_2933, %tanh3A_2937 : vector<64x256xf32>
      %slice3A_2939 = vector.extract_strided_slice %dot_general3A_2901 {offsets = [0, 0], sizes = [64, 256], strides = [1, 1]} : vector<256x256xf32> to vector<64x256xf32>
      %tanh3A_2940 = math.tanh %slice3A_2939 : vector<64x256xf32>
      %mul3A_2941 = arith.constant 5.000000e-01 : f32
      %mul3A_2942 = vector.broadcast %mul3A_2941 : f32 to vector<64x256xf32>
      %mul3A_2943 = arith.mulf %mul3A_2942, %tanh3A_2940 : vector<64x256xf32>
      %add3A_2944 = arith.constant 5.000000e-01 : f32
      %add3A_2945 = vector.broadcast %add3A_2944 : f32 to vector<64x256xf32>
      %add3A_2946 = arith.addf %mul3A_2943, %add3A_2945 : vector<64x256xf32>
      %slice3A_2947 = vector.extract_strided_slice %dot_general3A_2901 {offsets = [64, 0], sizes = [64, 256], strides = [1, 1]} : vector<256x256xf32> to vector<64x256xf32>
      %tanh3A_2948 = math.tanh %slice3A_2947 : vector<64x256xf32>
      %mul3A_2949 = arith.constant 5.000000e-01 : f32
      %mul3A_2950 = vector.broadcast %mul3A_2949 : f32 to vector<64x256xf32>
      %mul3A_2951 = arith.mulf %mul3A_2950, %tanh3A_2948 : vector<64x256xf32>
      %add3A_2952 = arith.constant 5.000000e-01 : f32
      %add3A_2953 = vector.broadcast %add3A_2952 : f32 to vector<64x256xf32>
      %add3A_2954 = arith.addf %mul3A_2951, %add3A_2953 : vector<64x256xf32>
      %slice3A_2955 = vector.extract_strided_slice %dot_general3A_2901 {offsets = [128, 0], sizes = [64, 256], strides = [1, 1]} : vector<256x256xf32> to vector<64x256xf32>
      %tanh3A_2956 = math.tanh %slice3A_2955 : vector<64x256xf32>
      %slice3A_2957 = vector.extract_strided_slice %dot_general3A_2901 {offsets = [192, 0], sizes = [64, 256], strides = [1, 1]} : vector<256x256xf32> to vector<64x256xf32>
      %tanh3A_2958 = math.tanh %slice3A_2957 : vector<64x256xf32>
      %mul3A_2959 = arith.constant 5.000000e-01 : f32
      %mul3A_2960 = vector.broadcast %mul3A_2959 : f32 to vector<64x256xf32>
      %mul3A_2961 = arith.mulf %mul3A_2960, %tanh3A_2958 : vector<64x256xf32>
      %add3A_2962 = arith.constant 5.000000e-01 : f32
      %add3A_2963 = vector.broadcast %add3A_2962 : f32 to vector<64x256xf32>
      %add3A_2964 = arith.addf %mul3A_2961, %add3A_2963 : vector<64x256xf32>
      %mul3A_2965 = arith.mulf %add3A_2954, %add3A_2813 : vector<64x256xf32>
      %mul3A_2966 = arith.mulf %add3A_2946, %tanh3A_2956 : vector<64x256xf32>
      %add3A_2967 = arith.addf %mul3A_2965, %mul3A_2966 : vector<64x256xf32>
      %tanh3A_2968 = math.tanh %add3A_2967 : vector<64x256xf32>
      %mul3A_2969 = arith.mulf %add3A_2964, %tanh3A_2968 : vector<64x256xf32>
      %slice3A_2970 = vector.extract_strided_slice %dot_general3A_2904 {offsets = [0, 0], sizes = [64, 256], strides = [1, 1]} : vector<256x256xf32> to vector<64x256xf32>
      %tanh3A_2971 = math.tanh %slice3A_2970 : vector<64x256xf32>
      %mul3A_2972 = arith.constant 5.000000e-01 : f32
      %mul3A_2973 = vector.broadcast %mul3A_2972 : f32 to vector<64x256xf32>
      %mul3A_2974 = arith.mulf %mul3A_2973, %tanh3A_2971 : vector<64x256xf32>
      %add3A_2975 = arith.constant 5.000000e-01 : f32
      %add3A_2976 = vector.broadcast %add3A_2975 : f32 to vector<64x256xf32>
      %add3A_2977 = arith.addf %mul3A_2974, %add3A_2976 : vector<64x256xf32>
      %slice3A_2978 = vector.extract_strided_slice %dot_general3A_2904 {offsets = [64, 0], sizes = [64, 256], strides = [1, 1]} : vector<256x256xf32> to vector<64x256xf32>
      %tanh3A_2979 = math.tanh %slice3A_2978 : vector<64x256xf32>
      %mul3A_2980 = arith.constant 5.000000e-01 : f32
      %mul3A_2981 = vector.broadcast %mul3A_2980 : f32 to vector<64x256xf32>
      %mul3A_2982 = arith.mulf %mul3A_2981, %tanh3A_2979 : vector<64x256xf32>
      %add3A_2983 = arith.constant 5.000000e-01 : f32
      %add3A_2984 = vector.broadcast %add3A_2983 : f32 to vector<64x256xf32>
      %add3A_2985 = arith.addf %mul3A_2982, %add3A_2984 : vector<64x256xf32>
      %slice3A_2986 = vector.extract_strided_slice %dot_general3A_2904 {offsets = [128, 0], sizes = [64, 256], strides = [1, 1]} : vector<256x256xf32> to vector<64x256xf32>
      %tanh3A_2987 = math.tanh %slice3A_2986 : vector<64x256xf32>
      %slice3A_2988 = vector.extract_strided_slice %dot_general3A_2904 {offsets = [192, 0], sizes = [64, 256], strides = [1, 1]} : vector<256x256xf32> to vector<64x256xf32>
      %tanh3A_2989 = math.tanh %slice3A_2988 : vector<64x256xf32>
      %mul3A_2990 = arith.constant 5.000000e-01 : f32
      %mul3A_2991 = vector.broadcast %mul3A_2990 : f32 to vector<64x256xf32>
      %mul3A_2992 = arith.mulf %mul3A_2991, %tanh3A_2989 : vector<64x256xf32>
      %add3A_2993 = arith.constant 5.000000e-01 : f32
      %add3A_2994 = vector.broadcast %add3A_2993 : f32 to vector<64x256xf32>
      %add3A_2995 = arith.addf %mul3A_2992, %add3A_2994 : vector<64x256xf32>
      %mul3A_2996 = arith.mulf %add3A_2985, %add3A_2844 : vector<64x256xf32>
      %mul3A_2997 = arith.mulf %add3A_2977, %tanh3A_2987 : vector<64x256xf32>
      %add3A_2998 = arith.addf %mul3A_2996, %mul3A_2997 : vector<64x256xf32>
      %tanh3A_2999 = math.tanh %add3A_2998 : vector<64x256xf32>
      %mul3A_3000 = arith.mulf %add3A_2995, %tanh3A_2999 : vector<64x256xf32>
      %slice3A_3001 = vector.extract_strided_slice %dot_general3A_2907 {offsets = [0, 0], sizes = [64, 256], strides = [1, 1]} : vector<256x256xf32> to vector<64x256xf32>
      %tanh3A_3002 = math.tanh %slice3A_3001 : vector<64x256xf32>
      %mul3A_3003 = arith.constant 5.000000e-01 : f32
      %mul3A_3004 = vector.broadcast %mul3A_3003 : f32 to vector<64x256xf32>
      %mul3A_3005 = arith.mulf %mul3A_3004, %tanh3A_3002 : vector<64x256xf32>
      %add3A_3006 = arith.constant 5.000000e-01 : f32
      %add3A_3007 = vector.broadcast %add3A_3006 : f32 to vector<64x256xf32>
      %add3A_3008 = arith.addf %mul3A_3005, %add3A_3007 : vector<64x256xf32>
      %slice3A_3009 = vector.extract_strided_slice %dot_general3A_2907 {offsets = [64, 0], sizes = [64, 256], strides = [1, 1]} : vector<256x256xf32> to vector<64x256xf32>
      %tanh3A_3010 = math.tanh %slice3A_3009 : vector<64x256xf32>
      %mul3A_3011 = arith.constant 5.000000e-01 : f32
      %mul3A_3012 = vector.broadcast %mul3A_3011 : f32 to vector<64x256xf32>
      %mul3A_3013 = arith.mulf %mul3A_3012, %tanh3A_3010 : vector<64x256xf32>
      %add3A_3014 = arith.constant 5.000000e-01 : f32
      %add3A_3015 = vector.broadcast %add3A_3014 : f32 to vector<64x256xf32>
      %add3A_3016 = arith.addf %mul3A_3013, %add3A_3015 : vector<64x256xf32>
      %slice3A_3017 = vector.extract_strided_slice %dot_general3A_2907 {offsets = [128, 0], sizes = [64, 256], strides = [1, 1]} : vector<256x256xf32> to vector<64x256xf32>
      %tanh3A_3018 = math.tanh %slice3A_3017 : vector<64x256xf32>
      %slice3A_3019 = vector.extract_strided_slice %dot_general3A_2907 {offsets = [192, 0], sizes = [64, 256], strides = [1, 1]} : vector<256x256xf32> to vector<64x256xf32>
      %tanh3A_3020 = math.tanh %slice3A_3019 : vector<64x256xf32>
      %mul3A_3021 = arith.constant 5.000000e-01 : f32
      %mul3A_3022 = vector.broadcast %mul3A_3021 : f32 to vector<64x256xf32>
      %mul3A_3023 = arith.mulf %mul3A_3022, %tanh3A_3020 : vector<64x256xf32>
      %add3A_3024 = arith.constant 5.000000e-01 : f32
      %add3A_3025 = vector.broadcast %add3A_3024 : f32 to vector<64x256xf32>
      %add3A_3026 = arith.addf %mul3A_3023, %add3A_3025 : vector<64x256xf32>
      %mul3A_3027 = arith.mulf %add3A_3016, %add3A_2875 : vector<64x256xf32>
      %mul3A_3028 = arith.mulf %add3A_3008, %tanh3A_3018 : vector<64x256xf32>
      %add3A_3029 = arith.addf %mul3A_3027, %mul3A_3028 : vector<64x256xf32>
      %tanh3A_3030 = math.tanh %add3A_3029 : vector<64x256xf32>
      %mul3A_3031 = arith.mulf %add3A_3026, %tanh3A_3030 : vector<64x256xf32>
      %mul3A_3032 = arith.constant 25 : i32
      %mul3A_3033 = arith.muli %scan3A_100, %mul3A_3032 : i32
      %add3A_3034 = arith.constant 19 : i32
      %add3A_3035 = arith.addi %mul3A_3033, %add3A_3034 : i32
      %mul3A_3036 = arith.constant 8 : i32
      %mul3A_3037 = arith.muli %add3A_3035, %mul3A_3036 : i32
      %get3A_3038 = arith.index_cast %mul3A_3037 : i32 to index
      %get3A_3039 = arith.constant 0 : index
      %get3A_3040 = vector.load %arg1[%get3A_3038, %get3A_3039] : memref<400x512xf32, #tpu.memory_space<vmem>>, vector<8x512xf32>
      %mul3A_3041 = arith.constant 8 : i32
      %mul3A_3042 = arith.muli %add3A_3035, %mul3A_3041 : i32
      %get3A_3043 = arith.index_cast %mul3A_3042 : i32 to index
      %get3A_3044 = arith.constant 0 : index
      %get3A_3045 = vector.load %arg2[%get3A_3043, %get3A_3044] : memref<400x512xf32, #tpu.memory_space<vmem>>, vector<8x512xf32>
      %slice3A_3046 = vector.extract_strided_slice %get3A_3040 {offsets = [0, 0], sizes = [8, 256], strides = [1, 1]} : vector<8x512xf32> to vector<8x256xf32>
      %slice3A_3047 = vector.extract_strided_slice %get3A_3040 {offsets = [0, 256], sizes = [8, 256], strides = [1, 1]} : vector<8x512xf32> to vector<8x256xf32>
      %slice3A_3048 = vector.extract_strided_slice %get3A_3045 {offsets = [0, 0], sizes = [8, 256], strides = [1, 1]} : vector<8x512xf32> to vector<8x256xf32>
      %slice3A_3049 = vector.extract_strided_slice %get3A_3045 {offsets = [0, 256], sizes = [8, 256], strides = [1, 1]} : vector<8x512xf32> to vector<8x256xf32>
      %concatenate3A_3050 = tpu.concatenate %slice3A_3046, %mul3A_2938 in 0 : vector<8x256xf32>, vector<64x256xf32> -> vector<72x256xf32>
      %dot_general3A_3051 = arith.constant dense<0.000000e+00> : vector<256x256xf32>
      %dot_general3A_3052 = tpu.matmul %get3A_8, %concatenate3A_3050, %dot_general3A_3051 {dimension_numbers = #tpu.dot_dimension_numbers<[1], [0], [0], [1], [0, 0, 1, 1], [], []>, transpose_lhs_hint = false} : vector<256x72xf32>, vector<72x256xf32>, vector<256x256xf32> -> vector<256x256xf32>
      %concatenate3A_3053 = tpu.concatenate %slice3A_3047, %mul3A_2969 in 0 : vector<8x256xf32>, vector<64x256xf32> -> vector<72x256xf32>
      %dot_general3A_3054 = arith.constant dense<0.000000e+00> : vector<256x256xf32>
      %dot_general3A_3055 = tpu.matmul %get3A_8, %concatenate3A_3053, %dot_general3A_3054 {dimension_numbers = #tpu.dot_dimension_numbers<[1], [0], [0], [1], [0, 0, 1, 1], [], []>, transpose_lhs_hint = false} : vector<256x72xf32>, vector<72x256xf32>, vector<256x256xf32> -> vector<256x256xf32>
      %concatenate3A_3056 = tpu.concatenate %slice3A_3048, %mul3A_3000 in 0 : vector<8x256xf32>, vector<64x256xf32> -> vector<72x256xf32>
      %dot_general3A_3057 = arith.constant dense<0.000000e+00> : vector<256x256xf32>
      %dot_general3A_3058 = tpu.matmul %get3A_8, %concatenate3A_3056, %dot_general3A_3057 {dimension_numbers = #tpu.dot_dimension_numbers<[1], [0], [0], [1], [0, 0, 1, 1], [], []>, transpose_lhs_hint = false} : vector<256x72xf32>, vector<72x256xf32>, vector<256x256xf32> -> vector<256x256xf32>
      %concatenate3A_3059 = tpu.concatenate %slice3A_3049, %mul3A_3031 in 0 : vector<8x256xf32>, vector<64x256xf32> -> vector<72x256xf32>
      %dot_general3A_3060 = arith.constant dense<0.000000e+00> : vector<256x256xf32>
      %dot_general3A_3061 = tpu.matmul %get3A_8, %concatenate3A_3059, %dot_general3A_3060 {dimension_numbers = #tpu.dot_dimension_numbers<[1], [0], [0], [1], [0, 0, 1, 1], [], []>, transpose_lhs_hint = false} : vector<256x72xf32>, vector<72x256xf32>, vector<256x256xf32> -> vector<256x256xf32>
      %slice3A_3062 = vector.extract_strided_slice %dot_general3A_3052 {offsets = [0, 0], sizes = [64, 256], strides = [1, 1]} : vector<256x256xf32> to vector<64x256xf32>
      %tanh3A_3063 = math.tanh %slice3A_3062 : vector<64x256xf32>
      %mul3A_3064 = arith.constant 5.000000e-01 : f32
      %mul3A_3065 = vector.broadcast %mul3A_3064 : f32 to vector<64x256xf32>
      %mul3A_3066 = arith.mulf %mul3A_3065, %tanh3A_3063 : vector<64x256xf32>
      %add3A_3067 = arith.constant 5.000000e-01 : f32
      %add3A_3068 = vector.broadcast %add3A_3067 : f32 to vector<64x256xf32>
      %add3A_3069 = arith.addf %mul3A_3066, %add3A_3068 : vector<64x256xf32>
      %slice3A_3070 = vector.extract_strided_slice %dot_general3A_3052 {offsets = [64, 0], sizes = [64, 256], strides = [1, 1]} : vector<256x256xf32> to vector<64x256xf32>
      %tanh3A_3071 = math.tanh %slice3A_3070 : vector<64x256xf32>
      %mul3A_3072 = arith.constant 5.000000e-01 : f32
      %mul3A_3073 = vector.broadcast %mul3A_3072 : f32 to vector<64x256xf32>
      %mul3A_3074 = arith.mulf %mul3A_3073, %tanh3A_3071 : vector<64x256xf32>
      %add3A_3075 = arith.constant 5.000000e-01 : f32
      %add3A_3076 = vector.broadcast %add3A_3075 : f32 to vector<64x256xf32>
      %add3A_3077 = arith.addf %mul3A_3074, %add3A_3076 : vector<64x256xf32>
      %slice3A_3078 = vector.extract_strided_slice %dot_general3A_3052 {offsets = [128, 0], sizes = [64, 256], strides = [1, 1]} : vector<256x256xf32> to vector<64x256xf32>
      %tanh3A_3079 = math.tanh %slice3A_3078 : vector<64x256xf32>
      %slice3A_3080 = vector.extract_strided_slice %dot_general3A_3052 {offsets = [192, 0], sizes = [64, 256], strides = [1, 1]} : vector<256x256xf32> to vector<64x256xf32>
      %tanh3A_3081 = math.tanh %slice3A_3080 : vector<64x256xf32>
      %mul3A_3082 = arith.constant 5.000000e-01 : f32
      %mul3A_3083 = vector.broadcast %mul3A_3082 : f32 to vector<64x256xf32>
      %mul3A_3084 = arith.mulf %mul3A_3083, %tanh3A_3081 : vector<64x256xf32>
      %add3A_3085 = arith.constant 5.000000e-01 : f32
      %add3A_3086 = vector.broadcast %add3A_3085 : f32 to vector<64x256xf32>
      %add3A_3087 = arith.addf %mul3A_3084, %add3A_3086 : vector<64x256xf32>
      %mul3A_3088 = arith.mulf %add3A_3077, %add3A_2936 : vector<64x256xf32>
      %mul3A_3089 = arith.mulf %add3A_3069, %tanh3A_3079 : vector<64x256xf32>
      %add3A_3090 = arith.addf %mul3A_3088, %mul3A_3089 : vector<64x256xf32>
      %tanh3A_3091 = math.tanh %add3A_3090 : vector<64x256xf32>
      %mul3A_3092 = arith.mulf %add3A_3087, %tanh3A_3091 : vector<64x256xf32>
      %slice3A_3093 = vector.extract_strided_slice %dot_general3A_3055 {offsets = [0, 0], sizes = [64, 256], strides = [1, 1]} : vector<256x256xf32> to vector<64x256xf32>
      %tanh3A_3094 = math.tanh %slice3A_3093 : vector<64x256xf32>
      %mul3A_3095 = arith.constant 5.000000e-01 : f32
      %mul3A_3096 = vector.broadcast %mul3A_3095 : f32 to vector<64x256xf32>
      %mul3A_3097 = arith.mulf %mul3A_3096, %tanh3A_3094 : vector<64x256xf32>
      %add3A_3098 = arith.constant 5.000000e-01 : f32
      %add3A_3099 = vector.broadcast %add3A_3098 : f32 to vector<64x256xf32>
      %add3A_3100 = arith.addf %mul3A_3097, %add3A_3099 : vector<64x256xf32>
      %slice3A_3101 = vector.extract_strided_slice %dot_general3A_3055 {offsets = [64, 0], sizes = [64, 256], strides = [1, 1]} : vector<256x256xf32> to vector<64x256xf32>
      %tanh3A_3102 = math.tanh %slice3A_3101 : vector<64x256xf32>
      %mul3A_3103 = arith.constant 5.000000e-01 : f32
      %mul3A_3104 = vector.broadcast %mul3A_3103 : f32 to vector<64x256xf32>
      %mul3A_3105 = arith.mulf %mul3A_3104, %tanh3A_3102 : vector<64x256xf32>
      %add3A_3106 = arith.constant 5.000000e-01 : f32
      %add3A_3107 = vector.broadcast %add3A_3106 : f32 to vector<64x256xf32>
      %add3A_3108 = arith.addf %mul3A_3105, %add3A_3107 : vector<64x256xf32>
      %slice3A_3109 = vector.extract_strided_slice %dot_general3A_3055 {offsets = [128, 0], sizes = [64, 256], strides = [1, 1]} : vector<256x256xf32> to vector<64x256xf32>
      %tanh3A_3110 = math.tanh %slice3A_3109 : vector<64x256xf32>
      %slice3A_3111 = vector.extract_strided_slice %dot_general3A_3055 {offsets = [192, 0], sizes = [64, 256], strides = [1, 1]} : vector<256x256xf32> to vector<64x256xf32>
      %tanh3A_3112 = math.tanh %slice3A_3111 : vector<64x256xf32>
      %mul3A_3113 = arith.constant 5.000000e-01 : f32
      %mul3A_3114 = vector.broadcast %mul3A_3113 : f32 to vector<64x256xf32>
      %mul3A_3115 = arith.mulf %mul3A_3114, %tanh3A_3112 : vector<64x256xf32>
      %add3A_3116 = arith.constant 5.000000e-01 : f32
      %add3A_3117 = vector.broadcast %add3A_3116 : f32 to vector<64x256xf32>
      %add3A_3118 = arith.addf %mul3A_3115, %add3A_3117 : vector<64x256xf32>
      %mul3A_3119 = arith.mulf %add3A_3108, %add3A_2967 : vector<64x256xf32>
      %mul3A_3120 = arith.mulf %add3A_3100, %tanh3A_3110 : vector<64x256xf32>
      %add3A_3121 = arith.addf %mul3A_3119, %mul3A_3120 : vector<64x256xf32>
      %tanh3A_3122 = math.tanh %add3A_3121 : vector<64x256xf32>
      %mul3A_3123 = arith.mulf %add3A_3118, %tanh3A_3122 : vector<64x256xf32>
      %slice3A_3124 = vector.extract_strided_slice %dot_general3A_3058 {offsets = [0, 0], sizes = [64, 256], strides = [1, 1]} : vector<256x256xf32> to vector<64x256xf32>
      %tanh3A_3125 = math.tanh %slice3A_3124 : vector<64x256xf32>
      %mul3A_3126 = arith.constant 5.000000e-01 : f32
      %mul3A_3127 = vector.broadcast %mul3A_3126 : f32 to vector<64x256xf32>
      %mul3A_3128 = arith.mulf %mul3A_3127, %tanh3A_3125 : vector<64x256xf32>
      %add3A_3129 = arith.constant 5.000000e-01 : f32
      %add3A_3130 = vector.broadcast %add3A_3129 : f32 to vector<64x256xf32>
      %add3A_3131 = arith.addf %mul3A_3128, %add3A_3130 : vector<64x256xf32>
      %slice3A_3132 = vector.extract_strided_slice %dot_general3A_3058 {offsets = [64, 0], sizes = [64, 256], strides = [1, 1]} : vector<256x256xf32> to vector<64x256xf32>
      %tanh3A_3133 = math.tanh %slice3A_3132 : vector<64x256xf32>
      %mul3A_3134 = arith.constant 5.000000e-01 : f32
      %mul3A_3135 = vector.broadcast %mul3A_3134 : f32 to vector<64x256xf32>
      %mul3A_3136 = arith.mulf %mul3A_3135, %tanh3A_3133 : vector<64x256xf32>
      %add3A_3137 = arith.constant 5.000000e-01 : f32
      %add3A_3138 = vector.broadcast %add3A_3137 : f32 to vector<64x256xf32>
      %add3A_3139 = arith.addf %mul3A_3136, %add3A_3138 : vector<64x256xf32>
      %slice3A_3140 = vector.extract_strided_slice %dot_general3A_3058 {offsets = [128, 0], sizes = [64, 256], strides = [1, 1]} : vector<256x256xf32> to vector<64x256xf32>
      %tanh3A_3141 = math.tanh %slice3A_3140 : vector<64x256xf32>
      %slice3A_3142 = vector.extract_strided_slice %dot_general3A_3058 {offsets = [192, 0], sizes = [64, 256], strides = [1, 1]} : vector<256x256xf32> to vector<64x256xf32>
      %tanh3A_3143 = math.tanh %slice3A_3142 : vector<64x256xf32>
      %mul3A_3144 = arith.constant 5.000000e-01 : f32
      %mul3A_3145 = vector.broadcast %mul3A_3144 : f32 to vector<64x256xf32>
      %mul3A_3146 = arith.mulf %mul3A_3145, %tanh3A_3143 : vector<64x256xf32>
      %add3A_3147 = arith.constant 5.000000e-01 : f32
      %add3A_3148 = vector.broadcast %add3A_3147 : f32 to vector<64x256xf32>
      %add3A_3149 = arith.addf %mul3A_3146, %add3A_3148 : vector<64x256xf32>
      %mul3A_3150 = arith.mulf %add3A_3139, %add3A_2998 : vector<64x256xf32>
      %mul3A_3151 = arith.mulf %add3A_3131, %tanh3A_3141 : vector<64x256xf32>
      %add3A_3152 = arith.addf %mul3A_3150, %mul3A_3151 : vector<64x256xf32>
      %tanh3A_3153 = math.tanh %add3A_3152 : vector<64x256xf32>
      %mul3A_3154 = arith.mulf %add3A_3149, %tanh3A_3153 : vector<64x256xf32>
      %slice3A_3155 = vector.extract_strided_slice %dot_general3A_3061 {offsets = [0, 0], sizes = [64, 256], strides = [1, 1]} : vector<256x256xf32> to vector<64x256xf32>
      %tanh3A_3156 = math.tanh %slice3A_3155 : vector<64x256xf32>
      %mul3A_3157 = arith.constant 5.000000e-01 : f32
      %mul3A_3158 = vector.broadcast %mul3A_3157 : f32 to vector<64x256xf32>
      %mul3A_3159 = arith.mulf %mul3A_3158, %tanh3A_3156 : vector<64x256xf32>
      %add3A_3160 = arith.constant 5.000000e-01 : f32
      %add3A_3161 = vector.broadcast %add3A_3160 : f32 to vector<64x256xf32>
      %add3A_3162 = arith.addf %mul3A_3159, %add3A_3161 : vector<64x256xf32>
      %slice3A_3163 = vector.extract_strided_slice %dot_general3A_3061 {offsets = [64, 0], sizes = [64, 256], strides = [1, 1]} : vector<256x256xf32> to vector<64x256xf32>
      %tanh3A_3164 = math.tanh %slice3A_3163 : vector<64x256xf32>
      %mul3A_3165 = arith.constant 5.000000e-01 : f32
      %mul3A_3166 = vector.broadcast %mul3A_3165 : f32 to vector<64x256xf32>
      %mul3A_3167 = arith.mulf %mul3A_3166, %tanh3A_3164 : vector<64x256xf32>
      %add3A_3168 = arith.constant 5.000000e-01 : f32
      %add3A_3169 = vector.broadcast %add3A_3168 : f32 to vector<64x256xf32>
      %add3A_3170 = arith.addf %mul3A_3167, %add3A_3169 : vector<64x256xf32>
      %slice3A_3171 = vector.extract_strided_slice %dot_general3A_3061 {offsets = [128, 0], sizes = [64, 256], strides = [1, 1]} : vector<256x256xf32> to vector<64x256xf32>
      %tanh3A_3172 = math.tanh %slice3A_3171 : vector<64x256xf32>
      %slice3A_3173 = vector.extract_strided_slice %dot_general3A_3061 {offsets = [192, 0], sizes = [64, 256], strides = [1, 1]} : vector<256x256xf32> to vector<64x256xf32>
      %tanh3A_3174 = math.tanh %slice3A_3173 : vector<64x256xf32>
      %mul3A_3175 = arith.constant 5.000000e-01 : f32
      %mul3A_3176 = vector.broadcast %mul3A_3175 : f32 to vector<64x256xf32>
      %mul3A_3177 = arith.mulf %mul3A_3176, %tanh3A_3174 : vector<64x256xf32>
      %add3A_3178 = arith.constant 5.000000e-01 : f32
      %add3A_3179 = vector.broadcast %add3A_3178 : f32 to vector<64x256xf32>
      %add3A_3180 = arith.addf %mul3A_3177, %add3A_3179 : vector<64x256xf32>
      %mul3A_3181 = arith.mulf %add3A_3170, %add3A_3029 : vector<64x256xf32>
      %mul3A_3182 = arith.mulf %add3A_3162, %tanh3A_3172 : vector<64x256xf32>
      %add3A_3183 = arith.addf %mul3A_3181, %mul3A_3182 : vector<64x256xf32>
      %tanh3A_3184 = math.tanh %add3A_3183 : vector<64x256xf32>
      %mul3A_3185 = arith.mulf %add3A_3180, %tanh3A_3184 : vector<64x256xf32>
      %mul3A_3186 = arith.constant 25 : i32
      %mul3A_3187 = arith.muli %scan3A_100, %mul3A_3186 : i32
      %add3A_3188 = arith.constant 20 : i32
      %add3A_3189 = arith.addi %mul3A_3187, %add3A_3188 : i32
      %mul3A_3190 = arith.constant 8 : i32
      %mul3A_3191 = arith.muli %add3A_3189, %mul3A_3190 : i32
      %get3A_3192 = arith.index_cast %mul3A_3191 : i32 to index
      %get3A_3193 = arith.constant 0 : index
      %get3A_3194 = vector.load %arg1[%get3A_3192, %get3A_3193] : memref<400x512xf32, #tpu.memory_space<vmem>>, vector<8x512xf32>
      %mul3A_3195 = arith.constant 8 : i32
      %mul3A_3196 = arith.muli %add3A_3189, %mul3A_3195 : i32
      %get3A_3197 = arith.index_cast %mul3A_3196 : i32 to index
      %get3A_3198 = arith.constant 0 : index
      %get3A_3199 = vector.load %arg2[%get3A_3197, %get3A_3198] : memref<400x512xf32, #tpu.memory_space<vmem>>, vector<8x512xf32>
      %slice3A_3200 = vector.extract_strided_slice %get3A_3194 {offsets = [0, 0], sizes = [8, 256], strides = [1, 1]} : vector<8x512xf32> to vector<8x256xf32>
      %slice3A_3201 = vector.extract_strided_slice %get3A_3194 {offsets = [0, 256], sizes = [8, 256], strides = [1, 1]} : vector<8x512xf32> to vector<8x256xf32>
      %slice3A_3202 = vector.extract_strided_slice %get3A_3199 {offsets = [0, 0], sizes = [8, 256], strides = [1, 1]} : vector<8x512xf32> to vector<8x256xf32>
      %slice3A_3203 = vector.extract_strided_slice %get3A_3199 {offsets = [0, 256], sizes = [8, 256], strides = [1, 1]} : vector<8x512xf32> to vector<8x256xf32>
      %concatenate3A_3204 = tpu.concatenate %slice3A_3200, %mul3A_3092 in 0 : vector<8x256xf32>, vector<64x256xf32> -> vector<72x256xf32>
      %dot_general3A_3205 = arith.constant dense<0.000000e+00> : vector<256x256xf32>
      %dot_general3A_3206 = tpu.matmul %get3A_8, %concatenate3A_3204, %dot_general3A_3205 {dimension_numbers = #tpu.dot_dimension_numbers<[1], [0], [0], [1], [0, 0, 1, 1], [], []>, transpose_lhs_hint = false} : vector<256x72xf32>, vector<72x256xf32>, vector<256x256xf32> -> vector<256x256xf32>
      %concatenate3A_3207 = tpu.concatenate %slice3A_3201, %mul3A_3123 in 0 : vector<8x256xf32>, vector<64x256xf32> -> vector<72x256xf32>
      %dot_general3A_3208 = arith.constant dense<0.000000e+00> : vector<256x256xf32>
      %dot_general3A_3209 = tpu.matmul %get3A_8, %concatenate3A_3207, %dot_general3A_3208 {dimension_numbers = #tpu.dot_dimension_numbers<[1], [0], [0], [1], [0, 0, 1, 1], [], []>, transpose_lhs_hint = false} : vector<256x72xf32>, vector<72x256xf32>, vector<256x256xf32> -> vector<256x256xf32>
      %concatenate3A_3210 = tpu.concatenate %slice3A_3202, %mul3A_3154 in 0 : vector<8x256xf32>, vector<64x256xf32> -> vector<72x256xf32>
      %dot_general3A_3211 = arith.constant dense<0.000000e+00> : vector<256x256xf32>
      %dot_general3A_3212 = tpu.matmul %get3A_8, %concatenate3A_3210, %dot_general3A_3211 {dimension_numbers = #tpu.dot_dimension_numbers<[1], [0], [0], [1], [0, 0, 1, 1], [], []>, transpose_lhs_hint = false} : vector<256x72xf32>, vector<72x256xf32>, vector<256x256xf32> -> vector<256x256xf32>
      %concatenate3A_3213 = tpu.concatenate %slice3A_3203, %mul3A_3185 in 0 : vector<8x256xf32>, vector<64x256xf32> -> vector<72x256xf32>
      %dot_general3A_3214 = arith.constant dense<0.000000e+00> : vector<256x256xf32>
      %dot_general3A_3215 = tpu.matmul %get3A_8, %concatenate3A_3213, %dot_general3A_3214 {dimension_numbers = #tpu.dot_dimension_numbers<[1], [0], [0], [1], [0, 0, 1, 1], [], []>, transpose_lhs_hint = false} : vector<256x72xf32>, vector<72x256xf32>, vector<256x256xf32> -> vector<256x256xf32>
      %slice3A_3216 = vector.extract_strided_slice %dot_general3A_3206 {offsets = [0, 0], sizes = [64, 256], strides = [1, 1]} : vector<256x256xf32> to vector<64x256xf32>
      %tanh3A_3217 = math.tanh %slice3A_3216 : vector<64x256xf32>
      %mul3A_3218 = arith.constant 5.000000e-01 : f32
      %mul3A_3219 = vector.broadcast %mul3A_3218 : f32 to vector<64x256xf32>
      %mul3A_3220 = arith.mulf %mul3A_3219, %tanh3A_3217 : vector<64x256xf32>
      %add3A_3221 = arith.constant 5.000000e-01 : f32
      %add3A_3222 = vector.broadcast %add3A_3221 : f32 to vector<64x256xf32>
      %add3A_3223 = arith.addf %mul3A_3220, %add3A_3222 : vector<64x256xf32>
      %slice3A_3224 = vector.extract_strided_slice %dot_general3A_3206 {offsets = [64, 0], sizes = [64, 256], strides = [1, 1]} : vector<256x256xf32> to vector<64x256xf32>
      %tanh3A_3225 = math.tanh %slice3A_3224 : vector<64x256xf32>
      %mul3A_3226 = arith.constant 5.000000e-01 : f32
      %mul3A_3227 = vector.broadcast %mul3A_3226 : f32 to vector<64x256xf32>
      %mul3A_3228 = arith.mulf %mul3A_3227, %tanh3A_3225 : vector<64x256xf32>
      %add3A_3229 = arith.constant 5.000000e-01 : f32
      %add3A_3230 = vector.broadcast %add3A_3229 : f32 to vector<64x256xf32>
      %add3A_3231 = arith.addf %mul3A_3228, %add3A_3230 : vector<64x256xf32>
      %slice3A_3232 = vector.extract_strided_slice %dot_general3A_3206 {offsets = [128, 0], sizes = [64, 256], strides = [1, 1]} : vector<256x256xf32> to vector<64x256xf32>
      %tanh3A_3233 = math.tanh %slice3A_3232 : vector<64x256xf32>
      %slice3A_3234 = vector.extract_strided_slice %dot_general3A_3206 {offsets = [192, 0], sizes = [64, 256], strides = [1, 1]} : vector<256x256xf32> to vector<64x256xf32>
      %tanh3A_3235 = math.tanh %slice3A_3234 : vector<64x256xf32>
      %mul3A_3236 = arith.constant 5.000000e-01 : f32
      %mul3A_3237 = vector.broadcast %mul3A_3236 : f32 to vector<64x256xf32>
      %mul3A_3238 = arith.mulf %mul3A_3237, %tanh3A_3235 : vector<64x256xf32>
      %add3A_3239 = arith.constant 5.000000e-01 : f32
      %add3A_3240 = vector.broadcast %add3A_3239 : f32 to vector<64x256xf32>
      %add3A_3241 = arith.addf %mul3A_3238, %add3A_3240 : vector<64x256xf32>
      %mul3A_3242 = arith.mulf %add3A_3231, %add3A_3090 : vector<64x256xf32>
      %mul3A_3243 = arith.mulf %add3A_3223, %tanh3A_3233 : vector<64x256xf32>
      %add3A_3244 = arith.addf %mul3A_3242, %mul3A_3243 : vector<64x256xf32>
      %tanh3A_3245 = math.tanh %add3A_3244 : vector<64x256xf32>
      %mul3A_3246 = arith.mulf %add3A_3241, %tanh3A_3245 : vector<64x256xf32>
      %slice3A_3247 = vector.extract_strided_slice %dot_general3A_3209 {offsets = [0, 0], sizes = [64, 256], strides = [1, 1]} : vector<256x256xf32> to vector<64x256xf32>
      %tanh3A_3248 = math.tanh %slice3A_3247 : vector<64x256xf32>
      %mul3A_3249 = arith.constant 5.000000e-01 : f32
      %mul3A_3250 = vector.broadcast %mul3A_3249 : f32 to vector<64x256xf32>
      %mul3A_3251 = arith.mulf %mul3A_3250, %tanh3A_3248 : vector<64x256xf32>
      %add3A_3252 = arith.constant 5.000000e-01 : f32
      %add3A_3253 = vector.broadcast %add3A_3252 : f32 to vector<64x256xf32>
      %add3A_3254 = arith.addf %mul3A_3251, %add3A_3253 : vector<64x256xf32>
      %slice3A_3255 = vector.extract_strided_slice %dot_general3A_3209 {offsets = [64, 0], sizes = [64, 256], strides = [1, 1]} : vector<256x256xf32> to vector<64x256xf32>
      %tanh3A_3256 = math.tanh %slice3A_3255 : vector<64x256xf32>
      %mul3A_3257 = arith.constant 5.000000e-01 : f32
      %mul3A_3258 = vector.broadcast %mul3A_3257 : f32 to vector<64x256xf32>
      %mul3A_3259 = arith.mulf %mul3A_3258, %tanh3A_3256 : vector<64x256xf32>
      %add3A_3260 = arith.constant 5.000000e-01 : f32
      %add3A_3261 = vector.broadcast %add3A_3260 : f32 to vector<64x256xf32>
      %add3A_3262 = arith.addf %mul3A_3259, %add3A_3261 : vector<64x256xf32>
      %slice3A_3263 = vector.extract_strided_slice %dot_general3A_3209 {offsets = [128, 0], sizes = [64, 256], strides = [1, 1]} : vector<256x256xf32> to vector<64x256xf32>
      %tanh3A_3264 = math.tanh %slice3A_3263 : vector<64x256xf32>
      %slice3A_3265 = vector.extract_strided_slice %dot_general3A_3209 {offsets = [192, 0], sizes = [64, 256], strides = [1, 1]} : vector<256x256xf32> to vector<64x256xf32>
      %tanh3A_3266 = math.tanh %slice3A_3265 : vector<64x256xf32>
      %mul3A_3267 = arith.constant 5.000000e-01 : f32
      %mul3A_3268 = vector.broadcast %mul3A_3267 : f32 to vector<64x256xf32>
      %mul3A_3269 = arith.mulf %mul3A_3268, %tanh3A_3266 : vector<64x256xf32>
      %add3A_3270 = arith.constant 5.000000e-01 : f32
      %add3A_3271 = vector.broadcast %add3A_3270 : f32 to vector<64x256xf32>
      %add3A_3272 = arith.addf %mul3A_3269, %add3A_3271 : vector<64x256xf32>
      %mul3A_3273 = arith.mulf %add3A_3262, %add3A_3121 : vector<64x256xf32>
      %mul3A_3274 = arith.mulf %add3A_3254, %tanh3A_3264 : vector<64x256xf32>
      %add3A_3275 = arith.addf %mul3A_3273, %mul3A_3274 : vector<64x256xf32>
      %tanh3A_3276 = math.tanh %add3A_3275 : vector<64x256xf32>
      %mul3A_3277 = arith.mulf %add3A_3272, %tanh3A_3276 : vector<64x256xf32>
      %slice3A_3278 = vector.extract_strided_slice %dot_general3A_3212 {offsets = [0, 0], sizes = [64, 256], strides = [1, 1]} : vector<256x256xf32> to vector<64x256xf32>
      %tanh3A_3279 = math.tanh %slice3A_3278 : vector<64x256xf32>
      %mul3A_3280 = arith.constant 5.000000e-01 : f32
      %mul3A_3281 = vector.broadcast %mul3A_3280 : f32 to vector<64x256xf32>
      %mul3A_3282 = arith.mulf %mul3A_3281, %tanh3A_3279 : vector<64x256xf32>
      %add3A_3283 = arith.constant 5.000000e-01 : f32
      %add3A_3284 = vector.broadcast %add3A_3283 : f32 to vector<64x256xf32>
      %add3A_3285 = arith.addf %mul3A_3282, %add3A_3284 : vector<64x256xf32>
      %slice3A_3286 = vector.extract_strided_slice %dot_general3A_3212 {offsets = [64, 0], sizes = [64, 256], strides = [1, 1]} : vector<256x256xf32> to vector<64x256xf32>
      %tanh3A_3287 = math.tanh %slice3A_3286 : vector<64x256xf32>
      %mul3A_3288 = arith.constant 5.000000e-01 : f32
      %mul3A_3289 = vector.broadcast %mul3A_3288 : f32 to vector<64x256xf32>
      %mul3A_3290 = arith.mulf %mul3A_3289, %tanh3A_3287 : vector<64x256xf32>
      %add3A_3291 = arith.constant 5.000000e-01 : f32
      %add3A_3292 = vector.broadcast %add3A_3291 : f32 to vector<64x256xf32>
      %add3A_3293 = arith.addf %mul3A_3290, %add3A_3292 : vector<64x256xf32>
      %slice3A_3294 = vector.extract_strided_slice %dot_general3A_3212 {offsets = [128, 0], sizes = [64, 256], strides = [1, 1]} : vector<256x256xf32> to vector<64x256xf32>
      %tanh3A_3295 = math.tanh %slice3A_3294 : vector<64x256xf32>
      %slice3A_3296 = vector.extract_strided_slice %dot_general3A_3212 {offsets = [192, 0], sizes = [64, 256], strides = [1, 1]} : vector<256x256xf32> to vector<64x256xf32>
      %tanh3A_3297 = math.tanh %slice3A_3296 : vector<64x256xf32>
      %mul3A_3298 = arith.constant 5.000000e-01 : f32
      %mul3A_3299 = vector.broadcast %mul3A_3298 : f32 to vector<64x256xf32>
      %mul3A_3300 = arith.mulf %mul3A_3299, %tanh3A_3297 : vector<64x256xf32>
      %add3A_3301 = arith.constant 5.000000e-01 : f32
      %add3A_3302 = vector.broadcast %add3A_3301 : f32 to vector<64x256xf32>
      %add3A_3303 = arith.addf %mul3A_3300, %add3A_3302 : vector<64x256xf32>
      %mul3A_3304 = arith.mulf %add3A_3293, %add3A_3152 : vector<64x256xf32>
      %mul3A_3305 = arith.mulf %add3A_3285, %tanh3A_3295 : vector<64x256xf32>
      %add3A_3306 = arith.addf %mul3A_3304, %mul3A_3305 : vector<64x256xf32>
      %tanh3A_3307 = math.tanh %add3A_3306 : vector<64x256xf32>
      %mul3A_3308 = arith.mulf %add3A_3303, %tanh3A_3307 : vector<64x256xf32>
      %slice3A_3309 = vector.extract_strided_slice %dot_general3A_3215 {offsets = [0, 0], sizes = [64, 256], strides = [1, 1]} : vector<256x256xf32> to vector<64x256xf32>
      %tanh3A_3310 = math.tanh %slice3A_3309 : vector<64x256xf32>
      %mul3A_3311 = arith.constant 5.000000e-01 : f32
      %mul3A_3312 = vector.broadcast %mul3A_3311 : f32 to vector<64x256xf32>
      %mul3A_3313 = arith.mulf %mul3A_3312, %tanh3A_3310 : vector<64x256xf32>
      %add3A_3314 = arith.constant 5.000000e-01 : f32
      %add3A_3315 = vector.broadcast %add3A_3314 : f32 to vector<64x256xf32>
      %add3A_3316 = arith.addf %mul3A_3313, %add3A_3315 : vector<64x256xf32>
      %slice3A_3317 = vector.extract_strided_slice %dot_general3A_3215 {offsets = [64, 0], sizes = [64, 256], strides = [1, 1]} : vector<256x256xf32> to vector<64x256xf32>
      %tanh3A_3318 = math.tanh %slice3A_3317 : vector<64x256xf32>
      %mul3A_3319 = arith.constant 5.000000e-01 : f32
      %mul3A_3320 = vector.broadcast %mul3A_3319 : f32 to vector<64x256xf32>
      %mul3A_3321 = arith.mulf %mul3A_3320, %tanh3A_3318 : vector<64x256xf32>
      %add3A_3322 = arith.constant 5.000000e-01 : f32
      %add3A_3323 = vector.broadcast %add3A_3322 : f32 to vector<64x256xf32>
      %add3A_3324 = arith.addf %mul3A_3321, %add3A_3323 : vector<64x256xf32>
      %slice3A_3325 = vector.extract_strided_slice %dot_general3A_3215 {offsets = [128, 0], sizes = [64, 256], strides = [1, 1]} : vector<256x256xf32> to vector<64x256xf32>
      %tanh3A_3326 = math.tanh %slice3A_3325 : vector<64x256xf32>
      %slice3A_3327 = vector.extract_strided_slice %dot_general3A_3215 {offsets = [192, 0], sizes = [64, 256], strides = [1, 1]} : vector<256x256xf32> to vector<64x256xf32>
      %tanh3A_3328 = math.tanh %slice3A_3327 : vector<64x256xf32>
      %mul3A_3329 = arith.constant 5.000000e-01 : f32
      %mul3A_3330 = vector.broadcast %mul3A_3329 : f32 to vector<64x256xf32>
      %mul3A_3331 = arith.mulf %mul3A_3330, %tanh3A_3328 : vector<64x256xf32>
      %add3A_3332 = arith.constant 5.000000e-01 : f32
      %add3A_3333 = vector.broadcast %add3A_3332 : f32 to vector<64x256xf32>
      %add3A_3334 = arith.addf %mul3A_3331, %add3A_3333 : vector<64x256xf32>
      %mul3A_3335 = arith.mulf %add3A_3324, %add3A_3183 : vector<64x256xf32>
      %mul3A_3336 = arith.mulf %add3A_3316, %tanh3A_3326 : vector<64x256xf32>
      %add3A_3337 = arith.addf %mul3A_3335, %mul3A_3336 : vector<64x256xf32>
      %tanh3A_3338 = math.tanh %add3A_3337 : vector<64x256xf32>
      %mul3A_3339 = arith.mulf %add3A_3334, %tanh3A_3338 : vector<64x256xf32>
      %mul3A_3340 = arith.constant 25 : i32
      %mul3A_3341 = arith.muli %scan3A_100, %mul3A_3340 : i32
      %add3A_3342 = arith.constant 21 : i32
      %add3A_3343 = arith.addi %mul3A_3341, %add3A_3342 : i32
      %mul3A_3344 = arith.constant 8 : i32
      %mul3A_3345 = arith.muli %add3A_3343, %mul3A_3344 : i32
      %get3A_3346 = arith.index_cast %mul3A_3345 : i32 to index
      %get3A_3347 = arith.constant 0 : index
      %get3A_3348 = vector.load %arg1[%get3A_3346, %get3A_3347] : memref<400x512xf32, #tpu.memory_space<vmem>>, vector<8x512xf32>
      %mul3A_3349 = arith.constant 8 : i32
      %mul3A_3350 = arith.muli %add3A_3343, %mul3A_3349 : i32
      %get3A_3351 = arith.index_cast %mul3A_3350 : i32 to index
      %get3A_3352 = arith.constant 0 : index
      %get3A_3353 = vector.load %arg2[%get3A_3351, %get3A_3352] : memref<400x512xf32, #tpu.memory_space<vmem>>, vector<8x512xf32>
      %slice3A_3354 = vector.extract_strided_slice %get3A_3348 {offsets = [0, 0], sizes = [8, 256], strides = [1, 1]} : vector<8x512xf32> to vector<8x256xf32>
      %slice3A_3355 = vector.extract_strided_slice %get3A_3348 {offsets = [0, 256], sizes = [8, 256], strides = [1, 1]} : vector<8x512xf32> to vector<8x256xf32>
      %slice3A_3356 = vector.extract_strided_slice %get3A_3353 {offsets = [0, 0], sizes = [8, 256], strides = [1, 1]} : vector<8x512xf32> to vector<8x256xf32>
      %slice3A_3357 = vector.extract_strided_slice %get3A_3353 {offsets = [0, 256], sizes = [8, 256], strides = [1, 1]} : vector<8x512xf32> to vector<8x256xf32>
      %concatenate3A_3358 = tpu.concatenate %slice3A_3354, %mul3A_3246 in 0 : vector<8x256xf32>, vector<64x256xf32> -> vector<72x256xf32>
      %dot_general3A_3359 = arith.constant dense<0.000000e+00> : vector<256x256xf32>
      %dot_general3A_3360 = tpu.matmul %get3A_8, %concatenate3A_3358, %dot_general3A_3359 {dimension_numbers = #tpu.dot_dimension_numbers<[1], [0], [0], [1], [0, 0, 1, 1], [], []>, transpose_lhs_hint = false} : vector<256x72xf32>, vector<72x256xf32>, vector<256x256xf32> -> vector<256x256xf32>
      %concatenate3A_3361 = tpu.concatenate %slice3A_3355, %mul3A_3277 in 0 : vector<8x256xf32>, vector<64x256xf32> -> vector<72x256xf32>
      %dot_general3A_3362 = arith.constant dense<0.000000e+00> : vector<256x256xf32>
      %dot_general3A_3363 = tpu.matmul %get3A_8, %concatenate3A_3361, %dot_general3A_3362 {dimension_numbers = #tpu.dot_dimension_numbers<[1], [0], [0], [1], [0, 0, 1, 1], [], []>, transpose_lhs_hint = false} : vector<256x72xf32>, vector<72x256xf32>, vector<256x256xf32> -> vector<256x256xf32>
      %concatenate3A_3364 = tpu.concatenate %slice3A_3356, %mul3A_3308 in 0 : vector<8x256xf32>, vector<64x256xf32> -> vector<72x256xf32>
      %dot_general3A_3365 = arith.constant dense<0.000000e+00> : vector<256x256xf32>
      %dot_general3A_3366 = tpu.matmul %get3A_8, %concatenate3A_3364, %dot_general3A_3365 {dimension_numbers = #tpu.dot_dimension_numbers<[1], [0], [0], [1], [0, 0, 1, 1], [], []>, transpose_lhs_hint = false} : vector<256x72xf32>, vector<72x256xf32>, vector<256x256xf32> -> vector<256x256xf32>
      %concatenate3A_3367 = tpu.concatenate %slice3A_3357, %mul3A_3339 in 0 : vector<8x256xf32>, vector<64x256xf32> -> vector<72x256xf32>
      %dot_general3A_3368 = arith.constant dense<0.000000e+00> : vector<256x256xf32>
      %dot_general3A_3369 = tpu.matmul %get3A_8, %concatenate3A_3367, %dot_general3A_3368 {dimension_numbers = #tpu.dot_dimension_numbers<[1], [0], [0], [1], [0, 0, 1, 1], [], []>, transpose_lhs_hint = false} : vector<256x72xf32>, vector<72x256xf32>, vector<256x256xf32> -> vector<256x256xf32>
      %slice3A_3370 = vector.extract_strided_slice %dot_general3A_3360 {offsets = [0, 0], sizes = [64, 256], strides = [1, 1]} : vector<256x256xf32> to vector<64x256xf32>
      %tanh3A_3371 = math.tanh %slice3A_3370 : vector<64x256xf32>
      %mul3A_3372 = arith.constant 5.000000e-01 : f32
      %mul3A_3373 = vector.broadcast %mul3A_3372 : f32 to vector<64x256xf32>
      %mul3A_3374 = arith.mulf %mul3A_3373, %tanh3A_3371 : vector<64x256xf32>
      %add3A_3375 = arith.constant 5.000000e-01 : f32
      %add3A_3376 = vector.broadcast %add3A_3375 : f32 to vector<64x256xf32>
      %add3A_3377 = arith.addf %mul3A_3374, %add3A_3376 : vector<64x256xf32>
      %slice3A_3378 = vector.extract_strided_slice %dot_general3A_3360 {offsets = [64, 0], sizes = [64, 256], strides = [1, 1]} : vector<256x256xf32> to vector<64x256xf32>
      %tanh3A_3379 = math.tanh %slice3A_3378 : vector<64x256xf32>
      %mul3A_3380 = arith.constant 5.000000e-01 : f32
      %mul3A_3381 = vector.broadcast %mul3A_3380 : f32 to vector<64x256xf32>
      %mul3A_3382 = arith.mulf %mul3A_3381, %tanh3A_3379 : vector<64x256xf32>
      %add3A_3383 = arith.constant 5.000000e-01 : f32
      %add3A_3384 = vector.broadcast %add3A_3383 : f32 to vector<64x256xf32>
      %add3A_3385 = arith.addf %mul3A_3382, %add3A_3384 : vector<64x256xf32>
      %slice3A_3386 = vector.extract_strided_slice %dot_general3A_3360 {offsets = [128, 0], sizes = [64, 256], strides = [1, 1]} : vector<256x256xf32> to vector<64x256xf32>
      %tanh3A_3387 = math.tanh %slice3A_3386 : vector<64x256xf32>
      %slice3A_3388 = vector.extract_strided_slice %dot_general3A_3360 {offsets = [192, 0], sizes = [64, 256], strides = [1, 1]} : vector<256x256xf32> to vector<64x256xf32>
      %tanh3A_3389 = math.tanh %slice3A_3388 : vector<64x256xf32>
      %mul3A_3390 = arith.constant 5.000000e-01 : f32
      %mul3A_3391 = vector.broadcast %mul3A_3390 : f32 to vector<64x256xf32>
      %mul3A_3392 = arith.mulf %mul3A_3391, %tanh3A_3389 : vector<64x256xf32>
      %add3A_3393 = arith.constant 5.000000e-01 : f32
      %add3A_3394 = vector.broadcast %add3A_3393 : f32 to vector<64x256xf32>
      %add3A_3395 = arith.addf %mul3A_3392, %add3A_3394 : vector<64x256xf32>
      %mul3A_3396 = arith.mulf %add3A_3385, %add3A_3244 : vector<64x256xf32>
      %mul3A_3397 = arith.mulf %add3A_3377, %tanh3A_3387 : vector<64x256xf32>
      %add3A_3398 = arith.addf %mul3A_3396, %mul3A_3397 : vector<64x256xf32>
      %tanh3A_3399 = math.tanh %add3A_3398 : vector<64x256xf32>
      %mul3A_3400 = arith.mulf %add3A_3395, %tanh3A_3399 : vector<64x256xf32>
      %slice3A_3401 = vector.extract_strided_slice %dot_general3A_3363 {offsets = [0, 0], sizes = [64, 256], strides = [1, 1]} : vector<256x256xf32> to vector<64x256xf32>
      %tanh3A_3402 = math.tanh %slice3A_3401 : vector<64x256xf32>
      %mul3A_3403 = arith.constant 5.000000e-01 : f32
      %mul3A_3404 = vector.broadcast %mul3A_3403 : f32 to vector<64x256xf32>
      %mul3A_3405 = arith.mulf %mul3A_3404, %tanh3A_3402 : vector<64x256xf32>
      %add3A_3406 = arith.constant 5.000000e-01 : f32
      %add3A_3407 = vector.broadcast %add3A_3406 : f32 to vector<64x256xf32>
      %add3A_3408 = arith.addf %mul3A_3405, %add3A_3407 : vector<64x256xf32>
      %slice3A_3409 = vector.extract_strided_slice %dot_general3A_3363 {offsets = [64, 0], sizes = [64, 256], strides = [1, 1]} : vector<256x256xf32> to vector<64x256xf32>
      %tanh3A_3410 = math.tanh %slice3A_3409 : vector<64x256xf32>
      %mul3A_3411 = arith.constant 5.000000e-01 : f32
      %mul3A_3412 = vector.broadcast %mul3A_3411 : f32 to vector<64x256xf32>
      %mul3A_3413 = arith.mulf %mul3A_3412, %tanh3A_3410 : vector<64x256xf32>
      %add3A_3414 = arith.constant 5.000000e-01 : f32
      %add3A_3415 = vector.broadcast %add3A_3414 : f32 to vector<64x256xf32>
      %add3A_3416 = arith.addf %mul3A_3413, %add3A_3415 : vector<64x256xf32>
      %slice3A_3417 = vector.extract_strided_slice %dot_general3A_3363 {offsets = [128, 0], sizes = [64, 256], strides = [1, 1]} : vector<256x256xf32> to vector<64x256xf32>
      %tanh3A_3418 = math.tanh %slice3A_3417 : vector<64x256xf32>
      %slice3A_3419 = vector.extract_strided_slice %dot_general3A_3363 {offsets = [192, 0], sizes = [64, 256], strides = [1, 1]} : vector<256x256xf32> to vector<64x256xf32>
      %tanh3A_3420 = math.tanh %slice3A_3419 : vector<64x256xf32>
      %mul3A_3421 = arith.constant 5.000000e-01 : f32
      %mul3A_3422 = vector.broadcast %mul3A_3421 : f32 to vector<64x256xf32>
      %mul3A_3423 = arith.mulf %mul3A_3422, %tanh3A_3420 : vector<64x256xf32>
      %add3A_3424 = arith.constant 5.000000e-01 : f32
      %add3A_3425 = vector.broadcast %add3A_3424 : f32 to vector<64x256xf32>
      %add3A_3426 = arith.addf %mul3A_3423, %add3A_3425 : vector<64x256xf32>
      %mul3A_3427 = arith.mulf %add3A_3416, %add3A_3275 : vector<64x256xf32>
      %mul3A_3428 = arith.mulf %add3A_3408, %tanh3A_3418 : vector<64x256xf32>
      %add3A_3429 = arith.addf %mul3A_3427, %mul3A_3428 : vector<64x256xf32>
      %tanh3A_3430 = math.tanh %add3A_3429 : vector<64x256xf32>
      %mul3A_3431 = arith.mulf %add3A_3426, %tanh3A_3430 : vector<64x256xf32>
      %slice3A_3432 = vector.extract_strided_slice %dot_general3A_3366 {offsets = [0, 0], sizes = [64, 256], strides = [1, 1]} : vector<256x256xf32> to vector<64x256xf32>
      %tanh3A_3433 = math.tanh %slice3A_3432 : vector<64x256xf32>
      %mul3A_3434 = arith.constant 5.000000e-01 : f32
      %mul3A_3435 = vector.broadcast %mul3A_3434 : f32 to vector<64x256xf32>
      %mul3A_3436 = arith.mulf %mul3A_3435, %tanh3A_3433 : vector<64x256xf32>
      %add3A_3437 = arith.constant 5.000000e-01 : f32
      %add3A_3438 = vector.broadcast %add3A_3437 : f32 to vector<64x256xf32>
      %add3A_3439 = arith.addf %mul3A_3436, %add3A_3438 : vector<64x256xf32>
      %slice3A_3440 = vector.extract_strided_slice %dot_general3A_3366 {offsets = [64, 0], sizes = [64, 256], strides = [1, 1]} : vector<256x256xf32> to vector<64x256xf32>
      %tanh3A_3441 = math.tanh %slice3A_3440 : vector<64x256xf32>
      %mul3A_3442 = arith.constant 5.000000e-01 : f32
      %mul3A_3443 = vector.broadcast %mul3A_3442 : f32 to vector<64x256xf32>
      %mul3A_3444 = arith.mulf %mul3A_3443, %tanh3A_3441 : vector<64x256xf32>
      %add3A_3445 = arith.constant 5.000000e-01 : f32
      %add3A_3446 = vector.broadcast %add3A_3445 : f32 to vector<64x256xf32>
      %add3A_3447 = arith.addf %mul3A_3444, %add3A_3446 : vector<64x256xf32>
      %slice3A_3448 = vector.extract_strided_slice %dot_general3A_3366 {offsets = [128, 0], sizes = [64, 256], strides = [1, 1]} : vector<256x256xf32> to vector<64x256xf32>
      %tanh3A_3449 = math.tanh %slice3A_3448 : vector<64x256xf32>
      %slice3A_3450 = vector.extract_strided_slice %dot_general3A_3366 {offsets = [192, 0], sizes = [64, 256], strides = [1, 1]} : vector<256x256xf32> to vector<64x256xf32>
      %tanh3A_3451 = math.tanh %slice3A_3450 : vector<64x256xf32>
      %mul3A_3452 = arith.constant 5.000000e-01 : f32
      %mul3A_3453 = vector.broadcast %mul3A_3452 : f32 to vector<64x256xf32>
      %mul3A_3454 = arith.mulf %mul3A_3453, %tanh3A_3451 : vector<64x256xf32>
      %add3A_3455 = arith.constant 5.000000e-01 : f32
      %add3A_3456 = vector.broadcast %add3A_3455 : f32 to vector<64x256xf32>
      %add3A_3457 = arith.addf %mul3A_3454, %add3A_3456 : vector<64x256xf32>
      %mul3A_3458 = arith.mulf %add3A_3447, %add3A_3306 : vector<64x256xf32>
      %mul3A_3459 = arith.mulf %add3A_3439, %tanh3A_3449 : vector<64x256xf32>
      %add3A_3460 = arith.addf %mul3A_3458, %mul3A_3459 : vector<64x256xf32>
      %tanh3A_3461 = math.tanh %add3A_3460 : vector<64x256xf32>
      %mul3A_3462 = arith.mulf %add3A_3457, %tanh3A_3461 : vector<64x256xf32>
      %slice3A_3463 = vector.extract_strided_slice %dot_general3A_3369 {offsets = [0, 0], sizes = [64, 256], strides = [1, 1]} : vector<256x256xf32> to vector<64x256xf32>
      %tanh3A_3464 = math.tanh %slice3A_3463 : vector<64x256xf32>
      %mul3A_3465 = arith.constant 5.000000e-01 : f32
      %mul3A_3466 = vector.broadcast %mul3A_3465 : f32 to vector<64x256xf32>
      %mul3A_3467 = arith.mulf %mul3A_3466, %tanh3A_3464 : vector<64x256xf32>
      %add3A_3468 = arith.constant 5.000000e-01 : f32
      %add3A_3469 = vector.broadcast %add3A_3468 : f32 to vector<64x256xf32>
      %add3A_3470 = arith.addf %mul3A_3467, %add3A_3469 : vector<64x256xf32>
      %slice3A_3471 = vector.extract_strided_slice %dot_general3A_3369 {offsets = [64, 0], sizes = [64, 256], strides = [1, 1]} : vector<256x256xf32> to vector<64x256xf32>
      %tanh3A_3472 = math.tanh %slice3A_3471 : vector<64x256xf32>
      %mul3A_3473 = arith.constant 5.000000e-01 : f32
      %mul3A_3474 = vector.broadcast %mul3A_3473 : f32 to vector<64x256xf32>
      %mul3A_3475 = arith.mulf %mul3A_3474, %tanh3A_3472 : vector<64x256xf32>
      %add3A_3476 = arith.constant 5.000000e-01 : f32
      %add3A_3477 = vector.broadcast %add3A_3476 : f32 to vector<64x256xf32>
      %add3A_3478 = arith.addf %mul3A_3475, %add3A_3477 : vector<64x256xf32>
      %slice3A_3479 = vector.extract_strided_slice %dot_general3A_3369 {offsets = [128, 0], sizes = [64, 256], strides = [1, 1]} : vector<256x256xf32> to vector<64x256xf32>
      %tanh3A_3480 = math.tanh %slice3A_3479 : vector<64x256xf32>
      %slice3A_3481 = vector.extract_strided_slice %dot_general3A_3369 {offsets = [192, 0], sizes = [64, 256], strides = [1, 1]} : vector<256x256xf32> to vector<64x256xf32>
      %tanh3A_3482 = math.tanh %slice3A_3481 : vector<64x256xf32>
      %mul3A_3483 = arith.constant 5.000000e-01 : f32
      %mul3A_3484 = vector.broadcast %mul3A_3483 : f32 to vector<64x256xf32>
      %mul3A_3485 = arith.mulf %mul3A_3484, %tanh3A_3482 : vector<64x256xf32>
      %add3A_3486 = arith.constant 5.000000e-01 : f32
      %add3A_3487 = vector.broadcast %add3A_3486 : f32 to vector<64x256xf32>
      %add3A_3488 = arith.addf %mul3A_3485, %add3A_3487 : vector<64x256xf32>
      %mul3A_3489 = arith.mulf %add3A_3478, %add3A_3337 : vector<64x256xf32>
      %mul3A_3490 = arith.mulf %add3A_3470, %tanh3A_3480 : vector<64x256xf32>
      %add3A_3491 = arith.addf %mul3A_3489, %mul3A_3490 : vector<64x256xf32>
      %tanh3A_3492 = math.tanh %add3A_3491 : vector<64x256xf32>
      %mul3A_3493 = arith.mulf %add3A_3488, %tanh3A_3492 : vector<64x256xf32>
      %mul3A_3494 = arith.constant 25 : i32
      %mul3A_3495 = arith.muli %scan3A_100, %mul3A_3494 : i32
      %add3A_3496 = arith.constant 22 : i32
      %add3A_3497 = arith.addi %mul3A_3495, %add3A_3496 : i32
      %mul3A_3498 = arith.constant 8 : i32
      %mul3A_3499 = arith.muli %add3A_3497, %mul3A_3498 : i32
      %get3A_3500 = arith.index_cast %mul3A_3499 : i32 to index
      %get3A_3501 = arith.constant 0 : index
      %get3A_3502 = vector.load %arg1[%get3A_3500, %get3A_3501] : memref<400x512xf32, #tpu.memory_space<vmem>>, vector<8x512xf32>
      %mul3A_3503 = arith.constant 8 : i32
      %mul3A_3504 = arith.muli %add3A_3497, %mul3A_3503 : i32
      %get3A_3505 = arith.index_cast %mul3A_3504 : i32 to index
      %get3A_3506 = arith.constant 0 : index
      %get3A_3507 = vector.load %arg2[%get3A_3505, %get3A_3506] : memref<400x512xf32, #tpu.memory_space<vmem>>, vector<8x512xf32>
      %slice3A_3508 = vector.extract_strided_slice %get3A_3502 {offsets = [0, 0], sizes = [8, 256], strides = [1, 1]} : vector<8x512xf32> to vector<8x256xf32>
      %slice3A_3509 = vector.extract_strided_slice %get3A_3502 {offsets = [0, 256], sizes = [8, 256], strides = [1, 1]} : vector<8x512xf32> to vector<8x256xf32>
      %slice3A_3510 = vector.extract_strided_slice %get3A_3507 {offsets = [0, 0], sizes = [8, 256], strides = [1, 1]} : vector<8x512xf32> to vector<8x256xf32>
      %slice3A_3511 = vector.extract_strided_slice %get3A_3507 {offsets = [0, 256], sizes = [8, 256], strides = [1, 1]} : vector<8x512xf32> to vector<8x256xf32>
      %concatenate3A_3512 = tpu.concatenate %slice3A_3508, %mul3A_3400 in 0 : vector<8x256xf32>, vector<64x256xf32> -> vector<72x256xf32>
      %dot_general3A_3513 = arith.constant dense<0.000000e+00> : vector<256x256xf32>
      %dot_general3A_3514 = tpu.matmul %get3A_8, %concatenate3A_3512, %dot_general3A_3513 {dimension_numbers = #tpu.dot_dimension_numbers<[1], [0], [0], [1], [0, 0, 1, 1], [], []>, transpose_lhs_hint = false} : vector<256x72xf32>, vector<72x256xf32>, vector<256x256xf32> -> vector<256x256xf32>
      %concatenate3A_3515 = tpu.concatenate %slice3A_3509, %mul3A_3431 in 0 : vector<8x256xf32>, vector<64x256xf32> -> vector<72x256xf32>
      %dot_general3A_3516 = arith.constant dense<0.000000e+00> : vector<256x256xf32>
      %dot_general3A_3517 = tpu.matmul %get3A_8, %concatenate3A_3515, %dot_general3A_3516 {dimension_numbers = #tpu.dot_dimension_numbers<[1], [0], [0], [1], [0, 0, 1, 1], [], []>, transpose_lhs_hint = false} : vector<256x72xf32>, vector<72x256xf32>, vector<256x256xf32> -> vector<256x256xf32>
      %concatenate3A_3518 = tpu.concatenate %slice3A_3510, %mul3A_3462 in 0 : vector<8x256xf32>, vector<64x256xf32> -> vector<72x256xf32>
      %dot_general3A_3519 = arith.constant dense<0.000000e+00> : vector<256x256xf32>
      %dot_general3A_3520 = tpu.matmul %get3A_8, %concatenate3A_3518, %dot_general3A_3519 {dimension_numbers = #tpu.dot_dimension_numbers<[1], [0], [0], [1], [0, 0, 1, 1], [], []>, transpose_lhs_hint = false} : vector<256x72xf32>, vector<72x256xf32>, vector<256x256xf32> -> vector<256x256xf32>
      %concatenate3A_3521 = tpu.concatenate %slice3A_3511, %mul3A_3493 in 0 : vector<8x256xf32>, vector<64x256xf32> -> vector<72x256xf32>
      %dot_general3A_3522 = arith.constant dense<0.000000e+00> : vector<256x256xf32>
      %dot_general3A_3523 = tpu.matmul %get3A_8, %concatenate3A_3521, %dot_general3A_3522 {dimension_numbers = #tpu.dot_dimension_numbers<[1], [0], [0], [1], [0, 0, 1, 1], [], []>, transpose_lhs_hint = false} : vector<256x72xf32>, vector<72x256xf32>, vector<256x256xf32> -> vector<256x256xf32>
      %slice3A_3524 = vector.extract_strided_slice %dot_general3A_3514 {offsets = [0, 0], sizes = [64, 256], strides = [1, 1]} : vector<256x256xf32> to vector<64x256xf32>
      %tanh3A_3525 = math.tanh %slice3A_3524 : vector<64x256xf32>
      %mul3A_3526 = arith.constant 5.000000e-01 : f32
      %mul3A_3527 = vector.broadcast %mul3A_3526 : f32 to vector<64x256xf32>
      %mul3A_3528 = arith.mulf %mul3A_3527, %tanh3A_3525 : vector<64x256xf32>
      %add3A_3529 = arith.constant 5.000000e-01 : f32
      %add3A_3530 = vector.broadcast %add3A_3529 : f32 to vector<64x256xf32>
      %add3A_3531 = arith.addf %mul3A_3528, %add3A_3530 : vector<64x256xf32>
      %slice3A_3532 = vector.extract_strided_slice %dot_general3A_3514 {offsets = [64, 0], sizes = [64, 256], strides = [1, 1]} : vector<256x256xf32> to vector<64x256xf32>
      %tanh3A_3533 = math.tanh %slice3A_3532 : vector<64x256xf32>
      %mul3A_3534 = arith.constant 5.000000e-01 : f32
      %mul3A_3535 = vector.broadcast %mul3A_3534 : f32 to vector<64x256xf32>
      %mul3A_3536 = arith.mulf %mul3A_3535, %tanh3A_3533 : vector<64x256xf32>
      %add3A_3537 = arith.constant 5.000000e-01 : f32
      %add3A_3538 = vector.broadcast %add3A_3537 : f32 to vector<64x256xf32>
      %add3A_3539 = arith.addf %mul3A_3536, %add3A_3538 : vector<64x256xf32>
      %slice3A_3540 = vector.extract_strided_slice %dot_general3A_3514 {offsets = [128, 0], sizes = [64, 256], strides = [1, 1]} : vector<256x256xf32> to vector<64x256xf32>
      %tanh3A_3541 = math.tanh %slice3A_3540 : vector<64x256xf32>
      %slice3A_3542 = vector.extract_strided_slice %dot_general3A_3514 {offsets = [192, 0], sizes = [64, 256], strides = [1, 1]} : vector<256x256xf32> to vector<64x256xf32>
      %tanh3A_3543 = math.tanh %slice3A_3542 : vector<64x256xf32>
      %mul3A_3544 = arith.constant 5.000000e-01 : f32
      %mul3A_3545 = vector.broadcast %mul3A_3544 : f32 to vector<64x256xf32>
      %mul3A_3546 = arith.mulf %mul3A_3545, %tanh3A_3543 : vector<64x256xf32>
      %add3A_3547 = arith.constant 5.000000e-01 : f32
      %add3A_3548 = vector.broadcast %add3A_3547 : f32 to vector<64x256xf32>
      %add3A_3549 = arith.addf %mul3A_3546, %add3A_3548 : vector<64x256xf32>
      %mul3A_3550 = arith.mulf %add3A_3539, %add3A_3398 : vector<64x256xf32>
      %mul3A_3551 = arith.mulf %add3A_3531, %tanh3A_3541 : vector<64x256xf32>
      %add3A_3552 = arith.addf %mul3A_3550, %mul3A_3551 : vector<64x256xf32>
      %tanh3A_3553 = math.tanh %add3A_3552 : vector<64x256xf32>
      %mul3A_3554 = arith.mulf %add3A_3549, %tanh3A_3553 : vector<64x256xf32>
      %slice3A_3555 = vector.extract_strided_slice %dot_general3A_3517 {offsets = [0, 0], sizes = [64, 256], strides = [1, 1]} : vector<256x256xf32> to vector<64x256xf32>
      %tanh3A_3556 = math.tanh %slice3A_3555 : vector<64x256xf32>
      %mul3A_3557 = arith.constant 5.000000e-01 : f32
      %mul3A_3558 = vector.broadcast %mul3A_3557 : f32 to vector<64x256xf32>
      %mul3A_3559 = arith.mulf %mul3A_3558, %tanh3A_3556 : vector<64x256xf32>
      %add3A_3560 = arith.constant 5.000000e-01 : f32
      %add3A_3561 = vector.broadcast %add3A_3560 : f32 to vector<64x256xf32>
      %add3A_3562 = arith.addf %mul3A_3559, %add3A_3561 : vector<64x256xf32>
      %slice3A_3563 = vector.extract_strided_slice %dot_general3A_3517 {offsets = [64, 0], sizes = [64, 256], strides = [1, 1]} : vector<256x256xf32> to vector<64x256xf32>
      %tanh3A_3564 = math.tanh %slice3A_3563 : vector<64x256xf32>
      %mul3A_3565 = arith.constant 5.000000e-01 : f32
      %mul3A_3566 = vector.broadcast %mul3A_3565 : f32 to vector<64x256xf32>
      %mul3A_3567 = arith.mulf %mul3A_3566, %tanh3A_3564 : vector<64x256xf32>
      %add3A_3568 = arith.constant 5.000000e-01 : f32
      %add3A_3569 = vector.broadcast %add3A_3568 : f32 to vector<64x256xf32>
      %add3A_3570 = arith.addf %mul3A_3567, %add3A_3569 : vector<64x256xf32>
      %slice3A_3571 = vector.extract_strided_slice %dot_general3A_3517 {offsets = [128, 0], sizes = [64, 256], strides = [1, 1]} : vector<256x256xf32> to vector<64x256xf32>
      %tanh3A_3572 = math.tanh %slice3A_3571 : vector<64x256xf32>
      %slice3A_3573 = vector.extract_strided_slice %dot_general3A_3517 {offsets = [192, 0], sizes = [64, 256], strides = [1, 1]} : vector<256x256xf32> to vector<64x256xf32>
      %tanh3A_3574 = math.tanh %slice3A_3573 : vector<64x256xf32>
      %mul3A_3575 = arith.constant 5.000000e-01 : f32
      %mul3A_3576 = vector.broadcast %mul3A_3575 : f32 to vector<64x256xf32>
      %mul3A_3577 = arith.mulf %mul3A_3576, %tanh3A_3574 : vector<64x256xf32>
      %add3A_3578 = arith.constant 5.000000e-01 : f32
      %add3A_3579 = vector.broadcast %add3A_3578 : f32 to vector<64x256xf32>
      %add3A_3580 = arith.addf %mul3A_3577, %add3A_3579 : vector<64x256xf32>
      %mul3A_3581 = arith.mulf %add3A_3570, %add3A_3429 : vector<64x256xf32>
      %mul3A_3582 = arith.mulf %add3A_3562, %tanh3A_3572 : vector<64x256xf32>
      %add3A_3583 = arith.addf %mul3A_3581, %mul3A_3582 : vector<64x256xf32>
      %tanh3A_3584 = math.tanh %add3A_3583 : vector<64x256xf32>
      %mul3A_3585 = arith.mulf %add3A_3580, %tanh3A_3584 : vector<64x256xf32>
      %slice3A_3586 = vector.extract_strided_slice %dot_general3A_3520 {offsets = [0, 0], sizes = [64, 256], strides = [1, 1]} : vector<256x256xf32> to vector<64x256xf32>
      %tanh3A_3587 = math.tanh %slice3A_3586 : vector<64x256xf32>
      %mul3A_3588 = arith.constant 5.000000e-01 : f32
      %mul3A_3589 = vector.broadcast %mul3A_3588 : f32 to vector<64x256xf32>
      %mul3A_3590 = arith.mulf %mul3A_3589, %tanh3A_3587 : vector<64x256xf32>
      %add3A_3591 = arith.constant 5.000000e-01 : f32
      %add3A_3592 = vector.broadcast %add3A_3591 : f32 to vector<64x256xf32>
      %add3A_3593 = arith.addf %mul3A_3590, %add3A_3592 : vector<64x256xf32>
      %slice3A_3594 = vector.extract_strided_slice %dot_general3A_3520 {offsets = [64, 0], sizes = [64, 256], strides = [1, 1]} : vector<256x256xf32> to vector<64x256xf32>
      %tanh3A_3595 = math.tanh %slice3A_3594 : vector<64x256xf32>
      %mul3A_3596 = arith.constant 5.000000e-01 : f32
      %mul3A_3597 = vector.broadcast %mul3A_3596 : f32 to vector<64x256xf32>
      %mul3A_3598 = arith.mulf %mul3A_3597, %tanh3A_3595 : vector<64x256xf32>
      %add3A_3599 = arith.constant 5.000000e-01 : f32
      %add3A_3600 = vector.broadcast %add3A_3599 : f32 to vector<64x256xf32>
      %add3A_3601 = arith.addf %mul3A_3598, %add3A_3600 : vector<64x256xf32>
      %slice3A_3602 = vector.extract_strided_slice %dot_general3A_3520 {offsets = [128, 0], sizes = [64, 256], strides = [1, 1]} : vector<256x256xf32> to vector<64x256xf32>
      %tanh3A_3603 = math.tanh %slice3A_3602 : vector<64x256xf32>
      %slice3A_3604 = vector.extract_strided_slice %dot_general3A_3520 {offsets = [192, 0], sizes = [64, 256], strides = [1, 1]} : vector<256x256xf32> to vector<64x256xf32>
      %tanh3A_3605 = math.tanh %slice3A_3604 : vector<64x256xf32>
      %mul3A_3606 = arith.constant 5.000000e-01 : f32
      %mul3A_3607 = vector.broadcast %mul3A_3606 : f32 to vector<64x256xf32>
      %mul3A_3608 = arith.mulf %mul3A_3607, %tanh3A_3605 : vector<64x256xf32>
      %add3A_3609 = arith.constant 5.000000e-01 : f32
      %add3A_3610 = vector.broadcast %add3A_3609 : f32 to vector<64x256xf32>
      %add3A_3611 = arith.addf %mul3A_3608, %add3A_3610 : vector<64x256xf32>
      %mul3A_3612 = arith.mulf %add3A_3601, %add3A_3460 : vector<64x256xf32>
      %mul3A_3613 = arith.mulf %add3A_3593, %tanh3A_3603 : vector<64x256xf32>
      %add3A_3614 = arith.addf %mul3A_3612, %mul3A_3613 : vector<64x256xf32>
      %tanh3A_3615 = math.tanh %add3A_3614 : vector<64x256xf32>
      %mul3A_3616 = arith.mulf %add3A_3611, %tanh3A_3615 : vector<64x256xf32>
      %slice3A_3617 = vector.extract_strided_slice %dot_general3A_3523 {offsets = [0, 0], sizes = [64, 256], strides = [1, 1]} : vector<256x256xf32> to vector<64x256xf32>
      %tanh3A_3618 = math.tanh %slice3A_3617 : vector<64x256xf32>
      %mul3A_3619 = arith.constant 5.000000e-01 : f32
      %mul3A_3620 = vector.broadcast %mul3A_3619 : f32 to vector<64x256xf32>
      %mul3A_3621 = arith.mulf %mul3A_3620, %tanh3A_3618 : vector<64x256xf32>
      %add3A_3622 = arith.constant 5.000000e-01 : f32
      %add3A_3623 = vector.broadcast %add3A_3622 : f32 to vector<64x256xf32>
      %add3A_3624 = arith.addf %mul3A_3621, %add3A_3623 : vector<64x256xf32>
      %slice3A_3625 = vector.extract_strided_slice %dot_general3A_3523 {offsets = [64, 0], sizes = [64, 256], strides = [1, 1]} : vector<256x256xf32> to vector<64x256xf32>
      %tanh3A_3626 = math.tanh %slice3A_3625 : vector<64x256xf32>
      %mul3A_3627 = arith.constant 5.000000e-01 : f32
      %mul3A_3628 = vector.broadcast %mul3A_3627 : f32 to vector<64x256xf32>
      %mul3A_3629 = arith.mulf %mul3A_3628, %tanh3A_3626 : vector<64x256xf32>
      %add3A_3630 = arith.constant 5.000000e-01 : f32
      %add3A_3631 = vector.broadcast %add3A_3630 : f32 to vector<64x256xf32>
      %add3A_3632 = arith.addf %mul3A_3629, %add3A_3631 : vector<64x256xf32>
      %slice3A_3633 = vector.extract_strided_slice %dot_general3A_3523 {offsets = [128, 0], sizes = [64, 256], strides = [1, 1]} : vector<256x256xf32> to vector<64x256xf32>
      %tanh3A_3634 = math.tanh %slice3A_3633 : vector<64x256xf32>
      %slice3A_3635 = vector.extract_strided_slice %dot_general3A_3523 {offsets = [192, 0], sizes = [64, 256], strides = [1, 1]} : vector<256x256xf32> to vector<64x256xf32>
      %tanh3A_3636 = math.tanh %slice3A_3635 : vector<64x256xf32>
      %mul3A_3637 = arith.constant 5.000000e-01 : f32
      %mul3A_3638 = vector.broadcast %mul3A_3637 : f32 to vector<64x256xf32>
      %mul3A_3639 = arith.mulf %mul3A_3638, %tanh3A_3636 : vector<64x256xf32>
      %add3A_3640 = arith.constant 5.000000e-01 : f32
      %add3A_3641 = vector.broadcast %add3A_3640 : f32 to vector<64x256xf32>
      %add3A_3642 = arith.addf %mul3A_3639, %add3A_3641 : vector<64x256xf32>
      %mul3A_3643 = arith.mulf %add3A_3632, %add3A_3491 : vector<64x256xf32>
      %mul3A_3644 = arith.mulf %add3A_3624, %tanh3A_3634 : vector<64x256xf32>
      %add3A_3645 = arith.addf %mul3A_3643, %mul3A_3644 : vector<64x256xf32>
      %tanh3A_3646 = math.tanh %add3A_3645 : vector<64x256xf32>
      %mul3A_3647 = arith.mulf %add3A_3642, %tanh3A_3646 : vector<64x256xf32>
      %mul3A_3648 = arith.constant 25 : i32
      %mul3A_3649 = arith.muli %scan3A_100, %mul3A_3648 : i32
      %add3A_3650 = arith.constant 23 : i32
      %add3A_3651 = arith.addi %mul3A_3649, %add3A_3650 : i32
      %mul3A_3652 = arith.constant 8 : i32
      %mul3A_3653 = arith.muli %add3A_3651, %mul3A_3652 : i32
      %get3A_3654 = arith.index_cast %mul3A_3653 : i32 to index
      %get3A_3655 = arith.constant 0 : index
      %get3A_3656 = vector.load %arg1[%get3A_3654, %get3A_3655] : memref<400x512xf32, #tpu.memory_space<vmem>>, vector<8x512xf32>
      %mul3A_3657 = arith.constant 8 : i32
      %mul3A_3658 = arith.muli %add3A_3651, %mul3A_3657 : i32
      %get3A_3659 = arith.index_cast %mul3A_3658 : i32 to index
      %get3A_3660 = arith.constant 0 : index
      %get3A_3661 = vector.load %arg2[%get3A_3659, %get3A_3660] : memref<400x512xf32, #tpu.memory_space<vmem>>, vector<8x512xf32>
      %slice3A_3662 = vector.extract_strided_slice %get3A_3656 {offsets = [0, 0], sizes = [8, 256], strides = [1, 1]} : vector<8x512xf32> to vector<8x256xf32>
      %slice3A_3663 = vector.extract_strided_slice %get3A_3656 {offsets = [0, 256], sizes = [8, 256], strides = [1, 1]} : vector<8x512xf32> to vector<8x256xf32>
      %slice3A_3664 = vector.extract_strided_slice %get3A_3661 {offsets = [0, 0], sizes = [8, 256], strides = [1, 1]} : vector<8x512xf32> to vector<8x256xf32>
      %slice3A_3665 = vector.extract_strided_slice %get3A_3661 {offsets = [0, 256], sizes = [8, 256], strides = [1, 1]} : vector<8x512xf32> to vector<8x256xf32>
      %concatenate3A_3666 = tpu.concatenate %slice3A_3662, %mul3A_3554 in 0 : vector<8x256xf32>, vector<64x256xf32> -> vector<72x256xf32>
      %dot_general3A_3667 = arith.constant dense<0.000000e+00> : vector<256x256xf32>
      %dot_general3A_3668 = tpu.matmul %get3A_8, %concatenate3A_3666, %dot_general3A_3667 {dimension_numbers = #tpu.dot_dimension_numbers<[1], [0], [0], [1], [0, 0, 1, 1], [], []>, transpose_lhs_hint = false} : vector<256x72xf32>, vector<72x256xf32>, vector<256x256xf32> -> vector<256x256xf32>
      %concatenate3A_3669 = tpu.concatenate %slice3A_3663, %mul3A_3585 in 0 : vector<8x256xf32>, vector<64x256xf32> -> vector<72x256xf32>
      %dot_general3A_3670 = arith.constant dense<0.000000e+00> : vector<256x256xf32>
      %dot_general3A_3671 = tpu.matmul %get3A_8, %concatenate3A_3669, %dot_general3A_3670 {dimension_numbers = #tpu.dot_dimension_numbers<[1], [0], [0], [1], [0, 0, 1, 1], [], []>, transpose_lhs_hint = false} : vector<256x72xf32>, vector<72x256xf32>, vector<256x256xf32> -> vector<256x256xf32>
      %concatenate3A_3672 = tpu.concatenate %slice3A_3664, %mul3A_3616 in 0 : vector<8x256xf32>, vector<64x256xf32> -> vector<72x256xf32>
      %dot_general3A_3673 = arith.constant dense<0.000000e+00> : vector<256x256xf32>
      %dot_general3A_3674 = tpu.matmul %get3A_8, %concatenate3A_3672, %dot_general3A_3673 {dimension_numbers = #tpu.dot_dimension_numbers<[1], [0], [0], [1], [0, 0, 1, 1], [], []>, transpose_lhs_hint = false} : vector<256x72xf32>, vector<72x256xf32>, vector<256x256xf32> -> vector<256x256xf32>
      %concatenate3A_3675 = tpu.concatenate %slice3A_3665, %mul3A_3647 in 0 : vector<8x256xf32>, vector<64x256xf32> -> vector<72x256xf32>
      %dot_general3A_3676 = arith.constant dense<0.000000e+00> : vector<256x256xf32>
      %dot_general3A_3677 = tpu.matmul %get3A_8, %concatenate3A_3675, %dot_general3A_3676 {dimension_numbers = #tpu.dot_dimension_numbers<[1], [0], [0], [1], [0, 0, 1, 1], [], []>, transpose_lhs_hint = false} : vector<256x72xf32>, vector<72x256xf32>, vector<256x256xf32> -> vector<256x256xf32>
      %slice3A_3678 = vector.extract_strided_slice %dot_general3A_3668 {offsets = [0, 0], sizes = [64, 256], strides = [1, 1]} : vector<256x256xf32> to vector<64x256xf32>
      %tanh3A_3679 = math.tanh %slice3A_3678 : vector<64x256xf32>
      %mul3A_3680 = arith.constant 5.000000e-01 : f32
      %mul3A_3681 = vector.broadcast %mul3A_3680 : f32 to vector<64x256xf32>
      %mul3A_3682 = arith.mulf %mul3A_3681, %tanh3A_3679 : vector<64x256xf32>
      %add3A_3683 = arith.constant 5.000000e-01 : f32
      %add3A_3684 = vector.broadcast %add3A_3683 : f32 to vector<64x256xf32>
      %add3A_3685 = arith.addf %mul3A_3682, %add3A_3684 : vector<64x256xf32>
      %slice3A_3686 = vector.extract_strided_slice %dot_general3A_3668 {offsets = [64, 0], sizes = [64, 256], strides = [1, 1]} : vector<256x256xf32> to vector<64x256xf32>
      %tanh3A_3687 = math.tanh %slice3A_3686 : vector<64x256xf32>
      %mul3A_3688 = arith.constant 5.000000e-01 : f32
      %mul3A_3689 = vector.broadcast %mul3A_3688 : f32 to vector<64x256xf32>
      %mul3A_3690 = arith.mulf %mul3A_3689, %tanh3A_3687 : vector<64x256xf32>
      %add3A_3691 = arith.constant 5.000000e-01 : f32
      %add3A_3692 = vector.broadcast %add3A_3691 : f32 to vector<64x256xf32>
      %add3A_3693 = arith.addf %mul3A_3690, %add3A_3692 : vector<64x256xf32>
      %slice3A_3694 = vector.extract_strided_slice %dot_general3A_3668 {offsets = [128, 0], sizes = [64, 256], strides = [1, 1]} : vector<256x256xf32> to vector<64x256xf32>
      %tanh3A_3695 = math.tanh %slice3A_3694 : vector<64x256xf32>
      %slice3A_3696 = vector.extract_strided_slice %dot_general3A_3668 {offsets = [192, 0], sizes = [64, 256], strides = [1, 1]} : vector<256x256xf32> to vector<64x256xf32>
      %tanh3A_3697 = math.tanh %slice3A_3696 : vector<64x256xf32>
      %mul3A_3698 = arith.constant 5.000000e-01 : f32
      %mul3A_3699 = vector.broadcast %mul3A_3698 : f32 to vector<64x256xf32>
      %mul3A_3700 = arith.mulf %mul3A_3699, %tanh3A_3697 : vector<64x256xf32>
      %add3A_3701 = arith.constant 5.000000e-01 : f32
      %add3A_3702 = vector.broadcast %add3A_3701 : f32 to vector<64x256xf32>
      %add3A_3703 = arith.addf %mul3A_3700, %add3A_3702 : vector<64x256xf32>
      %mul3A_3704 = arith.mulf %add3A_3693, %add3A_3552 : vector<64x256xf32>
      %mul3A_3705 = arith.mulf %add3A_3685, %tanh3A_3695 : vector<64x256xf32>
      %add3A_3706 = arith.addf %mul3A_3704, %mul3A_3705 : vector<64x256xf32>
      %tanh3A_3707 = math.tanh %add3A_3706 : vector<64x256xf32>
      %mul3A_3708 = arith.mulf %add3A_3703, %tanh3A_3707 : vector<64x256xf32>
      %slice3A_3709 = vector.extract_strided_slice %dot_general3A_3671 {offsets = [0, 0], sizes = [64, 256], strides = [1, 1]} : vector<256x256xf32> to vector<64x256xf32>
      %tanh3A_3710 = math.tanh %slice3A_3709 : vector<64x256xf32>
      %mul3A_3711 = arith.constant 5.000000e-01 : f32
      %mul3A_3712 = vector.broadcast %mul3A_3711 : f32 to vector<64x256xf32>
      %mul3A_3713 = arith.mulf %mul3A_3712, %tanh3A_3710 : vector<64x256xf32>
      %add3A_3714 = arith.constant 5.000000e-01 : f32
      %add3A_3715 = vector.broadcast %add3A_3714 : f32 to vector<64x256xf32>
      %add3A_3716 = arith.addf %mul3A_3713, %add3A_3715 : vector<64x256xf32>
      %slice3A_3717 = vector.extract_strided_slice %dot_general3A_3671 {offsets = [64, 0], sizes = [64, 256], strides = [1, 1]} : vector<256x256xf32> to vector<64x256xf32>
      %tanh3A_3718 = math.tanh %slice3A_3717 : vector<64x256xf32>
      %mul3A_3719 = arith.constant 5.000000e-01 : f32
      %mul3A_3720 = vector.broadcast %mul3A_3719 : f32 to vector<64x256xf32>
      %mul3A_3721 = arith.mulf %mul3A_3720, %tanh3A_3718 : vector<64x256xf32>
      %add3A_3722 = arith.constant 5.000000e-01 : f32
      %add3A_3723 = vector.broadcast %add3A_3722 : f32 to vector<64x256xf32>
      %add3A_3724 = arith.addf %mul3A_3721, %add3A_3723 : vector<64x256xf32>
      %slice3A_3725 = vector.extract_strided_slice %dot_general3A_3671 {offsets = [128, 0], sizes = [64, 256], strides = [1, 1]} : vector<256x256xf32> to vector<64x256xf32>
      %tanh3A_3726 = math.tanh %slice3A_3725 : vector<64x256xf32>
      %slice3A_3727 = vector.extract_strided_slice %dot_general3A_3671 {offsets = [192, 0], sizes = [64, 256], strides = [1, 1]} : vector<256x256xf32> to vector<64x256xf32>
      %tanh3A_3728 = math.tanh %slice3A_3727 : vector<64x256xf32>
      %mul3A_3729 = arith.constant 5.000000e-01 : f32
      %mul3A_3730 = vector.broadcast %mul3A_3729 : f32 to vector<64x256xf32>
      %mul3A_3731 = arith.mulf %mul3A_3730, %tanh3A_3728 : vector<64x256xf32>
      %add3A_3732 = arith.constant 5.000000e-01 : f32
      %add3A_3733 = vector.broadcast %add3A_3732 : f32 to vector<64x256xf32>
      %add3A_3734 = arith.addf %mul3A_3731, %add3A_3733 : vector<64x256xf32>
      %mul3A_3735 = arith.mulf %add3A_3724, %add3A_3583 : vector<64x256xf32>
      %mul3A_3736 = arith.mulf %add3A_3716, %tanh3A_3726 : vector<64x256xf32>
      %add3A_3737 = arith.addf %mul3A_3735, %mul3A_3736 : vector<64x256xf32>
      %tanh3A_3738 = math.tanh %add3A_3737 : vector<64x256xf32>
      %mul3A_3739 = arith.mulf %add3A_3734, %tanh3A_3738 : vector<64x256xf32>
      %slice3A_3740 = vector.extract_strided_slice %dot_general3A_3674 {offsets = [0, 0], sizes = [64, 256], strides = [1, 1]} : vector<256x256xf32> to vector<64x256xf32>
      %tanh3A_3741 = math.tanh %slice3A_3740 : vector<64x256xf32>
      %mul3A_3742 = arith.constant 5.000000e-01 : f32
      %mul3A_3743 = vector.broadcast %mul3A_3742 : f32 to vector<64x256xf32>
      %mul3A_3744 = arith.mulf %mul3A_3743, %tanh3A_3741 : vector<64x256xf32>
      %add3A_3745 = arith.constant 5.000000e-01 : f32
      %add3A_3746 = vector.broadcast %add3A_3745 : f32 to vector<64x256xf32>
      %add3A_3747 = arith.addf %mul3A_3744, %add3A_3746 : vector<64x256xf32>
      %slice3A_3748 = vector.extract_strided_slice %dot_general3A_3674 {offsets = [64, 0], sizes = [64, 256], strides = [1, 1]} : vector<256x256xf32> to vector<64x256xf32>
      %tanh3A_3749 = math.tanh %slice3A_3748 : vector<64x256xf32>
      %mul3A_3750 = arith.constant 5.000000e-01 : f32
      %mul3A_3751 = vector.broadcast %mul3A_3750 : f32 to vector<64x256xf32>
      %mul3A_3752 = arith.mulf %mul3A_3751, %tanh3A_3749 : vector<64x256xf32>
      %add3A_3753 = arith.constant 5.000000e-01 : f32
      %add3A_3754 = vector.broadcast %add3A_3753 : f32 to vector<64x256xf32>
      %add3A_3755 = arith.addf %mul3A_3752, %add3A_3754 : vector<64x256xf32>
      %slice3A_3756 = vector.extract_strided_slice %dot_general3A_3674 {offsets = [128, 0], sizes = [64, 256], strides = [1, 1]} : vector<256x256xf32> to vector<64x256xf32>
      %tanh3A_3757 = math.tanh %slice3A_3756 : vector<64x256xf32>
      %slice3A_3758 = vector.extract_strided_slice %dot_general3A_3674 {offsets = [192, 0], sizes = [64, 256], strides = [1, 1]} : vector<256x256xf32> to vector<64x256xf32>
      %tanh3A_3759 = math.tanh %slice3A_3758 : vector<64x256xf32>
      %mul3A_3760 = arith.constant 5.000000e-01 : f32
      %mul3A_3761 = vector.broadcast %mul3A_3760 : f32 to vector<64x256xf32>
      %mul3A_3762 = arith.mulf %mul3A_3761, %tanh3A_3759 : vector<64x256xf32>
      %add3A_3763 = arith.constant 5.000000e-01 : f32
      %add3A_3764 = vector.broadcast %add3A_3763 : f32 to vector<64x256xf32>
      %add3A_3765 = arith.addf %mul3A_3762, %add3A_3764 : vector<64x256xf32>
      %mul3A_3766 = arith.mulf %add3A_3755, %add3A_3614 : vector<64x256xf32>
      %mul3A_3767 = arith.mulf %add3A_3747, %tanh3A_3757 : vector<64x256xf32>
      %add3A_3768 = arith.addf %mul3A_3766, %mul3A_3767 : vector<64x256xf32>
      %tanh3A_3769 = math.tanh %add3A_3768 : vector<64x256xf32>
      %mul3A_3770 = arith.mulf %add3A_3765, %tanh3A_3769 : vector<64x256xf32>
      %slice3A_3771 = vector.extract_strided_slice %dot_general3A_3677 {offsets = [0, 0], sizes = [64, 256], strides = [1, 1]} : vector<256x256xf32> to vector<64x256xf32>
      %tanh3A_3772 = math.tanh %slice3A_3771 : vector<64x256xf32>
      %mul3A_3773 = arith.constant 5.000000e-01 : f32
      %mul3A_3774 = vector.broadcast %mul3A_3773 : f32 to vector<64x256xf32>
      %mul3A_3775 = arith.mulf %mul3A_3774, %tanh3A_3772 : vector<64x256xf32>
      %add3A_3776 = arith.constant 5.000000e-01 : f32
      %add3A_3777 = vector.broadcast %add3A_3776 : f32 to vector<64x256xf32>
      %add3A_3778 = arith.addf %mul3A_3775, %add3A_3777 : vector<64x256xf32>
      %slice3A_3779 = vector.extract_strided_slice %dot_general3A_3677 {offsets = [64, 0], sizes = [64, 256], strides = [1, 1]} : vector<256x256xf32> to vector<64x256xf32>
      %tanh3A_3780 = math.tanh %slice3A_3779 : vector<64x256xf32>
      %mul3A_3781 = arith.constant 5.000000e-01 : f32
      %mul3A_3782 = vector.broadcast %mul3A_3781 : f32 to vector<64x256xf32>
      %mul3A_3783 = arith.mulf %mul3A_3782, %tanh3A_3780 : vector<64x256xf32>
      %add3A_3784 = arith.constant 5.000000e-01 : f32
      %add3A_3785 = vector.broadcast %add3A_3784 : f32 to vector<64x256xf32>
      %add3A_3786 = arith.addf %mul3A_3783, %add3A_3785 : vector<64x256xf32>
      %slice3A_3787 = vector.extract_strided_slice %dot_general3A_3677 {offsets = [128, 0], sizes = [64, 256], strides = [1, 1]} : vector<256x256xf32> to vector<64x256xf32>
      %tanh3A_3788 = math.tanh %slice3A_3787 : vector<64x256xf32>
      %slice3A_3789 = vector.extract_strided_slice %dot_general3A_3677 {offsets = [192, 0], sizes = [64, 256], strides = [1, 1]} : vector<256x256xf32> to vector<64x256xf32>
      %tanh3A_3790 = math.tanh %slice3A_3789 : vector<64x256xf32>
      %mul3A_3791 = arith.constant 5.000000e-01 : f32
      %mul3A_3792 = vector.broadcast %mul3A_3791 : f32 to vector<64x256xf32>
      %mul3A_3793 = arith.mulf %mul3A_3792, %tanh3A_3790 : vector<64x256xf32>
      %add3A_3794 = arith.constant 5.000000e-01 : f32
      %add3A_3795 = vector.broadcast %add3A_3794 : f32 to vector<64x256xf32>
      %add3A_3796 = arith.addf %mul3A_3793, %add3A_3795 : vector<64x256xf32>
      %mul3A_3797 = arith.mulf %add3A_3786, %add3A_3645 : vector<64x256xf32>
      %mul3A_3798 = arith.mulf %add3A_3778, %tanh3A_3788 : vector<64x256xf32>
      %add3A_3799 = arith.addf %mul3A_3797, %mul3A_3798 : vector<64x256xf32>
      %tanh3A_3800 = math.tanh %add3A_3799 : vector<64x256xf32>
      %mul3A_3801 = arith.mulf %add3A_3796, %tanh3A_3800 : vector<64x256xf32>
      %mul3A_3802 = arith.constant 25 : i32
      %mul3A_3803 = arith.muli %scan3A_100, %mul3A_3802 : i32
      %add3A_3804 = arith.constant 24 : i32
      %add3A_3805 = arith.addi %mul3A_3803, %add3A_3804 : i32
      %mul3A_3806 = arith.constant 8 : i32
      %mul3A_3807 = arith.muli %add3A_3805, %mul3A_3806 : i32
      %get3A_3808 = arith.index_cast %mul3A_3807 : i32 to index
      %get3A_3809 = arith.constant 0 : index
      %get3A_3810 = vector.load %arg1[%get3A_3808, %get3A_3809] : memref<400x512xf32, #tpu.memory_space<vmem>>, vector<8x512xf32>
      %mul3A_3811 = arith.constant 8 : i32
      %mul3A_3812 = arith.muli %add3A_3805, %mul3A_3811 : i32
      %get3A_3813 = arith.index_cast %mul3A_3812 : i32 to index
      %get3A_3814 = arith.constant 0 : index
      %get3A_3815 = vector.load %arg2[%get3A_3813, %get3A_3814] : memref<400x512xf32, #tpu.memory_space<vmem>>, vector<8x512xf32>
      %slice3A_3816 = vector.extract_strided_slice %get3A_3810 {offsets = [0, 0], sizes = [8, 256], strides = [1, 1]} : vector<8x512xf32> to vector<8x256xf32>
      %slice3A_3817 = vector.extract_strided_slice %get3A_3810 {offsets = [0, 256], sizes = [8, 256], strides = [1, 1]} : vector<8x512xf32> to vector<8x256xf32>
      %slice3A_3818 = vector.extract_strided_slice %get3A_3815 {offsets = [0, 0], sizes = [8, 256], strides = [1, 1]} : vector<8x512xf32> to vector<8x256xf32>
      %slice3A_3819 = vector.extract_strided_slice %get3A_3815 {offsets = [0, 256], sizes = [8, 256], strides = [1, 1]} : vector<8x512xf32> to vector<8x256xf32>
      %concatenate3A_3820 = tpu.concatenate %slice3A_3816, %mul3A_3708 in 0 : vector<8x256xf32>, vector<64x256xf32> -> vector<72x256xf32>
      %dot_general3A_3821 = arith.constant dense<0.000000e+00> : vector<256x256xf32>
      %dot_general3A_3822 = tpu.matmul %get3A_8, %concatenate3A_3820, %dot_general3A_3821 {dimension_numbers = #tpu.dot_dimension_numbers<[1], [0], [0], [1], [0, 0, 1, 1], [], []>, transpose_lhs_hint = false} : vector<256x72xf32>, vector<72x256xf32>, vector<256x256xf32> -> vector<256x256xf32>
      %concatenate3A_3823 = tpu.concatenate %slice3A_3817, %mul3A_3739 in 0 : vector<8x256xf32>, vector<64x256xf32> -> vector<72x256xf32>
      %dot_general3A_3824 = arith.constant dense<0.000000e+00> : vector<256x256xf32>
      %dot_general3A_3825 = tpu.matmul %get3A_8, %concatenate3A_3823, %dot_general3A_3824 {dimension_numbers = #tpu.dot_dimension_numbers<[1], [0], [0], [1], [0, 0, 1, 1], [], []>, transpose_lhs_hint = false} : vector<256x72xf32>, vector<72x256xf32>, vector<256x256xf32> -> vector<256x256xf32>
      %concatenate3A_3826 = tpu.concatenate %slice3A_3818, %mul3A_3770 in 0 : vector<8x256xf32>, vector<64x256xf32> -> vector<72x256xf32>
      %dot_general3A_3827 = arith.constant dense<0.000000e+00> : vector<256x256xf32>
      %dot_general3A_3828 = tpu.matmul %get3A_8, %concatenate3A_3826, %dot_general3A_3827 {dimension_numbers = #tpu.dot_dimension_numbers<[1], [0], [0], [1], [0, 0, 1, 1], [], []>, transpose_lhs_hint = false} : vector<256x72xf32>, vector<72x256xf32>, vector<256x256xf32> -> vector<256x256xf32>
      %concatenate3A_3829 = tpu.concatenate %slice3A_3819, %mul3A_3801 in 0 : vector<8x256xf32>, vector<64x256xf32> -> vector<72x256xf32>
      %dot_general3A_3830 = arith.constant dense<0.000000e+00> : vector<256x256xf32>
      %dot_general3A_3831 = tpu.matmul %get3A_8, %concatenate3A_3829, %dot_general3A_3830 {dimension_numbers = #tpu.dot_dimension_numbers<[1], [0], [0], [1], [0, 0, 1, 1], [], []>, transpose_lhs_hint = false} : vector<256x72xf32>, vector<72x256xf32>, vector<256x256xf32> -> vector<256x256xf32>
      %slice3A_3832 = vector.extract_strided_slice %dot_general3A_3822 {offsets = [0, 0], sizes = [64, 256], strides = [1, 1]} : vector<256x256xf32> to vector<64x256xf32>
      %tanh3A_3833 = math.tanh %slice3A_3832 : vector<64x256xf32>
      %mul3A_3834 = arith.constant 5.000000e-01 : f32
      %mul3A_3835 = vector.broadcast %mul3A_3834 : f32 to vector<64x256xf32>
      %mul3A_3836 = arith.mulf %mul3A_3835, %tanh3A_3833 : vector<64x256xf32>
      %add3A_3837 = arith.constant 5.000000e-01 : f32
      %add3A_3838 = vector.broadcast %add3A_3837 : f32 to vector<64x256xf32>
      %add3A_3839 = arith.addf %mul3A_3836, %add3A_3838 : vector<64x256xf32>
      %slice3A_3840 = vector.extract_strided_slice %dot_general3A_3822 {offsets = [64, 0], sizes = [64, 256], strides = [1, 1]} : vector<256x256xf32> to vector<64x256xf32>
      %tanh3A_3841 = math.tanh %slice3A_3840 : vector<64x256xf32>
      %mul3A_3842 = arith.constant 5.000000e-01 : f32
      %mul3A_3843 = vector.broadcast %mul3A_3842 : f32 to vector<64x256xf32>
      %mul3A_3844 = arith.mulf %mul3A_3843, %tanh3A_3841 : vector<64x256xf32>
      %add3A_3845 = arith.constant 5.000000e-01 : f32
      %add3A_3846 = vector.broadcast %add3A_3845 : f32 to vector<64x256xf32>
      %add3A_3847 = arith.addf %mul3A_3844, %add3A_3846 : vector<64x256xf32>
      %slice3A_3848 = vector.extract_strided_slice %dot_general3A_3822 {offsets = [128, 0], sizes = [64, 256], strides = [1, 1]} : vector<256x256xf32> to vector<64x256xf32>
      %tanh3A_3849 = math.tanh %slice3A_3848 : vector<64x256xf32>
      %slice3A_3850 = vector.extract_strided_slice %dot_general3A_3822 {offsets = [192, 0], sizes = [64, 256], strides = [1, 1]} : vector<256x256xf32> to vector<64x256xf32>
      %tanh3A_3851 = math.tanh %slice3A_3850 : vector<64x256xf32>
      %mul3A_3852 = arith.constant 5.000000e-01 : f32
      %mul3A_3853 = vector.broadcast %mul3A_3852 : f32 to vector<64x256xf32>
      %mul3A_3854 = arith.mulf %mul3A_3853, %tanh3A_3851 : vector<64x256xf32>
      %add3A_3855 = arith.constant 5.000000e-01 : f32
      %add3A_3856 = vector.broadcast %add3A_3855 : f32 to vector<64x256xf32>
      %add3A_3857 = arith.addf %mul3A_3854, %add3A_3856 : vector<64x256xf32>
      %mul3A_3858 = arith.mulf %add3A_3847, %add3A_3706 : vector<64x256xf32>
      %mul3A_3859 = arith.mulf %add3A_3839, %tanh3A_3849 : vector<64x256xf32>
      %add3A_3860 = arith.addf %mul3A_3858, %mul3A_3859 : vector<64x256xf32>
      %tanh3A_3861 = math.tanh %add3A_3860 : vector<64x256xf32>
      %mul3A_3862 = arith.mulf %add3A_3857, %tanh3A_3861 : vector<64x256xf32>
      %slice3A_3863 = vector.extract_strided_slice %dot_general3A_3825 {offsets = [0, 0], sizes = [64, 256], strides = [1, 1]} : vector<256x256xf32> to vector<64x256xf32>
      %tanh3A_3864 = math.tanh %slice3A_3863 : vector<64x256xf32>
      %mul3A_3865 = arith.constant 5.000000e-01 : f32
      %mul3A_3866 = vector.broadcast %mul3A_3865 : f32 to vector<64x256xf32>
      %mul3A_3867 = arith.mulf %mul3A_3866, %tanh3A_3864 : vector<64x256xf32>
      %add3A_3868 = arith.constant 5.000000e-01 : f32
      %add3A_3869 = vector.broadcast %add3A_3868 : f32 to vector<64x256xf32>
      %add3A_3870 = arith.addf %mul3A_3867, %add3A_3869 : vector<64x256xf32>
      %slice3A_3871 = vector.extract_strided_slice %dot_general3A_3825 {offsets = [64, 0], sizes = [64, 256], strides = [1, 1]} : vector<256x256xf32> to vector<64x256xf32>
      %tanh3A_3872 = math.tanh %slice3A_3871 : vector<64x256xf32>
      %mul3A_3873 = arith.constant 5.000000e-01 : f32
      %mul3A_3874 = vector.broadcast %mul3A_3873 : f32 to vector<64x256xf32>
      %mul3A_3875 = arith.mulf %mul3A_3874, %tanh3A_3872 : vector<64x256xf32>
      %add3A_3876 = arith.constant 5.000000e-01 : f32
      %add3A_3877 = vector.broadcast %add3A_3876 : f32 to vector<64x256xf32>
      %add3A_3878 = arith.addf %mul3A_3875, %add3A_3877 : vector<64x256xf32>
      %slice3A_3879 = vector.extract_strided_slice %dot_general3A_3825 {offsets = [128, 0], sizes = [64, 256], strides = [1, 1]} : vector<256x256xf32> to vector<64x256xf32>
      %tanh3A_3880 = math.tanh %slice3A_3879 : vector<64x256xf32>
      %slice3A_3881 = vector.extract_strided_slice %dot_general3A_3825 {offsets = [192, 0], sizes = [64, 256], strides = [1, 1]} : vector<256x256xf32> to vector<64x256xf32>
      %tanh3A_3882 = math.tanh %slice3A_3881 : vector<64x256xf32>
      %mul3A_3883 = arith.constant 5.000000e-01 : f32
      %mul3A_3884 = vector.broadcast %mul3A_3883 : f32 to vector<64x256xf32>
      %mul3A_3885 = arith.mulf %mul3A_3884, %tanh3A_3882 : vector<64x256xf32>
      %add3A_3886 = arith.constant 5.000000e-01 : f32
      %add3A_3887 = vector.broadcast %add3A_3886 : f32 to vector<64x256xf32>
      %add3A_3888 = arith.addf %mul3A_3885, %add3A_3887 : vector<64x256xf32>
      %mul3A_3889 = arith.mulf %add3A_3878, %add3A_3737 : vector<64x256xf32>
      %mul3A_3890 = arith.mulf %add3A_3870, %tanh3A_3880 : vector<64x256xf32>
      %add3A_3891 = arith.addf %mul3A_3889, %mul3A_3890 : vector<64x256xf32>
      %tanh3A_3892 = math.tanh %add3A_3891 : vector<64x256xf32>
      %mul3A_3893 = arith.mulf %add3A_3888, %tanh3A_3892 : vector<64x256xf32>
      %slice3A_3894 = vector.extract_strided_slice %dot_general3A_3828 {offsets = [0, 0], sizes = [64, 256], strides = [1, 1]} : vector<256x256xf32> to vector<64x256xf32>
      %tanh3A_3895 = math.tanh %slice3A_3894 : vector<64x256xf32>
      %mul3A_3896 = arith.constant 5.000000e-01 : f32
      %mul3A_3897 = vector.broadcast %mul3A_3896 : f32 to vector<64x256xf32>
      %mul3A_3898 = arith.mulf %mul3A_3897, %tanh3A_3895 : vector<64x256xf32>
      %add3A_3899 = arith.constant 5.000000e-01 : f32
      %add3A_3900 = vector.broadcast %add3A_3899 : f32 to vector<64x256xf32>
      %add3A_3901 = arith.addf %mul3A_3898, %add3A_3900 : vector<64x256xf32>
      %slice3A_3902 = vector.extract_strided_slice %dot_general3A_3828 {offsets = [64, 0], sizes = [64, 256], strides = [1, 1]} : vector<256x256xf32> to vector<64x256xf32>
      %tanh3A_3903 = math.tanh %slice3A_3902 : vector<64x256xf32>
      %mul3A_3904 = arith.constant 5.000000e-01 : f32
      %mul3A_3905 = vector.broadcast %mul3A_3904 : f32 to vector<64x256xf32>
      %mul3A_3906 = arith.mulf %mul3A_3905, %tanh3A_3903 : vector<64x256xf32>
      %add3A_3907 = arith.constant 5.000000e-01 : f32
      %add3A_3908 = vector.broadcast %add3A_3907 : f32 to vector<64x256xf32>
      %add3A_3909 = arith.addf %mul3A_3906, %add3A_3908 : vector<64x256xf32>
      %slice3A_3910 = vector.extract_strided_slice %dot_general3A_3828 {offsets = [128, 0], sizes = [64, 256], strides = [1, 1]} : vector<256x256xf32> to vector<64x256xf32>
      %tanh3A_3911 = math.tanh %slice3A_3910 : vector<64x256xf32>
      %slice3A_3912 = vector.extract_strided_slice %dot_general3A_3828 {offsets = [192, 0], sizes = [64, 256], strides = [1, 1]} : vector<256x256xf32> to vector<64x256xf32>
      %tanh3A_3913 = math.tanh %slice3A_3912 : vector<64x256xf32>
      %mul3A_3914 = arith.constant 5.000000e-01 : f32
      %mul3A_3915 = vector.broadcast %mul3A_3914 : f32 to vector<64x256xf32>
      %mul3A_3916 = arith.mulf %mul3A_3915, %tanh3A_3913 : vector<64x256xf32>
      %add3A_3917 = arith.constant 5.000000e-01 : f32
      %add3A_3918 = vector.broadcast %add3A_3917 : f32 to vector<64x256xf32>
      %add3A_3919 = arith.addf %mul3A_3916, %add3A_3918 : vector<64x256xf32>
      %mul3A_3920 = arith.mulf %add3A_3909, %add3A_3768 : vector<64x256xf32>
      %mul3A_3921 = arith.mulf %add3A_3901, %tanh3A_3911 : vector<64x256xf32>
      %add3A_3922 = arith.addf %mul3A_3920, %mul3A_3921 : vector<64x256xf32>
      %tanh3A_3923 = math.tanh %add3A_3922 : vector<64x256xf32>
      %mul3A_3924 = arith.mulf %add3A_3919, %tanh3A_3923 : vector<64x256xf32>
      %slice3A_3925 = vector.extract_strided_slice %dot_general3A_3831 {offsets = [0, 0], sizes = [64, 256], strides = [1, 1]} : vector<256x256xf32> to vector<64x256xf32>
      %tanh3A_3926 = math.tanh %slice3A_3925 : vector<64x256xf32>
      %mul3A_3927 = arith.constant 5.000000e-01 : f32
      %mul3A_3928 = vector.broadcast %mul3A_3927 : f32 to vector<64x256xf32>
      %mul3A_3929 = arith.mulf %mul3A_3928, %tanh3A_3926 : vector<64x256xf32>
      %add3A_3930 = arith.constant 5.000000e-01 : f32
      %add3A_3931 = vector.broadcast %add3A_3930 : f32 to vector<64x256xf32>
      %add3A_3932 = arith.addf %mul3A_3929, %add3A_3931 : vector<64x256xf32>
      %slice3A_3933 = vector.extract_strided_slice %dot_general3A_3831 {offsets = [64, 0], sizes = [64, 256], strides = [1, 1]} : vector<256x256xf32> to vector<64x256xf32>
      %tanh3A_3934 = math.tanh %slice3A_3933 : vector<64x256xf32>
      %mul3A_3935 = arith.constant 5.000000e-01 : f32
      %mul3A_3936 = vector.broadcast %mul3A_3935 : f32 to vector<64x256xf32>
      %mul3A_3937 = arith.mulf %mul3A_3936, %tanh3A_3934 : vector<64x256xf32>
      %add3A_3938 = arith.constant 5.000000e-01 : f32
      %add3A_3939 = vector.broadcast %add3A_3938 : f32 to vector<64x256xf32>
      %add3A_3940 = arith.addf %mul3A_3937, %add3A_3939 : vector<64x256xf32>
      %slice3A_3941 = vector.extract_strided_slice %dot_general3A_3831 {offsets = [128, 0], sizes = [64, 256], strides = [1, 1]} : vector<256x256xf32> to vector<64x256xf32>
      %tanh3A_3942 = math.tanh %slice3A_3941 : vector<64x256xf32>
      %slice3A_3943 = vector.extract_strided_slice %dot_general3A_3831 {offsets = [192, 0], sizes = [64, 256], strides = [1, 1]} : vector<256x256xf32> to vector<64x256xf32>
      %tanh3A_3944 = math.tanh %slice3A_3943 : vector<64x256xf32>
      %mul3A_3945 = arith.constant 5.000000e-01 : f32
      %mul3A_3946 = vector.broadcast %mul3A_3945 : f32 to vector<64x256xf32>
      %mul3A_3947 = arith.mulf %mul3A_3946, %tanh3A_3944 : vector<64x256xf32>
      %add3A_3948 = arith.constant 5.000000e-01 : f32
      %add3A_3949 = vector.broadcast %add3A_3948 : f32 to vector<64x256xf32>
      %add3A_3950 = arith.addf %mul3A_3947, %add3A_3949 : vector<64x256xf32>
      %mul3A_3951 = arith.mulf %add3A_3940, %add3A_3799 : vector<64x256xf32>
      %mul3A_3952 = arith.mulf %add3A_3932, %tanh3A_3942 : vector<64x256xf32>
      %add3A_3953 = arith.addf %mul3A_3951, %mul3A_3952 : vector<64x256xf32>
      %tanh3A_3954 = math.tanh %add3A_3953 : vector<64x256xf32>
      %mul3A_3955 = arith.mulf %add3A_3950, %tanh3A_3954 : vector<64x256xf32>
      scf.yield %mul3A_3862, %mul3A_3893, %mul3A_3924, %mul3A_3955, %add3A_3860, %add3A_3891, %add3A_3922, %add3A_3953 : vector<64x256xf32>, vector<64x256xf32>, vector<64x256xf32>, vector<64x256xf32>, vector<64x256xf32>, vector<64x256xf32>, vector<64x256xf32>, vector<64x256xf32>
    }
    %scan3A_14 = arith.constant 2 : i32
    %concatenate3A = tpu.concatenate %scan3A_13#0, %scan3A_13#1 in 1 : vector<64x256xf32>, vector<64x256xf32> -> vector<64x512xf32>
    %concatenate3A_15 = tpu.concatenate %scan3A_13#2, %scan3A_13#3 in 1 : vector<64x256xf32>, vector<64x256xf32> -> vector<64x512xf32>
    %iota3A = tpu.iota {dimensions = array<i32: 0>} : vector<104x512xi32>
    %get3A_16 = arith.constant 0 : index
    %get3A_17 = arith.constant 0 : index
    %get3A_18 = vector.load %arg3[%get3A_16, %get3A_17] : memref<1x512xi32, #tpu.memory_space<vmem>>, vector<1x512xi32>
    %eq3A = vector.broadcast %get3A_18 : vector<1x512xi32> to vector<104x512xi32>
    %eq3A_19 = arith.cmpi eq, %iota3A, %eq3A : vector<104x512xi32>
    %convert_element_type3A = arith.extui %eq3A_19 : vector<104x512xi1> to vector<104x512xi32>
    %convert_element_type3A_20 = arith.sitofp %convert_element_type3A : vector<104x512xi32> to vector<104x512xf32>
    %dot_general3A_21 = arith.constant dense<0.000000e+00> : vector<64x512xf32>
    %dot_general3A_22 = tpu.matmul %dot_general3A_5, %convert_element_type3A_20, %dot_general3A_21 {dimension_numbers = #tpu.dot_dimension_numbers<[1], [0], [0], [1], [0, 0, 1, 1], [], []>, transpose_lhs_hint = false} : vector<64x104xf32>, vector<104x512xf32>, vector<64x512xf32> -> vector<64x512xf32>
    %get3A_23 = arith.constant 0 : index
    %get3A_24 = arith.constant 0 : index
    %get3A_25 = vector.load %arg13[%get3A_23, %get3A_24] : memref<64x64xf32, #tpu.memory_space<vmem>>, vector<64x64xf32>
    %dot_general3A_26 = arith.constant dense<0.000000e+00> : vector<64x512xf32>
    %dot_general3A_27 = tpu.matmul %get3A_25, %concatenate3A, %dot_general3A_26 {dimension_numbers = #tpu.dot_dimension_numbers<[1], [0], [0], [1], [0, 0, 1, 1], [], []>, transpose_lhs_hint = false} : vector<64x64xf32>, vector<64x512xf32>, vector<64x512xf32> -> vector<64x512xf32>
    %add3A = arith.addf %dot_general3A_22, %dot_general3A_27 : vector<64x512xf32>
    %get3A_28 = arith.constant 0 : index
    %get3A_29 = arith.constant 0 : index
    %get3A_30 = vector.load %arg14[%get3A_28, %get3A_29] : memref<64x64xf32, #tpu.memory_space<vmem>>, vector<64x64xf32>
    %dot_general3A_31 = arith.constant dense<0.000000e+00> : vector<64x512xf32>
    %dot_general3A_32 = tpu.matmul %get3A_30, %concatenate3A_15, %dot_general3A_31 {dimension_numbers = #tpu.dot_dimension_numbers<[1], [0], [0], [1], [0, 0, 1, 1], [], []>, transpose_lhs_hint = false} : vector<64x64xf32>, vector<64x512xf32>, vector<64x512xf32> -> vector<64x512xf32>
    %add3A_33 = arith.addf %add3A, %dot_general3A_32 : vector<64x512xf32>
    %get3A_34 = arith.constant 0 : index
    %get3A_35 = arith.constant 0 : index
    %get3A_36 = vector.load %arg15[%get3A_34, %get3A_35] : memref<64x8xf32, #tpu.memory_space<vmem>>, vector<64x8xf32>
    %get3A_37 = arith.constant 0 : index
    %get3A_38 = arith.constant 0 : index
    %get3A_39 = vector.load %arg6[%get3A_37, %get3A_38] : memref<8x512xf32, #tpu.memory_space<vmem>>, vector<8x512xf32>
    %dot_general3A_40 = arith.constant dense<0.000000e+00> : vector<64x512xf32>
    %dot_general3A_41 = tpu.matmul %get3A_36, %get3A_39, %dot_general3A_40 {dimension_numbers = #tpu.dot_dimension_numbers<[1], [0], [0], [1], [0, 0, 1, 1], [], []>, transpose_lhs_hint = false} : vector<64x8xf32>, vector<8x512xf32>, vector<64x512xf32> -> vector<64x512xf32>
    %add3A_42 = arith.addf %add3A_33, %dot_general3A_41 : vector<64x512xf32>
    %get3A_43 = arith.constant 0 : index
    %get3A_44 = arith.constant 0 : index
    %get3A_45 = vector.load %arg16[%get3A_43, %get3A_44] : memref<64x8xf32, #tpu.memory_space<vmem>>, vector<64x8xf32>
    %get3A_46 = arith.constant 0 : index
    %get3A_47 = arith.constant 0 : index
    %get3A_48 = vector.load %arg7[%get3A_46, %get3A_47] : memref<8x512xf32, #tpu.memory_space<vmem>>, vector<8x512xf32>
    %dot_general3A_49 = arith.constant dense<0.000000e+00> : vector<64x512xf32>
    %dot_general3A_50 = tpu.matmul %get3A_45, %get3A_48, %dot_general3A_49 {dimension_numbers = #tpu.dot_dimension_numbers<[1], [0], [0], [1], [0, 0, 1, 1], [], []>, transpose_lhs_hint = false} : vector<64x8xf32>, vector<8x512xf32>, vector<64x512xf32> -> vector<64x512xf32>
    %add3A_51 = arith.addf %add3A_42, %dot_general3A_50 : vector<64x512xf32>
    %get3A_52 = arith.constant 0 : index
    %get3A_53 = arith.constant 0 : index
    %get3A_54 = vector.load %arg17[%get3A_52, %get3A_53] : memref<64x1xf32, #tpu.memory_space<vmem>>, vector<64x1xf32>
    %add3A_55 = vector.broadcast %get3A_54 : vector<64x1xf32> to vector<64x512xf32>
    %add3A_56 = arith.addf %add3A_51, %add3A_55 : vector<64x512xf32>
    %get3A_57 = arith.constant 0 : index
    %get3A_58 = arith.constant 0 : index
    %get3A_59 = vector.load %arg4[%get3A_57, %get3A_58] : memref<1x512xi32, #tpu.memory_space<vmem>>, vector<1x512xi32>
    %eq3A_60 = arith.constant 0 : i32
    %eq3A_61 = vector.broadcast %eq3A_60 : i32 to vector<1x512xi32>
    %eq3A_62 = arith.cmpi eq, %get3A_59, %eq3A_61 : vector<1x512xi32>
    %get3A_63 = arith.constant 0 : index
    %get3A_64 = arith.constant 0 : index
    %get3A_65 = vector.load %arg11[%get3A_63, %get3A_64] : memref<64x2xf32, #tpu.memory_space<vmem>>, vector<64x1xf32>
    %get3A_66 = arith.constant 0 : index
    %get3A_67 = arith.constant 1 : index
    %get3A_68 = vector.load %arg11[%get3A_66, %get3A_67] : memref<64x2xf32, #tpu.memory_space<vmem>>, vector<64x1xf32>
    %broadcast_in_dim3A_69 = vector.shape_cast %eq3A_62 : vector<1x512xi1> to vector<1x512xi1>
    %broadcast_in_dim3A_70 = vector.broadcast %broadcast_in_dim3A_69 : vector<1x512xi1> to vector<64x512xi1>
    %broadcast_in_dim3A_71 = vector.shape_cast %get3A_65 : vector<64x1xf32> to vector<64x1xf32>
    %broadcast_in_dim3A_72 = vector.broadcast %broadcast_in_dim3A_71 : vector<64x1xf32> to vector<64x512xf32>
    %broadcast_in_dim3A_73 = vector.shape_cast %get3A_68 : vector<64x1xf32> to vector<64x1xf32>
    %broadcast_in_dim3A_74 = vector.broadcast %broadcast_in_dim3A_73 : vector<64x1xf32> to vector<64x512xf32>
    %select_n3A = arith.select %broadcast_in_dim3A_70, %broadcast_in_dim3A_72, %broadcast_in_dim3A_74 : vector<64x512xi1>, vector<64x512xf32>
    %add3A_75 = arith.addf %add3A_56, %select_n3A : vector<64x512xf32>
    %get3A_76 = arith.constant 0 : index
    %get3A_77 = arith.constant 0 : index
    %get3A_78 = vector.load %arg5[%get3A_76, %get3A_77] : memref<1x512xi32, #tpu.memory_space<vmem>>, vector<1x512xi32>
    %eq3A_79 = arith.constant 0 : i32
    %eq3A_80 = vector.broadcast %eq3A_79 : i32 to vector<1x512xi32>
    %eq3A_81 = arith.cmpi eq, %get3A_78, %eq3A_80 : vector<1x512xi32>
    %get3A_82 = arith.constant 0 : index
    %get3A_83 = arith.constant 0 : index
    %get3A_84 = vector.load %arg12[%get3A_82, %get3A_83] : memref<64x2xf32, #tpu.memory_space<vmem>>, vector<64x1xf32>
    %get3A_85 = arith.constant 0 : index
    %get3A_86 = arith.constant 1 : index
    %get3A_87 = vector.load %arg12[%get3A_85, %get3A_86] : memref<64x2xf32, #tpu.memory_space<vmem>>, vector<64x1xf32>
    %broadcast_in_dim3A_88 = vector.shape_cast %eq3A_81 : vector<1x512xi1> to vector<1x512xi1>
    %broadcast_in_dim3A_89 = vector.broadcast %broadcast_in_dim3A_88 : vector<1x512xi1> to vector<64x512xi1>
    %broadcast_in_dim3A_90 = vector.shape_cast %get3A_84 : vector<64x1xf32> to vector<64x1xf32>
    %broadcast_in_dim3A_91 = vector.broadcast %broadcast_in_dim3A_90 : vector<64x1xf32> to vector<64x512xf32>
    %broadcast_in_dim3A_92 = vector.shape_cast %get3A_87 : vector<64x1xf32> to vector<64x1xf32>
    %broadcast_in_dim3A_93 = vector.broadcast %broadcast_in_dim3A_92 : vector<64x1xf32> to vector<64x512xf32>
    %select_n3A_94 = arith.select %broadcast_in_dim3A_89, %broadcast_in_dim3A_91, %broadcast_in_dim3A_93 : vector<64x512xi1>, vector<64x512xf32>
    %add3A_95 = arith.addf %add3A_75, %select_n3A_94 : vector<64x512xf32>
    %max3A = arith.constant 0.000000e+00 : f32
    %max3A_96 = vector.broadcast %max3A : f32 to vector<64x512xf32>
    %max3A_97 = arith.maximumf %add3A_95, %max3A_96 : vector<64x512xf32>
    %swap3A = arith.constant 0 : index
    %swap3A_98 = arith.constant 0 : index
    %swap3A_99 = vector.load %arg18[%swap3A, %swap3A_98] : memref<64x512xf32, #tpu.memory_space<vmem>>, vector<64x512xf32>
    tpu.vector_store %arg18[%swap3A, %swap3A_98], %max3A_97 {strides = array<i32>} : memref<64x512xf32, #tpu.memory_space<vmem>>, vector<64x512xf32>,
    return
  }
  func.func @transform_0(%arg0: i32) -> (i32, i32) {
    %c0_i32 = arith.constant 0 : i32
    %c0_i32_0 = arith.constant 0 : i32
    return %c0_i32, %arg0 : i32, i32
  }
  func.func @transform_1(%arg0: i32) -> (i32, i32) {
    %add3A = arith.constant 8 : i32
    %add3A_0 = arith.addi %arg0, %add3A : i32
    %c0_i32 = arith.constant 0 : i32
    %c0_i32_1 = arith.constant 0 : i32
    return %c0_i32, %add3A_0 : i32, i32
  }
  func.func @transform_2(%arg0: i32) -> (i32, i32) {
    %c0_i32 = arith.constant 0 : i32
    %c0_i32_0 = arith.constant 0 : i32
    return %c0_i32, %arg0 : i32, i32
  }
  func.func @transform_3(%arg0: i32) -> (i32, i32) {
    %c0_i32 = arith.constant 0 : i32
    %c0_i32_0 = arith.constant 0 : i32
    return %c0_i32, %arg0 : i32, i32
  }
  func.func @transform_4(%arg0: i32) -> (i32, i32) {
    %c0_i32 = arith.constant 0 : i32
    %c0_i32_0 = arith.constant 0 : i32
    return %c0_i32, %arg0 : i32, i32
  }
  func.func @transform_5(%arg0: i32) -> (i32, i32) {
    %c0_i32 = arith.constant 0 : i32
    %c0_i32_0 = arith.constant 0 : i32
    return %c0_i32, %arg0 : i32, i32
  }
  func.func @transform_6(%arg0: i32) -> (i32, i32) {
    %c0_i32 = arith.constant 0 : i32
    %c0_i32_0 = arith.constant 0 : i32
    return %c0_i32, %arg0 : i32, i32
  }
  func.func @transform_7(%arg0: i32) -> (i32, i32) {
    %c0_i32 = arith.constant 0 : i32
    %c0_i32_0 = arith.constant 0 : i32
    %c0_i32_1 = arith.constant 0 : i32
    return %c0_i32, %c0_i32_0 : i32, i32
  }
  func.func @transform_8(%arg0: i32) -> (i32, i32) {
    %c0_i32 = arith.constant 0 : i32
    %c0_i32_0 = arith.constant 0 : i32
    %c0_i32_1 = arith.constant 0 : i32
    return %c0_i32, %c0_i32_0 : i32, i32
  }
  func.func @transform_9(%arg0: i32) -> (i32, i32) {
    %c0_i32 = arith.constant 0 : i32
    %c0_i32_0 = arith.constant 0 : i32
    %c0_i32_1 = arith.constant 0 : i32
    return %c0_i32, %c0_i32_0 : i32, i32
  }
  func.func @transform_10(%arg0: i32) -> (i32, i32) {
    %c0_i32 = arith.constant 0 : i32
    %c0_i32_0 = arith.constant 0 : i32
    %c0_i32_1 = arith.constant 0 : i32
    return %c0_i32, %c0_i32_0 : i32, i32
  }
  func.func @transform_11(%arg0: i32) -> (i32, i32) {
    %c0_i32 = arith.constant 0 : i32
    %c0_i32_0 = arith.constant 0 : i32
    %c0_i32_1 = arith.constant 0 : i32
    return %c0_i32, %c0_i32_0 : i32, i32
  }
  func.func @transform_12(%arg0: i32) -> (i32, i32) {
    %c0_i32 = arith.constant 0 : i32
    %c0_i32_0 = arith.constant 0 : i32
    %c0_i32_1 = arith.constant 0 : i32
    return %c0_i32, %c0_i32_0 : i32, i32
  }
  func.func @transform_13(%arg0: i32) -> (i32, i32) {
    %c0_i32 = arith.constant 0 : i32
    %c0_i32_0 = arith.constant 0 : i32
    %c0_i32_1 = arith.constant 0 : i32
    return %c0_i32, %c0_i32_0 : i32, i32
  }
  func.func @transform_14(%arg0: i32) -> (i32, i32) {
    %c0_i32 = arith.constant 0 : i32
    %c0_i32_0 = arith.constant 0 : i32
    %c0_i32_1 = arith.constant 0 : i32
    return %c0_i32, %c0_i32_0 : i32, i32
  }
  func.func @transform_15(%arg0: i32) -> (i32, i32) {
    %c0_i32 = arith.constant 0 : i32
    %c0_i32_0 = arith.constant 0 : i32
    %c0_i32_1 = arith.constant 0 : i32
    return %c0_i32, %c0_i32_0 : i32, i32
  }
  func.func @transform_16(%arg0: i32) -> (i32, i32) {
    %c0_i32 = arith.constant 0 : i32
    %c0_i32_0 = arith.constant 0 : i32
    %c0_i32_1 = arith.constant 0 : i32
    return %c0_i32, %c0_i32_0 : i32, i32
  }
  func.func @transform_17(%arg0: i32) -> (i32, i32) {
    %c0_i32 = arith.constant 0 : i32
    %c0_i32_0 = arith.constant 0 : i32
    return %c0_i32, %arg0 : i32, i32
  }
}

</mosaic_0001>

<sc_bundles>
// kernel: kernel.4.cloned.1.call-start
scs
__scs_entry_jumppad:
0x0: {  	(pc) =	sbr.rel $0x88, $3  }
0x1: {  	(tag) =	ssettag $0x0;
	lr =	simm.s32 $0x1  }
0x2: {  	[smem:$0x3F92] =	sst lr;
	_ =	strace $0xD0000000  }
0x3: {  	_ = 	snop  }
0x4: {  	_ = 	snop  }
0x5: {  	_ = 	snop  }
0x6: {  	_ = 	snop  }
0x7: {  	_ = 	snop  }
__scs_overlays_trampoline_lowered:
0x8: {  	[smem:$0x3FA1] =	sst s0  }
0x9: {  	[smem:$0x3FA2] =	sst s1  }
0xa: {  	[smem:$0x3FA3] =	sst s2  }
0xb: {  	[smem:$0x3FA4] =	sst s3  }
0xc: {  	[smem:$0x3FA5] =	sst s4  }
0xd: {  	[smem:$0x3FA6] =	sst s5  }
0xe: {  	[smem:$0x3FA7] =	sst s6  }
0xf: {  	[smem:$0x3FA8] =	sst s7  }
0x10: {  	[smem:$0x3FA9] =	sst s8  }
0x11: {  	[smem:$0x3FAA] =	sst s9;
	s0 =	simm.s32 @!p0 $0x0  }
0x12: {  	s1 =	sld [smem:$0x3F90];
	s0 =	simm.s32 @p0 $0x1  }
0x13: {  	[smem:$0x3FAB] =	sst s0;
	s0 =	simm.s32 @!p1 $0x0  }
0x14: {  	s2 =	sld [smem:$0x3F8F];
	s0 =	simm.s32 @p1 $0x1  }
0x15: {  	[smem:$0x3FAC] =	sst s0;
	s0 =	simm.s32 @!p2 $0x0  }
0x16: {  	s3 =	sld [smem:$0x3FDB];
	s0 =	simm.s32 @p2 $0x1  }
0x17: {  	s4 =	simm.s32 $0x1BF5;
	[smem:$0x3FAE] =	sst s0  }
0x18: {  	s0 =	sld [smem:$0x3F91];
	_ =	swait.ge [sflag:s4], $0x0  }
0x19: {  	s7 =	sld [smem:$0x3F92]  }
0x1a: {  	s8 =	sadd.s32 $0xFFFFE003, lr  }
0x1b: {  	s9 =	sadd.s32 $0xFFFFFEF7, lr;
	s5 =	simm.s32 $0xFFFFFFFF;
	p2 =	slt.u32 s8, $0xFFFFF086  }
0x1c: {  	p1 =	slt.u32 s9, $0xF7A;
	s5 =	simm.s32 @!p2 $0x0  }
0x1d: {  	s5 =	simm.s32 @p1 $0x1;
	p0 =	seq.s32 s7, s2  }
0x1e: {  	s7 =	smul.u32 @!p0 $0xF7A, s2;
	p2 =	seq.s32 @!p0 s5, $0x0  }
0x1f: {  	s9 =	smul.u32 $0xF7A, s1;
	s8 =	simm.s32 @!p0 $0x1BF5;
	p2 =	por !p2, p0  }
0x20: {  	[sflag:s8] =	ssyncset.s32 @!p0 $0xFFFFF086;
	s6 =	sadd.s32 @!p0 s3, s7;
	s7 =	simm.s32 @!p0 $0x108  }
0x21: {  	s3 =	sadd.s32 s3, s9;
	s6 =	sadd.s32 @!p0 $0x88, s6;
	s7 =	simm.s32 @p2 $0x1082  }
0x22: {  	[simem:s7], [sflag:s8] =	dma.local @!p0 [hbm:s6], $0xF7A  }
0x23: {  	s9 =	sor.u32 $0xD0000000, s2;
	s6 =	simm.s32 $0x108;
	_ =	swait.ge @!p0 [sflag:s8], $0x0  }
0x24: {  	s3 =	sadd.s32 $0x88, s3;
	s6 =	simm.s32 @!p1 $0x1082;
	[sflag:s4] =	ssyncset.s32 $0xFFFFF086  }
0x25: {  	[simem:s6], [sflag:s4] =	dma.local [hbm:s3], $0xF7A  }
0x26: {  	[smem:$0x3F92] =	sst s1;
	(tag) =	ssettag s2;
	_ =	strace s9  }
0x27: {  	s1 =	sld [smem:$0x3FA2]  }
0x28: {  	s2 =	sld [smem:$0x3FA3]  }
0x29: {  	s4 =	sld [smem:$0x3FA5]  }
0x2a: {  	p0 =	seq.s32 s5, $0x0;
	s5 =	sld [smem:$0x3FA6]  }
0x2b: {  	s6 =	sld [smem:$0x3FA7]  }
0x2c: {  	s7 =	sld [smem:$0x3FA8]  }
0x2d: {  	s3 =	simm.s32 $0x108;
	s8 =	sld [smem:$0x3FA9]  }
0x2e: {  	s3 =	simm.s32 @!p0 $0x1082;
	s9 =	sld [smem:$0x3FAA]  }
0x2f: {  	lr =	sadd.s32 s0, s3;
	s0 =	sld [smem:$0x3FA1]  }
0x30: {  	s3 =	sld [smem:$0x3FA4]  }
0x31: {  	[smem:$0x3FAD] =	sst s10  }
0x32: {  	s10 =	sld [smem:$0x3FAB];
	_ =	sdelay $0x3  }
0x33: {  	p0 =	seq.s32 s10, $0x1;
	s10 =	sld [smem:$0x3FAD];
	_ =	sdelay $0x3  }
0x34: {  	[smem:$0x3FAD] =	sst s10  }
0x35: {  	s10 =	sld [smem:$0x3FAC];
	_ =	sdelay $0x3  }
0x36: {  	p1 =	seq.s32 s10, $0x1;
	s10 =	sld [smem:$0x3FAD];
	_ =	sdelay $0x3  }
0x37: {  	[smem:$0x3FAD] =	sst s10  }
0x38: {  	s10 =	sld [smem:$0x3FAE]  }
0x39: {  	_ = 	snop;
	(pc) =	sbr.ind lr, $3  }
0x3a: {  	_ = 	snop  }
0x3b: {  	_ = 	snop  }
0x3c: {  	p2 =	seq.s32 s10, $0x1;
	s10 =	sld [smem:$0x3FAD]  }
0x3d: {  	_ =	shalt  }
0x3e: {  	_ =	shalt  }
0x3f: {  	_ =	shalt  }
0x40: {  	_ =	shalt  }
0x41: {  	_ =	shalt  }
0x42: {  	_ =	shalt  }
0x43: {  	_ =	shalt  }
0x44: {  	_ =	shalt  }
0x45: {  	_ =	shalt  }
0x46: {  	_ =	shalt  }
0x47: {  	_ =	shalt  }
0x48: {  	_ =	shalt  }
0x49: {  	_ =	shalt  }
0x4a: {  	_ =	shalt  }
0x4b: {  	_ =	shalt  }
0x4c: {  	_ =	shalt  }
0x4d: {  	_ =	shalt  }
0x4e: {  	_ =	shalt  }
0x4f: {  	_ =	shalt  }
0x50: {  	_ =	shalt  }
0x51: {  	_ =	shalt  }
0x52: {  	_ =	shalt  }
0x53: {  	_ =	shalt  }
0x54: {  	_ =	shalt  }
0x55: {  	_ =	shalt  }
0x56: {  	_ =	shalt  }
0x57: {  	_ =	shalt  }
0x58: {  	_ =	shalt  }
0x59: {  	_ =	shalt  }
0x5a: {  	_ =	shalt  }
0x5b: {  	_ =	shalt  }
0x5c: {  	_ =	shalt  }
0x5d: {  	_ =	shalt  }
0x5e: {  	_ =	shalt  }
0x5f: {  	_ =	shalt  }
0x60: {  	_ =	shalt  }
0x61: {  	_ =	shalt  }
0x62: {  	_ =	shalt  }
0x63: {  	_ =	shalt  }
0x64: {  	_ =	shalt  }
0x65: {  	_ =	shalt  }
0x66: {  	_ =	shalt  }
0x67: {  	_ =	shalt  }
0x68: {  	_ =	shalt  }
0x69: {  	_ =	shalt  }
0x6a: {  	_ =	shalt  }
0x6b: {  	_ =	shalt  }
0x6c: {  	_ =	shalt  }
0x6d: {  	_ =	shalt  }
0x6e: {  	_ =	shalt  }
0x6f: {  	_ =	shalt  }
0x70: {  	_ =	shalt  }
0x71: {  	_ =	shalt  }
0x72: {  	_ =	shalt  }
0x73: {  	_ =	shalt  }
0x74: {  	_ =	shalt  }
0x75: {  	_ =	shalt  }
0x76: {  	_ =	shalt  }
0x77: {  	_ =	shalt  }
0x78: {  	_ =	shalt  }
0x79: {  	_ =	shalt  }
0x7a: {  	_ =	shalt  }
0x7b: {  	_ =	shalt  }
0x7c: {  	_ =	shalt  }
0x7d: {  	_ =	shalt  }
0x7e: {  	_ =	shalt  }
0x7f: {  	_ =	shalt  }
0x80: {  	_ =	shalt  }
0x81: {  	_ =	shalt  }
0x82: {  	_ =	shalt  }
0x83: {  	_ =	shalt  }
0x84: {  	_ =	shalt  }
0x85: {  	_ =	shalt  }
0x86: {  	_ =	shalt  }
0x87: {  	_ =	shalt  }
.Lfunc_end0:
.L_simem_size_0:
called_computation_lowered:
.L_overlay_start_0:
0x88: {  	s2 =	sld [smem:$0x3FD9]  }
0x89: {  	s3 =	sld [smem:$0x3FFE];
	_ =	sdelay $0x1  }
0x8a: {  	s1 =	srdreg.scid  }
0x8b: {  	s0 =	sand.u32 $0x1, s1  }
0x8c: {  	s17 =	sshll.u32 s0, $0xA;
	s2 =	sadd.s32 s3, s2  }
0x8d: {  	s2 =	sadd.s32 s2, s17  }
0x8e: {  	[smem:$0x3FB9] =	sst s2  }
0x8f: {  	_ = 	snop  }
0x90: {  	s2 =	sld [smem:$0x3FD0];
	(tm) =	ssettm $0x1  }
0x91: {  	s18 =	sld [smem:$0x3FFB];
	_ =	sdelay $0x3  }
0x92: {  	_ =	strace s18  }
0x93: {  	s3 =	sld [smem:$0x3FFC];
	_ =	sdelay $0x3  }
0x94: {  	_ =	strace s3  }
0x95: {  	s3 =	sld [smem:$0x3FFD];
	_ =	sdelay $0x3  }
0x96: {  	_ =	strace s3  }
0x97: {  	_ =	strace $0x8FFFFFFF  }
0x98: {  	s19 =	sld [smem:$0x3FDB];
	_ =	sdelay $0x1  }
0x99: {  	s4 =	simm.s32 $_scs_section_size  }
0x9a: {  	s5 =	simm.s32 $_size__tile_overlayer_lowered;
	s6 =	simm.s32 $_tile_overlayer_lowered  }
0x9b: {  	s22 =	simm.s32 $0x1BFF;
	s21 =	sshll.u32 s6, $0x1;
	s3 =	sadd.s32 s4, s19  }
0x9c: {  	s7 =	simm.s32 $0x0;
	s20 =	sshll.u32 s5, $0x1;
	s5 =	sadd.s32 s21, s3  }
0x9d: {  	[timem:s7], [sflag:s22] =	dma.local [hbm:s5], s20  }
0x9e: {  	_ =	swait.ge [sflag:s22], s20  }
0x9f: {  	s4 =	ssub.s32 $0x0, s20;
	[sflag:s22] =	ssyncset.done $0x0  }
0xa0: {  	[sflag:s22] =	ssyncadd.s32 s4;
	_ =	sdelay $0x1  }
0xa1: {  	s23 =	simm.s32 $0x1B8B  }
0xa2: {  	_ =	swait.ge [sflag:s23], $0x1  }
0xa3: {  	[sflag:s23] =	ssyncset.done $0x0  }
0xa4: {  	s25 =	simm.s32 $0x1B8E;
	s24 =	sld [smem:$0x3FFE];
	[sflag:s23] =	ssyncadd.s32 $0xFFFFFFFF  }
0xa5: {  	s26 =	simm.s32 $execute0_lowered;
	[smem:$0x3FD2] =	sst s25  }
0xa6: {  	s5 =	sshll.u32 s26, $0x1;
	_ =	strace $0x80000046;
	[dreg:$0x1] =	wrdreg $0xFFFFFFFF  }
0xa7: {  	s28 =	simm.s32 $_size_execute0_lowered;
	s3 =	sadd.s32 s3, s5;
	[dreg:$0x0] =	wrdreg $0x0  }
0xa8: {  	s5 =	sshll.u32 s28, $0x1;
	[dreg:$0x2] =	wrdreg s3  }
0xa9: {  	[dreg:$0x3] =	wrdreg s5  }
0xaa: {  	[dreg:$0x4] =	wrdreg $0xC0  }
0xab: {  	_ =	task [dreg:s7], $0x5FFFF  }
0xac: {  	[dreg:$0x1] =	wrdreg $0xFFFFFFFF  }
0xad: {  	[dreg:$0x0] =	wrdreg $0x60  }
0xae: {  	[dreg:$0x2] =	wrdreg s24  }
0xaf: {  	[dreg:$0x3] =	wrdreg s2  }
0xb0: {  	[dreg:$0x4] =	wrdreg $0x9  }
0xb1: {  	_ =	task.clear_ibuf [dreg:s7], $0x5FFFF;
	_ =	strace $0x90000046  }
0xb2: {  	s29 =	simm.s32 $0x9;
	_ =	strace $0x80000048  }
0xb3: {  	_ =	swait.ge [sflag:s29], $0x1  }
0xb4: {  	[sflag:s29] =	ssyncadd.s32 $0xFFFFFFFF  }
0xb5: {  	_ =	strace $0x90000048  }
0xb6: {  	_ =	sfence  }
0xb7: {  	s30 =	sld [smem:$0x0];
	_ =	sdelay $0x2  }
0xb8: {  	s31 =	sshll.u32 s1, $0xD;
	s1 =	sshrl.u32 s1, $0x2  }
0xb9: {  	s3 =	sand.u32 $0x4000, s31;
	s1 =	sadd.s32 s1, s30  }
0xba: {  	s0 =	sor.u32 s3, s0;
	s1 =	sshll.u32 s1, $0x11  }
0xbb: {  	s0 =	sor.u32 s1, s0  }
0xbc: {  	s0 =	sadd.s32 $0x8F2B, s0  }
0xbd: {  	[sflag:s0] =	ssyncadd.remote.s32 $0x1  }
0xbe: {  	_ =	sfence.sel $0xFFFF  }
0xbf: {  	[dreg:$0x0] =	wrdreg $0xFFFFFFFF;
	(pc) =	sbr.abs _section_cstart, $3  }
0xc0: {  	[dreg:$0x1] =	wrdreg $0xFFFFFFFF  }
0xc1: {  	_ =	task.clear_ibuf [dreg:s7], $0x2FFFF;
	_ =	strace $0x9FFFFFFF  }
0xc2: {  	(tm) =	ssettm $0x7FFFFFFF  }
0xc3: {  	_ =	shalt  }
tec
execute0_lowered:
.L_overlay_start_1:
0x0: {  	(tag) =	ssettag $0x1  }
0x1: {  	s5 =	rddreg [dreg:$0x0]  }
0x2: {  	s7 =	rddreg [dreg:$0x1]  }
0x3: {  	s0 =	rddreg [dreg:$0x2]  }
0x4: {  	s3 =	srdreg.scid;
	s2 =	simm.s32 $0x0;
	s1 =	stileid.u32  }
0x5: {  	s11 =	simm.s32 $0x100;
	s12 =	simm.s32 $0x2000;
	s13 =	simm.s32 $0x900  }
0x6: {  	s14 =	simm.s32 $0x1CB00;
	s15 =	simm.s32 $0x1;
	s16 =	simm.s32 $0x2  }
0x7: {  	s17 =	simm.s32 $0x3B00;
	s18 =	simm.s32 $0x0;
	s4 =	sand.u32 $0x1, s3  }
0x8: {  	[smem:$0x7FF] =	sst s2;
	s30 =	sshll.u32 s1, $0x9;
	s6 =	sshll.u32 s4, $0x8  }
0x9: {  	s3 =	sadd.s32 $0x3200, s5;
	s9 =	ssub.s32 $0x2, s4;
	s8 =	sor.u32 s6, s30  }
0xa: {  	_ =	strace $0x80000047;
	s31 =	sshrl.u32 s9, $0x1;
	s6 =	sshrl.u32 s8, $0x3  }
0xb: {  	s4 =	sadd.s32 $0x1BA00, s5;
	s9 =	ssub.s32 s9, s31;
	s10 =	sadd.s32 s6, s5  }
0xc: {  	s7 =	sadd.s32 s7, s8;
	s9 =	smax.u32 s9, $0x1;
	s5 =	sadd.s32 $0x28400, s10  }
0xd: {  	v0 =	vimm.f32 $0.0e+00;
	v1 =	vimm.f32 $1.000000000e+00;
	s6 =	sadd.s32 $0x1BC00, s10;
	s8 =	sadd.s32 $0x28800, s10;
	s10 =	simm.s32 $0x3  }
.LBB2_1:
0xe: {  	[tilespmem:s2], [sflag:$0x3] =	stream.linear.gather [hbm4b:s5+s2], $0x100, $0x38;
	[tilespmem:$0x1CDA8] =	vst v63  }
0xf: {  	_ =	swait.ge [sflag:s10], $0x100  }
0x10: {  	[sflag:s10] =	ssyncset.done $0x0  }
0x11: {  	[sflag:s10] =	ssyncadd.s32 $0xFFFFFF00  }
0x12: {  	[tilespmem:s13], [sflag:$0x2] =	stream.strided.gather [hbm4b:s6+s11], $0x3200, s12, s11, $0x38;
	[tilespmem:$0x1CDA8] =	vst v63  }
0x13: {  	_ = 	snop  }
0x14: {  	[tilespmem:s14], [sflag:$0x3] =	stream.linear.gather [hbm4b:s4+s2], $0x2A8, $0x38;
	[tilespmem:$0x1CDA8] =	vst v63  }
0x15: {  	_ =	swait.ge [sflag:s10], $0x2A8  }
0x16: {  	[sflag:s10] =	ssyncset.done $0x0  }
0x17: {  	[sflag:s10] =	ssyncadd.s32 $0xFFFFFD58  }
0x18: {  	[tilespmem:s11], [sflag:$0x1] =	stream.indirect.gather [hbm4b:s3+s11], $0x8, s2, s11, $0xb8;
	[tilespmem:$0x1CDA8] =	vst v63  }
0x19: {  	_ =	swait.ge [sflag:s15], $0x800  }
0x1a: {  	[sflag:s15] =	ssyncset.done $0x0  }
0x1b: {  	[sflag:s15] =	ssyncadd.s32 $0xFFFFF800  }
0x1c: {  	[hbm4b:s7+s2] =	stream.linear.scatter [tilespmem:s11], [sflag:$0x3], $0x800, $0x38;
	[tilespmem:$0x1CDA8] =	vst v63  }
0x1d: {  	_ =	swait.ge [sflag:s10], $0x800  }
0x1e: {  	[sflag:s10] =	ssyncset.done $0x0  }
0x1f: {  	[sflag:s10] =	ssyncadd.s32 $0xFFFFF800  }
0x20: {  	_ =	swait.ge [sflag:s16], $0x3200  }
0x21: {  	[sflag:s16] =	ssyncset.done $0x0  }
0x22: {  	s19 =	simm.s32 $0x3F00;
	s20 =	simm.s32 $0x0;
	[sflag:s16] =	ssyncadd.s32 $0xFFFFCE00  }
.LBB2_2:
0x23: {  	s21 =	sshra.s32 s20, $0x2  }
0x24: {  	v2 =	vld [tilespmem:s21+$0x900];
	_ =	sdelay $0x4  }
0x25: {  	v2 =	vshll.u32 v2, $0x3;
	_ =	sdelay $0x4  }
0x26: {  	v3 =	vld.idx.msk [tilespmem:v2+s14+$0x0], $0xffff  }
0x27: {  	v4 =	vor.u32 $0x1, v2;
	_ =	sdelay $0x3  }
0x28: {  	[tilespmem:s19+$0xFFFFFC00] =	vst v3  }
0x29: {  	v3 =	vld.idx.msk [tilespmem:v4+s14+$0x0], $0xffff  }
0x2a: {  	v57 =	vor.u32 $0x2, v2;
	_ =	sdelay $0x3  }
0x2b: {  	[tilespmem:s19+$0xFFFFFD00] =	vst v3  }
0x2c: {  	v3 =	vld.idx.msk [tilespmem:v57+s14+$0x0], $0xffff  }
0x2d: {  	v58 =	vor.u32 $0x3, v2;
	_ =	sdelay $0x3  }
0x2e: {  	[tilespmem:s19+$0xFFFFFE00] =	vst v3  }
0x2f: {  	v3 =	vld.idx.msk [tilespmem:v58+s14+$0x0], $0xffff  }
0x30: {  	v59 =	vor.u32 $0x4, v2;
	_ =	sdelay $0x3  }
0x31: {  	[tilespmem:s19+$0xFFFFFF00] =	vst v3  }
0x32: {  	v3 =	vld.idx.msk [tilespmem:v59+s14+$0x0], $0xffff  }
0x33: {  	v2 =	vor.u32 $0x5, v2;
	_ =	sdelay $0x3  }
0x34: {  	[tilespmem:s19+$0x0] =	vst v3  }
0x35: {  	v2 =	vld.idx.msk [tilespmem:v2+s14+$0x0], $0xffff;
	_ =	sdelay $0x2  }
0x36: {  	[tilespmem:s19+$0x200] =	vst v0  }
0x37: {  	[tilespmem:s19+$0x300] =	vst v1  }
0x38: {  	[tilespmem:s19+$0x100] =	vst v2  }
0x39: {  	v2 =	vld [tilespmem:s21+$0x910];
	_ =	sdelay $0x4  }
0x3a: {  	v2 =	vshll.u32 v2, $0x3;
	_ =	sdelay $0x4  }
0x3b: {  	v3 =	vld.idx.msk [tilespmem:v2+s14+$0x0], $0xffff  }
0x3c: {  	v60 =	vor.u32 $0x1, v2;
	_ =	sdelay $0x3  }
0x3d: {  	[tilespmem:s19+$0xFFFFFC10] =	vst v3  }
0x3e: {  	v3 =	vld.idx.msk [tilespmem:v60+s14+$0x0], $0xffff  }
0x3f: {  	v61 =	vor.u32 $0x2, v2;
	_ =	sdelay $0x3  }
0x40: {  	[tilespmem:s19+$0xFFFFFD10] =	vst v3  }
0x41: {  	v3 =	vld.idx.msk [tilespmem:v61+s14+$0x0], $0xffff  }
0x42: {  	v62 =	vor.u32 $0x3, v2;
	_ =	sdelay $0x3  }
0x43: {  	[tilespmem:s19+$0xFFFFFE10] =	vst v3  }
0x44: {  	v3 =	vld.idx.msk [tilespmem:v62+s14+$0x0], $0xffff  }
0x45: {  	v63 =	vor.u32 $0x4, v2;
	_ =	sdelay $0x3  }
0x46: {  	[tilespmem:s19+$0xFFFFFF10] =	vst v3  }
0x47: {  	v3 =	vld.idx.msk [tilespmem:v63+s14+$0x0], $0xffff  }
0x48: {  	v2 =	vor.u32 $0x5, v2;
	_ =	sdelay $0x3  }
0x49: {  	[tilespmem:s19+$0x10] =	vst v3  }
0x4a: {  	v2 =	vld.idx.msk [tilespmem:v2+s14+$0x0], $0xffff;
	_ =	sdelay $0x2  }
0x4b: {  	[tilespmem:s19+$0x210] =	vst v0  }
0x4c: {  	[tilespmem:s19+$0x310] =	vst v1  }
0x4d: {  	[tilespmem:s19+$0x110] =	vst v2  }
0x4e: {  	v2 =	vld [tilespmem:s21+$0x920];
	_ =	sdelay $0x4  }
0x4f: {  	v2 =	vshll.u32 v2, $0x3;
	_ =	sdelay $0x4  }
0x50: {  	v3 =	vld.idx.msk [tilespmem:v2+s14+$0x0], $0xffff  }
0x51: {  	v8 =	vor.u32 $0x1, v2;
	_ =	sdelay $0x3  }
0x52: {  	[tilespmem:s19+$0xFFFFFC20] =	vst v3  }
0x53: {  	v3 =	vld.idx.msk [tilespmem:v8+s14+$0x0], $0xffff  }
0x54: {  	v9 =	vor.u32 $0x2, v2;
	_ =	sdelay $0x3  }
0x55: {  	[tilespmem:s19+$0xFFFFFD20] =	vst v3  }
0x56: {  	v3 =	vld.idx.msk [tilespmem:v9+s14+$0x0], $0xffff  }
0x57: {  	v10 =	vor.u32 $0x3, v2;
	_ =	sdelay $0x3  }
0x58: {  	[tilespmem:s19+$0xFFFFFE20] =	vst v3  }
0x59: {  	v3 =	vld.idx.msk [tilespmem:v10+s14+$0x0], $0xffff  }
0x5a: {  	v11 =	vor.u32 $0x4, v2;
	_ =	sdelay $0x3  }
0x5b: {  	[tilespmem:s19+$0xFFFFFF20] =	vst v3  }
0x5c: {  	v3 =	vld.idx.msk [tilespmem:v11+s14+$0x0], $0xffff  }
0x5d: {  	v2 =	vor.u32 $0x5, v2;
	_ =	sdelay $0x3  }
0x5e: {  	[tilespmem:s19+$0x20] =	vst v3  }
0x5f: {  	v2 =	vld.idx.msk [tilespmem:v2+s14+$0x0], $0xffff;
	_ =	sdelay $0x2  }
0x60: {  	[tilespmem:s19+$0x220] =	vst v0  }
0x61: {  	[tilespmem:s19+$0x320] =	vst v1  }
0x62: {  	[tilespmem:s19+$0x120] =	vst v2  }
0x63: {  	v2 =	vld [tilespmem:s21+$0x930];
	_ =	sdelay $0x4  }
0x64: {  	v2 =	vshll.u32 v2, $0x3;
	_ =	sdelay $0x4  }
0x65: {  	v3 =	vld.idx.msk [tilespmem:v2+s14+$0x0], $0xffff  }
0x66: {  	v12 =	vor.u32 $0x1, v2;
	_ =	sdelay $0x3  }
0x67: {  	[tilespmem:s19+$0xFFFFFC30] =	vst v3  }
0x68: {  	v3 =	vld.idx.msk [tilespmem:v12+s14+$0x0], $0xffff  }
0x69: {  	v13 =	vor.u32 $0x2, v2;
	_ =	sdelay $0x3  }
0x6a: {  	[tilespmem:s19+$0xFFFFFD30] =	vst v3  }
0x6b: {  	v3 =	vld.idx.msk [tilespmem:v13+s14+$0x0], $0xffff  }
0x6c: {  	v14 =	vor.u32 $0x3, v2;
	_ =	sdelay $0x3  }
0x6d: {  	[tilespmem:s19+$0xFFFFFE30] =	vst v3  }
0x6e: {  	v3 =	vld.idx.msk [tilespmem:v14+s14+$0x0], $0xffff  }
0x6f: {  	v15 =	vor.u32 $0x4, v2;
	_ =	sdelay $0x3  }
0x70: {  	[tilespmem:s19+$0xFFFFFF30] =	vst v3  }
0x71: {  	v3 =	vld.idx.msk [tilespmem:v15+s14+$0x0], $0xffff  }
0x72: {  	v2 =	vor.u32 $0x5, v2;
	_ =	sdelay $0x3  }
0x73: {  	[tilespmem:s19+$0x30] =	vst v3  }
0x74: {  	v2 =	vld.idx.msk [tilespmem:v2+s14+$0x0], $0xffff;
	_ =	sdelay $0x2  }
0x75: {  	[tilespmem:s19+$0x230] =	vst v0  }
0x76: {  	[tilespmem:s19+$0x330] =	vst v1  }
0x77: {  	[tilespmem:s19+$0x130] =	vst v2  }
0x78: {  	v2 =	vld [tilespmem:s21+$0x940];
	_ =	sdelay $0x4  }
0x79: {  	v2 =	vshll.u32 v2, $0x3;
	_ =	sdelay $0x4  }
0x7a: {  	v3 =	vld.idx.msk [tilespmem:v2+s14+$0x0], $0xffff  }
0x7b: {  	v16 =	vor.u32 $0x1, v2;
	_ =	sdelay $0x3  }
0x7c: {  	[tilespmem:s19+$0xFFFFFC40] =	vst v3  }
0x7d: {  	v3 =	vld.idx.msk [tilespmem:v16+s14+$0x0], $0xffff  }
0x7e: {  	v17 =	vor.u32 $0x2, v2;
	_ =	sdelay $0x3  }
0x7f: {  	[tilespmem:s19+$0xFFFFFD40] =	vst v3  }
0x80: {  	v3 =	vld.idx.msk [tilespmem:v17+s14+$0x0], $0xffff  }
0x81: {  	v18 =	vor.u32 $0x3, v2;
	_ =	sdelay $0x3  }
0x82: {  	[tilespmem:s19+$0xFFFFFE40] =	vst v3  }
0x83: {  	v3 =	vld.idx.msk [tilespmem:v18+s14+$0x0], $0xffff  }
0x84: {  	v19 =	vor.u32 $0x4, v2;
	_ =	sdelay $0x3  }
0x85: {  	[tilespmem:s19+$0xFFFFFF40] =	vst v3  }
0x86: {  	v3 =	vld.idx.msk [tilespmem:v19+s14+$0x0], $0xffff  }
0x87: {  	v2 =	vor.u32 $0x5, v2;
	_ =	sdelay $0x3  }
0x88: {  	[tilespmem:s19+$0x40] =	vst v3  }
0x89: {  	v2 =	vld.idx.msk [tilespmem:v2+s14+$0x0], $0xffff;
	_ =	sdelay $0x2  }
0x8a: {  	[tilespmem:s19+$0x240] =	vst v0  }
0x8b: {  	[tilespmem:s19+$0x340] =	vst v1  }
0x8c: {  	[tilespmem:s19+$0x140] =	vst v2  }
0x8d: {  	v2 =	vld [tilespmem:s21+$0x950];
	_ =	sdelay $0x4  }
0x8e: {  	v2 =	vshll.u32 v2, $0x3;
	_ =	sdelay $0x4  }
0x8f: {  	v3 =	vld.idx.msk [tilespmem:v2+s14+$0x0], $0xffff  }
0x90: {  	v20 =	vor.u32 $0x1, v2;
	_ =	sdelay $0x3  }
0x91: {  	[tilespmem:s19+$0xFFFFFC50] =	vst v3  }
0x92: {  	v3 =	vld.idx.msk [tilespmem:v20+s14+$0x0], $0xffff  }
0x93: {  	v21 =	vor.u32 $0x2, v2;
	_ =	sdelay $0x3  }
0x94: {  	[tilespmem:s19+$0xFFFFFD50] =	vst v3  }
0x95: {  	v3 =	vld.idx.msk [tilespmem:v21+s14+$0x0], $0xffff  }
0x96: {  	v22 =	vor.u32 $0x3, v2;
	_ =	sdelay $0x3  }
0x97: {  	[tilespmem:s19+$0xFFFFFE50] =	vst v3  }
0x98: {  	v3 =	vld.idx.msk [tilespmem:v22+s14+$0x0], $0xffff  }
0x99: {  	v23 =	vor.u32 $0x4, v2;
	_ =	sdelay $0x3  }
0x9a: {  	[tilespmem:s19+$0xFFFFFF50] =	vst v3  }
0x9b: {  	v3 =	vld.idx.msk [tilespmem:v23+s14+$0x0], $0xffff  }
0x9c: {  	v2 =	vor.u32 $0x5, v2;
	_ =	sdelay $0x3  }
0x9d: {  	[tilespmem:s19+$0x50] =	vst v3  }
0x9e: {  	v2 =	vld.idx.msk [tilespmem:v2+s14+$0x0], $0xffff;
	_ =	sdelay $0x2  }
0x9f: {  	[tilespmem:s19+$0x250] =	vst v0  }
0xa0: {  	[tilespmem:s19+$0x350] =	vst v1  }
0xa1: {  	[tilespmem:s19+$0x150] =	vst v2  }
0xa2: {  	v2 =	vld [tilespmem:s21+$0x960];
	_ =	sdelay $0x4  }
0xa3: {  	v2 =	vshll.u32 v2, $0x3;
	_ =	sdelay $0x4  }
0xa4: {  	v3 =	vld.idx.msk [tilespmem:v2+s14+$0x0], $0xffff  }
0xa5: {  	v24 =	vor.u32 $0x1, v2;
	_ =	sdelay $0x3  }
0xa6: {  	[tilespmem:s19+$0xFFFFFC60] =	vst v3  }
0xa7: {  	v3 =	vld.idx.msk [tilespmem:v24+s14+$0x0], $0xffff  }
0xa8: {  	v25 =	vor.u32 $0x2, v2;
	_ =	sdelay $0x3  }
0xa9: {  	[tilespmem:s19+$0xFFFFFD60] =	vst v3  }
0xaa: {  	v3 =	vld.idx.msk [tilespmem:v25+s14+$0x0], $0xffff  }
0xab: {  	v26 =	vor.u32 $0x3, v2;
	_ =	sdelay $0x3  }
0xac: {  	[tilespmem:s19+$0xFFFFFE60] =	vst v3  }
0xad: {  	v3 =	vld.idx.msk [tilespmem:v26+s14+$0x0], $0xffff  }
0xae: {  	v27 =	vor.u32 $0x4, v2;
	_ =	sdelay $0x3  }
0xaf: {  	[tilespmem:s19+$0xFFFFFF60] =	vst v3  }
0xb0: {  	v3 =	vld.idx.msk [tilespmem:v27+s14+$0x0], $0xffff  }
0xb1: {  	v2 =	vor.u32 $0x5, v2;
	_ =	sdelay $0x3  }
0xb2: {  	[tilespmem:s19+$0x60] =	vst v3  }
0xb3: {  	v2 =	vld.idx.msk [tilespmem:v2+s14+$0x0], $0xffff;
	_ =	sdelay $0x2  }
0xb4: {  	[tilespmem:s19+$0x260] =	vst v0  }
0xb5: {  	[tilespmem:s19+$0x360] =	vst v1  }
0xb6: {  	[tilespmem:s19+$0x160] =	vst v2  }
0xb7: {  	v2 =	vld [tilespmem:s21+$0x970];
	_ =	sdelay $0x4  }
0xb8: {  	v2 =	vshll.u32 v2, $0x3;
	_ =	sdelay $0x4  }
0xb9: {  	v3 =	vld.idx.msk [tilespmem:v2+s14+$0x0], $0xffff  }
0xba: {  	v28 =	vor.u32 $0x1, v2;
	_ =	sdelay $0x3  }
0xbb: {  	[tilespmem:s19+$0xFFFFFC70] =	vst v3  }
0xbc: {  	v3 =	vld.idx.msk [tilespmem:v28+s14+$0x0], $0xffff  }
0xbd: {  	v29 =	vor.u32 $0x2, v2;
	_ =	sdelay $0x3  }
0xbe: {  	[tilespmem:s19+$0xFFFFFD70] =	vst v3  }
0xbf: {  	v3 =	vld.idx.msk [tilespmem:v29+s14+$0x0], $0xffff  }
0xc0: {  	v30 =	vor.u32 $0x3, v2;
	_ =	sdelay $0x3  }
0xc1: {  	[tilespmem:s19+$0xFFFFFE70] =	vst v3  }
0xc2: {  	v3 =	vld.idx.msk [tilespmem:v30+s14+$0x0], $0xffff  }
0xc3: {  	v31 =	vor.u32 $0x4, v2;
	_ =	sdelay $0x3  }
0xc4: {  	[tilespmem:s19+$0xFFFFFF70] =	vst v3  }
0xc5: {  	v3 =	vld.idx.msk [tilespmem:v31+s14+$0x0], $0xffff  }
0xc6: {  	v2 =	vor.u32 $0x5, v2;
	_ =	sdelay $0x3  }
0xc7: {  	[tilespmem:s19+$0x70] =	vst v3  }
0xc8: {  	v2 =	vld.idx.msk [tilespmem:v2+s14+$0x0], $0xffff;
	_ =	sdelay $0x2  }
0xc9: {  	[tilespmem:s19+$0x270] =	vst v0  }
0xca: {  	[tilespmem:s19+$0x370] =	vst v1  }
0xcb: {  	[tilespmem:s19+$0x170] =	vst v2  }
0xcc: {  	v2 =	vld [tilespmem:s21+$0x980];
	_ =	sdelay $0x4  }
0xcd: {  	v2 =	vshll.u32 v2, $0x3;
	_ =	sdelay $0x4  }
0xce: {  	v3 =	vld.idx.msk [tilespmem:v2+s14+$0x0], $0xffff  }
0xcf: {  	v32 =	vor.u32 $0x1, v2;
	_ =	sdelay $0x3  }
0xd0: {  	[tilespmem:s19+$0xFFFFFC80] =	vst v3  }
0xd1: {  	v3 =	vld.idx.msk [tilespmem:v32+s14+$0x0], $0xffff  }
0xd2: {  	v33 =	vor.u32 $0x2, v2;
	_ =	sdelay $0x3  }
0xd3: {  	[tilespmem:s19+$0xFFFFFD80] =	vst v3  }
0xd4: {  	v3 =	vld.idx.msk [tilespmem:v33+s14+$0x0], $0xffff  }
0xd5: {  	v34 =	vor.u32 $0x3, v2;
	_ =	sdelay $0x3  }
0xd6: {  	[tilespmem:s19+$0xFFFFFE80] =	vst v3  }
0xd7: {  	v3 =	vld.idx.msk [tilespmem:v34+s14+$0x0], $0xffff  }
0xd8: {  	v35 =	vor.u32 $0x4, v2;
	_ =	sdelay $0x3  }
0xd9: {  	[tilespmem:s19+$0xFFFFFF80] =	vst v3  }
0xda: {  	v3 =	vld.idx.msk [tilespmem:v35+s14+$0x0], $0xffff  }
0xdb: {  	v2 =	vor.u32 $0x5, v2;
	_ =	sdelay $0x3  }
0xdc: {  	[tilespmem:s19+$0x80] =	vst v3  }
0xdd: {  	v2 =	vld.idx.msk [tilespmem:v2+s14+$0x0], $0xffff;
	_ =	sdelay $0x2  }
0xde: {  	[tilespmem:s19+$0x280] =	vst v0  }
0xdf: {  	[tilespmem:s19+$0x380] =	vst v1  }
0xe0: {  	[tilespmem:s19+$0x180] =	vst v2  }
0xe1: {  	v2 =	vld [tilespmem:s21+$0x990];
	_ =	sdelay $0x4  }
0xe2: {  	v2 =	vshll.u32 v2, $0x3;
	_ =	sdelay $0x4  }
0xe3: {  	v3 =	vld.idx.msk [tilespmem:v2+s14+$0x0], $0xffff  }
0xe4: {  	v36 =	vor.u32 $0x1, v2;
	_ =	sdelay $0x3  }
0xe5: {  	[tilespmem:s19+$0xFFFFFC90] =	vst v3  }
0xe6: {  	v3 =	vld.idx.msk [tilespmem:v36+s14+$0x0], $0xffff  }
0xe7: {  	v37 =	vor.u32 $0x2, v2;
	_ =	sdelay $0x3  }
0xe8: {  	[tilespmem:s19+$0xFFFFFD90] =	vst v3  }
0xe9: {  	v3 =	vld.idx.msk [tilespmem:v37+s14+$0x0], $0xffff  }
0xea: {  	v38 =	vor.u32 $0x3, v2;
	_ =	sdelay $0x3  }
0xeb: {  	[tilespmem:s19+$0xFFFFFE90] =	vst v3  }
0xec: {  	v3 =	vld.idx.msk [tilespmem:v38+s14+$0x0], $0xffff  }
0xed: {  	v39 =	vor.u32 $0x4, v2;
	_ =	sdelay $0x3  }
0xee: {  	[tilespmem:s19+$0xFFFFFF90] =	vst v3  }
0xef: {  	v3 =	vld.idx.msk [tilespmem:v39+s14+$0x0], $0xffff  }
0xf0: {  	v2 =	vor.u32 $0x5, v2;
	_ =	sdelay $0x3  }
0xf1: {  	[tilespmem:s19+$0x90] =	vst v3  }
0xf2: {  	v2 =	vld.idx.msk [tilespmem:v2+s14+$0x0], $0xffff;
	_ =	sdelay $0x2  }
0xf3: {  	[tilespmem:s19+$0x290] =	vst v0  }
0xf4: {  	[tilespmem:s19+$0x390] =	vst v1  }
0xf5: {  	[tilespmem:s19+$0x190] =	vst v2  }
0xf6: {  	v2 =	vld [tilespmem:s21+$0x9A0];
	_ =	sdelay $0x4  }
0xf7: {  	v2 =	vshll.u32 v2, $0x3;
	_ =	sdelay $0x4  }
0xf8: {  	v3 =	vld.idx.msk [tilespmem:v2+s14+$0x0], $0xffff  }
0xf9: {  	v40 =	vor.u32 $0x1, v2;
	_ =	sdelay $0x3  }
0xfa: {  	[tilespmem:s19+$0xFFFFFCA0] =	vst v3  }
0xfb: {  	v3 =	vld.idx.msk [tilespmem:v40+s14+$0x0], $0xffff  }
0xfc: {  	v41 =	vor.u32 $0x2, v2;
	_ =	sdelay $0x3  }
0xfd: {  	[tilespmem:s19+$0xFFFFFDA0] =	vst v3  }
0xfe: {  	v3 =	vld.idx.msk [tilespmem:v41+s14+$0x0], $0xffff  }
0xff: {  	v42 =	vor.u32 $0x3, v2;
	_ =	sdelay $0x3  }
0x100: {  	[tilespmem:s19+$0xFFFFFEA0] =	vst v3  }
0x101: {  	v3 =	vld.idx.msk [tilespmem:v42+s14+$0x0], $0xffff  }
0x102: {  	v43 =	vor.u32 $0x4, v2;
	_ =	sdelay $0x3  }
0x103: {  	[tilespmem:s19+$0xFFFFFFA0] =	vst v3  }
0x104: {  	v3 =	vld.idx.msk [tilespmem:v43+s14+$0x0], $0xffff  }
0x105: {  	v2 =	vor.u32 $0x5, v2;
	_ =	sdelay $0x3  }
0x106: {  	[tilespmem:s19+$0xA0] =	vst v3  }
0x107: {  	v2 =	vld.idx.msk [tilespmem:v2+s14+$0x0], $0xffff;
	_ =	sdelay $0x2  }
0x108: {  	[tilespmem:s19+$0x2A0] =	vst v0  }
0x109: {  	[tilespmem:s19+$0x3A0] =	vst v1  }
0x10a: {  	[tilespmem:s19+$0x1A0] =	vst v2  }
0x10b: {  	v2 =	vld [tilespmem:s21+$0x9B0];
	_ =	sdelay $0x4  }
0x10c: {  	v2 =	vshll.u32 v2, $0x3;
	_ =	sdelay $0x4  }
0x10d: {  	v3 =	vld.idx.msk [tilespmem:v2+s14+$0x0], $0xffff  }
0x10e: {  	v44 =	vor.u32 $0x1, v2;
	_ =	sdelay $0x3  }
0x10f: {  	[tilespmem:s19+$0xFFFFFCB0] =	vst v3  }
0x110: {  	v3 =	vld.idx.msk [tilespmem:v44+s14+$0x0], $0xffff  }
0x111: {  	v45 =	vor.u32 $0x2, v2;
	_ =	sdelay $0x3  }
0x112: {  	[tilespmem:s19+$0xFFFFFDB0] =	vst v3  }
0x113: {  	v3 =	vld.idx.msk [tilespmem:v45+s14+$0x0], $0xffff  }
0x114: {  	v46 =	vor.u32 $0x3, v2;
	_ =	sdelay $0x3  }
0x115: {  	[tilespmem:s19+$0xFFFFFEB0] =	vst v3  }
0x116: {  	v3 =	vld.idx.msk [tilespmem:v46+s14+$0x0], $0xffff  }
0x117: {  	v47 =	vor.u32 $0x4, v2;
	_ =	sdelay $0x3  }
0x118: {  	[tilespmem:s19+$0xFFFFFFB0] =	vst v3  }
0x119: {  	v3 =	vld.idx.msk [tilespmem:v47+s14+$0x0], $0xffff  }
0x11a: {  	v2 =	vor.u32 $0x5, v2;
	_ =	sdelay $0x3  }
0x11b: {  	[tilespmem:s19+$0xB0] =	vst v3  }
0x11c: {  	v2 =	vld.idx.msk [tilespmem:v2+s14+$0x0], $0xffff;
	_ =	sdelay $0x2  }
0x11d: {  	[tilespmem:s19+$0x2B0] =	vst v0  }
0x11e: {  	[tilespmem:s19+$0x3B0] =	vst v1  }
0x11f: {  	[tilespmem:s19+$0x1B0] =	vst v2  }
0x120: {  	v2 =	vld [tilespmem:s21+$0x9C0];
	_ =	sdelay $0x4  }
0x121: {  	v2 =	vshll.u32 v2, $0x3;
	_ =	sdelay $0x4  }
0x122: {  	v3 =	vld.idx.msk [tilespmem:v2+s14+$0x0], $0xffff  }
0x123: {  	v48 =	vor.u32 $0x1, v2;
	_ =	sdelay $0x3  }
0x124: {  	[tilespmem:s19+$0xFFFFFCC0] =	vst v3  }
0x125: {  	v3 =	vld.idx.msk [tilespmem:v48+s14+$0x0], $0xffff  }
0x126: {  	v49 =	vor.u32 $0x2, v2;
	_ =	sdelay $0x3  }
0x127: {  	[tilespmem:s19+$0xFFFFFDC0] =	vst v3  }
0x128: {  	v3 =	vld.idx.msk [tilespmem:v49+s14+$0x0], $0xffff  }
0x129: {  	v50 =	vor.u32 $0x3, v2;
	_ =	sdelay $0x3  }
0x12a: {  	[tilespmem:s19+$0xFFFFFEC0] =	vst v3  }
0x12b: {  	v3 =	vld.idx.msk [tilespmem:v50+s14+$0x0], $0xffff  }
0x12c: {  	v51 =	vor.u32 $0x4, v2;
	_ =	sdelay $0x3  }
0x12d: {  	[tilespmem:s19+$0xFFFFFFC0] =	vst v3  }
0x12e: {  	v3 =	vld.idx.msk [tilespmem:v51+s14+$0x0], $0xffff  }
0x12f: {  	v2 =	vor.u32 $0x5, v2;
	_ =	sdelay $0x3  }
0x130: {  	[tilespmem:s19+$0xC0] =	vst v3  }
0x131: {  	v2 =	vld.idx.msk [tilespmem:v2+s14+$0x0], $0xffff;
	_ =	sdelay $0x2  }
0x132: {  	[tilespmem:s19+$0x2C0] =	vst v0  }
0x133: {  	[tilespmem:s19+$0x3C0] =	vst v1  }
0x134: {  	[tilespmem:s19+$0x1C0] =	vst v2  }
0x135: {  	v2 =	vld [tilespmem:s21+$0x9D0];
	_ =	sdelay $0x4  }
0x136: {  	v2 =	vshll.u32 v2, $0x3;
	_ =	sdelay $0x4  }
0x137: {  	v3 =	vld.idx.msk [tilespmem:v2+s14+$0x0], $0xffff  }
0x138: {  	v52 =	vor.u32 $0x1, v2;
	_ =	sdelay $0x3  }
0x139: {  	[tilespmem:s19+$0xFFFFFCD0] =	vst v3  }
0x13a: {  	v3 =	vld.idx.msk [tilespmem:v52+s14+$0x0], $0xffff  }
0x13b: {  	v53 =	vor.u32 $0x2, v2;
	_ =	sdelay $0x3  }
0x13c: {  	[tilespmem:s19+$0xFFFFFDD0] =	vst v3  }
0x13d: {  	v3 =	vld.idx.msk [tilespmem:v53+s14+$0x0], $0xffff  }
0x13e: {  	v54 =	vor.u32 $0x3, v2;
	_ =	sdelay $0x3  }
0x13f: {  	[tilespmem:s19+$0xFFFFFED0] =	vst v3  }
0x140: {  	v3 =	vld.idx.msk [tilespmem:v54+s14+$0x0], $0xffff  }
0x141: {  	v55 =	vor.u32 $0x4, v2;
	_ =	sdelay $0x3  }
0x142: {  	[tilespmem:s19+$0xFFFFFFD0] =	vst v3  }
0x143: {  	v3 =	vld.idx.msk [tilespmem:v55+s14+$0x0], $0xffff  }
0x144: {  	v2 =	vor.u32 $0x5, v2;
	_ =	sdelay $0x3  }
0x145: {  	[tilespmem:s19+$0xD0] =	vst v3  }
0x146: {  	v2 =	vld.idx.msk [tilespmem:v2+s14+$0x0], $0xffff;
	_ =	sdelay $0x2  }
0x147: {  	[tilespmem:s19+$0x2D0] =	vst v0  }
0x148: {  	[tilespmem:s19+$0x3D0] =	vst v1  }
0x149: {  	[tilespmem:s19+$0x1D0] =	vst v2  }
0x14a: {  	v2 =	vld [tilespmem:s21+$0x9E0];
	_ =	sdelay $0x4  }
0x14b: {  	v2 =	vshll.u32 v2, $0x3;
	_ =	sdelay $0x4  }
0x14c: {  	v3 =	vld.idx.msk [tilespmem:v2+s14+$0x0], $0xffff  }
0x14d: {  	v56 =	vor.u32 $0x1, v2;
	_ =	sdelay $0x3  }
0x14e: {  	[tilespmem:s19+$0xFFFFFCE0] =	vst v3  }
0x14f: {  	v3 =	vld.idx.msk [tilespmem:v56+s14+$0x0], $0xffff  }
0x150: {  	v57 =	vor.u32 $0x2, v2;
	_ =	sdelay $0x3  }
0x151: {  	[tilespmem:s19+$0xFFFFFDE0] =	vst v3  }
0x152: {  	v3 =	vld.idx.msk [tilespmem:v57+s14+$0x0], $0xffff  }
0x153: {  	v58 =	vor.u32 $0x3, v2;
	_ =	sdelay $0x3  }
0x154: {  	[tilespmem:s19+$0xFFFFFEE0] =	vst v3  }
0x155: {  	v3 =	vld.idx.msk [tilespmem:v58+s14+$0x0], $0xffff  }
0x156: {  	v59 =	vor.u32 $0x4, v2;
	_ =	sdelay $0x3  }
0x157: {  	[tilespmem:s19+$0xFFFFFFE0] =	vst v3  }
0x158: {  	v3 =	vld.idx.msk [tilespmem:v59+s14+$0x0], $0xffff  }
0x159: {  	v2 =	vor.u32 $0x5, v2;
	_ =	sdelay $0x3  }
0x15a: {  	[tilespmem:s19+$0xE0] =	vst v3  }
0x15b: {  	v2 =	vld.idx.msk [tilespmem:v2+s14+$0x0], $0xffff;
	_ =	sdelay $0x2  }
0x15c: {  	[tilespmem:s19+$0x2E0] =	vst v0  }
0x15d: {  	[tilespmem:s19+$0x3E0] =	vst v1  }
0x15e: {  	[tilespmem:s19+$0x1E0] =	vst v2  }
0x15f: {  	v2 =	vld [tilespmem:s21+$0x9F0];
	_ =	sdelay $0x4  }
0x160: {  	v2 =	vshll.u32 v2, $0x3;
	_ =	sdelay $0x4  }
0x161: {  	v3 =	vld.idx.msk [tilespmem:v2+s14+$0x0], $0xffff  }
0x162: {  	v60 =	vor.u32 $0x1, v2;
	_ =	sdelay $0x3  }
0x163: {  	[tilespmem:s19+$0xFFFFFCF0] =	vst v3  }
0x164: {  	v3 =	vld.idx.msk [tilespmem:v60+s14+$0x0], $0xffff  }
0x165: {  	v61 =	vor.u32 $0x2, v2;
	_ =	sdelay $0x3  }
0x166: {  	[tilespmem:s19+$0xFFFFFDF0] =	vst v3  }
0x167: {  	v3 =	vld.idx.msk [tilespmem:v61+s14+$0x0], $0xffff  }
0x168: {  	v62 =	vor.u32 $0x3, v2;
	_ =	sdelay $0x3  }
0x169: {  	[tilespmem:s19+$0xFFFFFEF0] =	vst v3  }
0x16a: {  	v3 =	vld.idx.msk [tilespmem:v62+s14+$0x0], $0xffff  }
0x16b: {  	v63 =	vor.u32 $0x4, v2;
	_ =	sdelay $0x3  }
0x16c: {  	[tilespmem:s19+$0xFFFFFFF0] =	vst v3  }
0x16d: {  	v3 =	vld.idx.msk [tilespmem:v63+s14+$0x0], $0xffff  }
0x16e: {  	v2 =	vor.u32 $0x5, v2;
	_ =	sdelay $0x3  }
0x16f: {  	[tilespmem:s19+$0xF0] =	vst v3  }
0x170: {  	p0 =	sne.s32 s20, $0xC400;
	v2 =	vld.idx.msk [tilespmem:v2+s14+$0x0], $0xffff  }
.Ltmp0:
0x171: {  	_ = 	snop;
	(pc) =	sbr.rel @p0 .LBB2_2-.Ltmp0, $4  }
0x172: {  	_ = 	snop  }
0x173: {  	[tilespmem:s19+$0x2F0] =	vst v0  }
0x174: {  	[tilespmem:s19+$0x3F0] =	vst v1  }
0x175: {  	s20 =	sadd.s32 $0x400, s20;
	[tilespmem:s19+$0x1F0] =	vst v2;
	s19 =	sadd.s32 $0x800, s19  }
0x176: {  	s18 =	sadd.s32 $0x1, s18  }
0x177: {  	p0 =	sne.s32 s18, s9  }
.Ltmp1:
0x178: {  	_ = 	snop;
	(pc) =	sbr.rel @p0 .LBB2_1-.Ltmp1, $4  }
0x179: {  	[hbm4b:s8+s11] =	stream.strided.scatter [tilespmem:s17], [sflag:$0x1], $0x19000, s12, s11, $0x38;
	[tilespmem:$0x1CDA8] =	vst v63  }
0x17a: {  	_ =	swait.ge [sflag:s15], $0x19000  }
0x17b: {  	[sflag:s15] =	ssyncset.done $0x0  }
0x17c: {  	[sflag:s15] =	ssyncadd.s32 $0xFFFE7000  }
0x17d: {  	_ =	sfence.sel $0x180000  }
0x17e: {  	[bflag:$0x0] =	sbarrier.arrive $0xFFFF  }
0x17f: {  	p0 =	sne.s32 s1, $0x0;
	_ =	strace $0x90000047  }
0x180: {  	s0 =	sadd.s32 @!p0 $0x100000, s0;
	[bflag:$0x2] =	sbarrier.arrive $0xFFFF  }
0x181: {  	[sflag:s0] =	ssyncadd.tile.s32 @!p0 $0x1;
	_ =	shalt  }
.Lfunc_end2:
_tile_overlayer_lowered:
.L_overlay_start_2:
0x182: {  	(tag) =	ssettag $0x2  }
0x183: {  	s0 =	rddreg [dreg:$0x0];
	s2 =	stileid.u32  }
0x184: {  	s1 =	rddreg [dreg:$0x1];
	p0 =	sne.s32 s2, $0x0  }
0x185: {  	s3 =	rddreg [dreg:$0x2];
	[bflag:$0x3] =	sbarrier.arrive $0xFFFF;
	s2 =	simm.s32 @!p0 $0x1C03  }
0x186: {  	[timem:s3], [sflag:s2] =	dma.local @!p0 [hbm:s0], s1  }
0x187: {  	s0 =	simm.s32 @!p0 $0x3  }
0x188: {  	_ =	swait.ge @!p0 [sflag:s0], s1  }
0x189: {  	s1 =	ssub.s32 @!p0 $0x0, s1;
	[sflag:s0] =	ssyncset.done @!p0 $0x0  }
0x18a: {  	[sflag:s0] =	ssyncadd.s32 @!p0 s1  }
0x18b: {  	[bflag:$0x3] =	sbarrier.arrive $0xFFFF  }
0x18c: {  	_ =	shalt  }

</sc_bundles>
